<compile_context>
chip_gen: v7x
topology: tpu7x:2x2x1
jax: 0.10.2.dev20260603
libtpu: 0.0.44.dev20260713+nightly
codegen_flags: <defaults>
</compile_context>

<pallas_src>
import functools

import jax
import jax.numpy as jnp
from jax import lax
from jax.experimental import pallas as pl
from jax.experimental.pallas import tpu as pltpu
from jax.experimental.pallas import tpu_sc as plsc

_B, _H, _D = 16384, 200, 64
_NC, _NS = 2, 16
_NW = _NC * _NS
_S = 128
_NQ = _B // _S
_Q_PER_W = _NQ // _NW
_L = 16
_DP, _DR = _D // 8, 8
_GB = 4
_TP = _S + 3


def _make_gather():
    mesh = plsc.VectorSubcoreMesh(core_axis_name="c", subcore_axis_name="s")

    @functools.partial(
        pl.kernel,
        mesh=mesh,
        out_type=jax.ShapeDtypeStruct((_H, _DP, _NQ, _DR, _S), jnp.float32),
        scratch_types=[
            pltpu.VMEM((_S, _H + 1), jnp.int32),
            pltpu.VMEM((_GB, _S), jnp.int32),
            pltpu.VMEM((_GB, _S, _D), jnp.float32),
            pltpu.VMEM((4, _DP, _DR, _TP), jnp.float32),
            pltpu.SemaphoreType.DMA,
            pltpu.SemaphoreType.DMA,
            pltpu.SemaphoreType.DMA,
            pltpu.SemaphoreType.DMA,
            pltpu.SemaphoreType.DMA,
            pltpu.SemaphoreType.DMA,
            pltpu.SemaphoreType.DMA,
            pltpu.SemaphoreType.DMA,
        ],
        compiler_params=pltpu.CompilerParams(
            use_tc_tiling_on_sc=False, needs_layout_passes=False
        ),
    )
    def gather(idx_hbm, table_hbm, out_hbm, slab_v, idxt_v, rows_v, tile_v,
               g0, g1, g2, g3, s0, s1, s2, s3):
        wid = lax.axis_index("s") * _NC + lax.axis_index("c")
        gsem = (g0, g1, g2, g3)
        ssem = (s0, s1, s2, s3)

        iota = lax.iota(jnp.int32, _L)
        p_vecs = [(iota + _L * j) // 8 for j in range(_D // _L)]
        r_vecs = [(iota + _L * j) % 8 for j in range(_D // _L)]

        def idxt_compute(h, b):
            hv = jnp.full((_L,), 0, jnp.int32) + h

            def k_body(k):
                idxt_v[b, pl.ds(pl.multiple_of(_L * k, _L), _L)] = (
                    plsc.load_gather(slab_v, [iota + _L * k, hv])
                )

            plsc.parallel_loop(0, _S // _L, 1, unroll=1)(k_body)

        def gather_start(b):
            pltpu.async_copy(
                table_hbm.at[idxt_v.at[b]], rows_v.at[b], gsem[b]
            )

        def gather_wait(b):
            pltpu.make_async_copy(
                table_hbm.at[pl.ds(0, _S)], rows_v.at[b], gsem[b]
            ).wait()

        def transpose(b, tb):
            def s_body(s):
                sv = jnp.full((_L,), 0, jnp.int32) + s
                for j in range(_D // _L):
                    plsc.store_scatter(
                        tile_v.at[tb],
                        [p_vecs[j], r_vecs[j], sv],
                        rows_v[b, s, pl.ds(_L * j, _L)],
                    )

            plsc.parallel_loop(0, _S, 1, unroll=4)(s_body)

        def store_start(h, q, tb):
            pltpu.async_copy(
                tile_v.at[tb].at[:, :, pl.ds(0, _S)],
                out_hbm.at[h, :, q],
                ssem[tb],
            )

        def store_wait(tb):
            pltpu.make_async_copy(
                out_hbm.at[0, :, 0],
                tile_v.at[tb].at[:, :, pl.ds(0, _S)],
                ssem[tb],
            ).wait()

        def step(h, q, b, tb, do_store_wait, do_prefetch):
            gather_wait(b)
            if do_store_wait:
                store_wait(tb)
            transpose(b, tb)
            if do_prefetch:
                idxt_compute(h + _GB, b)
                gather_start(b)
            store_start(h, q, tb)

        def q_body(qq, carry):
            q = wid * _Q_PER_W + qq
            pltpu.sync_copy(
                idx_hbm.at[pl.ds(pl.multiple_of(q * _S, _S), _S)],
                slab_v.at[:, pl.ds(0, _H)],
            )
            for b in range(_GB):
                idxt_compute(b, b)
                gather_start(b)
            for b in range(_GB):
                step(b, q, b, b, do_store_wait=False, do_prefetch=True)

            def body(t, c, q=q):
                h0 = _GB * t
                for b in range(_GB):
                    step(h0 + b, q, b, b, True, True)
                return c

            lax.fori_loop(1, _H // _GB - 1, body, 0)

            h0 = _H - _GB
            for b in range(_GB):
                step(h0 + b, q, b, b, True, False)
            for tb in range(4):
                store_wait(tb)
            return carry

        lax.fori_loop(0, _Q_PER_W, q_body, 0)

    return gather


_GATHER_CACHE = []


def kernel(ind, pos_emb_table):
    if not _GATHER_CACHE:
        _GATHER_CACHE.append(_make_gather())
    out2 = _GATHER_CACHE[0](ind.astype(jnp.int32), pos_emb_table)
    return out2.transpose(2, 4, 0, 1, 3).reshape(_B, _H, _D)

# --- scband reference (transcript-rebuilt; emitter-appended) ---
"""Pipeline reference for scband-position-embedding-67259187855694 (READ-ONLY COPY).

The authoritative reference and input builder live on the scoring server;
editing this copy changes nothing except your own understanding.
"""

import jax, jax.numpy as jnp
import numpy as np

D_FEATURE = 100000
EMBED_DIM = 64
BATCH = 16384
HIST = 200


def setup_inputs(seed: int = 0) -> dict:
    key = jax.random.key(seed)
    k_ind, k_tab = jax.random.split(key)
    ind = jax.random.randint(k_ind, (BATCH, HIST), 0, D_FEATURE, dtype=jnp.int64 if jax.config.jax_enable_x64 else jnp.int32)
    pos_emb_table = jax.random.normal(k_tab, (D_FEATURE, EMBED_DIM), dtype=jnp.float32) * 0.02
    return {"ind": ind, "pos_emb_table": pos_emb_table}


def reference(ind, pos_emb_table):
    # nn.Embedding forward: gather rows of the table by index
    pos_emb = jnp.take(pos_emb_table, ind, axis=0)
    return pos_emb

if __name__ == "__main__":
    import jax
    _d = setup_inputs()
    print(jax.jit(kernel)(*tuple(_d.values())))

</pallas_src>

<mosaic_0001>
#map = affine_map<(d0, d1) -> (0, 0)>
#map1 = affine_map<(d0, d1) -> (0, 0, 0, 0, 0)>
module attributes {stable_mosaic.version = 14 : i64} {
  func.func @gather(%arg0: i32, %arg1: i32, %arg2: memref<16384x200xi32, #tpu.memory_space<hbm>>, %arg3: memref<100000x64xf32, #tpu.memory_space<hbm>>, %arg4: memref<200x8x128x8x128xf32, #tpu.memory_space<hbm>>, %arg5: memref<128x201xi32, #tpu.memory_space<vmem>>, %arg6: memref<4x128xi32, #tpu.memory_space<vmem>>, %arg7: memref<4x128x64xf32, #tpu.memory_space<vmem>>, %arg8: memref<4x8x8x131xf32, #tpu.memory_space<vmem>>, %arg9: memref<!tpu.dma_semaphore, #tpu.memory_space<semaphore_mem>>, %arg10: memref<!tpu.dma_semaphore, #tpu.memory_space<semaphore_mem>>, %arg11: memref<!tpu.dma_semaphore, #tpu.memory_space<semaphore_mem>>, %arg12: memref<!tpu.dma_semaphore, #tpu.memory_space<semaphore_mem>>, %arg13: memref<!tpu.dma_semaphore, #tpu.memory_space<semaphore_mem>>, %arg14: memref<!tpu.dma_semaphore, #tpu.memory_space<semaphore_mem>>, %arg15: memref<!tpu.dma_semaphore, #tpu.memory_space<semaphore_mem>>, %arg16: memref<!tpu.dma_semaphore, #tpu.memory_space<semaphore_mem>>) attributes {dimension_semantics = [#tpu.dimension_semantics<core_parallel>, #tpu.dimension_semantics<subcore_parallel>], iteration_bounds = array<i64: 2, 16>, scalar_prefetch = 0 : i64, scratch_operands = 12 : i64, tpu.core_type = #tpu.core_type<sc_vector_subcore>, window_params = [{transform_indices = #map}, {transform_indices = #map}, {transform_indices = #map1}]} {
    %mul3A = arith.constant 2 : i32
    %mul3A_0 = arith.muli %arg1, %mul3A : i32
    %add3A = arith.addi %mul3A_0, %arg0 : i32
    %iota3A = tpu.iota {dimensions = array<i32: 0>} : vector<16xi32>
    %add3A_1 = arith.constant 0 : i32
    %add3A_2 = vector.broadcast %add3A_1 : i32 to vector<16xi32>
    %add3A_3 = arith.addi %iota3A, %add3A_2 : vector<16xi32>
    %jit3A = arith.constant 8 : i32
    %div3A = vector.broadcast %jit3A : i32 to vector<16xi32>
    %div3A_4 = arith.divsi %add3A_3, %div3A : vector<16xi32>
    %sign3A = arith.constant 0 : i32
    %sign3A_5 = vector.broadcast %sign3A : i32 to vector<16xi32>
    %sign3A_6 = arith.cmpi sgt, %add3A_3, %sign3A_5 : vector<16xi32>
    %sign3A_7 = arith.extui %sign3A_6 : vector<16xi1> to vector<16xi32>
    %sign3A_8 = arith.constant 0 : i32
    %sign3A_9 = vector.broadcast %sign3A_8 : i32 to vector<16xi32>
    %sign3A_10 = arith.cmpi slt, %add3A_3, %sign3A_9 : vector<16xi32>
    %sign3A_11 = arith.extui %sign3A_10 : vector<16xi1> to vector<16xi32>
    %sign3A_12 = arith.subi %sign3A_7, %sign3A_11 : vector<16xi32>
    %sign3A_13 = arith.constant 0 : i32
    %sign3A_14 = arith.cmpi sgt, %jit3A, %sign3A_13 : i32
    %sign3A_15 = arith.extui %sign3A_14 : i1 to i32
    %sign3A_16 = arith.constant 0 : i32
    %sign3A_17 = arith.cmpi slt, %jit3A, %sign3A_16 : i32
    %sign3A_18 = arith.extui %sign3A_17 : i1 to i32
    %sign3A_19 = arith.subi %sign3A_15, %sign3A_18 : i32
    %ne3A = vector.broadcast %sign3A_19 : i32 to vector<16xi32>
    %ne3A_20 = arith.cmpi ne, %sign3A_12, %ne3A : vector<16xi32>
    %rem3A = vector.broadcast %jit3A : i32 to vector<16xi32>
    %rem3A_21 = arith.remsi %add3A_3, %rem3A : vector<16xi32>
    %ne3A_22 = arith.constant 0 : i32
    %ne3A_23 = vector.broadcast %ne3A_22 : i32 to vector<16xi32>
    %ne3A_24 = arith.cmpi ne, %rem3A_21, %ne3A_23 : vector<16xi32>
    %and3A = arith.andi %ne3A_20, %ne3A_24 : vector<16xi1>
    %sub3A = arith.constant 1 : i32
    %sub3A_25 = vector.broadcast %sub3A : i32 to vector<16xi32>
    %sub3A_26 = arith.subi %div3A_4, %sub3A_25 : vector<16xi32>
    %select_n3A = arith.select %and3A, %sub3A_26, %div3A_4 : vector<16xi1>, vector<16xi32>
    %add3A_27 = arith.constant 16 : i32
    %add3A_28 = vector.broadcast %add3A_27 : i32 to vector<16xi32>
    %add3A_29 = arith.addi %iota3A, %add3A_28 : vector<16xi32>
    %jit3A_30 = arith.constant 8 : i32
    %div3A_31 = vector.broadcast %jit3A_30 : i32 to vector<16xi32>
    %div3A_32 = arith.divsi %add3A_29, %div3A_31 : vector<16xi32>
    %sign3A_33 = arith.constant 0 : i32
    %sign3A_34 = vector.broadcast %sign3A_33 : i32 to vector<16xi32>
    %sign3A_35 = arith.cmpi sgt, %add3A_29, %sign3A_34 : vector<16xi32>
    %sign3A_36 = arith.extui %sign3A_35 : vector<16xi1> to vector<16xi32>
    %sign3A_37 = arith.constant 0 : i32
    %sign3A_38 = vector.broadcast %sign3A_37 : i32 to vector<16xi32>
    %sign3A_39 = arith.cmpi slt, %add3A_29, %sign3A_38 : vector<16xi32>
    %sign3A_40 = arith.extui %sign3A_39 : vector<16xi1> to vector<16xi32>
    %sign3A_41 = arith.subi %sign3A_36, %sign3A_40 : vector<16xi32>
    %sign3A_42 = arith.constant 0 : i32
    %sign3A_43 = arith.cmpi sgt, %jit3A_30, %sign3A_42 : i32
    %sign3A_44 = arith.extui %sign3A_43 : i1 to i32
    %sign3A_45 = arith.constant 0 : i32
    %sign3A_46 = arith.cmpi slt, %jit3A_30, %sign3A_45 : i32
    %sign3A_47 = arith.extui %sign3A_46 : i1 to i32
    %sign3A_48 = arith.subi %sign3A_44, %sign3A_47 : i32
    %ne3A_49 = vector.broadcast %sign3A_48 : i32 to vector<16xi32>
    %ne3A_50 = arith.cmpi ne, %sign3A_41, %ne3A_49 : vector<16xi32>
    %rem3A_51 = vector.broadcast %jit3A_30 : i32 to vector<16xi32>
    %rem3A_52 = arith.remsi %add3A_29, %rem3A_51 : vector<16xi32>
    %ne3A_53 = arith.constant 0 : i32
    %ne3A_54 = vector.broadcast %ne3A_53 : i32 to vector<16xi32>
    %ne3A_55 = arith.cmpi ne, %rem3A_52, %ne3A_54 : vector<16xi32>
    %and3A_56 = arith.andi %ne3A_50, %ne3A_55 : vector<16xi1>
    %sub3A_57 = arith.constant 1 : i32
    %sub3A_58 = vector.broadcast %sub3A_57 : i32 to vector<16xi32>
    %sub3A_59 = arith.subi %div3A_32, %sub3A_58 : vector<16xi32>
    %select_n3A_60 = arith.select %and3A_56, %sub3A_59, %div3A_32 : vector<16xi1>, vector<16xi32>
    %add3A_61 = arith.constant 32 : i32
    %add3A_62 = vector.broadcast %add3A_61 : i32 to vector<16xi32>
    %add3A_63 = arith.addi %iota3A, %add3A_62 : vector<16xi32>
    %jit3A_64 = arith.constant 8 : i32
    %div3A_65 = vector.broadcast %jit3A_64 : i32 to vector<16xi32>
    %div3A_66 = arith.divsi %add3A_63, %div3A_65 : vector<16xi32>
    %sign3A_67 = arith.constant 0 : i32
    %sign3A_68 = vector.broadcast %sign3A_67 : i32 to vector<16xi32>
    %sign3A_69 = arith.cmpi sgt, %add3A_63, %sign3A_68 : vector<16xi32>
    %sign3A_70 = arith.extui %sign3A_69 : vector<16xi1> to vector<16xi32>
    %sign3A_71 = arith.constant 0 : i32
    %sign3A_72 = vector.broadcast %sign3A_71 : i32 to vector<16xi32>
    %sign3A_73 = arith.cmpi slt, %add3A_63, %sign3A_72 : vector<16xi32>
    %sign3A_74 = arith.extui %sign3A_73 : vector<16xi1> to vector<16xi32>
    %sign3A_75 = arith.subi %sign3A_70, %sign3A_74 : vector<16xi32>
    %sign3A_76 = arith.constant 0 : i32
    %sign3A_77 = arith.cmpi sgt, %jit3A_64, %sign3A_76 : i32
    %sign3A_78 = arith.extui %sign3A_77 : i1 to i32
    %sign3A_79 = arith.constant 0 : i32
    %sign3A_80 = arith.cmpi slt, %jit3A_64, %sign3A_79 : i32
    %sign3A_81 = arith.extui %sign3A_80 : i1 to i32
    %sign3A_82 = arith.subi %sign3A_78, %sign3A_81 : i32
    %ne3A_83 = vector.broadcast %sign3A_82 : i32 to vector<16xi32>
    %ne3A_84 = arith.cmpi ne, %sign3A_75, %ne3A_83 : vector<16xi32>
    %rem3A_85 = vector.broadcast %jit3A_64 : i32 to vector<16xi32>
    %rem3A_86 = arith.remsi %add3A_63, %rem3A_85 : vector<16xi32>
    %ne3A_87 = arith.constant 0 : i32
    %ne3A_88 = vector.broadcast %ne3A_87 : i32 to vector<16xi32>
    %ne3A_89 = arith.cmpi ne, %rem3A_86, %ne3A_88 : vector<16xi32>
    %and3A_90 = arith.andi %ne3A_84, %ne3A_89 : vector<16xi1>
    %sub3A_91 = arith.constant 1 : i32
    %sub3A_92 = vector.broadcast %sub3A_91 : i32 to vector<16xi32>
    %sub3A_93 = arith.subi %div3A_66, %sub3A_92 : vector<16xi32>
    %select_n3A_94 = arith.select %and3A_90, %sub3A_93, %div3A_66 : vector<16xi1>, vector<16xi32>
    %add3A_95 = arith.constant 48 : i32
    %add3A_96 = vector.broadcast %add3A_95 : i32 to vector<16xi32>
    %add3A_97 = arith.addi %iota3A, %add3A_96 : vector<16xi32>
    %jit3A_98 = arith.constant 8 : i32
    %div3A_99 = vector.broadcast %jit3A_98 : i32 to vector<16xi32>
    %div3A_100 = arith.divsi %add3A_97, %div3A_99 : vector<16xi32>
    %sign3A_101 = arith.constant 0 : i32
    %sign3A_102 = vector.broadcast %sign3A_101 : i32 to vector<16xi32>
    %sign3A_103 = arith.cmpi sgt, %add3A_97, %sign3A_102 : vector<16xi32>
    %sign3A_104 = arith.extui %sign3A_103 : vector<16xi1> to vector<16xi32>
    %sign3A_105 = arith.constant 0 : i32
    %sign3A_106 = vector.broadcast %sign3A_105 : i32 to vector<16xi32>
    %sign3A_107 = arith.cmpi slt, %add3A_97, %sign3A_106 : vector<16xi32>
    %sign3A_108 = arith.extui %sign3A_107 : vector<16xi1> to vector<16xi32>
    %sign3A_109 = arith.subi %sign3A_104, %sign3A_108 : vector<16xi32>
    %sign3A_110 = arith.constant 0 : i32
    %sign3A_111 = arith.cmpi sgt, %jit3A_98, %sign3A_110 : i32
    %sign3A_112 = arith.extui %sign3A_111 : i1 to i32
    %sign3A_113 = arith.constant 0 : i32
    %sign3A_114 = arith.cmpi slt, %jit3A_98, %sign3A_113 : i32
    %sign3A_115 = arith.extui %sign3A_114 : i1 to i32
    %sign3A_116 = arith.subi %sign3A_112, %sign3A_115 : i32
    %ne3A_117 = vector.broadcast %sign3A_116 : i32 to vector<16xi32>
    %ne3A_118 = arith.cmpi ne, %sign3A_109, %ne3A_117 : vector<16xi32>
    %rem3A_119 = vector.broadcast %jit3A_98 : i32 to vector<16xi32>
    %rem3A_120 = arith.remsi %add3A_97, %rem3A_119 : vector<16xi32>
    %ne3A_121 = arith.constant 0 : i32
    %ne3A_122 = vector.broadcast %ne3A_121 : i32 to vector<16xi32>
    %ne3A_123 = arith.cmpi ne, %rem3A_120, %ne3A_122 : vector<16xi32>
    %and3A_124 = arith.andi %ne3A_118, %ne3A_123 : vector<16xi1>
    %sub3A_125 = arith.constant 1 : i32
    %sub3A_126 = vector.broadcast %sub3A_125 : i32 to vector<16xi32>
    %sub3A_127 = arith.subi %div3A_100, %sub3A_126 : vector<16xi32>
    %select_n3A_128 = arith.select %and3A_124, %sub3A_127, %div3A_100 : vector<16xi1>, vector<16xi32>
    %add3A_129 = arith.constant 0 : i32
    %add3A_130 = vector.broadcast %add3A_129 : i32 to vector<16xi32>
    %add3A_131 = arith.addi %iota3A, %add3A_130 : vector<16xi32>
    %jit3A_132 = arith.constant 8 : i32
    %eq3A = arith.constant 0 : i32
    %eq3A_133 = arith.cmpi eq, %jit3A_132, %eq3A : i32
    %jit3A_134 = arith.constant 1 : i32
    %select_n3A_135 = arith.select %eq3A_133, %jit3A_134, %jit3A_132 : i32
    %rem3A_136 = vector.broadcast %select_n3A_135 : i32 to vector<16xi32>
    %rem3A_137 = arith.remsi %add3A_131, %rem3A_136 : vector<16xi32>
    %ne3A_138 = arith.constant 0 : i32
    %ne3A_139 = vector.broadcast %ne3A_138 : i32 to vector<16xi32>
    %ne3A_140 = arith.cmpi ne, %rem3A_137, %ne3A_139 : vector<16xi32>
    %lt3A = arith.constant 0 : i32
    %lt3A_141 = vector.broadcast %lt3A : i32 to vector<16xi32>
    %lt3A_142 = arith.cmpi slt, %rem3A_137, %lt3A_141 : vector<16xi32>
    %lt3A_143 = arith.constant 0 : i32
    %lt3A_144 = arith.cmpi slt, %select_n3A_135, %lt3A_143 : i32
    %ne3A_145 = vector.broadcast %lt3A_144 : i1 to vector<16xi1>
    %ne3A_146 = vector.broadcast %ne3A_145 : vector<16xi1> to vector<16xi1>
    %ne3A_147 = arith.xori %lt3A_142, %ne3A_146 : vector<16xi1>
    %and3A_148 = arith.andi %ne3A_147, %ne3A_140 : vector<16xi1>
    %add3A_149 = vector.broadcast %select_n3A_135 : i32 to vector<16xi32>
    %add3A_150 = arith.addi %rem3A_137, %add3A_149 : vector<16xi32>
    %select_n3A_151 = arith.select %and3A_148, %add3A_150, %rem3A_137 : vector<16xi1>, vector<16xi32>
    %add3A_152 = arith.constant 16 : i32
    %add3A_153 = vector.broadcast %add3A_152 : i32 to vector<16xi32>
    %add3A_154 = arith.addi %iota3A, %add3A_153 : vector<16xi32>
    %jit3A_155 = arith.constant 8 : i32
    %eq3A_156 = arith.constant 0 : i32
    %eq3A_157 = arith.cmpi eq, %jit3A_155, %eq3A_156 : i32
    %jit3A_158 = arith.constant 1 : i32
    %select_n3A_159 = arith.select %eq3A_157, %jit3A_158, %jit3A_155 : i32
    %rem3A_160 = vector.broadcast %select_n3A_159 : i32 to vector<16xi32>
    %rem3A_161 = arith.remsi %add3A_154, %rem3A_160 : vector<16xi32>
    %ne3A_162 = arith.constant 0 : i32
    %ne3A_163 = vector.broadcast %ne3A_162 : i32 to vector<16xi32>
    %ne3A_164 = arith.cmpi ne, %rem3A_161, %ne3A_163 : vector<16xi32>
    %lt3A_165 = arith.constant 0 : i32
    %lt3A_166 = vector.broadcast %lt3A_165 : i32 to vector<16xi32>
    %lt3A_167 = arith.cmpi slt, %rem3A_161, %lt3A_166 : vector<16xi32>
    %lt3A_168 = arith.constant 0 : i32
    %lt3A_169 = arith.cmpi slt, %select_n3A_159, %lt3A_168 : i32
    %ne3A_170 = vector.broadcast %lt3A_169 : i1 to vector<16xi1>
    %ne3A_171 = vector.broadcast %ne3A_170 : vector<16xi1> to vector<16xi1>
    %ne3A_172 = arith.xori %lt3A_167, %ne3A_171 : vector<16xi1>
    %and3A_173 = arith.andi %ne3A_172, %ne3A_164 : vector<16xi1>
    %add3A_174 = vector.broadcast %select_n3A_159 : i32 to vector<16xi32>
    %add3A_175 = arith.addi %rem3A_161, %add3A_174 : vector<16xi32>
    %select_n3A_176 = arith.select %and3A_173, %add3A_175, %rem3A_161 : vector<16xi1>, vector<16xi32>
    %add3A_177 = arith.constant 32 : i32
    %add3A_178 = vector.broadcast %add3A_177 : i32 to vector<16xi32>
    %add3A_179 = arith.addi %iota3A, %add3A_178 : vector<16xi32>
    %jit3A_180 = arith.constant 8 : i32
    %eq3A_181 = arith.constant 0 : i32
    %eq3A_182 = arith.cmpi eq, %jit3A_180, %eq3A_181 : i32
    %jit3A_183 = arith.constant 1 : i32
    %select_n3A_184 = arith.select %eq3A_182, %jit3A_183, %jit3A_180 : i32
    %rem3A_185 = vector.broadcast %select_n3A_184 : i32 to vector<16xi32>
    %rem3A_186 = arith.remsi %add3A_179, %rem3A_185 : vector<16xi32>
    %ne3A_187 = arith.constant 0 : i32
    %ne3A_188 = vector.broadcast %ne3A_187 : i32 to vector<16xi32>
    %ne3A_189 = arith.cmpi ne, %rem3A_186, %ne3A_188 : vector<16xi32>
    %lt3A_190 = arith.constant 0 : i32
    %lt3A_191 = vector.broadcast %lt3A_190 : i32 to vector<16xi32>
    %lt3A_192 = arith.cmpi slt, %rem3A_186, %lt3A_191 : vector<16xi32>
    %lt3A_193 = arith.constant 0 : i32
    %lt3A_194 = arith.cmpi slt, %select_n3A_184, %lt3A_193 : i32
    %ne3A_195 = vector.broadcast %lt3A_194 : i1 to vector<16xi1>
    %ne3A_196 = vector.broadcast %ne3A_195 : vector<16xi1> to vector<16xi1>
    %ne3A_197 = arith.xori %lt3A_192, %ne3A_196 : vector<16xi1>
    %and3A_198 = arith.andi %ne3A_197, %ne3A_189 : vector<16xi1>
    %add3A_199 = vector.broadcast %select_n3A_184 : i32 to vector<16xi32>
    %add3A_200 = arith.addi %rem3A_186, %add3A_199 : vector<16xi32>
    %select_n3A_201 = arith.select %and3A_198, %add3A_200, %rem3A_186 : vector<16xi1>, vector<16xi32>
    %add3A_202 = arith.constant 48 : i32
    %add3A_203 = vector.broadcast %add3A_202 : i32 to vector<16xi32>
    %add3A_204 = arith.addi %iota3A, %add3A_203 : vector<16xi32>
    %jit3A_205 = arith.constant 8 : i32
    %eq3A_206 = arith.constant 0 : i32
    %eq3A_207 = arith.cmpi eq, %jit3A_205, %eq3A_206 : i32
    %jit3A_208 = arith.constant 1 : i32
    %select_n3A_209 = arith.select %eq3A_207, %jit3A_208, %jit3A_205 : i32
    %rem3A_210 = vector.broadcast %select_n3A_209 : i32 to vector<16xi32>
    %rem3A_211 = arith.remsi %add3A_204, %rem3A_210 : vector<16xi32>
    %ne3A_212 = arith.constant 0 : i32
    %ne3A_213 = vector.broadcast %ne3A_212 : i32 to vector<16xi32>
    %ne3A_214 = arith.cmpi ne, %rem3A_211, %ne3A_213 : vector<16xi32>
    %lt3A_215 = arith.constant 0 : i32
    %lt3A_216 = vector.broadcast %lt3A_215 : i32 to vector<16xi32>
    %lt3A_217 = arith.cmpi slt, %rem3A_211, %lt3A_216 : vector<16xi32>
    %lt3A_218 = arith.constant 0 : i32
    %lt3A_219 = arith.cmpi slt, %select_n3A_209, %lt3A_218 : i32
    %ne3A_220 = vector.broadcast %lt3A_219 : i1 to vector<16xi1>
    %ne3A_221 = vector.broadcast %ne3A_220 : vector<16xi1> to vector<16xi1>
    %ne3A_222 = arith.xori %lt3A_217, %ne3A_221 : vector<16xi1>
    %and3A_223 = arith.andi %ne3A_222, %ne3A_214 : vector<16xi1>
    %add3A_224 = vector.broadcast %select_n3A_209 : i32 to vector<16xi32>
    %add3A_225 = arith.addi %rem3A_211, %add3A_224 : vector<16xi32>
    %select_n3A_226 = arith.select %and3A_223, %add3A_225, %rem3A_211 : vector<16xi1>, vector<16xi32>
    %scan3A = arith.constant 0 : i32
    %scan3A_227 = arith.constant 0 : i32
    %scan3A_228 = arith.constant 4 : i32
    %scan3A_229 = arith.addi %scan3A_227, %scan3A_228 : i32
    %scan3A_230 = arith.constant 1 : i32
    scf.for %scan3A_232 = %scan3A_227 to %scan3A_229 step %scan3A_230  : i32 {
      %mul3A_233 = arith.constant 4 : i32
      %mul3A_234 = arith.muli %add3A, %mul3A_233 : i32
      %add3A_235 = arith.addi %mul3A_234, %scan3A_232 : i32
      %mul3A_236 = arith.constant 128 : i32
      %mul3A_237 = arith.muli %add3A_235, %mul3A_236 : i32
      %multiple_of3A = tpu.assume_multiple %mul3A_237, 128 : i32
      "tpu.region"() ({
        %run_scoped3A = tpu.sem_alloc : memref<!tpu.dma_semaphore, #tpu.memory_space<semaphore_mem>>
        %dma_start3A_1032 = arith.constant 0 : i32
        %dma_start3A_1033 = arith.constant 0 : i32
        %dma_start3A_1034 = tpu.memref_slice %arg5[%dma_start3A_1032, %dma_start3A_1033] : memref<128x201xi32, #tpu.memory_space<vmem>> -> memref<128x200xi32, #tpu.memory_space<vmem>>
        %dma_start3A_1035 = arith.constant 0 : i32
        %dma_start3A_1036 = tpu.memref_slice %arg2[%multiple_of3A, %dma_start3A_1035] : memref<16384x200xi32, #tpu.memory_space<hbm>> -> memref<128x200xi32, #tpu.memory_space<hbm>>
        %dma_start3A_1037 = arith.constant 0 : i32
        %dma_start3A_1038 = arith.constant 0 : i32
        %dma_start3A_1039 = tpu.memref_slice %arg5[%dma_start3A_1037, %dma_start3A_1038] : memref<128x201xi32, #tpu.memory_space<vmem>> -> memref<128x200xi32, #tpu.memory_space<vmem>>
        %dma_start3A_1040 = arith.constant 0 : i32
        %dma_start3A_1041 = tpu.memref_slice %arg2[%multiple_of3A, %dma_start3A_1040] : memref<16384x200xi32, #tpu.memory_space<hbm>> -> memref<128x200xi32, #tpu.memory_space<hbm>>
        tpu.enqueue_dma source(%dma_start3A_1041 : memref<128x200xi32, #tpu.memory_space<hbm>>) target(%dma_start3A_1039 : memref<128x200xi32, #tpu.memory_space<vmem>>) target_semaphore(%run_scoped3A : memref<!tpu.dma_semaphore, #tpu.memory_space<semaphore_mem>>)
        %dma_wait3A_1042 = arith.constant 0 : i32
        %dma_wait3A_1043 = arith.constant 0 : i32
        %dma_wait3A_1044 = tpu.memref_slice %arg5[%dma_wait3A_1042, %dma_wait3A_1043] : memref<128x201xi32, #tpu.memory_space<vmem>> -> memref<128x200xi32, #tpu.memory_space<vmem>>
        %dma_wait3A_1045 = arith.constant 0 : i32
        %dma_wait3A_1046 = tpu.memref_slice %arg2[%multiple_of3A, %dma_wait3A_1045] : memref<16384x200xi32, #tpu.memory_space<hbm>> -> memref<128x200xi32, #tpu.memory_space<hbm>>
        %dma_wait3A_1047 = arith.constant 0 : i32
        %dma_wait3A_1048 = arith.constant 0 : i32
        %dma_wait3A_1049 = tpu.memref_slice %arg5[%dma_wait3A_1047, %dma_wait3A_1048] : memref<128x201xi32, #tpu.memory_space<vmem>> -> memref<128x200xi32, #tpu.memory_space<vmem>>
        %dma_wait3A_1050 = arith.constant 0 : i32
        %dma_wait3A_1051 = tpu.memref_slice %arg2[%multiple_of3A, %dma_wait3A_1050] : memref<16384x200xi32, #tpu.memory_space<hbm>> -> memref<128x200xi32, #tpu.memory_space<hbm>>
        tpu.wait_dma2 semaphore(%run_scoped3A : memref<!tpu.dma_semaphore, #tpu.memory_space<semaphore_mem>>) src(%dma_wait3A_1051 : memref<128x200xi32, #tpu.memory_space<hbm>>) dst(%dma_wait3A_1049 : memref<128x200xi32, #tpu.memory_space<vmem>>)
        tpu.yield
      }) : () -> ()
      %broadcast_in_dim3A = arith.constant 0 : i32
      %broadcast_in_dim3A_238 = vector.broadcast %broadcast_in_dim3A : i32 to vector<16xi32>
      %add3A_239 = arith.constant 0 : i32
      %add3A_240 = vector.broadcast %add3A_239 : i32 to vector<16xi32>
      %add3A_241 = arith.addi %broadcast_in_dim3A_238, %add3A_240 : vector<16xi32>
      %parallel_loop3A = arith.constant 0 : i32
      %parallel_loop3A_242 = arith.constant 8 : i32
      %parallel_loop3A_243 = arith.constant 1 : i32
      scf.for %parallel_loop3A_1032 = %parallel_loop3A to %parallel_loop3A_242 step %parallel_loop3A_243  : i32 {
        %parallel_loop3A_1033 = arith.constant 16 : i32
        %parallel_loop3A_1034 = arith.muli %parallel_loop3A_1033, %parallel_loop3A_1032 : i32
        %parallel_loop3A_1035 = vector.broadcast %parallel_loop3A_1034 : i32 to vector<16xi32>
        %parallel_loop3A_1036 = arith.addi %iota3A, %parallel_loop3A_1035 : vector<16xi32>
        %parallel_loop3A_1037 = tpu.vector_load_idx %arg5[%parallel_loop3A_1036, %add3A_241] : memref<128x201xi32, #tpu.memory_space<vmem>>[vector<16xi32>, vector<16xi32>], vector<16xi32>,
        %parallel_loop3A_1038 = arith.constant 16 : i32
        %parallel_loop3A_1039 = arith.muli %parallel_loop3A_1038, %parallel_loop3A_1032 : i32
        %parallel_loop3A_1040 = tpu.assume_multiple %parallel_loop3A_1039, 16 : i32
        %parallel_loop3A_1041 = arith.constant 0 : i32
        %parallel_loop3A_1042 = arith.index_cast %parallel_loop3A_1041 : i32 to index
        %parallel_loop3A_1043 = arith.index_cast %parallel_loop3A_1040 : i32 to index
        %parallel_loop3A_1044 = tpu.vector_load %arg6[%parallel_loop3A_1042, %parallel_loop3A_1043] {strides = array<i32>} : memref<4x128xi32, #tpu.memory_space<vmem>>, vector<16xi32>,
        tpu.vector_store %arg6[%parallel_loop3A_1042, %parallel_loop3A_1043], %parallel_loop3A_1037 {strides = array<i32>} : memref<4x128xi32, #tpu.memory_space<vmem>>, vector<16xi32>,
      } {sc.loop_unroll_factor = 1 : i64, sc.parallel_access}
      %dma_start3A = arith.constant 0 : i32
      %dma_start3A_244 = arith.constant 0 : i32
      %dma_start3A_245 = arith.constant 0 : i32
      %dma_start3A_246 = arith.constant 0 : i32
      %dma_start3A_247 = tpu.memref_slice %arg7[%dma_start3A_244, %dma_start3A_245, %dma_start3A_246] : memref<4x128x64xf32, #tpu.memory_space<vmem>> -> memref<1x128x64xf32, #tpu.memory_space<vmem>>
      %dma_start3A_248 = tpu.memref_squeeze %dma_start3A_247 : memref<1x128x64xf32, #tpu.memory_space<vmem>> -> memref<128x64xf32, #tpu.memory_space<vmem>>
      %dma_start3A_249 = arith.constant 0 : i32
      %dma_start3A_250 = tpu.memref_slice %arg6[%dma_start3A, %dma_start3A_249] : memref<4x128xi32, #tpu.memory_space<vmem>> -> memref<1x128xi32, #tpu.memory_space<vmem>>
      %dma_start3A_251 = tpu.memref_squeeze %dma_start3A_250 : memref<1x128xi32, #tpu.memory_space<vmem>> -> memref<128xi32, #tpu.memory_space<vmem>>
      %dma_start3A_252 = arith.constant 0 : i32
      %dma_start3A_253 = arith.constant 0 : i32
      %dma_start3A_254 = tpu.memref_slice %arg3[%dma_start3A_252, %dma_start3A_253] : memref<100000x64xf32, #tpu.memory_space<hbm>> -> memref<100000x64xf32, #tpu.memory_space<hbm>>
      tpu.enqueue_indirect_dma source(%dma_start3A_254 : memref<100000x64xf32, #tpu.memory_space<hbm>>) target(%dma_start3A_248 : memref<128x64xf32, #tpu.memory_space<vmem>>) offsets(%dma_start3A_251 : memref<128xi32, #tpu.memory_space<vmem>>) semaphore(%arg9 : memref<!tpu.dma_semaphore, #tpu.memory_space<semaphore_mem>>)
      %broadcast_in_dim3A_255 = arith.constant 0 : i32
      %broadcast_in_dim3A_256 = vector.broadcast %broadcast_in_dim3A_255 : i32 to vector<16xi32>
      %add3A_257 = arith.constant 1 : i32
      %add3A_258 = vector.broadcast %add3A_257 : i32 to vector<16xi32>
      %add3A_259 = arith.addi %broadcast_in_dim3A_256, %add3A_258 : vector<16xi32>
      %parallel_loop3A_260 = arith.constant 0 : i32
      %parallel_loop3A_261 = arith.constant 8 : i32
      %parallel_loop3A_262 = arith.constant 1 : i32
      scf.for %parallel_loop3A_1032 = %parallel_loop3A_260 to %parallel_loop3A_261 step %parallel_loop3A_262  : i32 {
        %parallel_loop3A_1033 = arith.constant 16 : i32
        %parallel_loop3A_1034 = arith.muli %parallel_loop3A_1033, %parallel_loop3A_1032 : i32
        %parallel_loop3A_1035 = vector.broadcast %parallel_loop3A_1034 : i32 to vector<16xi32>
        %parallel_loop3A_1036 = arith.addi %iota3A, %parallel_loop3A_1035 : vector<16xi32>
        %parallel_loop3A_1037 = tpu.vector_load_idx %arg5[%parallel_loop3A_1036, %add3A_259] : memref<128x201xi32, #tpu.memory_space<vmem>>[vector<16xi32>, vector<16xi32>], vector<16xi32>,
        %parallel_loop3A_1038 = arith.constant 16 : i32
        %parallel_loop3A_1039 = arith.muli %parallel_loop3A_1038, %parallel_loop3A_1032 : i32
        %parallel_loop3A_1040 = tpu.assume_multiple %parallel_loop3A_1039, 16 : i32
        %parallel_loop3A_1041 = arith.constant 1 : i32
        %parallel_loop3A_1042 = arith.index_cast %parallel_loop3A_1041 : i32 to index
        %parallel_loop3A_1043 = arith.index_cast %parallel_loop3A_1040 : i32 to index
        %parallel_loop3A_1044 = tpu.vector_load %arg6[%parallel_loop3A_1042, %parallel_loop3A_1043] {strides = array<i32>} : memref<4x128xi32, #tpu.memory_space<vmem>>, vector<16xi32>,
        tpu.vector_store %arg6[%parallel_loop3A_1042, %parallel_loop3A_1043], %parallel_loop3A_1037 {strides = array<i32>} : memref<4x128xi32, #tpu.memory_space<vmem>>, vector<16xi32>,
      } {sc.loop_unroll_factor = 1 : i64, sc.parallel_access}
      %dma_start3A_263 = arith.constant 1 : i32
      %dma_start3A_264 = arith.constant 1 : i32
      %dma_start3A_265 = arith.constant 0 : i32
      %dma_start3A_266 = arith.constant 0 : i32
      %dma_start3A_267 = tpu.memref_slice %arg7[%dma_start3A_264, %dma_start3A_265, %dma_start3A_266] : memref<4x128x64xf32, #tpu.memory_space<vmem>> -> memref<1x128x64xf32, #tpu.memory_space<vmem>>
      %dma_start3A_268 = tpu.memref_squeeze %dma_start3A_267 : memref<1x128x64xf32, #tpu.memory_space<vmem>> -> memref<128x64xf32, #tpu.memory_space<vmem>>
      %dma_start3A_269 = arith.constant 0 : i32
      %dma_start3A_270 = tpu.memref_slice %arg6[%dma_start3A_263, %dma_start3A_269] : memref<4x128xi32, #tpu.memory_space<vmem>> -> memref<1x128xi32, #tpu.memory_space<vmem>>
      %dma_start3A_271 = tpu.memref_squeeze %dma_start3A_270 : memref<1x128xi32, #tpu.memory_space<vmem>> -> memref<128xi32, #tpu.memory_space<vmem>>
      %dma_start3A_272 = arith.constant 0 : i32
      %dma_start3A_273 = arith.constant 0 : i32
      %dma_start3A_274 = tpu.memref_slice %arg3[%dma_start3A_272, %dma_start3A_273] : memref<100000x64xf32, #tpu.memory_space<hbm>> -> memref<100000x64xf32, #tpu.memory_space<hbm>>
      tpu.enqueue_indirect_dma source(%dma_start3A_274 : memref<100000x64xf32, #tpu.memory_space<hbm>>) target(%dma_start3A_268 : memref<128x64xf32, #tpu.memory_space<vmem>>) offsets(%dma_start3A_271 : memref<128xi32, #tpu.memory_space<vmem>>) semaphore(%arg10 : memref<!tpu.dma_semaphore, #tpu.memory_space<semaphore_mem>>)
      %broadcast_in_dim3A_275 = arith.constant 0 : i32
      %broadcast_in_dim3A_276 = vector.broadcast %broadcast_in_dim3A_275 : i32 to vector<16xi32>
      %add3A_277 = arith.constant 2 : i32
      %add3A_278 = vector.broadcast %add3A_277 : i32 to vector<16xi32>
      %add3A_279 = arith.addi %broadcast_in_dim3A_276, %add3A_278 : vector<16xi32>
      %parallel_loop3A_280 = arith.constant 0 : i32
      %parallel_loop3A_281 = arith.constant 8 : i32
      %parallel_loop3A_282 = arith.constant 1 : i32
      scf.for %parallel_loop3A_1032 = %parallel_loop3A_280 to %parallel_loop3A_281 step %parallel_loop3A_282  : i32 {
        %parallel_loop3A_1033 = arith.constant 16 : i32
        %parallel_loop3A_1034 = arith.muli %parallel_loop3A_1033, %parallel_loop3A_1032 : i32
        %parallel_loop3A_1035 = vector.broadcast %parallel_loop3A_1034 : i32 to vector<16xi32>
        %parallel_loop3A_1036 = arith.addi %iota3A, %parallel_loop3A_1035 : vector<16xi32>
        %parallel_loop3A_1037 = tpu.vector_load_idx %arg5[%parallel_loop3A_1036, %add3A_279] : memref<128x201xi32, #tpu.memory_space<vmem>>[vector<16xi32>, vector<16xi32>], vector<16xi32>,
        %parallel_loop3A_1038 = arith.constant 16 : i32
        %parallel_loop3A_1039 = arith.muli %parallel_loop3A_1038, %parallel_loop3A_1032 : i32
        %parallel_loop3A_1040 = tpu.assume_multiple %parallel_loop3A_1039, 16 : i32
        %parallel_loop3A_1041 = arith.constant 2 : i32
        %parallel_loop3A_1042 = arith.index_cast %parallel_loop3A_1041 : i32 to index
        %parallel_loop3A_1043 = arith.index_cast %parallel_loop3A_1040 : i32 to index
        %parallel_loop3A_1044 = tpu.vector_load %arg6[%parallel_loop3A_1042, %parallel_loop3A_1043] {strides = array<i32>} : memref<4x128xi32, #tpu.memory_space<vmem>>, vector<16xi32>,
        tpu.vector_store %arg6[%parallel_loop3A_1042, %parallel_loop3A_1043], %parallel_loop3A_1037 {strides = array<i32>} : memref<4x128xi32, #tpu.memory_space<vmem>>, vector<16xi32>,
      } {sc.loop_unroll_factor = 1 : i64, sc.parallel_access}
      %dma_start3A_283 = arith.constant 2 : i32
      %dma_start3A_284 = arith.constant 2 : i32
      %dma_start3A_285 = arith.constant 0 : i32
      %dma_start3A_286 = arith.constant 0 : i32
      %dma_start3A_287 = tpu.memref_slice %arg7[%dma_start3A_284, %dma_start3A_285, %dma_start3A_286] : memref<4x128x64xf32, #tpu.memory_space<vmem>> -> memref<1x128x64xf32, #tpu.memory_space<vmem>>
      %dma_start3A_288 = tpu.memref_squeeze %dma_start3A_287 : memref<1x128x64xf32, #tpu.memory_space<vmem>> -> memref<128x64xf32, #tpu.memory_space<vmem>>
      %dma_start3A_289 = arith.constant 0 : i32
      %dma_start3A_290 = tpu.memref_slice %arg6[%dma_start3A_283, %dma_start3A_289] : memref<4x128xi32, #tpu.memory_space<vmem>> -> memref<1x128xi32, #tpu.memory_space<vmem>>
      %dma_start3A_291 = tpu.memref_squeeze %dma_start3A_290 : memref<1x128xi32, #tpu.memory_space<vmem>> -> memref<128xi32, #tpu.memory_space<vmem>>
      %dma_start3A_292 = arith.constant 0 : i32
      %dma_start3A_293 = arith.constant 0 : i32
      %dma_start3A_294 = tpu.memref_slice %arg3[%dma_start3A_292, %dma_start3A_293] : memref<100000x64xf32, #tpu.memory_space<hbm>> -> memref<100000x64xf32, #tpu.memory_space<hbm>>
      tpu.enqueue_indirect_dma source(%dma_start3A_294 : memref<100000x64xf32, #tpu.memory_space<hbm>>) target(%dma_start3A_288 : memref<128x64xf32, #tpu.memory_space<vmem>>) offsets(%dma_start3A_291 : memref<128xi32, #tpu.memory_space<vmem>>) semaphore(%arg11 : memref<!tpu.dma_semaphore, #tpu.memory_space<semaphore_mem>>)
      %broadcast_in_dim3A_295 = arith.constant 0 : i32
      %broadcast_in_dim3A_296 = vector.broadcast %broadcast_in_dim3A_295 : i32 to vector<16xi32>
      %add3A_297 = arith.constant 3 : i32
      %add3A_298 = vector.broadcast %add3A_297 : i32 to vector<16xi32>
      %add3A_299 = arith.addi %broadcast_in_dim3A_296, %add3A_298 : vector<16xi32>
      %parallel_loop3A_300 = arith.constant 0 : i32
      %parallel_loop3A_301 = arith.constant 8 : i32
      %parallel_loop3A_302 = arith.constant 1 : i32
      scf.for %parallel_loop3A_1032 = %parallel_loop3A_300 to %parallel_loop3A_301 step %parallel_loop3A_302  : i32 {
        %parallel_loop3A_1033 = arith.constant 16 : i32
        %parallel_loop3A_1034 = arith.muli %parallel_loop3A_1033, %parallel_loop3A_1032 : i32
        %parallel_loop3A_1035 = vector.broadcast %parallel_loop3A_1034 : i32 to vector<16xi32>
        %parallel_loop3A_1036 = arith.addi %iota3A, %parallel_loop3A_1035 : vector<16xi32>
        %parallel_loop3A_1037 = tpu.vector_load_idx %arg5[%parallel_loop3A_1036, %add3A_299] : memref<128x201xi32, #tpu.memory_space<vmem>>[vector<16xi32>, vector<16xi32>], vector<16xi32>,
        %parallel_loop3A_1038 = arith.constant 16 : i32
        %parallel_loop3A_1039 = arith.muli %parallel_loop3A_1038, %parallel_loop3A_1032 : i32
        %parallel_loop3A_1040 = tpu.assume_multiple %parallel_loop3A_1039, 16 : i32
        %parallel_loop3A_1041 = arith.constant 3 : i32
        %parallel_loop3A_1042 = arith.index_cast %parallel_loop3A_1041 : i32 to index
        %parallel_loop3A_1043 = arith.index_cast %parallel_loop3A_1040 : i32 to index
        %parallel_loop3A_1044 = tpu.vector_load %arg6[%parallel_loop3A_1042, %parallel_loop3A_1043] {strides = array<i32>} : memref<4x128xi32, #tpu.memory_space<vmem>>, vector<16xi32>,
        tpu.vector_store %arg6[%parallel_loop3A_1042, %parallel_loop3A_1043], %parallel_loop3A_1037 {strides = array<i32>} : memref<4x128xi32, #tpu.memory_space<vmem>>, vector<16xi32>,
      } {sc.loop_unroll_factor = 1 : i64, sc.parallel_access}
      %dma_start3A_303 = arith.constant 3 : i32
      %dma_start3A_304 = arith.constant 3 : i32
      %dma_start3A_305 = arith.constant 0 : i32
      %dma_start3A_306 = arith.constant 0 : i32
      %dma_start3A_307 = tpu.memref_slice %arg7[%dma_start3A_304, %dma_start3A_305, %dma_start3A_306] : memref<4x128x64xf32, #tpu.memory_space<vmem>> -> memref<1x128x64xf32, #tpu.memory_space<vmem>>
      %dma_start3A_308 = tpu.memref_squeeze %dma_start3A_307 : memref<1x128x64xf32, #tpu.memory_space<vmem>> -> memref<128x64xf32, #tpu.memory_space<vmem>>
      %dma_start3A_309 = arith.constant 0 : i32
      %dma_start3A_310 = tpu.memref_slice %arg6[%dma_start3A_303, %dma_start3A_309] : memref<4x128xi32, #tpu.memory_space<vmem>> -> memref<1x128xi32, #tpu.memory_space<vmem>>
      %dma_start3A_311 = tpu.memref_squeeze %dma_start3A_310 : memref<1x128xi32, #tpu.memory_space<vmem>> -> memref<128xi32, #tpu.memory_space<vmem>>
      %dma_start3A_312 = arith.constant 0 : i32
      %dma_start3A_313 = arith.constant 0 : i32
      %dma_start3A_314 = tpu.memref_slice %arg3[%dma_start3A_312, %dma_start3A_313] : memref<100000x64xf32, #tpu.memory_space<hbm>> -> memref<100000x64xf32, #tpu.memory_space<hbm>>
      tpu.enqueue_indirect_dma source(%dma_start3A_314 : memref<100000x64xf32, #tpu.memory_space<hbm>>) target(%dma_start3A_308 : memref<128x64xf32, #tpu.memory_space<vmem>>) offsets(%dma_start3A_311 : memref<128xi32, #tpu.memory_space<vmem>>) semaphore(%arg12 : memref<!tpu.dma_semaphore, #tpu.memory_space<semaphore_mem>>)
      %dma_wait3A = arith.constant 0 : i32
      %dma_wait3A_315 = arith.constant 0 : i32
      %dma_wait3A_316 = arith.constant 0 : i32
      %dma_wait3A_317 = tpu.memref_slice %arg7[%dma_wait3A, %dma_wait3A_315, %dma_wait3A_316] : memref<4x128x64xf32, #tpu.memory_space<vmem>> -> memref<1x128x64xf32, #tpu.memory_space<vmem>>
      %dma_wait3A_318 = tpu.memref_squeeze %dma_wait3A_317 : memref<1x128x64xf32, #tpu.memory_space<vmem>> -> memref<128x64xf32, #tpu.memory_space<vmem>>
      %dma_wait3A_319 = arith.constant 0 : i32
      %dma_wait3A_320 = arith.constant 0 : i32
      %dma_wait3A_321 = tpu.memref_slice %arg3[%dma_wait3A_319, %dma_wait3A_320] : memref<100000x64xf32, #tpu.memory_space<hbm>> -> memref<128x64xf32, #tpu.memory_space<hbm>>
      %dma_wait3A_322 = arith.constant 0 : i32
      %dma_wait3A_323 = arith.constant 0 : i32
      %dma_wait3A_324 = tpu.memref_slice %arg7[%dma_wait3A, %dma_wait3A_322, %dma_wait3A_323] : memref<4x128x64xf32, #tpu.memory_space<vmem>> -> memref<1x128x64xf32, #tpu.memory_space<vmem>>
      %dma_wait3A_325 = tpu.memref_squeeze %dma_wait3A_324 : memref<1x128x64xf32, #tpu.memory_space<vmem>> -> memref<128x64xf32, #tpu.memory_space<vmem>>
      %dma_wait3A_326 = arith.constant 0 : i32
      %dma_wait3A_327 = arith.constant 0 : i32
      %dma_wait3A_328 = tpu.memref_slice %arg3[%dma_wait3A_326, %dma_wait3A_327] : memref<100000x64xf32, #tpu.memory_space<hbm>> -> memref<128x64xf32, #tpu.memory_space<hbm>>
      tpu.wait_dma2 semaphore(%arg9 : memref<!tpu.dma_semaphore, #tpu.memory_space<semaphore_mem>>) src(%dma_wait3A_328 : memref<128x64xf32, #tpu.memory_space<hbm>>) dst(%dma_wait3A_325 : memref<128x64xf32, #tpu.memory_space<vmem>>)
      %parallel_loop3A_329 = arith.constant 0 : i32
      %parallel_loop3A_330 = arith.constant 128 : i32
      %parallel_loop3A_331 = arith.constant 1 : i32
      scf.for %parallel_loop3A_1032 = %parallel_loop3A_329 to %parallel_loop3A_330 step %parallel_loop3A_331  : i32 {
        %parallel_loop3A_1033 = arith.constant 0 : i32
        %parallel_loop3A_1034 = vector.broadcast %parallel_loop3A_1033 : i32 to vector<16xi32>
        %parallel_loop3A_1035 = vector.broadcast %parallel_loop3A_1032 : i32 to vector<16xi32>
        %parallel_loop3A_1036 = arith.addi %parallel_loop3A_1034, %parallel_loop3A_1035 : vector<16xi32>
        %parallel_loop3A_1037 = arith.constant 0 : i32
        %parallel_loop3A_1038 = arith.index_cast %parallel_loop3A_1037 : i32 to index
        %parallel_loop3A_1039 = arith.index_cast %parallel_loop3A_1032 : i32 to index
        %parallel_loop3A_1040 = arith.constant 0 : index
        %parallel_loop3A_1041 = tpu.vector_load %arg7[%parallel_loop3A_1038, %parallel_loop3A_1039, %parallel_loop3A_1040] {strides = array<i32>} : memref<4x128x64xf32, #tpu.memory_space<vmem>>, vector<16xf32>,
        %parallel_loop3A_1042 = arith.constant 0 : i32
        %parallel_loop3A_1043 = arith.constant 0 : i32
        %parallel_loop3A_1044 = arith.constant 0 : i32
        %parallel_loop3A_1045 = arith.constant 0 : i32
        %parallel_loop3A_1046 = tpu.memref_slice %arg8[%parallel_loop3A_1042, %parallel_loop3A_1043, %parallel_loop3A_1044, %parallel_loop3A_1045] : memref<4x8x8x131xf32, #tpu.memory_space<vmem>> -> memref<1x8x8x131xf32, #tpu.memory_space<vmem>>
        %parallel_loop3A_1047 = tpu.memref_squeeze %parallel_loop3A_1046 : memref<1x8x8x131xf32, #tpu.memory_space<vmem>> -> memref<8x8x131xf32, #tpu.memory_space<vmem>>
        tpu.vector_store_idx %parallel_loop3A_1047[%select_n3A, %select_n3A_151, %parallel_loop3A_1036], %parallel_loop3A_1041 : memref<8x8x131xf32, #tpu.memory_space<vmem>>[vector<16xi32>, vector<16xi32>, vector<16xi32>], vector<16xf32>,
        %parallel_loop3A_1048 = arith.constant 0 : i32
        %parallel_loop3A_1049 = arith.index_cast %parallel_loop3A_1048 : i32 to index
        %parallel_loop3A_1050 = arith.index_cast %parallel_loop3A_1032 : i32 to index
        %parallel_loop3A_1051 = arith.constant 16 : index
        %parallel_loop3A_1052 = tpu.vector_load %arg7[%parallel_loop3A_1049, %parallel_loop3A_1050, %parallel_loop3A_1051] {strides = array<i32>} : memref<4x128x64xf32, #tpu.memory_space<vmem>>, vector<16xf32>,
        %parallel_loop3A_1053 = arith.constant 0 : i32
        %parallel_loop3A_1054 = arith.constant 0 : i32
        %parallel_loop3A_1055 = arith.constant 0 : i32
        %parallel_loop3A_1056 = arith.constant 0 : i32
        %parallel_loop3A_1057 = tpu.memref_slice %arg8[%parallel_loop3A_1053, %parallel_loop3A_1054, %parallel_loop3A_1055, %parallel_loop3A_1056] : memref<4x8x8x131xf32, #tpu.memory_space<vmem>> -> memref<1x8x8x131xf32, #tpu.memory_space<vmem>>
        %parallel_loop3A_1058 = tpu.memref_squeeze %parallel_loop3A_1057 : memref<1x8x8x131xf32, #tpu.memory_space<vmem>> -> memref<8x8x131xf32, #tpu.memory_space<vmem>>
        tpu.vector_store_idx %parallel_loop3A_1058[%select_n3A_60, %select_n3A_176, %parallel_loop3A_1036], %parallel_loop3A_1052 : memref<8x8x131xf32, #tpu.memory_space<vmem>>[vector<16xi32>, vector<16xi32>, vector<16xi32>], vector<16xf32>,
        %parallel_loop3A_1059 = arith.constant 0 : i32
        %parallel_loop3A_1060 = arith.index_cast %parallel_loop3A_1059 : i32 to index
        %parallel_loop3A_1061 = arith.index_cast %parallel_loop3A_1032 : i32 to index
        %parallel_loop3A_1062 = arith.constant 32 : index
        %parallel_loop3A_1063 = tpu.vector_load %arg7[%parallel_loop3A_1060, %parallel_loop3A_1061, %parallel_loop3A_1062] {strides = array<i32>} : memref<4x128x64xf32, #tpu.memory_space<vmem>>, vector<16xf32>,
        %parallel_loop3A_1064 = arith.constant 0 : i32
        %parallel_loop3A_1065 = arith.constant 0 : i32
        %parallel_loop3A_1066 = arith.constant 0 : i32
        %parallel_loop3A_1067 = arith.constant 0 : i32
        %parallel_loop3A_1068 = tpu.memref_slice %arg8[%parallel_loop3A_1064, %parallel_loop3A_1065, %parallel_loop3A_1066, %parallel_loop3A_1067] : memref<4x8x8x131xf32, #tpu.memory_space<vmem>> -> memref<1x8x8x131xf32, #tpu.memory_space<vmem>>
        %parallel_loop3A_1069 = tpu.memref_squeeze %parallel_loop3A_1068 : memref<1x8x8x131xf32, #tpu.memory_space<vmem>> -> memref<8x8x131xf32, #tpu.memory_space<vmem>>
        tpu.vector_store_idx %parallel_loop3A_1069[%select_n3A_94, %select_n3A_201, %parallel_loop3A_1036], %parallel_loop3A_1063 : memref<8x8x131xf32, #tpu.memory_space<vmem>>[vector<16xi32>, vector<16xi32>, vector<16xi32>], vector<16xf32>,
        %parallel_loop3A_1070 = arith.constant 0 : i32
        %parallel_loop3A_1071 = arith.index_cast %parallel_loop3A_1070 : i32 to index
        %parallel_loop3A_1072 = arith.index_cast %parallel_loop3A_1032 : i32 to index
        %parallel_loop3A_1073 = arith.constant 48 : index
        %parallel_loop3A_1074 = tpu.vector_load %arg7[%parallel_loop3A_1071, %parallel_loop3A_1072, %parallel_loop3A_1073] {strides = array<i32>} : memref<4x128x64xf32, #tpu.memory_space<vmem>>, vector<16xf32>,
        %parallel_loop3A_1075 = arith.constant 0 : i32
        %parallel_loop3A_1076 = arith.constant 0 : i32
        %parallel_loop3A_1077 = arith.constant 0 : i32
        %parallel_loop3A_1078 = arith.constant 0 : i32
        %parallel_loop3A_1079 = tpu.memref_slice %arg8[%parallel_loop3A_1075, %parallel_loop3A_1076, %parallel_loop3A_1077, %parallel_loop3A_1078] : memref<4x8x8x131xf32, #tpu.memory_space<vmem>> -> memref<1x8x8x131xf32, #tpu.memory_space<vmem>>
        %parallel_loop3A_1080 = tpu.memref_squeeze %parallel_loop3A_1079 : memref<1x8x8x131xf32, #tpu.memory_space<vmem>> -> memref<8x8x131xf32, #tpu.memory_space<vmem>>
        tpu.vector_store_idx %parallel_loop3A_1080[%select_n3A_128, %select_n3A_226, %parallel_loop3A_1036], %parallel_loop3A_1074 : memref<8x8x131xf32, #tpu.memory_space<vmem>>[vector<16xi32>, vector<16xi32>, vector<16xi32>], vector<16xf32>,
      } {sc.loop_unroll_factor = 4 : i64, sc.parallel_access}
      %broadcast_in_dim3A_332 = arith.constant 0 : i32
      %broadcast_in_dim3A_333 = vector.broadcast %broadcast_in_dim3A_332 : i32 to vector<16xi32>
      %add3A_334 = arith.constant 4 : i32
      %add3A_335 = vector.broadcast %add3A_334 : i32 to vector<16xi32>
      %add3A_336 = arith.addi %broadcast_in_dim3A_333, %add3A_335 : vector<16xi32>
      %parallel_loop3A_337 = arith.constant 0 : i32
      %parallel_loop3A_338 = arith.constant 8 : i32
      %parallel_loop3A_339 = arith.constant 1 : i32
      scf.for %parallel_loop3A_1032 = %parallel_loop3A_337 to %parallel_loop3A_338 step %parallel_loop3A_339  : i32 {
        %parallel_loop3A_1033 = arith.constant 16 : i32
        %parallel_loop3A_1034 = arith.muli %parallel_loop3A_1033, %parallel_loop3A_1032 : i32
        %parallel_loop3A_1035 = vector.broadcast %parallel_loop3A_1034 : i32 to vector<16xi32>
        %parallel_loop3A_1036 = arith.addi %iota3A, %parallel_loop3A_1035 : vector<16xi32>
        %parallel_loop3A_1037 = tpu.vector_load_idx %arg5[%parallel_loop3A_1036, %add3A_336] : memref<128x201xi32, #tpu.memory_space<vmem>>[vector<16xi32>, vector<16xi32>], vector<16xi32>,
        %parallel_loop3A_1038 = arith.constant 16 : i32
        %parallel_loop3A_1039 = arith.muli %parallel_loop3A_1038, %parallel_loop3A_1032 : i32
        %parallel_loop3A_1040 = tpu.assume_multiple %parallel_loop3A_1039, 16 : i32
        %parallel_loop3A_1041 = arith.constant 0 : i32
        %parallel_loop3A_1042 = arith.index_cast %parallel_loop3A_1041 : i32 to index
        %parallel_loop3A_1043 = arith.index_cast %parallel_loop3A_1040 : i32 to index
        %parallel_loop3A_1044 = tpu.vector_load %arg6[%parallel_loop3A_1042, %parallel_loop3A_1043] {strides = array<i32>} : memref<4x128xi32, #tpu.memory_space<vmem>>, vector<16xi32>,
        tpu.vector_store %arg6[%parallel_loop3A_1042, %parallel_loop3A_1043], %parallel_loop3A_1037 {strides = array<i32>} : memref<4x128xi32, #tpu.memory_space<vmem>>, vector<16xi32>,
      } {sc.loop_unroll_factor = 1 : i64, sc.parallel_access}
      %dma_start3A_340 = arith.constant 0 : i32
      %dma_start3A_341 = arith.constant 0 : i32
      %dma_start3A_342 = arith.constant 0 : i32
      %dma_start3A_343 = arith.constant 0 : i32
      %dma_start3A_344 = tpu.memref_slice %arg7[%dma_start3A_341, %dma_start3A_342, %dma_start3A_343] : memref<4x128x64xf32, #tpu.memory_space<vmem>> -> memref<1x128x64xf32, #tpu.memory_space<vmem>>
      %dma_start3A_345 = tpu.memref_squeeze %dma_start3A_344 : memref<1x128x64xf32, #tpu.memory_space<vmem>> -> memref<128x64xf32, #tpu.memory_space<vmem>>
      %dma_start3A_346 = arith.constant 0 : i32
      %dma_start3A_347 = tpu.memref_slice %arg6[%dma_start3A_340, %dma_start3A_346] : memref<4x128xi32, #tpu.memory_space<vmem>> -> memref<1x128xi32, #tpu.memory_space<vmem>>
      %dma_start3A_348 = tpu.memref_squeeze %dma_start3A_347 : memref<1x128xi32, #tpu.memory_space<vmem>> -> memref<128xi32, #tpu.memory_space<vmem>>
      %dma_start3A_349 = arith.constant 0 : i32
      %dma_start3A_350 = arith.constant 0 : i32
      %dma_start3A_351 = tpu.memref_slice %arg3[%dma_start3A_349, %dma_start3A_350] : memref<100000x64xf32, #tpu.memory_space<hbm>> -> memref<100000x64xf32, #tpu.memory_space<hbm>>
      tpu.enqueue_indirect_dma source(%dma_start3A_351 : memref<100000x64xf32, #tpu.memory_space<hbm>>) target(%dma_start3A_345 : memref<128x64xf32, #tpu.memory_space<vmem>>) offsets(%dma_start3A_348 : memref<128xi32, #tpu.memory_space<vmem>>) semaphore(%arg9 : memref<!tpu.dma_semaphore, #tpu.memory_space<semaphore_mem>>)
      %dma_start3A_352 = arith.constant 0 : i32
      %dma_start3A_353 = arith.constant 0 : i32
      %dma_start3A_354 = arith.constant 0 : i32
      %dma_start3A_355 = arith.constant 0 : i32
      %dma_start3A_356 = arith.constant 0 : i32
      %dma_start3A_357 = tpu.memref_slice %arg8[%dma_start3A_352, %dma_start3A_354, %dma_start3A_355, %dma_start3A_356] : memref<4x8x8x131xf32, #tpu.memory_space<vmem>> -> memref<1x8x8x131xf32, #tpu.memory_space<vmem>>
      %dma_start3A_358 = tpu.memref_squeeze %dma_start3A_357 : memref<1x8x8x131xf32, #tpu.memory_space<vmem>> -> memref<8x8x131xf32, #tpu.memory_space<vmem>>
      %dma_start3A_359 = arith.constant 0 : i32
      %dma_start3A_360 = arith.constant 0 : i32
      %dma_start3A_361 = arith.constant 0 : i32
      %dma_start3A_362 = tpu.memref_slice %dma_start3A_358[%dma_start3A_359, %dma_start3A_360, %dma_start3A_361] : memref<8x8x131xf32, #tpu.memory_space<vmem>> -> memref<8x8x128xf32, #tpu.memory_space<vmem>>
      %dma_start3A_363 = arith.constant 0 : i32
      %dma_start3A_364 = arith.constant 0 : i32
      %dma_start3A_365 = arith.constant 0 : i32
      %dma_start3A_366 = tpu.memref_slice %arg4[%dma_start3A_353, %dma_start3A_363, %add3A_235, %dma_start3A_364, %dma_start3A_365] : memref<200x8x128x8x128xf32, #tpu.memory_space<hbm>> -> memref<1x8x1x8x128xf32, #tpu.memory_space<hbm>>
      %dma_start3A_367 = tpu.memref_squeeze %dma_start3A_366 : memref<1x8x1x8x128xf32, #tpu.memory_space<hbm>> -> memref<8x8x128xf32, #tpu.memory_space<hbm>>
      %dma_start3A_368 = arith.constant 0 : i32
      %dma_start3A_369 = arith.constant 0 : i32
      %dma_start3A_370 = arith.constant 0 : i32
      %dma_start3A_371 = tpu.memref_slice %arg4[%dma_start3A_353, %dma_start3A_368, %add3A_235, %dma_start3A_369, %dma_start3A_370] : memref<200x8x128x8x128xf32, #tpu.memory_space<hbm>> -> memref<1x8x1x8x128xf32, #tpu.memory_space<hbm>>
      %dma_start3A_372 = tpu.memref_squeeze %dma_start3A_371 : memref<1x8x1x8x128xf32, #tpu.memory_space<hbm>> -> memref<8x8x128xf32, #tpu.memory_space<hbm>>
      %dma_start3A_373 = arith.constant 0 : i32
      %dma_start3A_374 = arith.constant 0 : i32
      %dma_start3A_375 = arith.constant 0 : i32
      %dma_start3A_376 = tpu.memref_slice %arg8[%dma_start3A_352, %dma_start3A_373, %dma_start3A_374, %dma_start3A_375] : memref<4x8x8x131xf32, #tpu.memory_space<vmem>> -> memref<1x8x8x131xf32, #tpu.memory_space<vmem>>
      %dma_start3A_377 = tpu.memref_squeeze %dma_start3A_376 : memref<1x8x8x131xf32, #tpu.memory_space<vmem>> -> memref<8x8x131xf32, #tpu.memory_space<vmem>>
      %dma_start3A_378 = arith.constant 0 : i32
      %dma_start3A_379 = arith.constant 0 : i32
      %dma_start3A_380 = arith.constant 0 : i32
      %dma_start3A_381 = tpu.memref_slice %dma_start3A_377[%dma_start3A_378, %dma_start3A_379, %dma_start3A_380] : memref<8x8x131xf32, #tpu.memory_space<vmem>> -> memref<8x8x128xf32, #tpu.memory_space<vmem>>
      tpu.enqueue_dma source(%dma_start3A_381 : memref<8x8x128xf32, #tpu.memory_space<vmem>>) target(%dma_start3A_372 : memref<8x8x128xf32, #tpu.memory_space<hbm>>) target_semaphore(%arg13 : memref<!tpu.dma_semaphore, #tpu.memory_space<semaphore_mem>>)
      %dma_wait3A_382 = arith.constant 1 : i32
      %dma_wait3A_383 = arith.constant 0 : i32
      %dma_wait3A_384 = arith.constant 0 : i32
      %dma_wait3A_385 = tpu.memref_slice %arg7[%dma_wait3A_382, %dma_wait3A_383, %dma_wait3A_384] : memref<4x128x64xf32, #tpu.memory_space<vmem>> -> memref<1x128x64xf32, #tpu.memory_space<vmem>>
      %dma_wait3A_386 = tpu.memref_squeeze %dma_wait3A_385 : memref<1x128x64xf32, #tpu.memory_space<vmem>> -> memref<128x64xf32, #tpu.memory_space<vmem>>
      %dma_wait3A_387 = arith.constant 0 : i32
      %dma_wait3A_388 = arith.constant 0 : i32
      %dma_wait3A_389 = tpu.memref_slice %arg3[%dma_wait3A_387, %dma_wait3A_388] : memref<100000x64xf32, #tpu.memory_space<hbm>> -> memref<128x64xf32, #tpu.memory_space<hbm>>
      %dma_wait3A_390 = arith.constant 0 : i32
      %dma_wait3A_391 = arith.constant 0 : i32
      %dma_wait3A_392 = tpu.memref_slice %arg7[%dma_wait3A_382, %dma_wait3A_390, %dma_wait3A_391] : memref<4x128x64xf32, #tpu.memory_space<vmem>> -> memref<1x128x64xf32, #tpu.memory_space<vmem>>
      %dma_wait3A_393 = tpu.memref_squeeze %dma_wait3A_392 : memref<1x128x64xf32, #tpu.memory_space<vmem>> -> memref<128x64xf32, #tpu.memory_space<vmem>>
      %dma_wait3A_394 = arith.constant 0 : i32
      %dma_wait3A_395 = arith.constant 0 : i32
      %dma_wait3A_396 = tpu.memref_slice %arg3[%dma_wait3A_394, %dma_wait3A_395] : memref<100000x64xf32, #tpu.memory_space<hbm>> -> memref<128x64xf32, #tpu.memory_space<hbm>>
      tpu.wait_dma2 semaphore(%arg10 : memref<!tpu.dma_semaphore, #tpu.memory_space<semaphore_mem>>) src(%dma_wait3A_396 : memref<128x64xf32, #tpu.memory_space<hbm>>) dst(%dma_wait3A_393 : memref<128x64xf32, #tpu.memory_space<vmem>>)
      %parallel_loop3A_397 = arith.constant 0 : i32
      %parallel_loop3A_398 = arith.constant 128 : i32
      %parallel_loop3A_399 = arith.constant 1 : i32
      scf.for %parallel_loop3A_1032 = %parallel_loop3A_397 to %parallel_loop3A_398 step %parallel_loop3A_399  : i32 {
        %parallel_loop3A_1033 = arith.constant 0 : i32
        %parallel_loop3A_1034 = vector.broadcast %parallel_loop3A_1033 : i32 to vector<16xi32>
        %parallel_loop3A_1035 = vector.broadcast %parallel_loop3A_1032 : i32 to vector<16xi32>
        %parallel_loop3A_1036 = arith.addi %parallel_loop3A_1034, %parallel_loop3A_1035 : vector<16xi32>
        %parallel_loop3A_1037 = arith.constant 1 : i32
        %parallel_loop3A_1038 = arith.index_cast %parallel_loop3A_1037 : i32 to index
        %parallel_loop3A_1039 = arith.index_cast %parallel_loop3A_1032 : i32 to index
        %parallel_loop3A_1040 = arith.constant 0 : index
        %parallel_loop3A_1041 = tpu.vector_load %arg7[%parallel_loop3A_1038, %parallel_loop3A_1039, %parallel_loop3A_1040] {strides = array<i32>} : memref<4x128x64xf32, #tpu.memory_space<vmem>>, vector<16xf32>,
        %parallel_loop3A_1042 = arith.constant 1 : i32
        %parallel_loop3A_1043 = arith.constant 0 : i32
        %parallel_loop3A_1044 = arith.constant 0 : i32
        %parallel_loop3A_1045 = arith.constant 0 : i32
        %parallel_loop3A_1046 = tpu.memref_slice %arg8[%parallel_loop3A_1042, %parallel_loop3A_1043, %parallel_loop3A_1044, %parallel_loop3A_1045] : memref<4x8x8x131xf32, #tpu.memory_space<vmem>> -> memref<1x8x8x131xf32, #tpu.memory_space<vmem>>
        %parallel_loop3A_1047 = tpu.memref_squeeze %parallel_loop3A_1046 : memref<1x8x8x131xf32, #tpu.memory_space<vmem>> -> memref<8x8x131xf32, #tpu.memory_space<vmem>>
        tpu.vector_store_idx %parallel_loop3A_1047[%select_n3A, %select_n3A_151, %parallel_loop3A_1036], %parallel_loop3A_1041 : memref<8x8x131xf32, #tpu.memory_space<vmem>>[vector<16xi32>, vector<16xi32>, vector<16xi32>], vector<16xf32>,
        %parallel_loop3A_1048 = arith.constant 1 : i32
        %parallel_loop3A_1049 = arith.index_cast %parallel_loop3A_1048 : i32 to index
        %parallel_loop3A_1050 = arith.index_cast %parallel_loop3A_1032 : i32 to index
        %parallel_loop3A_1051 = arith.constant 16 : index
        %parallel_loop3A_1052 = tpu.vector_load %arg7[%parallel_loop3A_1049, %parallel_loop3A_1050, %parallel_loop3A_1051] {strides = array<i32>} : memref<4x128x64xf32, #tpu.memory_space<vmem>>, vector<16xf32>,
        %parallel_loop3A_1053 = arith.constant 1 : i32
        %parallel_loop3A_1054 = arith.constant 0 : i32
        %parallel_loop3A_1055 = arith.constant 0 : i32
        %parallel_loop3A_1056 = arith.constant 0 : i32
        %parallel_loop3A_1057 = tpu.memref_slice %arg8[%parallel_loop3A_1053, %parallel_loop3A_1054, %parallel_loop3A_1055, %parallel_loop3A_1056] : memref<4x8x8x131xf32, #tpu.memory_space<vmem>> -> memref<1x8x8x131xf32, #tpu.memory_space<vmem>>
        %parallel_loop3A_1058 = tpu.memref_squeeze %parallel_loop3A_1057 : memref<1x8x8x131xf32, #tpu.memory_space<vmem>> -> memref<8x8x131xf32, #tpu.memory_space<vmem>>
        tpu.vector_store_idx %parallel_loop3A_1058[%select_n3A_60, %select_n3A_176, %parallel_loop3A_1036], %parallel_loop3A_1052 : memref<8x8x131xf32, #tpu.memory_space<vmem>>[vector<16xi32>, vector<16xi32>, vector<16xi32>], vector<16xf32>,
        %parallel_loop3A_1059 = arith.constant 1 : i32
        %parallel_loop3A_1060 = arith.index_cast %parallel_loop3A_1059 : i32 to index
        %parallel_loop3A_1061 = arith.index_cast %parallel_loop3A_1032 : i32 to index
        %parallel_loop3A_1062 = arith.constant 32 : index
        %parallel_loop3A_1063 = tpu.vector_load %arg7[%parallel_loop3A_1060, %parallel_loop3A_1061, %parallel_loop3A_1062] {strides = array<i32>} : memref<4x128x64xf32, #tpu.memory_space<vmem>>, vector<16xf32>,
        %parallel_loop3A_1064 = arith.constant 1 : i32
        %parallel_loop3A_1065 = arith.constant 0 : i32
        %parallel_loop3A_1066 = arith.constant 0 : i32
        %parallel_loop3A_1067 = arith.constant 0 : i32
        %parallel_loop3A_1068 = tpu.memref_slice %arg8[%parallel_loop3A_1064, %parallel_loop3A_1065, %parallel_loop3A_1066, %parallel_loop3A_1067] : memref<4x8x8x131xf32, #tpu.memory_space<vmem>> -> memref<1x8x8x131xf32, #tpu.memory_space<vmem>>
        %parallel_loop3A_1069 = tpu.memref_squeeze %parallel_loop3A_1068 : memref<1x8x8x131xf32, #tpu.memory_space<vmem>> -> memref<8x8x131xf32, #tpu.memory_space<vmem>>
        tpu.vector_store_idx %parallel_loop3A_1069[%select_n3A_94, %select_n3A_201, %parallel_loop3A_1036], %parallel_loop3A_1063 : memref<8x8x131xf32, #tpu.memory_space<vmem>>[vector<16xi32>, vector<16xi32>, vector<16xi32>], vector<16xf32>,
        %parallel_loop3A_1070 = arith.constant 1 : i32
        %parallel_loop3A_1071 = arith.index_cast %parallel_loop3A_1070 : i32 to index
        %parallel_loop3A_1072 = arith.index_cast %parallel_loop3A_1032 : i32 to index
        %parallel_loop3A_1073 = arith.constant 48 : index
        %parallel_loop3A_1074 = tpu.vector_load %arg7[%parallel_loop3A_1071, %parallel_loop3A_1072, %parallel_loop3A_1073] {strides = array<i32>} : memref<4x128x64xf32, #tpu.memory_space<vmem>>, vector<16xf32>,
        %parallel_loop3A_1075 = arith.constant 1 : i32
        %parallel_loop3A_1076 = arith.constant 0 : i32
        %parallel_loop3A_1077 = arith.constant 0 : i32
        %parallel_loop3A_1078 = arith.constant 0 : i32
        %parallel_loop3A_1079 = tpu.memref_slice %arg8[%parallel_loop3A_1075, %parallel_loop3A_1076, %parallel_loop3A_1077, %parallel_loop3A_1078] : memref<4x8x8x131xf32, #tpu.memory_space<vmem>> -> memref<1x8x8x131xf32, #tpu.memory_space<vmem>>
        %parallel_loop3A_1080 = tpu.memref_squeeze %parallel_loop3A_1079 : memref<1x8x8x131xf32, #tpu.memory_space<vmem>> -> memref<8x8x131xf32, #tpu.memory_space<vmem>>
        tpu.vector_store_idx %parallel_loop3A_1080[%select_n3A_128, %select_n3A_226, %parallel_loop3A_1036], %parallel_loop3A_1074 : memref<8x8x131xf32, #tpu.memory_space<vmem>>[vector<16xi32>, vector<16xi32>, vector<16xi32>], vector<16xf32>,
      } {sc.loop_unroll_factor = 4 : i64, sc.parallel_access}
      %broadcast_in_dim3A_400 = arith.constant 0 : i32
      %broadcast_in_dim3A_401 = vector.broadcast %broadcast_in_dim3A_400 : i32 to vector<16xi32>
      %add3A_402 = arith.constant 5 : i32
      %add3A_403 = vector.broadcast %add3A_402 : i32 to vector<16xi32>
      %add3A_404 = arith.addi %broadcast_in_dim3A_401, %add3A_403 : vector<16xi32>
      %parallel_loop3A_405 = arith.constant 0 : i32
      %parallel_loop3A_406 = arith.constant 8 : i32
      %parallel_loop3A_407 = arith.constant 1 : i32
      scf.for %parallel_loop3A_1032 = %parallel_loop3A_405 to %parallel_loop3A_406 step %parallel_loop3A_407  : i32 {
        %parallel_loop3A_1033 = arith.constant 16 : i32
        %parallel_loop3A_1034 = arith.muli %parallel_loop3A_1033, %parallel_loop3A_1032 : i32
        %parallel_loop3A_1035 = vector.broadcast %parallel_loop3A_1034 : i32 to vector<16xi32>
        %parallel_loop3A_1036 = arith.addi %iota3A, %parallel_loop3A_1035 : vector<16xi32>
        %parallel_loop3A_1037 = tpu.vector_load_idx %arg5[%parallel_loop3A_1036, %add3A_404] : memref<128x201xi32, #tpu.memory_space<vmem>>[vector<16xi32>, vector<16xi32>], vector<16xi32>,
        %parallel_loop3A_1038 = arith.constant 16 : i32
        %parallel_loop3A_1039 = arith.muli %parallel_loop3A_1038, %parallel_loop3A_1032 : i32
        %parallel_loop3A_1040 = tpu.assume_multiple %parallel_loop3A_1039, 16 : i32
        %parallel_loop3A_1041 = arith.constant 1 : i32
        %parallel_loop3A_1042 = arith.index_cast %parallel_loop3A_1041 : i32 to index
        %parallel_loop3A_1043 = arith.index_cast %parallel_loop3A_1040 : i32 to index
        %parallel_loop3A_1044 = tpu.vector_load %arg6[%parallel_loop3A_1042, %parallel_loop3A_1043] {strides = array<i32>} : memref<4x128xi32, #tpu.memory_space<vmem>>, vector<16xi32>,
        tpu.vector_store %arg6[%parallel_loop3A_1042, %parallel_loop3A_1043], %parallel_loop3A_1037 {strides = array<i32>} : memref<4x128xi32, #tpu.memory_space<vmem>>, vector<16xi32>,
      } {sc.loop_unroll_factor = 1 : i64, sc.parallel_access}
      %dma_start3A_408 = arith.constant 1 : i32
      %dma_start3A_409 = arith.constant 1 : i32
      %dma_start3A_410 = arith.constant 0 : i32
      %dma_start3A_411 = arith.constant 0 : i32
      %dma_start3A_412 = tpu.memref_slice %arg7[%dma_start3A_409, %dma_start3A_410, %dma_start3A_411] : memref<4x128x64xf32, #tpu.memory_space<vmem>> -> memref<1x128x64xf32, #tpu.memory_space<vmem>>
      %dma_start3A_413 = tpu.memref_squeeze %dma_start3A_412 : memref<1x128x64xf32, #tpu.memory_space<vmem>> -> memref<128x64xf32, #tpu.memory_space<vmem>>
      %dma_start3A_414 = arith.constant 0 : i32
      %dma_start3A_415 = tpu.memref_slice %arg6[%dma_start3A_408, %dma_start3A_414] : memref<4x128xi32, #tpu.memory_space<vmem>> -> memref<1x128xi32, #tpu.memory_space<vmem>>
      %dma_start3A_416 = tpu.memref_squeeze %dma_start3A_415 : memref<1x128xi32, #tpu.memory_space<vmem>> -> memref<128xi32, #tpu.memory_space<vmem>>
      %dma_start3A_417 = arith.constant 0 : i32
      %dma_start3A_418 = arith.constant 0 : i32
      %dma_start3A_419 = tpu.memref_slice %arg3[%dma_start3A_417, %dma_start3A_418] : memref<100000x64xf32, #tpu.memory_space<hbm>> -> memref<100000x64xf32, #tpu.memory_space<hbm>>
      tpu.enqueue_indirect_dma source(%dma_start3A_419 : memref<100000x64xf32, #tpu.memory_space<hbm>>) target(%dma_start3A_413 : memref<128x64xf32, #tpu.memory_space<vmem>>) offsets(%dma_start3A_416 : memref<128xi32, #tpu.memory_space<vmem>>) semaphore(%arg10 : memref<!tpu.dma_semaphore, #tpu.memory_space<semaphore_mem>>)
      %dma_start3A_420 = arith.constant 1 : i32
      %dma_start3A_421 = arith.constant 1 : i32
      %dma_start3A_422 = arith.constant 0 : i32
      %dma_start3A_423 = arith.constant 0 : i32
      %dma_start3A_424 = arith.constant 0 : i32
      %dma_start3A_425 = tpu.memref_slice %arg8[%dma_start3A_420, %dma_start3A_422, %dma_start3A_423, %dma_start3A_424] : memref<4x8x8x131xf32, #tpu.memory_space<vmem>> -> memref<1x8x8x131xf32, #tpu.memory_space<vmem>>
      %dma_start3A_426 = tpu.memref_squeeze %dma_start3A_425 : memref<1x8x8x131xf32, #tpu.memory_space<vmem>> -> memref<8x8x131xf32, #tpu.memory_space<vmem>>
      %dma_start3A_427 = arith.constant 0 : i32
      %dma_start3A_428 = arith.constant 0 : i32
      %dma_start3A_429 = arith.constant 0 : i32
      %dma_start3A_430 = tpu.memref_slice %dma_start3A_426[%dma_start3A_427, %dma_start3A_428, %dma_start3A_429] : memref<8x8x131xf32, #tpu.memory_space<vmem>> -> memref<8x8x128xf32, #tpu.memory_space<vmem>>
      %dma_start3A_431 = arith.constant 0 : i32
      %dma_start3A_432 = arith.constant 0 : i32
      %dma_start3A_433 = arith.constant 0 : i32
      %dma_start3A_434 = tpu.memref_slice %arg4[%dma_start3A_421, %dma_start3A_431, %add3A_235, %dma_start3A_432, %dma_start3A_433] : memref<200x8x128x8x128xf32, #tpu.memory_space<hbm>> -> memref<1x8x1x8x128xf32, #tpu.memory_space<hbm>>
      %dma_start3A_435 = tpu.memref_squeeze %dma_start3A_434 : memref<1x8x1x8x128xf32, #tpu.memory_space<hbm>> -> memref<8x8x128xf32, #tpu.memory_space<hbm>>
      %dma_start3A_436 = arith.constant 0 : i32
      %dma_start3A_437 = arith.constant 0 : i32
      %dma_start3A_438 = arith.constant 0 : i32
      %dma_start3A_439 = tpu.memref_slice %arg4[%dma_start3A_421, %dma_start3A_436, %add3A_235, %dma_start3A_437, %dma_start3A_438] : memref<200x8x128x8x128xf32, #tpu.memory_space<hbm>> -> memref<1x8x1x8x128xf32, #tpu.memory_space<hbm>>
      %dma_start3A_440 = tpu.memref_squeeze %dma_start3A_439 : memref<1x8x1x8x128xf32, #tpu.memory_space<hbm>> -> memref<8x8x128xf32, #tpu.memory_space<hbm>>
      %dma_start3A_441 = arith.constant 0 : i32
      %dma_start3A_442 = arith.constant 0 : i32
      %dma_start3A_443 = arith.constant 0 : i32
      %dma_start3A_444 = tpu.memref_slice %arg8[%dma_start3A_420, %dma_start3A_441, %dma_start3A_442, %dma_start3A_443] : memref<4x8x8x131xf32, #tpu.memory_space<vmem>> -> memref<1x8x8x131xf32, #tpu.memory_space<vmem>>
      %dma_start3A_445 = tpu.memref_squeeze %dma_start3A_444 : memref<1x8x8x131xf32, #tpu.memory_space<vmem>> -> memref<8x8x131xf32, #tpu.memory_space<vmem>>
      %dma_start3A_446 = arith.constant 0 : i32
      %dma_start3A_447 = arith.constant 0 : i32
      %dma_start3A_448 = arith.constant 0 : i32
      %dma_start3A_449 = tpu.memref_slice %dma_start3A_445[%dma_start3A_446, %dma_start3A_447, %dma_start3A_448] : memref<8x8x131xf32, #tpu.memory_space<vmem>> -> memref<8x8x128xf32, #tpu.memory_space<vmem>>
      tpu.enqueue_dma source(%dma_start3A_449 : memref<8x8x128xf32, #tpu.memory_space<vmem>>) target(%dma_start3A_440 : memref<8x8x128xf32, #tpu.memory_space<hbm>>) target_semaphore(%arg14 : memref<!tpu.dma_semaphore, #tpu.memory_space<semaphore_mem>>)
      %dma_wait3A_450 = arith.constant 2 : i32
      %dma_wait3A_451 = arith.constant 0 : i32
      %dma_wait3A_452 = arith.constant 0 : i32
      %dma_wait3A_453 = tpu.memref_slice %arg7[%dma_wait3A_450, %dma_wait3A_451, %dma_wait3A_452] : memref<4x128x64xf32, #tpu.memory_space<vmem>> -> memref<1x128x64xf32, #tpu.memory_space<vmem>>
      %dma_wait3A_454 = tpu.memref_squeeze %dma_wait3A_453 : memref<1x128x64xf32, #tpu.memory_space<vmem>> -> memref<128x64xf32, #tpu.memory_space<vmem>>
      %dma_wait3A_455 = arith.constant 0 : i32
      %dma_wait3A_456 = arith.constant 0 : i32
      %dma_wait3A_457 = tpu.memref_slice %arg3[%dma_wait3A_455, %dma_wait3A_456] : memref<100000x64xf32, #tpu.memory_space<hbm>> -> memref<128x64xf32, #tpu.memory_space<hbm>>
      %dma_wait3A_458 = arith.constant 0 : i32
      %dma_wait3A_459 = arith.constant 0 : i32
      %dma_wait3A_460 = tpu.memref_slice %arg7[%dma_wait3A_450, %dma_wait3A_458, %dma_wait3A_459] : memref<4x128x64xf32, #tpu.memory_space<vmem>> -> memref<1x128x64xf32, #tpu.memory_space<vmem>>
      %dma_wait3A_461 = tpu.memref_squeeze %dma_wait3A_460 : memref<1x128x64xf32, #tpu.memory_space<vmem>> -> memref<128x64xf32, #tpu.memory_space<vmem>>
      %dma_wait3A_462 = arith.constant 0 : i32
      %dma_wait3A_463 = arith.constant 0 : i32
      %dma_wait3A_464 = tpu.memref_slice %arg3[%dma_wait3A_462, %dma_wait3A_463] : memref<100000x64xf32, #tpu.memory_space<hbm>> -> memref<128x64xf32, #tpu.memory_space<hbm>>
      tpu.wait_dma2 semaphore(%arg11 : memref<!tpu.dma_semaphore, #tpu.memory_space<semaphore_mem>>) src(%dma_wait3A_464 : memref<128x64xf32, #tpu.memory_space<hbm>>) dst(%dma_wait3A_461 : memref<128x64xf32, #tpu.memory_space<vmem>>)
      %parallel_loop3A_465 = arith.constant 0 : i32
      %parallel_loop3A_466 = arith.constant 128 : i32
      %parallel_loop3A_467 = arith.constant 1 : i32
      scf.for %parallel_loop3A_1032 = %parallel_loop3A_465 to %parallel_loop3A_466 step %parallel_loop3A_467  : i32 {
        %parallel_loop3A_1033 = arith.constant 0 : i32
        %parallel_loop3A_1034 = vector.broadcast %parallel_loop3A_1033 : i32 to vector<16xi32>
        %parallel_loop3A_1035 = vector.broadcast %parallel_loop3A_1032 : i32 to vector<16xi32>
        %parallel_loop3A_1036 = arith.addi %parallel_loop3A_1034, %parallel_loop3A_1035 : vector<16xi32>
        %parallel_loop3A_1037 = arith.constant 2 : i32
        %parallel_loop3A_1038 = arith.index_cast %parallel_loop3A_1037 : i32 to index
        %parallel_loop3A_1039 = arith.index_cast %parallel_loop3A_1032 : i32 to index
        %parallel_loop3A_1040 = arith.constant 0 : index
        %parallel_loop3A_1041 = tpu.vector_load %arg7[%parallel_loop3A_1038, %parallel_loop3A_1039, %parallel_loop3A_1040] {strides = array<i32>} : memref<4x128x64xf32, #tpu.memory_space<vmem>>, vector<16xf32>,
        %parallel_loop3A_1042 = arith.constant 2 : i32
        %parallel_loop3A_1043 = arith.constant 0 : i32
        %parallel_loop3A_1044 = arith.constant 0 : i32
        %parallel_loop3A_1045 = arith.constant 0 : i32
        %parallel_loop3A_1046 = tpu.memref_slice %arg8[%parallel_loop3A_1042, %parallel_loop3A_1043, %parallel_loop3A_1044, %parallel_loop3A_1045] : memref<4x8x8x131xf32, #tpu.memory_space<vmem>> -> memref<1x8x8x131xf32, #tpu.memory_space<vmem>>
        %parallel_loop3A_1047 = tpu.memref_squeeze %parallel_loop3A_1046 : memref<1x8x8x131xf32, #tpu.memory_space<vmem>> -> memref<8x8x131xf32, #tpu.memory_space<vmem>>
        tpu.vector_store_idx %parallel_loop3A_1047[%select_n3A, %select_n3A_151, %parallel_loop3A_1036], %parallel_loop3A_1041 : memref<8x8x131xf32, #tpu.memory_space<vmem>>[vector<16xi32>, vector<16xi32>, vector<16xi32>], vector<16xf32>,
        %parallel_loop3A_1048 = arith.constant 2 : i32
        %parallel_loop3A_1049 = arith.index_cast %parallel_loop3A_1048 : i32 to index
        %parallel_loop3A_1050 = arith.index_cast %parallel_loop3A_1032 : i32 to index
        %parallel_loop3A_1051 = arith.constant 16 : index
        %parallel_loop3A_1052 = tpu.vector_load %arg7[%parallel_loop3A_1049, %parallel_loop3A_1050, %parallel_loop3A_1051] {strides = array<i32>} : memref<4x128x64xf32, #tpu.memory_space<vmem>>, vector<16xf32>,
        %parallel_loop3A_1053 = arith.constant 2 : i32
        %parallel_loop3A_1054 = arith.constant 0 : i32
        %parallel_loop3A_1055 = arith.constant 0 : i32
        %parallel_loop3A_1056 = arith.constant 0 : i32
        %parallel_loop3A_1057 = tpu.memref_slice %arg8[%parallel_loop3A_1053, %parallel_loop3A_1054, %parallel_loop3A_1055, %parallel_loop3A_1056] : memref<4x8x8x131xf32, #tpu.memory_space<vmem>> -> memref<1x8x8x131xf32, #tpu.memory_space<vmem>>
        %parallel_loop3A_1058 = tpu.memref_squeeze %parallel_loop3A_1057 : memref<1x8x8x131xf32, #tpu.memory_space<vmem>> -> memref<8x8x131xf32, #tpu.memory_space<vmem>>
        tpu.vector_store_idx %parallel_loop3A_1058[%select_n3A_60, %select_n3A_176, %parallel_loop3A_1036], %parallel_loop3A_1052 : memref<8x8x131xf32, #tpu.memory_space<vmem>>[vector<16xi32>, vector<16xi32>, vector<16xi32>], vector<16xf32>,
        %parallel_loop3A_1059 = arith.constant 2 : i32
        %parallel_loop3A_1060 = arith.index_cast %parallel_loop3A_1059 : i32 to index
        %parallel_loop3A_1061 = arith.index_cast %parallel_loop3A_1032 : i32 to index
        %parallel_loop3A_1062 = arith.constant 32 : index
        %parallel_loop3A_1063 = tpu.vector_load %arg7[%parallel_loop3A_1060, %parallel_loop3A_1061, %parallel_loop3A_1062] {strides = array<i32>} : memref<4x128x64xf32, #tpu.memory_space<vmem>>, vector<16xf32>,
        %parallel_loop3A_1064 = arith.constant 2 : i32
        %parallel_loop3A_1065 = arith.constant 0 : i32
        %parallel_loop3A_1066 = arith.constant 0 : i32
        %parallel_loop3A_1067 = arith.constant 0 : i32
        %parallel_loop3A_1068 = tpu.memref_slice %arg8[%parallel_loop3A_1064, %parallel_loop3A_1065, %parallel_loop3A_1066, %parallel_loop3A_1067] : memref<4x8x8x131xf32, #tpu.memory_space<vmem>> -> memref<1x8x8x131xf32, #tpu.memory_space<vmem>>
        %parallel_loop3A_1069 = tpu.memref_squeeze %parallel_loop3A_1068 : memref<1x8x8x131xf32, #tpu.memory_space<vmem>> -> memref<8x8x131xf32, #tpu.memory_space<vmem>>
        tpu.vector_store_idx %parallel_loop3A_1069[%select_n3A_94, %select_n3A_201, %parallel_loop3A_1036], %parallel_loop3A_1063 : memref<8x8x131xf32, #tpu.memory_space<vmem>>[vector<16xi32>, vector<16xi32>, vector<16xi32>], vector<16xf32>,
        %parallel_loop3A_1070 = arith.constant 2 : i32
        %parallel_loop3A_1071 = arith.index_cast %parallel_loop3A_1070 : i32 to index
        %parallel_loop3A_1072 = arith.index_cast %parallel_loop3A_1032 : i32 to index
        %parallel_loop3A_1073 = arith.constant 48 : index
        %parallel_loop3A_1074 = tpu.vector_load %arg7[%parallel_loop3A_1071, %parallel_loop3A_1072, %parallel_loop3A_1073] {strides = array<i32>} : memref<4x128x64xf32, #tpu.memory_space<vmem>>, vector<16xf32>,
        %parallel_loop3A_1075 = arith.constant 2 : i32
        %parallel_loop3A_1076 = arith.constant 0 : i32
        %parallel_loop3A_1077 = arith.constant 0 : i32
        %parallel_loop3A_1078 = arith.constant 0 : i32
        %parallel_loop3A_1079 = tpu.memref_slice %arg8[%parallel_loop3A_1075, %parallel_loop3A_1076, %parallel_loop3A_1077, %parallel_loop3A_1078] : memref<4x8x8x131xf32, #tpu.memory_space<vmem>> -> memref<1x8x8x131xf32, #tpu.memory_space<vmem>>
        %parallel_loop3A_1080 = tpu.memref_squeeze %parallel_loop3A_1079 : memref<1x8x8x131xf32, #tpu.memory_space<vmem>> -> memref<8x8x131xf32, #tpu.memory_space<vmem>>
        tpu.vector_store_idx %parallel_loop3A_1080[%select_n3A_128, %select_n3A_226, %parallel_loop3A_1036], %parallel_loop3A_1074 : memref<8x8x131xf32, #tpu.memory_space<vmem>>[vector<16xi32>, vector<16xi32>, vector<16xi32>], vector<16xf32>,
      } {sc.loop_unroll_factor = 4 : i64, sc.parallel_access}
      %broadcast_in_dim3A_468 = arith.constant 0 : i32
      %broadcast_in_dim3A_469 = vector.broadcast %broadcast_in_dim3A_468 : i32 to vector<16xi32>
      %add3A_470 = arith.constant 6 : i32
      %add3A_471 = vector.broadcast %add3A_470 : i32 to vector<16xi32>
      %add3A_472 = arith.addi %broadcast_in_dim3A_469, %add3A_471 : vector<16xi32>
      %parallel_loop3A_473 = arith.constant 0 : i32
      %parallel_loop3A_474 = arith.constant 8 : i32
      %parallel_loop3A_475 = arith.constant 1 : i32
      scf.for %parallel_loop3A_1032 = %parallel_loop3A_473 to %parallel_loop3A_474 step %parallel_loop3A_475  : i32 {
        %parallel_loop3A_1033 = arith.constant 16 : i32
        %parallel_loop3A_1034 = arith.muli %parallel_loop3A_1033, %parallel_loop3A_1032 : i32
        %parallel_loop3A_1035 = vector.broadcast %parallel_loop3A_1034 : i32 to vector<16xi32>
        %parallel_loop3A_1036 = arith.addi %iota3A, %parallel_loop3A_1035 : vector<16xi32>
        %parallel_loop3A_1037 = tpu.vector_load_idx %arg5[%parallel_loop3A_1036, %add3A_472] : memref<128x201xi32, #tpu.memory_space<vmem>>[vector<16xi32>, vector<16xi32>], vector<16xi32>,
        %parallel_loop3A_1038 = arith.constant 16 : i32
        %parallel_loop3A_1039 = arith.muli %parallel_loop3A_1038, %parallel_loop3A_1032 : i32
        %parallel_loop3A_1040 = tpu.assume_multiple %parallel_loop3A_1039, 16 : i32
        %parallel_loop3A_1041 = arith.constant 2 : i32
        %parallel_loop3A_1042 = arith.index_cast %parallel_loop3A_1041 : i32 to index
        %parallel_loop3A_1043 = arith.index_cast %parallel_loop3A_1040 : i32 to index
        %parallel_loop3A_1044 = tpu.vector_load %arg6[%parallel_loop3A_1042, %parallel_loop3A_1043] {strides = array<i32>} : memref<4x128xi32, #tpu.memory_space<vmem>>, vector<16xi32>,
        tpu.vector_store %arg6[%parallel_loop3A_1042, %parallel_loop3A_1043], %parallel_loop3A_1037 {strides = array<i32>} : memref<4x128xi32, #tpu.memory_space<vmem>>, vector<16xi32>,
      } {sc.loop_unroll_factor = 1 : i64, sc.parallel_access}
      %dma_start3A_476 = arith.constant 2 : i32
      %dma_start3A_477 = arith.constant 2 : i32
      %dma_start3A_478 = arith.constant 0 : i32
      %dma_start3A_479 = arith.constant 0 : i32
      %dma_start3A_480 = tpu.memref_slice %arg7[%dma_start3A_477, %dma_start3A_478, %dma_start3A_479] : memref<4x128x64xf32, #tpu.memory_space<vmem>> -> memref<1x128x64xf32, #tpu.memory_space<vmem>>
      %dma_start3A_481 = tpu.memref_squeeze %dma_start3A_480 : memref<1x128x64xf32, #tpu.memory_space<vmem>> -> memref<128x64xf32, #tpu.memory_space<vmem>>
      %dma_start3A_482 = arith.constant 0 : i32
      %dma_start3A_483 = tpu.memref_slice %arg6[%dma_start3A_476, %dma_start3A_482] : memref<4x128xi32, #tpu.memory_space<vmem>> -> memref<1x128xi32, #tpu.memory_space<vmem>>
      %dma_start3A_484 = tpu.memref_squeeze %dma_start3A_483 : memref<1x128xi32, #tpu.memory_space<vmem>> -> memref<128xi32, #tpu.memory_space<vmem>>
      %dma_start3A_485 = arith.constant 0 : i32
      %dma_start3A_486 = arith.constant 0 : i32
      %dma_start3A_487 = tpu.memref_slice %arg3[%dma_start3A_485, %dma_start3A_486] : memref<100000x64xf32, #tpu.memory_space<hbm>> -> memref<100000x64xf32, #tpu.memory_space<hbm>>
      tpu.enqueue_indirect_dma source(%dma_start3A_487 : memref<100000x64xf32, #tpu.memory_space<hbm>>) target(%dma_start3A_481 : memref<128x64xf32, #tpu.memory_space<vmem>>) offsets(%dma_start3A_484 : memref<128xi32, #tpu.memory_space<vmem>>) semaphore(%arg11 : memref<!tpu.dma_semaphore, #tpu.memory_space<semaphore_mem>>)
      %dma_start3A_488 = arith.constant 2 : i32
      %dma_start3A_489 = arith.constant 2 : i32
      %dma_start3A_490 = arith.constant 0 : i32
      %dma_start3A_491 = arith.constant 0 : i32
      %dma_start3A_492 = arith.constant 0 : i32
      %dma_start3A_493 = tpu.memref_slice %arg8[%dma_start3A_488, %dma_start3A_490, %dma_start3A_491, %dma_start3A_492] : memref<4x8x8x131xf32, #tpu.memory_space<vmem>> -> memref<1x8x8x131xf32, #tpu.memory_space<vmem>>
      %dma_start3A_494 = tpu.memref_squeeze %dma_start3A_493 : memref<1x8x8x131xf32, #tpu.memory_space<vmem>> -> memref<8x8x131xf32, #tpu.memory_space<vmem>>
      %dma_start3A_495 = arith.constant 0 : i32
      %dma_start3A_496 = arith.constant 0 : i32
      %dma_start3A_497 = arith.constant 0 : i32
      %dma_start3A_498 = tpu.memref_slice %dma_start3A_494[%dma_start3A_495, %dma_start3A_496, %dma_start3A_497] : memref<8x8x131xf32, #tpu.memory_space<vmem>> -> memref<8x8x128xf32, #tpu.memory_space<vmem>>
      %dma_start3A_499 = arith.constant 0 : i32
      %dma_start3A_500 = arith.constant 0 : i32
      %dma_start3A_501 = arith.constant 0 : i32
      %dma_start3A_502 = tpu.memref_slice %arg4[%dma_start3A_489, %dma_start3A_499, %add3A_235, %dma_start3A_500, %dma_start3A_501] : memref<200x8x128x8x128xf32, #tpu.memory_space<hbm>> -> memref<1x8x1x8x128xf32, #tpu.memory_space<hbm>>
      %dma_start3A_503 = tpu.memref_squeeze %dma_start3A_502 : memref<1x8x1x8x128xf32, #tpu.memory_space<hbm>> -> memref<8x8x128xf32, #tpu.memory_space<hbm>>
      %dma_start3A_504 = arith.constant 0 : i32
      %dma_start3A_505 = arith.constant 0 : i32
      %dma_start3A_506 = arith.constant 0 : i32
      %dma_start3A_507 = tpu.memref_slice %arg4[%dma_start3A_489, %dma_start3A_504, %add3A_235, %dma_start3A_505, %dma_start3A_506] : memref<200x8x128x8x128xf32, #tpu.memory_space<hbm>> -> memref<1x8x1x8x128xf32, #tpu.memory_space<hbm>>
      %dma_start3A_508 = tpu.memref_squeeze %dma_start3A_507 : memref<1x8x1x8x128xf32, #tpu.memory_space<hbm>> -> memref<8x8x128xf32, #tpu.memory_space<hbm>>
      %dma_start3A_509 = arith.constant 0 : i32
      %dma_start3A_510 = arith.constant 0 : i32
      %dma_start3A_511 = arith.constant 0 : i32
      %dma_start3A_512 = tpu.memref_slice %arg8[%dma_start3A_488, %dma_start3A_509, %dma_start3A_510, %dma_start3A_511] : memref<4x8x8x131xf32, #tpu.memory_space<vmem>> -> memref<1x8x8x131xf32, #tpu.memory_space<vmem>>
      %dma_start3A_513 = tpu.memref_squeeze %dma_start3A_512 : memref<1x8x8x131xf32, #tpu.memory_space<vmem>> -> memref<8x8x131xf32, #tpu.memory_space<vmem>>
      %dma_start3A_514 = arith.constant 0 : i32
      %dma_start3A_515 = arith.constant 0 : i32
      %dma_start3A_516 = arith.constant 0 : i32
      %dma_start3A_517 = tpu.memref_slice %dma_start3A_513[%dma_start3A_514, %dma_start3A_515, %dma_start3A_516] : memref<8x8x131xf32, #tpu.memory_space<vmem>> -> memref<8x8x128xf32, #tpu.memory_space<vmem>>
      tpu.enqueue_dma source(%dma_start3A_517 : memref<8x8x128xf32, #tpu.memory_space<vmem>>) target(%dma_start3A_508 : memref<8x8x128xf32, #tpu.memory_space<hbm>>) target_semaphore(%arg15 : memref<!tpu.dma_semaphore, #tpu.memory_space<semaphore_mem>>)
      %dma_wait3A_518 = arith.constant 3 : i32
      %dma_wait3A_519 = arith.constant 0 : i32
      %dma_wait3A_520 = arith.constant 0 : i32
      %dma_wait3A_521 = tpu.memref_slice %arg7[%dma_wait3A_518, %dma_wait3A_519, %dma_wait3A_520] : memref<4x128x64xf32, #tpu.memory_space<vmem>> -> memref<1x128x64xf32, #tpu.memory_space<vmem>>
      %dma_wait3A_522 = tpu.memref_squeeze %dma_wait3A_521 : memref<1x128x64xf32, #tpu.memory_space<vmem>> -> memref<128x64xf32, #tpu.memory_space<vmem>>
      %dma_wait3A_523 = arith.constant 0 : i32
      %dma_wait3A_524 = arith.constant 0 : i32
      %dma_wait3A_525 = tpu.memref_slice %arg3[%dma_wait3A_523, %dma_wait3A_524] : memref<100000x64xf32, #tpu.memory_space<hbm>> -> memref<128x64xf32, #tpu.memory_space<hbm>>
      %dma_wait3A_526 = arith.constant 0 : i32
      %dma_wait3A_527 = arith.constant 0 : i32
      %dma_wait3A_528 = tpu.memref_slice %arg7[%dma_wait3A_518, %dma_wait3A_526, %dma_wait3A_527] : memref<4x128x64xf32, #tpu.memory_space<vmem>> -> memref<1x128x64xf32, #tpu.memory_space<vmem>>
      %dma_wait3A_529 = tpu.memref_squeeze %dma_wait3A_528 : memref<1x128x64xf32, #tpu.memory_space<vmem>> -> memref<128x64xf32, #tpu.memory_space<vmem>>
      %dma_wait3A_530 = arith.constant 0 : i32
      %dma_wait3A_531 = arith.constant 0 : i32
      %dma_wait3A_532 = tpu.memref_slice %arg3[%dma_wait3A_530, %dma_wait3A_531] : memref<100000x64xf32, #tpu.memory_space<hbm>> -> memref<128x64xf32, #tpu.memory_space<hbm>>
      tpu.wait_dma2 semaphore(%arg12 : memref<!tpu.dma_semaphore, #tpu.memory_space<semaphore_mem>>) src(%dma_wait3A_532 : memref<128x64xf32, #tpu.memory_space<hbm>>) dst(%dma_wait3A_529 : memref<128x64xf32, #tpu.memory_space<vmem>>)
      %parallel_loop3A_533 = arith.constant 0 : i32
      %parallel_loop3A_534 = arith.constant 128 : i32
      %parallel_loop3A_535 = arith.constant 1 : i32
      scf.for %parallel_loop3A_1032 = %parallel_loop3A_533 to %parallel_loop3A_534 step %parallel_loop3A_535  : i32 {
        %parallel_loop3A_1033 = arith.constant 0 : i32
        %parallel_loop3A_1034 = vector.broadcast %parallel_loop3A_1033 : i32 to vector<16xi32>
        %parallel_loop3A_1035 = vector.broadcast %parallel_loop3A_1032 : i32 to vector<16xi32>
        %parallel_loop3A_1036 = arith.addi %parallel_loop3A_1034, %parallel_loop3A_1035 : vector<16xi32>
        %parallel_loop3A_1037 = arith.constant 3 : i32
        %parallel_loop3A_1038 = arith.index_cast %parallel_loop3A_1037 : i32 to index
        %parallel_loop3A_1039 = arith.index_cast %parallel_loop3A_1032 : i32 to index
        %parallel_loop3A_1040 = arith.constant 0 : index
        %parallel_loop3A_1041 = tpu.vector_load %arg7[%parallel_loop3A_1038, %parallel_loop3A_1039, %parallel_loop3A_1040] {strides = array<i32>} : memref<4x128x64xf32, #tpu.memory_space<vmem>>, vector<16xf32>,
        %parallel_loop3A_1042 = arith.constant 3 : i32
        %parallel_loop3A_1043 = arith.constant 0 : i32
        %parallel_loop3A_1044 = arith.constant 0 : i32
        %parallel_loop3A_1045 = arith.constant 0 : i32
        %parallel_loop3A_1046 = tpu.memref_slice %arg8[%parallel_loop3A_1042, %parallel_loop3A_1043, %parallel_loop3A_1044, %parallel_loop3A_1045] : memref<4x8x8x131xf32, #tpu.memory_space<vmem>> -> memref<1x8x8x131xf32, #tpu.memory_space<vmem>>
        %parallel_loop3A_1047 = tpu.memref_squeeze %parallel_loop3A_1046 : memref<1x8x8x131xf32, #tpu.memory_space<vmem>> -> memref<8x8x131xf32, #tpu.memory_space<vmem>>
        tpu.vector_store_idx %parallel_loop3A_1047[%select_n3A, %select_n3A_151, %parallel_loop3A_1036], %parallel_loop3A_1041 : memref<8x8x131xf32, #tpu.memory_space<vmem>>[vector<16xi32>, vector<16xi32>, vector<16xi32>], vector<16xf32>,
        %parallel_loop3A_1048 = arith.constant 3 : i32
        %parallel_loop3A_1049 = arith.index_cast %parallel_loop3A_1048 : i32 to index
        %parallel_loop3A_1050 = arith.index_cast %parallel_loop3A_1032 : i32 to index
        %parallel_loop3A_1051 = arith.constant 16 : index
        %parallel_loop3A_1052 = tpu.vector_load %arg7[%parallel_loop3A_1049, %parallel_loop3A_1050, %parallel_loop3A_1051] {strides = array<i32>} : memref<4x128x64xf32, #tpu.memory_space<vmem>>, vector<16xf32>,
        %parallel_loop3A_1053 = arith.constant 3 : i32
        %parallel_loop3A_1054 = arith.constant 0 : i32
        %parallel_loop3A_1055 = arith.constant 0 : i32
        %parallel_loop3A_1056 = arith.constant 0 : i32
        %parallel_loop3A_1057 = tpu.memref_slice %arg8[%parallel_loop3A_1053, %parallel_loop3A_1054, %parallel_loop3A_1055, %parallel_loop3A_1056] : memref<4x8x8x131xf32, #tpu.memory_space<vmem>> -> memref<1x8x8x131xf32, #tpu.memory_space<vmem>>
        %parallel_loop3A_1058 = tpu.memref_squeeze %parallel_loop3A_1057 : memref<1x8x8x131xf32, #tpu.memory_space<vmem>> -> memref<8x8x131xf32, #tpu.memory_space<vmem>>
        tpu.vector_store_idx %parallel_loop3A_1058[%select_n3A_60, %select_n3A_176, %parallel_loop3A_1036], %parallel_loop3A_1052 : memref<8x8x131xf32, #tpu.memory_space<vmem>>[vector<16xi32>, vector<16xi32>, vector<16xi32>], vector<16xf32>,
        %parallel_loop3A_1059 = arith.constant 3 : i32
        %parallel_loop3A_1060 = arith.index_cast %parallel_loop3A_1059 : i32 to index
        %parallel_loop3A_1061 = arith.index_cast %parallel_loop3A_1032 : i32 to index
        %parallel_loop3A_1062 = arith.constant 32 : index
        %parallel_loop3A_1063 = tpu.vector_load %arg7[%parallel_loop3A_1060, %parallel_loop3A_1061, %parallel_loop3A_1062] {strides = array<i32>} : memref<4x128x64xf32, #tpu.memory_space<vmem>>, vector<16xf32>,
        %parallel_loop3A_1064 = arith.constant 3 : i32
        %parallel_loop3A_1065 = arith.constant 0 : i32
        %parallel_loop3A_1066 = arith.constant 0 : i32
        %parallel_loop3A_1067 = arith.constant 0 : i32
        %parallel_loop3A_1068 = tpu.memref_slice %arg8[%parallel_loop3A_1064, %parallel_loop3A_1065, %parallel_loop3A_1066, %parallel_loop3A_1067] : memref<4x8x8x131xf32, #tpu.memory_space<vmem>> -> memref<1x8x8x131xf32, #tpu.memory_space<vmem>>
        %parallel_loop3A_1069 = tpu.memref_squeeze %parallel_loop3A_1068 : memref<1x8x8x131xf32, #tpu.memory_space<vmem>> -> memref<8x8x131xf32, #tpu.memory_space<vmem>>
        tpu.vector_store_idx %parallel_loop3A_1069[%select_n3A_94, %select_n3A_201, %parallel_loop3A_1036], %parallel_loop3A_1063 : memref<8x8x131xf32, #tpu.memory_space<vmem>>[vector<16xi32>, vector<16xi32>, vector<16xi32>], vector<16xf32>,
        %parallel_loop3A_1070 = arith.constant 3 : i32
        %parallel_loop3A_1071 = arith.index_cast %parallel_loop3A_1070 : i32 to index
        %parallel_loop3A_1072 = arith.index_cast %parallel_loop3A_1032 : i32 to index
        %parallel_loop3A_1073 = arith.constant 48 : index
        %parallel_loop3A_1074 = tpu.vector_load %arg7[%parallel_loop3A_1071, %parallel_loop3A_1072, %parallel_loop3A_1073] {strides = array<i32>} : memref<4x128x64xf32, #tpu.memory_space<vmem>>, vector<16xf32>,
        %parallel_loop3A_1075 = arith.constant 3 : i32
        %parallel_loop3A_1076 = arith.constant 0 : i32
        %parallel_loop3A_1077 = arith.constant 0 : i32
        %parallel_loop3A_1078 = arith.constant 0 : i32
        %parallel_loop3A_1079 = tpu.memref_slice %arg8[%parallel_loop3A_1075, %parallel_loop3A_1076, %parallel_loop3A_1077, %parallel_loop3A_1078] : memref<4x8x8x131xf32, #tpu.memory_space<vmem>> -> memref<1x8x8x131xf32, #tpu.memory_space<vmem>>
        %parallel_loop3A_1080 = tpu.memref_squeeze %parallel_loop3A_1079 : memref<1x8x8x131xf32, #tpu.memory_space<vmem>> -> memref<8x8x131xf32, #tpu.memory_space<vmem>>
        tpu.vector_store_idx %parallel_loop3A_1080[%select_n3A_128, %select_n3A_226, %parallel_loop3A_1036], %parallel_loop3A_1074 : memref<8x8x131xf32, #tpu.memory_space<vmem>>[vector<16xi32>, vector<16xi32>, vector<16xi32>], vector<16xf32>,
      } {sc.loop_unroll_factor = 4 : i64, sc.parallel_access}
      %broadcast_in_dim3A_536 = arith.constant 0 : i32
      %broadcast_in_dim3A_537 = vector.broadcast %broadcast_in_dim3A_536 : i32 to vector<16xi32>
      %add3A_538 = arith.constant 7 : i32
      %add3A_539 = vector.broadcast %add3A_538 : i32 to vector<16xi32>
      %add3A_540 = arith.addi %broadcast_in_dim3A_537, %add3A_539 : vector<16xi32>
      %parallel_loop3A_541 = arith.constant 0 : i32
      %parallel_loop3A_542 = arith.constant 8 : i32
      %parallel_loop3A_543 = arith.constant 1 : i32
      scf.for %parallel_loop3A_1032 = %parallel_loop3A_541 to %parallel_loop3A_542 step %parallel_loop3A_543  : i32 {
        %parallel_loop3A_1033 = arith.constant 16 : i32
        %parallel_loop3A_1034 = arith.muli %parallel_loop3A_1033, %parallel_loop3A_1032 : i32
        %parallel_loop3A_1035 = vector.broadcast %parallel_loop3A_1034 : i32 to vector<16xi32>
        %parallel_loop3A_1036 = arith.addi %iota3A, %parallel_loop3A_1035 : vector<16xi32>
        %parallel_loop3A_1037 = tpu.vector_load_idx %arg5[%parallel_loop3A_1036, %add3A_540] : memref<128x201xi32, #tpu.memory_space<vmem>>[vector<16xi32>, vector<16xi32>], vector<16xi32>,
        %parallel_loop3A_1038 = arith.constant 16 : i32
        %parallel_loop3A_1039 = arith.muli %parallel_loop3A_1038, %parallel_loop3A_1032 : i32
        %parallel_loop3A_1040 = tpu.assume_multiple %parallel_loop3A_1039, 16 : i32
        %parallel_loop3A_1041 = arith.constant 3 : i32
        %parallel_loop3A_1042 = arith.index_cast %parallel_loop3A_1041 : i32 to index
        %parallel_loop3A_1043 = arith.index_cast %parallel_loop3A_1040 : i32 to index
        %parallel_loop3A_1044 = tpu.vector_load %arg6[%parallel_loop3A_1042, %parallel_loop3A_1043] {strides = array<i32>} : memref<4x128xi32, #tpu.memory_space<vmem>>, vector<16xi32>,
        tpu.vector_store %arg6[%parallel_loop3A_1042, %parallel_loop3A_1043], %parallel_loop3A_1037 {strides = array<i32>} : memref<4x128xi32, #tpu.memory_space<vmem>>, vector<16xi32>,
      } {sc.loop_unroll_factor = 1 : i64, sc.parallel_access}
      %dma_start3A_544 = arith.constant 3 : i32
      %dma_start3A_545 = arith.constant 3 : i32
      %dma_start3A_546 = arith.constant 0 : i32
      %dma_start3A_547 = arith.constant 0 : i32
      %dma_start3A_548 = tpu.memref_slice %arg7[%dma_start3A_545, %dma_start3A_546, %dma_start3A_547] : memref<4x128x64xf32, #tpu.memory_space<vmem>> -> memref<1x128x64xf32, #tpu.memory_space<vmem>>
      %dma_start3A_549 = tpu.memref_squeeze %dma_start3A_548 : memref<1x128x64xf32, #tpu.memory_space<vmem>> -> memref<128x64xf32, #tpu.memory_space<vmem>>
      %dma_start3A_550 = arith.constant 0 : i32
      %dma_start3A_551 = tpu.memref_slice %arg6[%dma_start3A_544, %dma_start3A_550] : memref<4x128xi32, #tpu.memory_space<vmem>> -> memref<1x128xi32, #tpu.memory_space<vmem>>
      %dma_start3A_552 = tpu.memref_squeeze %dma_start3A_551 : memref<1x128xi32, #tpu.memory_space<vmem>> -> memref<128xi32, #tpu.memory_space<vmem>>
      %dma_start3A_553 = arith.constant 0 : i32
      %dma_start3A_554 = arith.constant 0 : i32
      %dma_start3A_555 = tpu.memref_slice %arg3[%dma_start3A_553, %dma_start3A_554] : memref<100000x64xf32, #tpu.memory_space<hbm>> -> memref<100000x64xf32, #tpu.memory_space<hbm>>
      tpu.enqueue_indirect_dma source(%dma_start3A_555 : memref<100000x64xf32, #tpu.memory_space<hbm>>) target(%dma_start3A_549 : memref<128x64xf32, #tpu.memory_space<vmem>>) offsets(%dma_start3A_552 : memref<128xi32, #tpu.memory_space<vmem>>) semaphore(%arg12 : memref<!tpu.dma_semaphore, #tpu.memory_space<semaphore_mem>>)
      %dma_start3A_556 = arith.constant 3 : i32
      %dma_start3A_557 = arith.constant 3 : i32
      %dma_start3A_558 = arith.constant 0 : i32
      %dma_start3A_559 = arith.constant 0 : i32
      %dma_start3A_560 = arith.constant 0 : i32
      %dma_start3A_561 = tpu.memref_slice %arg8[%dma_start3A_556, %dma_start3A_558, %dma_start3A_559, %dma_start3A_560] : memref<4x8x8x131xf32, #tpu.memory_space<vmem>> -> memref<1x8x8x131xf32, #tpu.memory_space<vmem>>
      %dma_start3A_562 = tpu.memref_squeeze %dma_start3A_561 : memref<1x8x8x131xf32, #tpu.memory_space<vmem>> -> memref<8x8x131xf32, #tpu.memory_space<vmem>>
      %dma_start3A_563 = arith.constant 0 : i32
      %dma_start3A_564 = arith.constant 0 : i32
      %dma_start3A_565 = arith.constant 0 : i32
      %dma_start3A_566 = tpu.memref_slice %dma_start3A_562[%dma_start3A_563, %dma_start3A_564, %dma_start3A_565] : memref<8x8x131xf32, #tpu.memory_space<vmem>> -> memref<8x8x128xf32, #tpu.memory_space<vmem>>
      %dma_start3A_567 = arith.constant 0 : i32
      %dma_start3A_568 = arith.constant 0 : i32
      %dma_start3A_569 = arith.constant 0 : i32
      %dma_start3A_570 = tpu.memref_slice %arg4[%dma_start3A_557, %dma_start3A_567, %add3A_235, %dma_start3A_568, %dma_start3A_569] : memref<200x8x128x8x128xf32, #tpu.memory_space<hbm>> -> memref<1x8x1x8x128xf32, #tpu.memory_space<hbm>>
      %dma_start3A_571 = tpu.memref_squeeze %dma_start3A_570 : memref<1x8x1x8x128xf32, #tpu.memory_space<hbm>> -> memref<8x8x128xf32, #tpu.memory_space<hbm>>
      %dma_start3A_572 = arith.constant 0 : i32
      %dma_start3A_573 = arith.constant 0 : i32
      %dma_start3A_574 = arith.constant 0 : i32
      %dma_start3A_575 = tpu.memref_slice %arg4[%dma_start3A_557, %dma_start3A_572, %add3A_235, %dma_start3A_573, %dma_start3A_574] : memref<200x8x128x8x128xf32, #tpu.memory_space<hbm>> -> memref<1x8x1x8x128xf32, #tpu.memory_space<hbm>>
      %dma_start3A_576 = tpu.memref_squeeze %dma_start3A_575 : memref<1x8x1x8x128xf32, #tpu.memory_space<hbm>> -> memref<8x8x128xf32, #tpu.memory_space<hbm>>
      %dma_start3A_577 = arith.constant 0 : i32
      %dma_start3A_578 = arith.constant 0 : i32
      %dma_start3A_579 = arith.constant 0 : i32
      %dma_start3A_580 = tpu.memref_slice %arg8[%dma_start3A_556, %dma_start3A_577, %dma_start3A_578, %dma_start3A_579] : memref<4x8x8x131xf32, #tpu.memory_space<vmem>> -> memref<1x8x8x131xf32, #tpu.memory_space<vmem>>
      %dma_start3A_581 = tpu.memref_squeeze %dma_start3A_580 : memref<1x8x8x131xf32, #tpu.memory_space<vmem>> -> memref<8x8x131xf32, #tpu.memory_space<vmem>>
      %dma_start3A_582 = arith.constant 0 : i32
      %dma_start3A_583 = arith.constant 0 : i32
      %dma_start3A_584 = arith.constant 0 : i32
      %dma_start3A_585 = tpu.memref_slice %dma_start3A_581[%dma_start3A_582, %dma_start3A_583, %dma_start3A_584] : memref<8x8x131xf32, #tpu.memory_space<vmem>> -> memref<8x8x128xf32, #tpu.memory_space<vmem>>
      tpu.enqueue_dma source(%dma_start3A_585 : memref<8x8x128xf32, #tpu.memory_space<vmem>>) target(%dma_start3A_576 : memref<8x8x128xf32, #tpu.memory_space<hbm>>) target_semaphore(%arg16 : memref<!tpu.dma_semaphore, #tpu.memory_space<semaphore_mem>>)
      %scan3A_586 = arith.constant 0 : i32
      %scan3A_587 = arith.constant 1 : i32
      %scan3A_588 = arith.constant 48 : i32
      %scan3A_589 = arith.addi %scan3A_587, %scan3A_588 : i32
      %scan3A_590 = arith.constant 1 : i32
      scf.for %scan3A_1032 = %scan3A_587 to %scan3A_589 step %scan3A_590  : i32 {
        %mul3A_1033 = arith.constant 4 : i32
        %mul3A_1034 = arith.muli %mul3A_1033, %scan3A_1032 : i32
        %add3A_1035 = arith.constant 0 : i32
        %add3A_1036 = arith.addi %mul3A_1034, %add3A_1035 : i32
        %dma_wait3A_1037 = arith.constant 0 : i32
        %dma_wait3A_1038 = arith.constant 0 : i32
        %dma_wait3A_1039 = arith.constant 0 : i32
        %dma_wait3A_1040 = tpu.memref_slice %arg7[%dma_wait3A_1037, %dma_wait3A_1038, %dma_wait3A_1039] : memref<4x128x64xf32, #tpu.memory_space<vmem>> -> memref<1x128x64xf32, #tpu.memory_space<vmem>>
        %dma_wait3A_1041 = tpu.memref_squeeze %dma_wait3A_1040 : memref<1x128x64xf32, #tpu.memory_space<vmem>> -> memref<128x64xf32, #tpu.memory_space<vmem>>
        %dma_wait3A_1042 = arith.constant 0 : i32
        %dma_wait3A_1043 = arith.constant 0 : i32
        %dma_wait3A_1044 = tpu.memref_slice %arg3[%dma_wait3A_1042, %dma_wait3A_1043] : memref<100000x64xf32, #tpu.memory_space<hbm>> -> memref<128x64xf32, #tpu.memory_space<hbm>>
        %dma_wait3A_1045 = arith.constant 0 : i32
        %dma_wait3A_1046 = arith.constant 0 : i32
        %dma_wait3A_1047 = tpu.memref_slice %arg7[%dma_wait3A_1037, %dma_wait3A_1045, %dma_wait3A_1046] : memref<4x128x64xf32, #tpu.memory_space<vmem>> -> memref<1x128x64xf32, #tpu.memory_space<vmem>>
        %dma_wait3A_1048 = tpu.memref_squeeze %dma_wait3A_1047 : memref<1x128x64xf32, #tpu.memory_space<vmem>> -> memref<128x64xf32, #tpu.memory_space<vmem>>
        %dma_wait3A_1049 = arith.constant 0 : i32
        %dma_wait3A_1050 = arith.constant 0 : i32
        %dma_wait3A_1051 = tpu.memref_slice %arg3[%dma_wait3A_1049, %dma_wait3A_1050] : memref<100000x64xf32, #tpu.memory_space<hbm>> -> memref<128x64xf32, #tpu.memory_space<hbm>>
        tpu.wait_dma2 semaphore(%arg9 : memref<!tpu.dma_semaphore, #tpu.memory_space<semaphore_mem>>) src(%dma_wait3A_1051 : memref<128x64xf32, #tpu.memory_space<hbm>>) dst(%dma_wait3A_1048 : memref<128x64xf32, #tpu.memory_space<vmem>>)
        %dma_wait3A_1052 = arith.constant 0 : i32
        %dma_wait3A_1053 = arith.constant 0 : i32
        %dma_wait3A_1054 = arith.constant 0 : i32
        %dma_wait3A_1055 = arith.constant 0 : i32
        %dma_wait3A_1056 = arith.constant 0 : i32
        %dma_wait3A_1057 = arith.constant 0 : i32
        %dma_wait3A_1058 = tpu.memref_slice %arg8[%dma_wait3A_1054, %dma_wait3A_1055, %dma_wait3A_1056, %dma_wait3A_1057] : memref<4x8x8x131xf32, #tpu.memory_space<vmem>> -> memref<1x8x8x131xf32, #tpu.memory_space<vmem>>
        %dma_wait3A_1059 = tpu.memref_squeeze %dma_wait3A_1058 : memref<1x8x8x131xf32, #tpu.memory_space<vmem>> -> memref<8x8x131xf32, #tpu.memory_space<vmem>>
        %dma_wait3A_1060 = arith.constant 0 : i32
        %dma_wait3A_1061 = arith.constant 0 : i32
        %dma_wait3A_1062 = arith.constant 0 : i32
        %dma_wait3A_1063 = tpu.memref_slice %dma_wait3A_1059[%dma_wait3A_1060, %dma_wait3A_1061, %dma_wait3A_1062] : memref<8x8x131xf32, #tpu.memory_space<vmem>> -> memref<8x8x128xf32, #tpu.memory_space<vmem>>
        %dma_wait3A_1064 = arith.constant 0 : i32
        %dma_wait3A_1065 = arith.constant 0 : i32
        %dma_wait3A_1066 = arith.constant 0 : i32
        %dma_wait3A_1067 = tpu.memref_slice %arg4[%dma_wait3A_1052, %dma_wait3A_1064, %dma_wait3A_1053, %dma_wait3A_1065, %dma_wait3A_1066] : memref<200x8x128x8x128xf32, #tpu.memory_space<hbm>> -> memref<1x8x1x8x128xf32, #tpu.memory_space<hbm>>
        %dma_wait3A_1068 = tpu.memref_squeeze %dma_wait3A_1067 : memref<1x8x1x8x128xf32, #tpu.memory_space<hbm>> -> memref<8x8x128xf32, #tpu.memory_space<hbm>>
        %dma_wait3A_1069 = arith.constant 0 : i32
        %dma_wait3A_1070 = arith.constant 0 : i32
        %dma_wait3A_1071 = arith.constant 0 : i32
        %dma_wait3A_1072 = tpu.memref_slice %arg8[%dma_wait3A_1054, %dma_wait3A_1069, %dma_wait3A_1070, %dma_wait3A_1071] : memref<4x8x8x131xf32, #tpu.memory_space<vmem>> -> memref<1x8x8x131xf32, #tpu.memory_space<vmem>>
        %dma_wait3A_1073 = tpu.memref_squeeze %dma_wait3A_1072 : memref<1x8x8x131xf32, #tpu.memory_space<vmem>> -> memref<8x8x131xf32, #tpu.memory_space<vmem>>
        %dma_wait3A_1074 = arith.constant 0 : i32
        %dma_wait3A_1075 = arith.constant 0 : i32
        %dma_wait3A_1076 = arith.constant 0 : i32
        %dma_wait3A_1077 = tpu.memref_slice %dma_wait3A_1073[%dma_wait3A_1074, %dma_wait3A_1075, %dma_wait3A_1076] : memref<8x8x131xf32, #tpu.memory_space<vmem>> -> memref<8x8x128xf32, #tpu.memory_space<vmem>>
        %dma_wait3A_1078 = arith.constant 0 : i32
        %dma_wait3A_1079 = arith.constant 0 : i32
        %dma_wait3A_1080 = arith.constant 0 : i32
        %dma_wait3A_1081 = tpu.memref_slice %arg4[%dma_wait3A_1052, %dma_wait3A_1078, %dma_wait3A_1053, %dma_wait3A_1079, %dma_wait3A_1080] : memref<200x8x128x8x128xf32, #tpu.memory_space<hbm>> -> memref<1x8x1x8x128xf32, #tpu.memory_space<hbm>>
        %dma_wait3A_1082 = tpu.memref_squeeze %dma_wait3A_1081 : memref<1x8x1x8x128xf32, #tpu.memory_space<hbm>> -> memref<8x8x128xf32, #tpu.memory_space<hbm>>
        tpu.wait_dma2 semaphore(%arg13 : memref<!tpu.dma_semaphore, #tpu.memory_space<semaphore_mem>>) src(%dma_wait3A_1082 : memref<8x8x128xf32, #tpu.memory_space<hbm>>) dst(%dma_wait3A_1077 : memref<8x8x128xf32, #tpu.memory_space<vmem>>)
        %parallel_loop3A_1083 = arith.constant 0 : i32
        %parallel_loop3A_1084 = arith.constant 128 : i32
        %parallel_loop3A_1085 = arith.constant 1 : i32
        scf.for %parallel_loop3A_1439 = %parallel_loop3A_1083 to %parallel_loop3A_1084 step %parallel_loop3A_1085  : i32 {
          %parallel_loop3A_1440 = arith.constant 0 : i32
          %parallel_loop3A_1441 = vector.broadcast %parallel_loop3A_1440 : i32 to vector<16xi32>
          %parallel_loop3A_1442 = vector.broadcast %parallel_loop3A_1439 : i32 to vector<16xi32>
          %parallel_loop3A_1443 = arith.addi %parallel_loop3A_1441, %parallel_loop3A_1442 : vector<16xi32>
          %parallel_loop3A_1444 = arith.constant 0 : i32
          %parallel_loop3A_1445 = arith.index_cast %parallel_loop3A_1444 : i32 to index
          %parallel_loop3A_1446 = arith.index_cast %parallel_loop3A_1439 : i32 to index
          %parallel_loop3A_1447 = arith.constant 0 : index
          %parallel_loop3A_1448 = tpu.vector_load %arg7[%parallel_loop3A_1445, %parallel_loop3A_1446, %parallel_loop3A_1447] {strides = array<i32>} : memref<4x128x64xf32, #tpu.memory_space<vmem>>, vector<16xf32>,
          %parallel_loop3A_1449 = arith.constant 0 : i32
          %parallel_loop3A_1450 = arith.constant 0 : i32
          %parallel_loop3A_1451 = arith.constant 0 : i32
          %parallel_loop3A_1452 = arith.constant 0 : i32
          %parallel_loop3A_1453 = tpu.memref_slice %arg8[%parallel_loop3A_1449, %parallel_loop3A_1450, %parallel_loop3A_1451, %parallel_loop3A_1452] : memref<4x8x8x131xf32, #tpu.memory_space<vmem>> -> memref<1x8x8x131xf32, #tpu.memory_space<vmem>>
          %parallel_loop3A_1454 = tpu.memref_squeeze %parallel_loop3A_1453 : memref<1x8x8x131xf32, #tpu.memory_space<vmem>> -> memref<8x8x131xf32, #tpu.memory_space<vmem>>
          tpu.vector_store_idx %parallel_loop3A_1454[%select_n3A, %select_n3A_151, %parallel_loop3A_1443], %parallel_loop3A_1448 : memref<8x8x131xf32, #tpu.memory_space<vmem>>[vector<16xi32>, vector<16xi32>, vector<16xi32>], vector<16xf32>,
          %parallel_loop3A_1455 = arith.constant 0 : i32
          %parallel_loop3A_1456 = arith.index_cast %parallel_loop3A_1455 : i32 to index
          %parallel_loop3A_1457 = arith.index_cast %parallel_loop3A_1439 : i32 to index
          %parallel_loop3A_1458 = arith.constant 16 : index
          %parallel_loop3A_1459 = tpu.vector_load %arg7[%parallel_loop3A_1456, %parallel_loop3A_1457, %parallel_loop3A_1458] {strides = array<i32>} : memref<4x128x64xf32, #tpu.memory_space<vmem>>, vector<16xf32>,
          %parallel_loop3A_1460 = arith.constant 0 : i32
          %parallel_loop3A_1461 = arith.constant 0 : i32
          %parallel_loop3A_1462 = arith.constant 0 : i32
          %parallel_loop3A_1463 = arith.constant 0 : i32
          %parallel_loop3A_1464 = tpu.memref_slice %arg8[%parallel_loop3A_1460, %parallel_loop3A_1461, %parallel_loop3A_1462, %parallel_loop3A_1463] : memref<4x8x8x131xf32, #tpu.memory_space<vmem>> -> memref<1x8x8x131xf32, #tpu.memory_space<vmem>>
          %parallel_loop3A_1465 = tpu.memref_squeeze %parallel_loop3A_1464 : memref<1x8x8x131xf32, #tpu.memory_space<vmem>> -> memref<8x8x131xf32, #tpu.memory_space<vmem>>
          tpu.vector_store_idx %parallel_loop3A_1465[%select_n3A_60, %select_n3A_176, %parallel_loop3A_1443], %parallel_loop3A_1459 : memref<8x8x131xf32, #tpu.memory_space<vmem>>[vector<16xi32>, vector<16xi32>, vector<16xi32>], vector<16xf32>,
          %parallel_loop3A_1466 = arith.constant 0 : i32
          %parallel_loop3A_1467 = arith.index_cast %parallel_loop3A_1466 : i32 to index
          %parallel_loop3A_1468 = arith.index_cast %parallel_loop3A_1439 : i32 to index
          %parallel_loop3A_1469 = arith.constant 32 : index
          %parallel_loop3A_1470 = tpu.vector_load %arg7[%parallel_loop3A_1467, %parallel_loop3A_1468, %parallel_loop3A_1469] {strides = array<i32>} : memref<4x128x64xf32, #tpu.memory_space<vmem>>, vector<16xf32>,
          %parallel_loop3A_1471 = arith.constant 0 : i32
          %parallel_loop3A_1472 = arith.constant 0 : i32
          %parallel_loop3A_1473 = arith.constant 0 : i32
          %parallel_loop3A_1474 = arith.constant 0 : i32
          %parallel_loop3A_1475 = tpu.memref_slice %arg8[%parallel_loop3A_1471, %parallel_loop3A_1472, %parallel_loop3A_1473, %parallel_loop3A_1474] : memref<4x8x8x131xf32, #tpu.memory_space<vmem>> -> memref<1x8x8x131xf32, #tpu.memory_space<vmem>>
          %parallel_loop3A_1476 = tpu.memref_squeeze %parallel_loop3A_1475 : memref<1x8x8x131xf32, #tpu.memory_space<vmem>> -> memref<8x8x131xf32, #tpu.memory_space<vmem>>
          tpu.vector_store_idx %parallel_loop3A_1476[%select_n3A_94, %select_n3A_201, %parallel_loop3A_1443], %parallel_loop3A_1470 : memref<8x8x131xf32, #tpu.memory_space<vmem>>[vector<16xi32>, vector<16xi32>, vector<16xi32>], vector<16xf32>,
          %parallel_loop3A_1477 = arith.constant 0 : i32
          %parallel_loop3A_1478 = arith.index_cast %parallel_loop3A_1477 : i32 to index
          %parallel_loop3A_1479 = arith.index_cast %parallel_loop3A_1439 : i32 to index
          %parallel_loop3A_1480 = arith.constant 48 : index
          %parallel_loop3A_1481 = tpu.vector_load %arg7[%parallel_loop3A_1478, %parallel_loop3A_1479, %parallel_loop3A_1480] {strides = array<i32>} : memref<4x128x64xf32, #tpu.memory_space<vmem>>, vector<16xf32>,
          %parallel_loop3A_1482 = arith.constant 0 : i32
          %parallel_loop3A_1483 = arith.constant 0 : i32
          %parallel_loop3A_1484 = arith.constant 0 : i32
          %parallel_loop3A_1485 = arith.constant 0 : i32
          %parallel_loop3A_1486 = tpu.memref_slice %arg8[%parallel_loop3A_1482, %parallel_loop3A_1483, %parallel_loop3A_1484, %parallel_loop3A_1485] : memref<4x8x8x131xf32, #tpu.memory_space<vmem>> -> memref<1x8x8x131xf32, #tpu.memory_space<vmem>>
          %parallel_loop3A_1487 = tpu.memref_squeeze %parallel_loop3A_1486 : memref<1x8x8x131xf32, #tpu.memory_space<vmem>> -> memref<8x8x131xf32, #tpu.memory_space<vmem>>
          tpu.vector_store_idx %parallel_loop3A_1487[%select_n3A_128, %select_n3A_226, %parallel_loop3A_1443], %parallel_loop3A_1481 : memref<8x8x131xf32, #tpu.memory_space<vmem>>[vector<16xi32>, vector<16xi32>, vector<16xi32>], vector<16xf32>,
        } {sc.loop_unroll_factor = 4 : i64, sc.parallel_access}
        %add3A_1086 = arith.constant 4 : i32
        %add3A_1087 = arith.addi %add3A_1036, %add3A_1086 : i32
        %broadcast_in_dim3A_1088 = arith.constant 0 : i32
        %broadcast_in_dim3A_1089 = vector.broadcast %broadcast_in_dim3A_1088 : i32 to vector<16xi32>
        %add3A_1090 = vector.broadcast %add3A_1087 : i32 to vector<16xi32>
        %add3A_1091 = arith.addi %broadcast_in_dim3A_1089, %add3A_1090 : vector<16xi32>
        %parallel_loop3A_1092 = arith.constant 0 : i32
        %parallel_loop3A_1093 = arith.constant 8 : i32
        %parallel_loop3A_1094 = arith.constant 1 : i32
        scf.for %parallel_loop3A_1439 = %parallel_loop3A_1092 to %parallel_loop3A_1093 step %parallel_loop3A_1094  : i32 {
          %parallel_loop3A_1440 = arith.constant 16 : i32
          %parallel_loop3A_1441 = arith.muli %parallel_loop3A_1440, %parallel_loop3A_1439 : i32
          %parallel_loop3A_1442 = vector.broadcast %parallel_loop3A_1441 : i32 to vector<16xi32>
          %parallel_loop3A_1443 = arith.addi %iota3A, %parallel_loop3A_1442 : vector<16xi32>
          %parallel_loop3A_1444 = tpu.vector_load_idx %arg5[%parallel_loop3A_1443, %add3A_1091] : memref<128x201xi32, #tpu.memory_space<vmem>>[vector<16xi32>, vector<16xi32>], vector<16xi32>,
          %parallel_loop3A_1445 = arith.constant 16 : i32
          %parallel_loop3A_1446 = arith.muli %parallel_loop3A_1445, %parallel_loop3A_1439 : i32
          %parallel_loop3A_1447 = tpu.assume_multiple %parallel_loop3A_1446, 16 : i32
          %parallel_loop3A_1448 = arith.constant 0 : i32
          %parallel_loop3A_1449 = arith.index_cast %parallel_loop3A_1448 : i32 to index
          %parallel_loop3A_1450 = arith.index_cast %parallel_loop3A_1447 : i32 to index
          %parallel_loop3A_1451 = tpu.vector_load %arg6[%parallel_loop3A_1449, %parallel_loop3A_1450] {strides = array<i32>} : memref<4x128xi32, #tpu.memory_space<vmem>>, vector<16xi32>,
          tpu.vector_store %arg6[%parallel_loop3A_1449, %parallel_loop3A_1450], %parallel_loop3A_1444 {strides = array<i32>} : memref<4x128xi32, #tpu.memory_space<vmem>>, vector<16xi32>,
        } {sc.loop_unroll_factor = 1 : i64, sc.parallel_access}
        %dma_start3A_1095 = arith.constant 0 : i32
        %dma_start3A_1096 = arith.constant 0 : i32
        %dma_start3A_1097 = arith.constant 0 : i32
        %dma_start3A_1098 = arith.constant 0 : i32
        %dma_start3A_1099 = tpu.memref_slice %arg7[%dma_start3A_1096, %dma_start3A_1097, %dma_start3A_1098] : memref<4x128x64xf32, #tpu.memory_space<vmem>> -> memref<1x128x64xf32, #tpu.memory_space<vmem>>
        %dma_start3A_1100 = tpu.memref_squeeze %dma_start3A_1099 : memref<1x128x64xf32, #tpu.memory_space<vmem>> -> memref<128x64xf32, #tpu.memory_space<vmem>>
        %dma_start3A_1101 = arith.constant 0 : i32
        %dma_start3A_1102 = tpu.memref_slice %arg6[%dma_start3A_1095, %dma_start3A_1101] : memref<4x128xi32, #tpu.memory_space<vmem>> -> memref<1x128xi32, #tpu.memory_space<vmem>>
        %dma_start3A_1103 = tpu.memref_squeeze %dma_start3A_1102 : memref<1x128xi32, #tpu.memory_space<vmem>> -> memref<128xi32, #tpu.memory_space<vmem>>
        %dma_start3A_1104 = arith.constant 0 : i32
        %dma_start3A_1105 = arith.constant 0 : i32
        %dma_start3A_1106 = tpu.memref_slice %arg3[%dma_start3A_1104, %dma_start3A_1105] : memref<100000x64xf32, #tpu.memory_space<hbm>> -> memref<100000x64xf32, #tpu.memory_space<hbm>>
        tpu.enqueue_indirect_dma source(%dma_start3A_1106 : memref<100000x64xf32, #tpu.memory_space<hbm>>) target(%dma_start3A_1100 : memref<128x64xf32, #tpu.memory_space<vmem>>) offsets(%dma_start3A_1103 : memref<128xi32, #tpu.memory_space<vmem>>) semaphore(%arg9 : memref<!tpu.dma_semaphore, #tpu.memory_space<semaphore_mem>>)
        %dma_start3A_1107 = arith.constant 0 : i32
        %dma_start3A_1108 = arith.constant 0 : i32
        %dma_start3A_1109 = arith.constant 0 : i32
        %dma_start3A_1110 = arith.constant 0 : i32
        %dma_start3A_1111 = tpu.memref_slice %arg8[%dma_start3A_1107, %dma_start3A_1108, %dma_start3A_1109, %dma_start3A_1110] : memref<4x8x8x131xf32, #tpu.memory_space<vmem>> -> memref<1x8x8x131xf32, #tpu.memory_space<vmem>>
        %dma_start3A_1112 = tpu.memref_squeeze %dma_start3A_1111 : memref<1x8x8x131xf32, #tpu.memory_space<vmem>> -> memref<8x8x131xf32, #tpu.memory_space<vmem>>
        %dma_start3A_1113 = arith.constant 0 : i32
        %dma_start3A_1114 = arith.constant 0 : i32
        %dma_start3A_1115 = arith.constant 0 : i32
        %dma_start3A_1116 = tpu.memref_slice %dma_start3A_1112[%dma_start3A_1113, %dma_start3A_1114, %dma_start3A_1115] : memref<8x8x131xf32, #tpu.memory_space<vmem>> -> memref<8x8x128xf32, #tpu.memory_space<vmem>>
        %dma_start3A_1117 = arith.constant 0 : i32
        %dma_start3A_1118 = arith.constant 0 : i32
        %dma_start3A_1119 = arith.constant 0 : i32
        %dma_start3A_1120 = tpu.memref_slice %arg4[%add3A_1036, %dma_start3A_1117, %add3A_235, %dma_start3A_1118, %dma_start3A_1119] : memref<200x8x128x8x128xf32, #tpu.memory_space<hbm>> -> memref<1x8x1x8x128xf32, #tpu.memory_space<hbm>>
        %dma_start3A_1121 = tpu.memref_squeeze %dma_start3A_1120 : memref<1x8x1x8x128xf32, #tpu.memory_space<hbm>> -> memref<8x8x128xf32, #tpu.memory_space<hbm>>
        %dma_start3A_1122 = arith.constant 0 : i32
        %dma_start3A_1123 = arith.constant 0 : i32
        %dma_start3A_1124 = arith.constant 0 : i32
        %dma_start3A_1125 = tpu.memref_slice %arg4[%add3A_1036, %dma_start3A_1122, %add3A_235, %dma_start3A_1123, %dma_start3A_1124] : memref<200x8x128x8x128xf32, #tpu.memory_space<hbm>> -> memref<1x8x1x8x128xf32, #tpu.memory_space<hbm>>
        %dma_start3A_1126 = tpu.memref_squeeze %dma_start3A_1125 : memref<1x8x1x8x128xf32, #tpu.memory_space<hbm>> -> memref<8x8x128xf32, #tpu.memory_space<hbm>>
        %dma_start3A_1127 = arith.constant 0 : i32
        %dma_start3A_1128 = arith.constant 0 : i32
        %dma_start3A_1129 = arith.constant 0 : i32
        %dma_start3A_1130 = tpu.memref_slice %arg8[%dma_start3A_1107, %dma_start3A_1127, %dma_start3A_1128, %dma_start3A_1129] : memref<4x8x8x131xf32, #tpu.memory_space<vmem>> -> memref<1x8x8x131xf32, #tpu.memory_space<vmem>>
        %dma_start3A_1131 = tpu.memref_squeeze %dma_start3A_1130 : memref<1x8x8x131xf32, #tpu.memory_space<vmem>> -> memref<8x8x131xf32, #tpu.memory_space<vmem>>
        %dma_start3A_1132 = arith.constant 0 : i32
        %dma_start3A_1133 = arith.constant 0 : i32
        %dma_start3A_1134 = arith.constant 0 : i32
        %dma_start3A_1135 = tpu.memref_slice %dma_start3A_1131[%dma_start3A_1132, %dma_start3A_1133, %dma_start3A_1134] : memref<8x8x131xf32, #tpu.memory_space<vmem>> -> memref<8x8x128xf32, #tpu.memory_space<vmem>>
        tpu.enqueue_dma source(%dma_start3A_1135 : memref<8x8x128xf32, #tpu.memory_space<vmem>>) target(%dma_start3A_1126 : memref<8x8x128xf32, #tpu.memory_space<hbm>>) target_semaphore(%arg13 : memref<!tpu.dma_semaphore, #tpu.memory_space<semaphore_mem>>)
        %add3A_1136 = arith.constant 1 : i32
        %add3A_1137 = arith.addi %mul3A_1034, %add3A_1136 : i32
        %dma_wait3A_1138 = arith.constant 1 : i32
        %dma_wait3A_1139 = arith.constant 0 : i32
        %dma_wait3A_1140 = arith.constant 0 : i32
        %dma_wait3A_1141 = tpu.memref_slice %arg7[%dma_wait3A_1138, %dma_wait3A_1139, %dma_wait3A_1140] : memref<4x128x64xf32, #tpu.memory_space<vmem>> -> memref<1x128x64xf32, #tpu.memory_space<vmem>>
        %dma_wait3A_1142 = tpu.memref_squeeze %dma_wait3A_1141 : memref<1x128x64xf32, #tpu.memory_space<vmem>> -> memref<128x64xf32, #tpu.memory_space<vmem>>
        %dma_wait3A_1143 = arith.constant 0 : i32
        %dma_wait3A_1144 = arith.constant 0 : i32
        %dma_wait3A_1145 = tpu.memref_slice %arg3[%dma_wait3A_1143, %dma_wait3A_1144] : memref<100000x64xf32, #tpu.memory_space<hbm>> -> memref<128x64xf32, #tpu.memory_space<hbm>>
        %dma_wait3A_1146 = arith.constant 0 : i32
        %dma_wait3A_1147 = arith.constant 0 : i32
        %dma_wait3A_1148 = tpu.memref_slice %arg7[%dma_wait3A_1138, %dma_wait3A_1146, %dma_wait3A_1147] : memref<4x128x64xf32, #tpu.memory_space<vmem>> -> memref<1x128x64xf32, #tpu.memory_space<vmem>>
        %dma_wait3A_1149 = tpu.memref_squeeze %dma_wait3A_1148 : memref<1x128x64xf32, #tpu.memory_space<vmem>> -> memref<128x64xf32, #tpu.memory_space<vmem>>
        %dma_wait3A_1150 = arith.constant 0 : i32
        %dma_wait3A_1151 = arith.constant 0 : i32
        %dma_wait3A_1152 = tpu.memref_slice %arg3[%dma_wait3A_1150, %dma_wait3A_1151] : memref<100000x64xf32, #tpu.memory_space<hbm>> -> memref<128x64xf32, #tpu.memory_space<hbm>>
        tpu.wait_dma2 semaphore(%arg10 : memref<!tpu.dma_semaphore, #tpu.memory_space<semaphore_mem>>) src(%dma_wait3A_1152 : memref<128x64xf32, #tpu.memory_space<hbm>>) dst(%dma_wait3A_1149 : memref<128x64xf32, #tpu.memory_space<vmem>>)
        %dma_wait3A_1153 = arith.constant 0 : i32
        %dma_wait3A_1154 = arith.constant 0 : i32
        %dma_wait3A_1155 = arith.constant 1 : i32
        %dma_wait3A_1156 = arith.constant 0 : i32
        %dma_wait3A_1157 = arith.constant 0 : i32
        %dma_wait3A_1158 = arith.constant 0 : i32
        %dma_wait3A_1159 = tpu.memref_slice %arg8[%dma_wait3A_1155, %dma_wait3A_1156, %dma_wait3A_1157, %dma_wait3A_1158] : memref<4x8x8x131xf32, #tpu.memory_space<vmem>> -> memref<1x8x8x131xf32, #tpu.memory_space<vmem>>
        %dma_wait3A_1160 = tpu.memref_squeeze %dma_wait3A_1159 : memref<1x8x8x131xf32, #tpu.memory_space<vmem>> -> memref<8x8x131xf32, #tpu.memory_space<vmem>>
        %dma_wait3A_1161 = arith.constant 0 : i32
        %dma_wait3A_1162 = arith.constant 0 : i32
        %dma_wait3A_1163 = arith.constant 0 : i32
        %dma_wait3A_1164 = tpu.memref_slice %dma_wait3A_1160[%dma_wait3A_1161, %dma_wait3A_1162, %dma_wait3A_1163] : memref<8x8x131xf32, #tpu.memory_space<vmem>> -> memref<8x8x128xf32, #tpu.memory_space<vmem>>
        %dma_wait3A_1165 = arith.constant 0 : i32
        %dma_wait3A_1166 = arith.constant 0 : i32
        %dma_wait3A_1167 = arith.constant 0 : i32
        %dma_wait3A_1168 = tpu.memref_slice %arg4[%dma_wait3A_1153, %dma_wait3A_1165, %dma_wait3A_1154, %dma_wait3A_1166, %dma_wait3A_1167] : memref<200x8x128x8x128xf32, #tpu.memory_space<hbm>> -> memref<1x8x1x8x128xf32, #tpu.memory_space<hbm>>
        %dma_wait3A_1169 = tpu.memref_squeeze %dma_wait3A_1168 : memref<1x8x1x8x128xf32, #tpu.memory_space<hbm>> -> memref<8x8x128xf32, #tpu.memory_space<hbm>>
        %dma_wait3A_1170 = arith.constant 0 : i32
        %dma_wait3A_1171 = arith.constant 0 : i32
        %dma_wait3A_1172 = arith.constant 0 : i32
        %dma_wait3A_1173 = tpu.memref_slice %arg8[%dma_wait3A_1155, %dma_wait3A_1170, %dma_wait3A_1171, %dma_wait3A_1172] : memref<4x8x8x131xf32, #tpu.memory_space<vmem>> -> memref<1x8x8x131xf32, #tpu.memory_space<vmem>>
        %dma_wait3A_1174 = tpu.memref_squeeze %dma_wait3A_1173 : memref<1x8x8x131xf32, #tpu.memory_space<vmem>> -> memref<8x8x131xf32, #tpu.memory_space<vmem>>
        %dma_wait3A_1175 = arith.constant 0 : i32
        %dma_wait3A_1176 = arith.constant 0 : i32
        %dma_wait3A_1177 = arith.constant 0 : i32
        %dma_wait3A_1178 = tpu.memref_slice %dma_wait3A_1174[%dma_wait3A_1175, %dma_wait3A_1176, %dma_wait3A_1177] : memref<8x8x131xf32, #tpu.memory_space<vmem>> -> memref<8x8x128xf32, #tpu.memory_space<vmem>>
        %dma_wait3A_1179 = arith.constant 0 : i32
        %dma_wait3A_1180 = arith.constant 0 : i32
        %dma_wait3A_1181 = arith.constant 0 : i32
        %dma_wait3A_1182 = tpu.memref_slice %arg4[%dma_wait3A_1153, %dma_wait3A_1179, %dma_wait3A_1154, %dma_wait3A_1180, %dma_wait3A_1181] : memref<200x8x128x8x128xf32, #tpu.memory_space<hbm>> -> memref<1x8x1x8x128xf32, #tpu.memory_space<hbm>>
        %dma_wait3A_1183 = tpu.memref_squeeze %dma_wait3A_1182 : memref<1x8x1x8x128xf32, #tpu.memory_space<hbm>> -> memref<8x8x128xf32, #tpu.memory_space<hbm>>
        tpu.wait_dma2 semaphore(%arg14 : memref<!tpu.dma_semaphore, #tpu.memory_space<semaphore_mem>>) src(%dma_wait3A_1183 : memref<8x8x128xf32, #tpu.memory_space<hbm>>) dst(%dma_wait3A_1178 : memref<8x8x128xf32, #tpu.memory_space<vmem>>)
        %parallel_loop3A_1184 = arith.constant 0 : i32
        %parallel_loop3A_1185 = arith.constant 128 : i32
        %parallel_loop3A_1186 = arith.constant 1 : i32
        scf.for %parallel_loop3A_1439 = %parallel_loop3A_1184 to %parallel_loop3A_1185 step %parallel_loop3A_1186  : i32 {
          %parallel_loop3A_1440 = arith.constant 0 : i32
          %parallel_loop3A_1441 = vector.broadcast %parallel_loop3A_1440 : i32 to vector<16xi32>
          %parallel_loop3A_1442 = vector.broadcast %parallel_loop3A_1439 : i32 to vector<16xi32>
          %parallel_loop3A_1443 = arith.addi %parallel_loop3A_1441, %parallel_loop3A_1442 : vector<16xi32>
          %parallel_loop3A_1444 = arith.constant 1 : i32
          %parallel_loop3A_1445 = arith.index_cast %parallel_loop3A_1444 : i32 to index
          %parallel_loop3A_1446 = arith.index_cast %parallel_loop3A_1439 : i32 to index
          %parallel_loop3A_1447 = arith.constant 0 : index
          %parallel_loop3A_1448 = tpu.vector_load %arg7[%parallel_loop3A_1445, %parallel_loop3A_1446, %parallel_loop3A_1447] {strides = array<i32>} : memref<4x128x64xf32, #tpu.memory_space<vmem>>, vector<16xf32>,
          %parallel_loop3A_1449 = arith.constant 1 : i32
          %parallel_loop3A_1450 = arith.constant 0 : i32
          %parallel_loop3A_1451 = arith.constant 0 : i32
          %parallel_loop3A_1452 = arith.constant 0 : i32
          %parallel_loop3A_1453 = tpu.memref_slice %arg8[%parallel_loop3A_1449, %parallel_loop3A_1450, %parallel_loop3A_1451, %parallel_loop3A_1452] : memref<4x8x8x131xf32, #tpu.memory_space<vmem>> -> memref<1x8x8x131xf32, #tpu.memory_space<vmem>>
          %parallel_loop3A_1454 = tpu.memref_squeeze %parallel_loop3A_1453 : memref<1x8x8x131xf32, #tpu.memory_space<vmem>> -> memref<8x8x131xf32, #tpu.memory_space<vmem>>
          tpu.vector_store_idx %parallel_loop3A_1454[%select_n3A, %select_n3A_151, %parallel_loop3A_1443], %parallel_loop3A_1448 : memref<8x8x131xf32, #tpu.memory_space<vmem>>[vector<16xi32>, vector<16xi32>, vector<16xi32>], vector<16xf32>,
          %parallel_loop3A_1455 = arith.constant 1 : i32
          %parallel_loop3A_1456 = arith.index_cast %parallel_loop3A_1455 : i32 to index
          %parallel_loop3A_1457 = arith.index_cast %parallel_loop3A_1439 : i32 to index
          %parallel_loop3A_1458 = arith.constant 16 : index
          %parallel_loop3A_1459 = tpu.vector_load %arg7[%parallel_loop3A_1456, %parallel_loop3A_1457, %parallel_loop3A_1458] {strides = array<i32>} : memref<4x128x64xf32, #tpu.memory_space<vmem>>, vector<16xf32>,
          %parallel_loop3A_1460 = arith.constant 1 : i32
          %parallel_loop3A_1461 = arith.constant 0 : i32
          %parallel_loop3A_1462 = arith.constant 0 : i32
          %parallel_loop3A_1463 = arith.constant 0 : i32
          %parallel_loop3A_1464 = tpu.memref_slice %arg8[%parallel_loop3A_1460, %parallel_loop3A_1461, %parallel_loop3A_1462, %parallel_loop3A_1463] : memref<4x8x8x131xf32, #tpu.memory_space<vmem>> -> memref<1x8x8x131xf32, #tpu.memory_space<vmem>>
          %parallel_loop3A_1465 = tpu.memref_squeeze %parallel_loop3A_1464 : memref<1x8x8x131xf32, #tpu.memory_space<vmem>> -> memref<8x8x131xf32, #tpu.memory_space<vmem>>
          tpu.vector_store_idx %parallel_loop3A_1465[%select_n3A_60, %select_n3A_176, %parallel_loop3A_1443], %parallel_loop3A_1459 : memref<8x8x131xf32, #tpu.memory_space<vmem>>[vector<16xi32>, vector<16xi32>, vector<16xi32>], vector<16xf32>,
          %parallel_loop3A_1466 = arith.constant 1 : i32
          %parallel_loop3A_1467 = arith.index_cast %parallel_loop3A_1466 : i32 to index
          %parallel_loop3A_1468 = arith.index_cast %parallel_loop3A_1439 : i32 to index
          %parallel_loop3A_1469 = arith.constant 32 : index
          %parallel_loop3A_1470 = tpu.vector_load %arg7[%parallel_loop3A_1467, %parallel_loop3A_1468, %parallel_loop3A_1469] {strides = array<i32>} : memref<4x128x64xf32, #tpu.memory_space<vmem>>, vector<16xf32>,
          %parallel_loop3A_1471 = arith.constant 1 : i32
          %parallel_loop3A_1472 = arith.constant 0 : i32
          %parallel_loop3A_1473 = arith.constant 0 : i32
          %parallel_loop3A_1474 = arith.constant 0 : i32
          %parallel_loop3A_1475 = tpu.memref_slice %arg8[%parallel_loop3A_1471, %parallel_loop3A_1472, %parallel_loop3A_1473, %parallel_loop3A_1474] : memref<4x8x8x131xf32, #tpu.memory_space<vmem>> -> memref<1x8x8x131xf32, #tpu.memory_space<vmem>>
          %parallel_loop3A_1476 = tpu.memref_squeeze %parallel_loop3A_1475 : memref<1x8x8x131xf32, #tpu.memory_space<vmem>> -> memref<8x8x131xf32, #tpu.memory_space<vmem>>
          tpu.vector_store_idx %parallel_loop3A_1476[%select_n3A_94, %select_n3A_201, %parallel_loop3A_1443], %parallel_loop3A_1470 : memref<8x8x131xf32, #tpu.memory_space<vmem>>[vector<16xi32>, vector<16xi32>, vector<16xi32>], vector<16xf32>,
          %parallel_loop3A_1477 = arith.constant 1 : i32
          %parallel_loop3A_1478 = arith.index_cast %parallel_loop3A_1477 : i32 to index
          %parallel_loop3A_1479 = arith.index_cast %parallel_loop3A_1439 : i32 to index
          %parallel_loop3A_1480 = arith.constant 48 : index
          %parallel_loop3A_1481 = tpu.vector_load %arg7[%parallel_loop3A_1478, %parallel_loop3A_1479, %parallel_loop3A_1480] {strides = array<i32>} : memref<4x128x64xf32, #tpu.memory_space<vmem>>, vector<16xf32>,
          %parallel_loop3A_1482 = arith.constant 1 : i32
          %parallel_loop3A_1483 = arith.constant 0 : i32
          %parallel_loop3A_1484 = arith.constant 0 : i32
          %parallel_loop3A_1485 = arith.constant 0 : i32
          %parallel_loop3A_1486 = tpu.memref_slice %arg8[%parallel_loop3A_1482, %parallel_loop3A_1483, %parallel_loop3A_1484, %parallel_loop3A_1485] : memref<4x8x8x131xf32, #tpu.memory_space<vmem>> -> memref<1x8x8x131xf32, #tpu.memory_space<vmem>>
          %parallel_loop3A_1487 = tpu.memref_squeeze %parallel_loop3A_1486 : memref<1x8x8x131xf32, #tpu.memory_space<vmem>> -> memref<8x8x131xf32, #tpu.memory_space<vmem>>
          tpu.vector_store_idx %parallel_loop3A_1487[%select_n3A_128, %select_n3A_226, %parallel_loop3A_1443], %parallel_loop3A_1481 : memref<8x8x131xf32, #tpu.memory_space<vmem>>[vector<16xi32>, vector<16xi32>, vector<16xi32>], vector<16xf32>,
        } {sc.loop_unroll_factor = 4 : i64, sc.parallel_access}
        %add3A_1187 = arith.constant 4 : i32
        %add3A_1188 = arith.addi %add3A_1137, %add3A_1187 : i32
        %broadcast_in_dim3A_1189 = arith.constant 0 : i32
        %broadcast_in_dim3A_1190 = vector.broadcast %broadcast_in_dim3A_1189 : i32 to vector<16xi32>
        %add3A_1191 = vector.broadcast %add3A_1188 : i32 to vector<16xi32>
        %add3A_1192 = arith.addi %broadcast_in_dim3A_1190, %add3A_1191 : vector<16xi32>
        %parallel_loop3A_1193 = arith.constant 0 : i32
        %parallel_loop3A_1194 = arith.constant 8 : i32
        %parallel_loop3A_1195 = arith.constant 1 : i32
        scf.for %parallel_loop3A_1439 = %parallel_loop3A_1193 to %parallel_loop3A_1194 step %parallel_loop3A_1195  : i32 {
          %parallel_loop3A_1440 = arith.constant 16 : i32
          %parallel_loop3A_1441 = arith.muli %parallel_loop3A_1440, %parallel_loop3A_1439 : i32
          %parallel_loop3A_1442 = vector.broadcast %parallel_loop3A_1441 : i32 to vector<16xi32>
          %parallel_loop3A_1443 = arith.addi %iota3A, %parallel_loop3A_1442 : vector<16xi32>
          %parallel_loop3A_1444 = tpu.vector_load_idx %arg5[%parallel_loop3A_1443, %add3A_1192] : memref<128x201xi32, #tpu.memory_space<vmem>>[vector<16xi32>, vector<16xi32>], vector<16xi32>,
          %parallel_loop3A_1445 = arith.constant 16 : i32
          %parallel_loop3A_1446 = arith.muli %parallel_loop3A_1445, %parallel_loop3A_1439 : i32
          %parallel_loop3A_1447 = tpu.assume_multiple %parallel_loop3A_1446, 16 : i32
          %parallel_loop3A_1448 = arith.constant 1 : i32
          %parallel_loop3A_1449 = arith.index_cast %parallel_loop3A_1448 : i32 to index
          %parallel_loop3A_1450 = arith.index_cast %parallel_loop3A_1447 : i32 to index
          %parallel_loop3A_1451 = tpu.vector_load %arg6[%parallel_loop3A_1449, %parallel_loop3A_1450] {strides = array<i32>} : memref<4x128xi32, #tpu.memory_space<vmem>>, vector<16xi32>,
          tpu.vector_store %arg6[%parallel_loop3A_1449, %parallel_loop3A_1450], %parallel_loop3A_1444 {strides = array<i32>} : memref<4x128xi32, #tpu.memory_space<vmem>>, vector<16xi32>,
        } {sc.loop_unroll_factor = 1 : i64, sc.parallel_access}
        %dma_start3A_1196 = arith.constant 1 : i32
        %dma_start3A_1197 = arith.constant 1 : i32
        %dma_start3A_1198 = arith.constant 0 : i32
        %dma_start3A_1199 = arith.constant 0 : i32
        %dma_start3A_1200 = tpu.memref_slice %arg7[%dma_start3A_1197, %dma_start3A_1198, %dma_start3A_1199] : memref<4x128x64xf32, #tpu.memory_space<vmem>> -> memref<1x128x64xf32, #tpu.memory_space<vmem>>
        %dma_start3A_1201 = tpu.memref_squeeze %dma_start3A_1200 : memref<1x128x64xf32, #tpu.memory_space<vmem>> -> memref<128x64xf32, #tpu.memory_space<vmem>>
        %dma_start3A_1202 = arith.constant 0 : i32
        %dma_start3A_1203 = tpu.memref_slice %arg6[%dma_start3A_1196, %dma_start3A_1202] : memref<4x128xi32, #tpu.memory_space<vmem>> -> memref<1x128xi32, #tpu.memory_space<vmem>>
        %dma_start3A_1204 = tpu.memref_squeeze %dma_start3A_1203 : memref<1x128xi32, #tpu.memory_space<vmem>> -> memref<128xi32, #tpu.memory_space<vmem>>
        %dma_start3A_1205 = arith.constant 0 : i32
        %dma_start3A_1206 = arith.constant 0 : i32
        %dma_start3A_1207 = tpu.memref_slice %arg3[%dma_start3A_1205, %dma_start3A_1206] : memref<100000x64xf32, #tpu.memory_space<hbm>> -> memref<100000x64xf32, #tpu.memory_space<hbm>>
        tpu.enqueue_indirect_dma source(%dma_start3A_1207 : memref<100000x64xf32, #tpu.memory_space<hbm>>) target(%dma_start3A_1201 : memref<128x64xf32, #tpu.memory_space<vmem>>) offsets(%dma_start3A_1204 : memref<128xi32, #tpu.memory_space<vmem>>) semaphore(%arg10 : memref<!tpu.dma_semaphore, #tpu.memory_space<semaphore_mem>>)
        %dma_start3A_1208 = arith.constant 1 : i32
        %dma_start3A_1209 = arith.constant 0 : i32
        %dma_start3A_1210 = arith.constant 0 : i32
        %dma_start3A_1211 = arith.constant 0 : i32
        %dma_start3A_1212 = tpu.memref_slice %arg8[%dma_start3A_1208, %dma_start3A_1209, %dma_start3A_1210, %dma_start3A_1211] : memref<4x8x8x131xf32, #tpu.memory_space<vmem>> -> memref<1x8x8x131xf32, #tpu.memory_space<vmem>>
        %dma_start3A_1213 = tpu.memref_squeeze %dma_start3A_1212 : memref<1x8x8x131xf32, #tpu.memory_space<vmem>> -> memref<8x8x131xf32, #tpu.memory_space<vmem>>
        %dma_start3A_1214 = arith.constant 0 : i32
        %dma_start3A_1215 = arith.constant 0 : i32
        %dma_start3A_1216 = arith.constant 0 : i32
        %dma_start3A_1217 = tpu.memref_slice %dma_start3A_1213[%dma_start3A_1214, %dma_start3A_1215, %dma_start3A_1216] : memref<8x8x131xf32, #tpu.memory_space<vmem>> -> memref<8x8x128xf32, #tpu.memory_space<vmem>>
        %dma_start3A_1218 = arith.constant 0 : i32
        %dma_start3A_1219 = arith.constant 0 : i32
        %dma_start3A_1220 = arith.constant 0 : i32
        %dma_start3A_1221 = tpu.memref_slice %arg4[%add3A_1137, %dma_start3A_1218, %add3A_235, %dma_start3A_1219, %dma_start3A_1220] : memref<200x8x128x8x128xf32, #tpu.memory_space<hbm>> -> memref<1x8x1x8x128xf32, #tpu.memory_space<hbm>>
        %dma_start3A_1222 = tpu.memref_squeeze %dma_start3A_1221 : memref<1x8x1x8x128xf32, #tpu.memory_space<hbm>> -> memref<8x8x128xf32, #tpu.memory_space<hbm>>
        %dma_start3A_1223 = arith.constant 0 : i32
        %dma_start3A_1224 = arith.constant 0 : i32
        %dma_start3A_1225 = arith.constant 0 : i32
        %dma_start3A_1226 = tpu.memref_slice %arg4[%add3A_1137, %dma_start3A_1223, %add3A_235, %dma_start3A_1224, %dma_start3A_1225] : memref<200x8x128x8x128xf32, #tpu.memory_space<hbm>> -> memref<1x8x1x8x128xf32, #tpu.memory_space<hbm>>
        %dma_start3A_1227 = tpu.memref_squeeze %dma_start3A_1226 : memref<1x8x1x8x128xf32, #tpu.memory_space<hbm>> -> memref<8x8x128xf32, #tpu.memory_space<hbm>>
        %dma_start3A_1228 = arith.constant 0 : i32
        %dma_start3A_1229 = arith.constant 0 : i32
        %dma_start3A_1230 = arith.constant 0 : i32
        %dma_start3A_1231 = tpu.memref_slice %arg8[%dma_start3A_1208, %dma_start3A_1228, %dma_start3A_1229, %dma_start3A_1230] : memref<4x8x8x131xf32, #tpu.memory_space<vmem>> -> memref<1x8x8x131xf32, #tpu.memory_space<vmem>>
        %dma_start3A_1232 = tpu.memref_squeeze %dma_start3A_1231 : memref<1x8x8x131xf32, #tpu.memory_space<vmem>> -> memref<8x8x131xf32, #tpu.memory_space<vmem>>
        %dma_start3A_1233 = arith.constant 0 : i32
        %dma_start3A_1234 = arith.constant 0 : i32
        %dma_start3A_1235 = arith.constant 0 : i32
        %dma_start3A_1236 = tpu.memref_slice %dma_start3A_1232[%dma_start3A_1233, %dma_start3A_1234, %dma_start3A_1235] : memref<8x8x131xf32, #tpu.memory_space<vmem>> -> memref<8x8x128xf32, #tpu.memory_space<vmem>>
        tpu.enqueue_dma source(%dma_start3A_1236 : memref<8x8x128xf32, #tpu.memory_space<vmem>>) target(%dma_start3A_1227 : memref<8x8x128xf32, #tpu.memory_space<hbm>>) target_semaphore(%arg14 : memref<!tpu.dma_semaphore, #tpu.memory_space<semaphore_mem>>)
        %add3A_1237 = arith.constant 2 : i32
        %add3A_1238 = arith.addi %mul3A_1034, %add3A_1237 : i32
        %dma_wait3A_1239 = arith.constant 2 : i32
        %dma_wait3A_1240 = arith.constant 0 : i32
        %dma_wait3A_1241 = arith.constant 0 : i32
        %dma_wait3A_1242 = tpu.memref_slice %arg7[%dma_wait3A_1239, %dma_wait3A_1240, %dma_wait3A_1241] : memref<4x128x64xf32, #tpu.memory_space<vmem>> -> memref<1x128x64xf32, #tpu.memory_space<vmem>>
        %dma_wait3A_1243 = tpu.memref_squeeze %dma_wait3A_1242 : memref<1x128x64xf32, #tpu.memory_space<vmem>> -> memref<128x64xf32, #tpu.memory_space<vmem>>
        %dma_wait3A_1244 = arith.constant 0 : i32
        %dma_wait3A_1245 = arith.constant 0 : i32
        %dma_wait3A_1246 = tpu.memref_slice %arg3[%dma_wait3A_1244, %dma_wait3A_1245] : memref<100000x64xf32, #tpu.memory_space<hbm>> -> memref<128x64xf32, #tpu.memory_space<hbm>>
        %dma_wait3A_1247 = arith.constant 0 : i32
        %dma_wait3A_1248 = arith.constant 0 : i32
        %dma_wait3A_1249 = tpu.memref_slice %arg7[%dma_wait3A_1239, %dma_wait3A_1247, %dma_wait3A_1248] : memref<4x128x64xf32, #tpu.memory_space<vmem>> -> memref<1x128x64xf32, #tpu.memory_space<vmem>>
        %dma_wait3A_1250 = tpu.memref_squeeze %dma_wait3A_1249 : memref<1x128x64xf32, #tpu.memory_space<vmem>> -> memref<128x64xf32, #tpu.memory_space<vmem>>
        %dma_wait3A_1251 = arith.constant 0 : i32
        %dma_wait3A_1252 = arith.constant 0 : i32
        %dma_wait3A_1253 = tpu.memref_slice %arg3[%dma_wait3A_1251, %dma_wait3A_1252] : memref<100000x64xf32, #tpu.memory_space<hbm>> -> memref<128x64xf32, #tpu.memory_space<hbm>>
        tpu.wait_dma2 semaphore(%arg11 : memref<!tpu.dma_semaphore, #tpu.memory_space<semaphore_mem>>) src(%dma_wait3A_1253 : memref<128x64xf32, #tpu.memory_space<hbm>>) dst(%dma_wait3A_1250 : memref<128x64xf32, #tpu.memory_space<vmem>>)
        %dma_wait3A_1254 = arith.constant 0 : i32
        %dma_wait3A_1255 = arith.constant 0 : i32
        %dma_wait3A_1256 = arith.constant 2 : i32
        %dma_wait3A_1257 = arith.constant 0 : i32
        %dma_wait3A_1258 = arith.constant 0 : i32
        %dma_wait3A_1259 = arith.constant 0 : i32
        %dma_wait3A_1260 = tpu.memref_slice %arg8[%dma_wait3A_1256, %dma_wait3A_1257, %dma_wait3A_1258, %dma_wait3A_1259] : memref<4x8x8x131xf32, #tpu.memory_space<vmem>> -> memref<1x8x8x131xf32, #tpu.memory_space<vmem>>
        %dma_wait3A_1261 = tpu.memref_squeeze %dma_wait3A_1260 : memref<1x8x8x131xf32, #tpu.memory_space<vmem>> -> memref<8x8x131xf32, #tpu.memory_space<vmem>>
        %dma_wait3A_1262 = arith.constant 0 : i32
        %dma_wait3A_1263 = arith.constant 0 : i32
        %dma_wait3A_1264 = arith.constant 0 : i32
        %dma_wait3A_1265 = tpu.memref_slice %dma_wait3A_1261[%dma_wait3A_1262, %dma_wait3A_1263, %dma_wait3A_1264] : memref<8x8x131xf32, #tpu.memory_space<vmem>> -> memref<8x8x128xf32, #tpu.memory_space<vmem>>
        %dma_wait3A_1266 = arith.constant 0 : i32
        %dma_wait3A_1267 = arith.constant 0 : i32
        %dma_wait3A_1268 = arith.constant 0 : i32
        %dma_wait3A_1269 = tpu.memref_slice %arg4[%dma_wait3A_1254, %dma_wait3A_1266, %dma_wait3A_1255, %dma_wait3A_1267, %dma_wait3A_1268] : memref<200x8x128x8x128xf32, #tpu.memory_space<hbm>> -> memref<1x8x1x8x128xf32, #tpu.memory_space<hbm>>
        %dma_wait3A_1270 = tpu.memref_squeeze %dma_wait3A_1269 : memref<1x8x1x8x128xf32, #tpu.memory_space<hbm>> -> memref<8x8x128xf32, #tpu.memory_space<hbm>>
        %dma_wait3A_1271 = arith.constant 0 : i32
        %dma_wait3A_1272 = arith.constant 0 : i32
        %dma_wait3A_1273 = arith.constant 0 : i32
        %dma_wait3A_1274 = tpu.memref_slice %arg8[%dma_wait3A_1256, %dma_wait3A_1271, %dma_wait3A_1272, %dma_wait3A_1273] : memref<4x8x8x131xf32, #tpu.memory_space<vmem>> -> memref<1x8x8x131xf32, #tpu.memory_space<vmem>>
        %dma_wait3A_1275 = tpu.memref_squeeze %dma_wait3A_1274 : memref<1x8x8x131xf32, #tpu.memory_space<vmem>> -> memref<8x8x131xf32, #tpu.memory_space<vmem>>
        %dma_wait3A_1276 = arith.constant 0 : i32
        %dma_wait3A_1277 = arith.constant 0 : i32
        %dma_wait3A_1278 = arith.constant 0 : i32
        %dma_wait3A_1279 = tpu.memref_slice %dma_wait3A_1275[%dma_wait3A_1276, %dma_wait3A_1277, %dma_wait3A_1278] : memref<8x8x131xf32, #tpu.memory_space<vmem>> -> memref<8x8x128xf32, #tpu.memory_space<vmem>>
        %dma_wait3A_1280 = arith.constant 0 : i32
        %dma_wait3A_1281 = arith.constant 0 : i32
        %dma_wait3A_1282 = arith.constant 0 : i32
        %dma_wait3A_1283 = tpu.memref_slice %arg4[%dma_wait3A_1254, %dma_wait3A_1280, %dma_wait3A_1255, %dma_wait3A_1281, %dma_wait3A_1282] : memref<200x8x128x8x128xf32, #tpu.memory_space<hbm>> -> memref<1x8x1x8x128xf32, #tpu.memory_space<hbm>>
        %dma_wait3A_1284 = tpu.memref_squeeze %dma_wait3A_1283 : memref<1x8x1x8x128xf32, #tpu.memory_space<hbm>> -> memref<8x8x128xf32, #tpu.memory_space<hbm>>
        tpu.wait_dma2 semaphore(%arg15 : memref<!tpu.dma_semaphore, #tpu.memory_space<semaphore_mem>>) src(%dma_wait3A_1284 : memref<8x8x128xf32, #tpu.memory_space<hbm>>) dst(%dma_wait3A_1279 : memref<8x8x128xf32, #tpu.memory_space<vmem>>)
        %parallel_loop3A_1285 = arith.constant 0 : i32
        %parallel_loop3A_1286 = arith.constant 128 : i32
        %parallel_loop3A_1287 = arith.constant 1 : i32
        scf.for %parallel_loop3A_1439 = %parallel_loop3A_1285 to %parallel_loop3A_1286 step %parallel_loop3A_1287  : i32 {
          %parallel_loop3A_1440 = arith.constant 0 : i32
          %parallel_loop3A_1441 = vector.broadcast %parallel_loop3A_1440 : i32 to vector<16xi32>
          %parallel_loop3A_1442 = vector.broadcast %parallel_loop3A_1439 : i32 to vector<16xi32>
          %parallel_loop3A_1443 = arith.addi %parallel_loop3A_1441, %parallel_loop3A_1442 : vector<16xi32>
          %parallel_loop3A_1444 = arith.constant 2 : i32
          %parallel_loop3A_1445 = arith.index_cast %parallel_loop3A_1444 : i32 to index
          %parallel_loop3A_1446 = arith.index_cast %parallel_loop3A_1439 : i32 to index
          %parallel_loop3A_1447 = arith.constant 0 : index
          %parallel_loop3A_1448 = tpu.vector_load %arg7[%parallel_loop3A_1445, %parallel_loop3A_1446, %parallel_loop3A_1447] {strides = array<i32>} : memref<4x128x64xf32, #tpu.memory_space<vmem>>, vector<16xf32>,
          %parallel_loop3A_1449 = arith.constant 2 : i32
          %parallel_loop3A_1450 = arith.constant 0 : i32
          %parallel_loop3A_1451 = arith.constant 0 : i32
          %parallel_loop3A_1452 = arith.constant 0 : i32
          %parallel_loop3A_1453 = tpu.memref_slice %arg8[%parallel_loop3A_1449, %parallel_loop3A_1450, %parallel_loop3A_1451, %parallel_loop3A_1452] : memref<4x8x8x131xf32, #tpu.memory_space<vmem>> -> memref<1x8x8x131xf32, #tpu.memory_space<vmem>>
          %parallel_loop3A_1454 = tpu.memref_squeeze %parallel_loop3A_1453 : memref<1x8x8x131xf32, #tpu.memory_space<vmem>> -> memref<8x8x131xf32, #tpu.memory_space<vmem>>
          tpu.vector_store_idx %parallel_loop3A_1454[%select_n3A, %select_n3A_151, %parallel_loop3A_1443], %parallel_loop3A_1448 : memref<8x8x131xf32, #tpu.memory_space<vmem>>[vector<16xi32>, vector<16xi32>, vector<16xi32>], vector<16xf32>,
          %parallel_loop3A_1455 = arith.constant 2 : i32
          %parallel_loop3A_1456 = arith.index_cast %parallel_loop3A_1455 : i32 to index
          %parallel_loop3A_1457 = arith.index_cast %parallel_loop3A_1439 : i32 to index
          %parallel_loop3A_1458 = arith.constant 16 : index
          %parallel_loop3A_1459 = tpu.vector_load %arg7[%parallel_loop3A_1456, %parallel_loop3A_1457, %parallel_loop3A_1458] {strides = array<i32>} : memref<4x128x64xf32, #tpu.memory_space<vmem>>, vector<16xf32>,
          %parallel_loop3A_1460 = arith.constant 2 : i32
          %parallel_loop3A_1461 = arith.constant 0 : i32
          %parallel_loop3A_1462 = arith.constant 0 : i32
          %parallel_loop3A_1463 = arith.constant 0 : i32
          %parallel_loop3A_1464 = tpu.memref_slice %arg8[%parallel_loop3A_1460, %parallel_loop3A_1461, %parallel_loop3A_1462, %parallel_loop3A_1463] : memref<4x8x8x131xf32, #tpu.memory_space<vmem>> -> memref<1x8x8x131xf32, #tpu.memory_space<vmem>>
          %parallel_loop3A_1465 = tpu.memref_squeeze %parallel_loop3A_1464 : memref<1x8x8x131xf32, #tpu.memory_space<vmem>> -> memref<8x8x131xf32, #tpu.memory_space<vmem>>
          tpu.vector_store_idx %parallel_loop3A_1465[%select_n3A_60, %select_n3A_176, %parallel_loop3A_1443], %parallel_loop3A_1459 : memref<8x8x131xf32, #tpu.memory_space<vmem>>[vector<16xi32>, vector<16xi32>, vector<16xi32>], vector<16xf32>,
          %parallel_loop3A_1466 = arith.constant 2 : i32
          %parallel_loop3A_1467 = arith.index_cast %parallel_loop3A_1466 : i32 to index
          %parallel_loop3A_1468 = arith.index_cast %parallel_loop3A_1439 : i32 to index
          %parallel_loop3A_1469 = arith.constant 32 : index
          %parallel_loop3A_1470 = tpu.vector_load %arg7[%parallel_loop3A_1467, %parallel_loop3A_1468, %parallel_loop3A_1469] {strides = array<i32>} : memref<4x128x64xf32, #tpu.memory_space<vmem>>, vector<16xf32>,
          %parallel_loop3A_1471 = arith.constant 2 : i32
          %parallel_loop3A_1472 = arith.constant 0 : i32
          %parallel_loop3A_1473 = arith.constant 0 : i32
          %parallel_loop3A_1474 = arith.constant 0 : i32
          %parallel_loop3A_1475 = tpu.memref_slice %arg8[%parallel_loop3A_1471, %parallel_loop3A_1472, %parallel_loop3A_1473, %parallel_loop3A_1474] : memref<4x8x8x131xf32, #tpu.memory_space<vmem>> -> memref<1x8x8x131xf32, #tpu.memory_space<vmem>>
          %parallel_loop3A_1476 = tpu.memref_squeeze %parallel_loop3A_1475 : memref<1x8x8x131xf32, #tpu.memory_space<vmem>> -> memref<8x8x131xf32, #tpu.memory_space<vmem>>
          tpu.vector_store_idx %parallel_loop3A_1476[%select_n3A_94, %select_n3A_201, %parallel_loop3A_1443], %parallel_loop3A_1470 : memref<8x8x131xf32, #tpu.memory_space<vmem>>[vector<16xi32>, vector<16xi32>, vector<16xi32>], vector<16xf32>,
          %parallel_loop3A_1477 = arith.constant 2 : i32
          %parallel_loop3A_1478 = arith.index_cast %parallel_loop3A_1477 : i32 to index
          %parallel_loop3A_1479 = arith.index_cast %parallel_loop3A_1439 : i32 to index
          %parallel_loop3A_1480 = arith.constant 48 : index
          %parallel_loop3A_1481 = tpu.vector_load %arg7[%parallel_loop3A_1478, %parallel_loop3A_1479, %parallel_loop3A_1480] {strides = array<i32>} : memref<4x128x64xf32, #tpu.memory_space<vmem>>, vector<16xf32>,
          %parallel_loop3A_1482 = arith.constant 2 : i32
          %parallel_loop3A_1483 = arith.constant 0 : i32
          %parallel_loop3A_1484 = arith.constant 0 : i32
          %parallel_loop3A_1485 = arith.constant 0 : i32
          %parallel_loop3A_1486 = tpu.memref_slice %arg8[%parallel_loop3A_1482, %parallel_loop3A_1483, %parallel_loop3A_1484, %parallel_loop3A_1485] : memref<4x8x8x131xf32, #tpu.memory_space<vmem>> -> memref<1x8x8x131xf32, #tpu.memory_space<vmem>>
          %parallel_loop3A_1487 = tpu.memref_squeeze %parallel_loop3A_1486 : memref<1x8x8x131xf32, #tpu.memory_space<vmem>> -> memref<8x8x131xf32, #tpu.memory_space<vmem>>
          tpu.vector_store_idx %parallel_loop3A_1487[%select_n3A_128, %select_n3A_226, %parallel_loop3A_1443], %parallel_loop3A_1481 : memref<8x8x131xf32, #tpu.memory_space<vmem>>[vector<16xi32>, vector<16xi32>, vector<16xi32>], vector<16xf32>,
        } {sc.loop_unroll_factor = 4 : i64, sc.parallel_access}
        %add3A_1288 = arith.constant 4 : i32
        %add3A_1289 = arith.addi %add3A_1238, %add3A_1288 : i32
        %broadcast_in_dim3A_1290 = arith.constant 0 : i32
        %broadcast_in_dim3A_1291 = vector.broadcast %broadcast_in_dim3A_1290 : i32 to vector<16xi32>
        %add3A_1292 = vector.broadcast %add3A_1289 : i32 to vector<16xi32>
        %add3A_1293 = arith.addi %broadcast_in_dim3A_1291, %add3A_1292 : vector<16xi32>
        %parallel_loop3A_1294 = arith.constant 0 : i32
        %parallel_loop3A_1295 = arith.constant 8 : i32
        %parallel_loop3A_1296 = arith.constant 1 : i32
        scf.for %parallel_loop3A_1439 = %parallel_loop3A_1294 to %parallel_loop3A_1295 step %parallel_loop3A_1296  : i32 {
          %parallel_loop3A_1440 = arith.constant 16 : i32
          %parallel_loop3A_1441 = arith.muli %parallel_loop3A_1440, %parallel_loop3A_1439 : i32
          %parallel_loop3A_1442 = vector.broadcast %parallel_loop3A_1441 : i32 to vector<16xi32>
          %parallel_loop3A_1443 = arith.addi %iota3A, %parallel_loop3A_1442 : vector<16xi32>
          %parallel_loop3A_1444 = tpu.vector_load_idx %arg5[%parallel_loop3A_1443, %add3A_1293] : memref<128x201xi32, #tpu.memory_space<vmem>>[vector<16xi32>, vector<16xi32>], vector<16xi32>,
          %parallel_loop3A_1445 = arith.constant 16 : i32
          %parallel_loop3A_1446 = arith.muli %parallel_loop3A_1445, %parallel_loop3A_1439 : i32
          %parallel_loop3A_1447 = tpu.assume_multiple %parallel_loop3A_1446, 16 : i32
          %parallel_loop3A_1448 = arith.constant 2 : i32
          %parallel_loop3A_1449 = arith.index_cast %parallel_loop3A_1448 : i32 to index
          %parallel_loop3A_1450 = arith.index_cast %parallel_loop3A_1447 : i32 to index
          %parallel_loop3A_1451 = tpu.vector_load %arg6[%parallel_loop3A_1449, %parallel_loop3A_1450] {strides = array<i32>} : memref<4x128xi32, #tpu.memory_space<vmem>>, vector<16xi32>,
          tpu.vector_store %arg6[%parallel_loop3A_1449, %parallel_loop3A_1450], %parallel_loop3A_1444 {strides = array<i32>} : memref<4x128xi32, #tpu.memory_space<vmem>>, vector<16xi32>,
        } {sc.loop_unroll_factor = 1 : i64, sc.parallel_access}
        %dma_start3A_1297 = arith.constant 2 : i32
        %dma_start3A_1298 = arith.constant 2 : i32
        %dma_start3A_1299 = arith.constant 0 : i32
        %dma_start3A_1300 = arith.constant 0 : i32
        %dma_start3A_1301 = tpu.memref_slice %arg7[%dma_start3A_1298, %dma_start3A_1299, %dma_start3A_1300] : memref<4x128x64xf32, #tpu.memory_space<vmem>> -> memref<1x128x64xf32, #tpu.memory_space<vmem>>
        %dma_start3A_1302 = tpu.memref_squeeze %dma_start3A_1301 : memref<1x128x64xf32, #tpu.memory_space<vmem>> -> memref<128x64xf32, #tpu.memory_space<vmem>>
        %dma_start3A_1303 = arith.constant 0 : i32
        %dma_start3A_1304 = tpu.memref_slice %arg6[%dma_start3A_1297, %dma_start3A_1303] : memref<4x128xi32, #tpu.memory_space<vmem>> -> memref<1x128xi32, #tpu.memory_space<vmem>>
        %dma_start3A_1305 = tpu.memref_squeeze %dma_start3A_1304 : memref<1x128xi32, #tpu.memory_space<vmem>> -> memref<128xi32, #tpu.memory_space<vmem>>
        %dma_start3A_1306 = arith.constant 0 : i32
        %dma_start3A_1307 = arith.constant 0 : i32
        %dma_start3A_1308 = tpu.memref_slice %arg3[%dma_start3A_1306, %dma_start3A_1307] : memref<100000x64xf32, #tpu.memory_space<hbm>> -> memref<100000x64xf32, #tpu.memory_space<hbm>>
        tpu.enqueue_indirect_dma source(%dma_start3A_1308 : memref<100000x64xf32, #tpu.memory_space<hbm>>) target(%dma_start3A_1302 : memref<128x64xf32, #tpu.memory_space<vmem>>) offsets(%dma_start3A_1305 : memref<128xi32, #tpu.memory_space<vmem>>) semaphore(%arg11 : memref<!tpu.dma_semaphore, #tpu.memory_space<semaphore_mem>>)
        %dma_start3A_1309 = arith.constant 2 : i32
        %dma_start3A_1310 = arith.constant 0 : i32
        %dma_start3A_1311 = arith.constant 0 : i32
        %dma_start3A_1312 = arith.constant 0 : i32
        %dma_start3A_1313 = tpu.memref_slice %arg8[%dma_start3A_1309, %dma_start3A_1310, %dma_start3A_1311, %dma_start3A_1312] : memref<4x8x8x131xf32, #tpu.memory_space<vmem>> -> memref<1x8x8x131xf32, #tpu.memory_space<vmem>>
        %dma_start3A_1314 = tpu.memref_squeeze %dma_start3A_1313 : memref<1x8x8x131xf32, #tpu.memory_space<vmem>> -> memref<8x8x131xf32, #tpu.memory_space<vmem>>
        %dma_start3A_1315 = arith.constant 0 : i32
        %dma_start3A_1316 = arith.constant 0 : i32
        %dma_start3A_1317 = arith.constant 0 : i32
        %dma_start3A_1318 = tpu.memref_slice %dma_start3A_1314[%dma_start3A_1315, %dma_start3A_1316, %dma_start3A_1317] : memref<8x8x131xf32, #tpu.memory_space<vmem>> -> memref<8x8x128xf32, #tpu.memory_space<vmem>>
        %dma_start3A_1319 = arith.constant 0 : i32
        %dma_start3A_1320 = arith.constant 0 : i32
        %dma_start3A_1321 = arith.constant 0 : i32
        %dma_start3A_1322 = tpu.memref_slice %arg4[%add3A_1238, %dma_start3A_1319, %add3A_235, %dma_start3A_1320, %dma_start3A_1321] : memref<200x8x128x8x128xf32, #tpu.memory_space<hbm>> -> memref<1x8x1x8x128xf32, #tpu.memory_space<hbm>>
        %dma_start3A_1323 = tpu.memref_squeeze %dma_start3A_1322 : memref<1x8x1x8x128xf32, #tpu.memory_space<hbm>> -> memref<8x8x128xf32, #tpu.memory_space<hbm>>
        %dma_start3A_1324 = arith.constant 0 : i32
        %dma_start3A_1325 = arith.constant 0 : i32
        %dma_start3A_1326 = arith.constant 0 : i32
        %dma_start3A_1327 = tpu.memref_slice %arg4[%add3A_1238, %dma_start3A_1324, %add3A_235, %dma_start3A_1325, %dma_start3A_1326] : memref<200x8x128x8x128xf32, #tpu.memory_space<hbm>> -> memref<1x8x1x8x128xf32, #tpu.memory_space<hbm>>
        %dma_start3A_1328 = tpu.memref_squeeze %dma_start3A_1327 : memref<1x8x1x8x128xf32, #tpu.memory_space<hbm>> -> memref<8x8x128xf32, #tpu.memory_space<hbm>>
        %dma_start3A_1329 = arith.constant 0 : i32
        %dma_start3A_1330 = arith.constant 0 : i32
        %dma_start3A_1331 = arith.constant 0 : i32
        %dma_start3A_1332 = tpu.memref_slice %arg8[%dma_start3A_1309, %dma_start3A_1329, %dma_start3A_1330, %dma_start3A_1331] : memref<4x8x8x131xf32, #tpu.memory_space<vmem>> -> memref<1x8x8x131xf32, #tpu.memory_space<vmem>>
        %dma_start3A_1333 = tpu.memref_squeeze %dma_start3A_1332 : memref<1x8x8x131xf32, #tpu.memory_space<vmem>> -> memref<8x8x131xf32, #tpu.memory_space<vmem>>
        %dma_start3A_1334 = arith.constant 0 : i32
        %dma_start3A_1335 = arith.constant 0 : i32
        %dma_start3A_1336 = arith.constant 0 : i32
        %dma_start3A_1337 = tpu.memref_slice %dma_start3A_1333[%dma_start3A_1334, %dma_start3A_1335, %dma_start3A_1336] : memref<8x8x131xf32, #tpu.memory_space<vmem>> -> memref<8x8x128xf32, #tpu.memory_space<vmem>>
        tpu.enqueue_dma source(%dma_start3A_1337 : memref<8x8x128xf32, #tpu.memory_space<vmem>>) target(%dma_start3A_1328 : memref<8x8x128xf32, #tpu.memory_space<hbm>>) target_semaphore(%arg15 : memref<!tpu.dma_semaphore, #tpu.memory_space<semaphore_mem>>)
        %add3A_1338 = arith.constant 3 : i32
        %add3A_1339 = arith.addi %mul3A_1034, %add3A_1338 : i32
        %dma_wait3A_1340 = arith.constant 3 : i32
        %dma_wait3A_1341 = arith.constant 0 : i32
        %dma_wait3A_1342 = arith.constant 0 : i32
        %dma_wait3A_1343 = tpu.memref_slice %arg7[%dma_wait3A_1340, %dma_wait3A_1341, %dma_wait3A_1342] : memref<4x128x64xf32, #tpu.memory_space<vmem>> -> memref<1x128x64xf32, #tpu.memory_space<vmem>>
        %dma_wait3A_1344 = tpu.memref_squeeze %dma_wait3A_1343 : memref<1x128x64xf32, #tpu.memory_space<vmem>> -> memref<128x64xf32, #tpu.memory_space<vmem>>
        %dma_wait3A_1345 = arith.constant 0 : i32
        %dma_wait3A_1346 = arith.constant 0 : i32
        %dma_wait3A_1347 = tpu.memref_slice %arg3[%dma_wait3A_1345, %dma_wait3A_1346] : memref<100000x64xf32, #tpu.memory_space<hbm>> -> memref<128x64xf32, #tpu.memory_space<hbm>>
        %dma_wait3A_1348 = arith.constant 0 : i32
        %dma_wait3A_1349 = arith.constant 0 : i32
        %dma_wait3A_1350 = tpu.memref_slice %arg7[%dma_wait3A_1340, %dma_wait3A_1348, %dma_wait3A_1349] : memref<4x128x64xf32, #tpu.memory_space<vmem>> -> memref<1x128x64xf32, #tpu.memory_space<vmem>>
        %dma_wait3A_1351 = tpu.memref_squeeze %dma_wait3A_1350 : memref<1x128x64xf32, #tpu.memory_space<vmem>> -> memref<128x64xf32, #tpu.memory_space<vmem>>
        %dma_wait3A_1352 = arith.constant 0 : i32
        %dma_wait3A_1353 = arith.constant 0 : i32
        %dma_wait3A_1354 = tpu.memref_slice %arg3[%dma_wait3A_1352, %dma_wait3A_1353] : memref<100000x64xf32, #tpu.memory_space<hbm>> -> memref<128x64xf32, #tpu.memory_space<hbm>>
        tpu.wait_dma2 semaphore(%arg12 : memref<!tpu.dma_semaphore, #tpu.memory_space<semaphore_mem>>) src(%dma_wait3A_1354 : memref<128x64xf32, #tpu.memory_space<hbm>>) dst(%dma_wait3A_1351 : memref<128x64xf32, #tpu.memory_space<vmem>>)
        %dma_wait3A_1355 = arith.constant 0 : i32
        %dma_wait3A_1356 = arith.constant 0 : i32
        %dma_wait3A_1357 = arith.constant 3 : i32
        %dma_wait3A_1358 = arith.constant 0 : i32
        %dma_wait3A_1359 = arith.constant 0 : i32
        %dma_wait3A_1360 = arith.constant 0 : i32
        %dma_wait3A_1361 = tpu.memref_slice %arg8[%dma_wait3A_1357, %dma_wait3A_1358, %dma_wait3A_1359, %dma_wait3A_1360] : memref<4x8x8x131xf32, #tpu.memory_space<vmem>> -> memref<1x8x8x131xf32, #tpu.memory_space<vmem>>
        %dma_wait3A_1362 = tpu.memref_squeeze %dma_wait3A_1361 : memref<1x8x8x131xf32, #tpu.memory_space<vmem>> -> memref<8x8x131xf32, #tpu.memory_space<vmem>>
        %dma_wait3A_1363 = arith.constant 0 : i32
        %dma_wait3A_1364 = arith.constant 0 : i32
        %dma_wait3A_1365 = arith.constant 0 : i32
        %dma_wait3A_1366 = tpu.memref_slice %dma_wait3A_1362[%dma_wait3A_1363, %dma_wait3A_1364, %dma_wait3A_1365] : memref<8x8x131xf32, #tpu.memory_space<vmem>> -> memref<8x8x128xf32, #tpu.memory_space<vmem>>
        %dma_wait3A_1367 = arith.constant 0 : i32
        %dma_wait3A_1368 = arith.constant 0 : i32
        %dma_wait3A_1369 = arith.constant 0 : i32
        %dma_wait3A_1370 = tpu.memref_slice %arg4[%dma_wait3A_1355, %dma_wait3A_1367, %dma_wait3A_1356, %dma_wait3A_1368, %dma_wait3A_1369] : memref<200x8x128x8x128xf32, #tpu.memory_space<hbm>> -> memref<1x8x1x8x128xf32, #tpu.memory_space<hbm>>
        %dma_wait3A_1371 = tpu.memref_squeeze %dma_wait3A_1370 : memref<1x8x1x8x128xf32, #tpu.memory_space<hbm>> -> memref<8x8x128xf32, #tpu.memory_space<hbm>>
        %dma_wait3A_1372 = arith.constant 0 : i32
        %dma_wait3A_1373 = arith.constant 0 : i32
        %dma_wait3A_1374 = arith.constant 0 : i32
        %dma_wait3A_1375 = tpu.memref_slice %arg8[%dma_wait3A_1357, %dma_wait3A_1372, %dma_wait3A_1373, %dma_wait3A_1374] : memref<4x8x8x131xf32, #tpu.memory_space<vmem>> -> memref<1x8x8x131xf32, #tpu.memory_space<vmem>>
        %dma_wait3A_1376 = tpu.memref_squeeze %dma_wait3A_1375 : memref<1x8x8x131xf32, #tpu.memory_space<vmem>> -> memref<8x8x131xf32, #tpu.memory_space<vmem>>
        %dma_wait3A_1377 = arith.constant 0 : i32
        %dma_wait3A_1378 = arith.constant 0 : i32
        %dma_wait3A_1379 = arith.constant 0 : i32
        %dma_wait3A_1380 = tpu.memref_slice %dma_wait3A_1376[%dma_wait3A_1377, %dma_wait3A_1378, %dma_wait3A_1379] : memref<8x8x131xf32, #tpu.memory_space<vmem>> -> memref<8x8x128xf32, #tpu.memory_space<vmem>>
        %dma_wait3A_1381 = arith.constant 0 : i32
        %dma_wait3A_1382 = arith.constant 0 : i32
        %dma_wait3A_1383 = arith.constant 0 : i32
        %dma_wait3A_1384 = tpu.memref_slice %arg4[%dma_wait3A_1355, %dma_wait3A_1381, %dma_wait3A_1356, %dma_wait3A_1382, %dma_wait3A_1383] : memref<200x8x128x8x128xf32, #tpu.memory_space<hbm>> -> memref<1x8x1x8x128xf32, #tpu.memory_space<hbm>>
        %dma_wait3A_1385 = tpu.memref_squeeze %dma_wait3A_1384 : memref<1x8x1x8x128xf32, #tpu.memory_space<hbm>> -> memref<8x8x128xf32, #tpu.memory_space<hbm>>
        tpu.wait_dma2 semaphore(%arg16 : memref<!tpu.dma_semaphore, #tpu.memory_space<semaphore_mem>>) src(%dma_wait3A_1385 : memref<8x8x128xf32, #tpu.memory_space<hbm>>) dst(%dma_wait3A_1380 : memref<8x8x128xf32, #tpu.memory_space<vmem>>)
        %parallel_loop3A_1386 = arith.constant 0 : i32
        %parallel_loop3A_1387 = arith.constant 128 : i32
        %parallel_loop3A_1388 = arith.constant 1 : i32
        scf.for %parallel_loop3A_1439 = %parallel_loop3A_1386 to %parallel_loop3A_1387 step %parallel_loop3A_1388  : i32 {
          %parallel_loop3A_1440 = arith.constant 0 : i32
          %parallel_loop3A_1441 = vector.broadcast %parallel_loop3A_1440 : i32 to vector<16xi32>
          %parallel_loop3A_1442 = vector.broadcast %parallel_loop3A_1439 : i32 to vector<16xi32>
          %parallel_loop3A_1443 = arith.addi %parallel_loop3A_1441, %parallel_loop3A_1442 : vector<16xi32>
          %parallel_loop3A_1444 = arith.constant 3 : i32
          %parallel_loop3A_1445 = arith.index_cast %parallel_loop3A_1444 : i32 to index
          %parallel_loop3A_1446 = arith.index_cast %parallel_loop3A_1439 : i32 to index
          %parallel_loop3A_1447 = arith.constant 0 : index
          %parallel_loop3A_1448 = tpu.vector_load %arg7[%parallel_loop3A_1445, %parallel_loop3A_1446, %parallel_loop3A_1447] {strides = array<i32>} : memref<4x128x64xf32, #tpu.memory_space<vmem>>, vector<16xf32>,
          %parallel_loop3A_1449 = arith.constant 3 : i32
          %parallel_loop3A_1450 = arith.constant 0 : i32
          %parallel_loop3A_1451 = arith.constant 0 : i32
          %parallel_loop3A_1452 = arith.constant 0 : i32
          %parallel_loop3A_1453 = tpu.memref_slice %arg8[%parallel_loop3A_1449, %parallel_loop3A_1450, %parallel_loop3A_1451, %parallel_loop3A_1452] : memref<4x8x8x131xf32, #tpu.memory_space<vmem>> -> memref<1x8x8x131xf32, #tpu.memory_space<vmem>>
          %parallel_loop3A_1454 = tpu.memref_squeeze %parallel_loop3A_1453 : memref<1x8x8x131xf32, #tpu.memory_space<vmem>> -> memref<8x8x131xf32, #tpu.memory_space<vmem>>
          tpu.vector_store_idx %parallel_loop3A_1454[%select_n3A, %select_n3A_151, %parallel_loop3A_1443], %parallel_loop3A_1448 : memref<8x8x131xf32, #tpu.memory_space<vmem>>[vector<16xi32>, vector<16xi32>, vector<16xi32>], vector<16xf32>,
          %parallel_loop3A_1455 = arith.constant 3 : i32
          %parallel_loop3A_1456 = arith.index_cast %parallel_loop3A_1455 : i32 to index
          %parallel_loop3A_1457 = arith.index_cast %parallel_loop3A_1439 : i32 to index
          %parallel_loop3A_1458 = arith.constant 16 : index
          %parallel_loop3A_1459 = tpu.vector_load %arg7[%parallel_loop3A_1456, %parallel_loop3A_1457, %parallel_loop3A_1458] {strides = array<i32>} : memref<4x128x64xf32, #tpu.memory_space<vmem>>, vector<16xf32>,
          %parallel_loop3A_1460 = arith.constant 3 : i32
          %parallel_loop3A_1461 = arith.constant 0 : i32
          %parallel_loop3A_1462 = arith.constant 0 : i32
          %parallel_loop3A_1463 = arith.constant 0 : i32
          %parallel_loop3A_1464 = tpu.memref_slice %arg8[%parallel_loop3A_1460, %parallel_loop3A_1461, %parallel_loop3A_1462, %parallel_loop3A_1463] : memref<4x8x8x131xf32, #tpu.memory_space<vmem>> -> memref<1x8x8x131xf32, #tpu.memory_space<vmem>>
          %parallel_loop3A_1465 = tpu.memref_squeeze %parallel_loop3A_1464 : memref<1x8x8x131xf32, #tpu.memory_space<vmem>> -> memref<8x8x131xf32, #tpu.memory_space<vmem>>
          tpu.vector_store_idx %parallel_loop3A_1465[%select_n3A_60, %select_n3A_176, %parallel_loop3A_1443], %parallel_loop3A_1459 : memref<8x8x131xf32, #tpu.memory_space<vmem>>[vector<16xi32>, vector<16xi32>, vector<16xi32>], vector<16xf32>,
          %parallel_loop3A_1466 = arith.constant 3 : i32
          %parallel_loop3A_1467 = arith.index_cast %parallel_loop3A_1466 : i32 to index
          %parallel_loop3A_1468 = arith.index_cast %parallel_loop3A_1439 : i32 to index
          %parallel_loop3A_1469 = arith.constant 32 : index
          %parallel_loop3A_1470 = tpu.vector_load %arg7[%parallel_loop3A_1467, %parallel_loop3A_1468, %parallel_loop3A_1469] {strides = array<i32>} : memref<4x128x64xf32, #tpu.memory_space<vmem>>, vector<16xf32>,
          %parallel_loop3A_1471 = arith.constant 3 : i32
          %parallel_loop3A_1472 = arith.constant 0 : i32
          %parallel_loop3A_1473 = arith.constant 0 : i32
          %parallel_loop3A_1474 = arith.constant 0 : i32
          %parallel_loop3A_1475 = tpu.memref_slice %arg8[%parallel_loop3A_1471, %parallel_loop3A_1472, %parallel_loop3A_1473, %parallel_loop3A_1474] : memref<4x8x8x131xf32, #tpu.memory_space<vmem>> -> memref<1x8x8x131xf32, #tpu.memory_space<vmem>>
          %parallel_loop3A_1476 = tpu.memref_squeeze %parallel_loop3A_1475 : memref<1x8x8x131xf32, #tpu.memory_space<vmem>> -> memref<8x8x131xf32, #tpu.memory_space<vmem>>
          tpu.vector_store_idx %parallel_loop3A_1476[%select_n3A_94, %select_n3A_201, %parallel_loop3A_1443], %parallel_loop3A_1470 : memref<8x8x131xf32, #tpu.memory_space<vmem>>[vector<16xi32>, vector<16xi32>, vector<16xi32>], vector<16xf32>,
          %parallel_loop3A_1477 = arith.constant 3 : i32
          %parallel_loop3A_1478 = arith.index_cast %parallel_loop3A_1477 : i32 to index
          %parallel_loop3A_1479 = arith.index_cast %parallel_loop3A_1439 : i32 to index
          %parallel_loop3A_1480 = arith.constant 48 : index
          %parallel_loop3A_1481 = tpu.vector_load %arg7[%parallel_loop3A_1478, %parallel_loop3A_1479, %parallel_loop3A_1480] {strides = array<i32>} : memref<4x128x64xf32, #tpu.memory_space<vmem>>, vector<16xf32>,
          %parallel_loop3A_1482 = arith.constant 3 : i32
          %parallel_loop3A_1483 = arith.constant 0 : i32
          %parallel_loop3A_1484 = arith.constant 0 : i32
          %parallel_loop3A_1485 = arith.constant 0 : i32
          %parallel_loop3A_1486 = tpu.memref_slice %arg8[%parallel_loop3A_1482, %parallel_loop3A_1483, %parallel_loop3A_1484, %parallel_loop3A_1485] : memref<4x8x8x131xf32, #tpu.memory_space<vmem>> -> memref<1x8x8x131xf32, #tpu.memory_space<vmem>>
          %parallel_loop3A_1487 = tpu.memref_squeeze %parallel_loop3A_1486 : memref<1x8x8x131xf32, #tpu.memory_space<vmem>> -> memref<8x8x131xf32, #tpu.memory_space<vmem>>
          tpu.vector_store_idx %parallel_loop3A_1487[%select_n3A_128, %select_n3A_226, %parallel_loop3A_1443], %parallel_loop3A_1481 : memref<8x8x131xf32, #tpu.memory_space<vmem>>[vector<16xi32>, vector<16xi32>, vector<16xi32>], vector<16xf32>,
        } {sc.loop_unroll_factor = 4 : i64, sc.parallel_access}
        %add3A_1389 = arith.constant 4 : i32
        %add3A_1390 = arith.addi %add3A_1339, %add3A_1389 : i32
        %broadcast_in_dim3A_1391 = arith.constant 0 : i32
        %broadcast_in_dim3A_1392 = vector.broadcast %broadcast_in_dim3A_1391 : i32 to vector<16xi32>
        %add3A_1393 = vector.broadcast %add3A_1390 : i32 to vector<16xi32>
        %add3A_1394 = arith.addi %broadcast_in_dim3A_1392, %add3A_1393 : vector<16xi32>
        %parallel_loop3A_1395 = arith.constant 0 : i32
        %parallel_loop3A_1396 = arith.constant 8 : i32
        %parallel_loop3A_1397 = arith.constant 1 : i32
        scf.for %parallel_loop3A_1439 = %parallel_loop3A_1395 to %parallel_loop3A_1396 step %parallel_loop3A_1397  : i32 {
          %parallel_loop3A_1440 = arith.constant 16 : i32
          %parallel_loop3A_1441 = arith.muli %parallel_loop3A_1440, %parallel_loop3A_1439 : i32
          %parallel_loop3A_1442 = vector.broadcast %parallel_loop3A_1441 : i32 to vector<16xi32>
          %parallel_loop3A_1443 = arith.addi %iota3A, %parallel_loop3A_1442 : vector<16xi32>
          %parallel_loop3A_1444 = tpu.vector_load_idx %arg5[%parallel_loop3A_1443, %add3A_1394] : memref<128x201xi32, #tpu.memory_space<vmem>>[vector<16xi32>, vector<16xi32>], vector<16xi32>,
          %parallel_loop3A_1445 = arith.constant 16 : i32
          %parallel_loop3A_1446 = arith.muli %parallel_loop3A_1445, %parallel_loop3A_1439 : i32
          %parallel_loop3A_1447 = tpu.assume_multiple %parallel_loop3A_1446, 16 : i32
          %parallel_loop3A_1448 = arith.constant 3 : i32
          %parallel_loop3A_1449 = arith.index_cast %parallel_loop3A_1448 : i32 to index
          %parallel_loop3A_1450 = arith.index_cast %parallel_loop3A_1447 : i32 to index
          %parallel_loop3A_1451 = tpu.vector_load %arg6[%parallel_loop3A_1449, %parallel_loop3A_1450] {strides = array<i32>} : memref<4x128xi32, #tpu.memory_space<vmem>>, vector<16xi32>,
          tpu.vector_store %arg6[%parallel_loop3A_1449, %parallel_loop3A_1450], %parallel_loop3A_1444 {strides = array<i32>} : memref<4x128xi32, #tpu.memory_space<vmem>>, vector<16xi32>,
        } {sc.loop_unroll_factor = 1 : i64, sc.parallel_access}
        %dma_start3A_1398 = arith.constant 3 : i32
        %dma_start3A_1399 = arith.constant 3 : i32
        %dma_start3A_1400 = arith.constant 0 : i32
        %dma_start3A_1401 = arith.constant 0 : i32
        %dma_start3A_1402 = tpu.memref_slice %arg7[%dma_start3A_1399, %dma_start3A_1400, %dma_start3A_1401] : memref<4x128x64xf32, #tpu.memory_space<vmem>> -> memref<1x128x64xf32, #tpu.memory_space<vmem>>
        %dma_start3A_1403 = tpu.memref_squeeze %dma_start3A_1402 : memref<1x128x64xf32, #tpu.memory_space<vmem>> -> memref<128x64xf32, #tpu.memory_space<vmem>>
        %dma_start3A_1404 = arith.constant 0 : i32
        %dma_start3A_1405 = tpu.memref_slice %arg6[%dma_start3A_1398, %dma_start3A_1404] : memref<4x128xi32, #tpu.memory_space<vmem>> -> memref<1x128xi32, #tpu.memory_space<vmem>>
        %dma_start3A_1406 = tpu.memref_squeeze %dma_start3A_1405 : memref<1x128xi32, #tpu.memory_space<vmem>> -> memref<128xi32, #tpu.memory_space<vmem>>
        %dma_start3A_1407 = arith.constant 0 : i32
        %dma_start3A_1408 = arith.constant 0 : i32
        %dma_start3A_1409 = tpu.memref_slice %arg3[%dma_start3A_1407, %dma_start3A_1408] : memref<100000x64xf32, #tpu.memory_space<hbm>> -> memref<100000x64xf32, #tpu.memory_space<hbm>>
        tpu.enqueue_indirect_dma source(%dma_start3A_1409 : memref<100000x64xf32, #tpu.memory_space<hbm>>) target(%dma_start3A_1403 : memref<128x64xf32, #tpu.memory_space<vmem>>) offsets(%dma_start3A_1406 : memref<128xi32, #tpu.memory_space<vmem>>) semaphore(%arg12 : memref<!tpu.dma_semaphore, #tpu.memory_space<semaphore_mem>>)
        %dma_start3A_1410 = arith.constant 3 : i32
        %dma_start3A_1411 = arith.constant 0 : i32
        %dma_start3A_1412 = arith.constant 0 : i32
        %dma_start3A_1413 = arith.constant 0 : i32
        %dma_start3A_1414 = tpu.memref_slice %arg8[%dma_start3A_1410, %dma_start3A_1411, %dma_start3A_1412, %dma_start3A_1413] : memref<4x8x8x131xf32, #tpu.memory_space<vmem>> -> memref<1x8x8x131xf32, #tpu.memory_space<vmem>>
        %dma_start3A_1415 = tpu.memref_squeeze %dma_start3A_1414 : memref<1x8x8x131xf32, #tpu.memory_space<vmem>> -> memref<8x8x131xf32, #tpu.memory_space<vmem>>
        %dma_start3A_1416 = arith.constant 0 : i32
        %dma_start3A_1417 = arith.constant 0 : i32
        %dma_start3A_1418 = arith.constant 0 : i32
        %dma_start3A_1419 = tpu.memref_slice %dma_start3A_1415[%dma_start3A_1416, %dma_start3A_1417, %dma_start3A_1418] : memref<8x8x131xf32, #tpu.memory_space<vmem>> -> memref<8x8x128xf32, #tpu.memory_space<vmem>>
        %dma_start3A_1420 = arith.constant 0 : i32
        %dma_start3A_1421 = arith.constant 0 : i32
        %dma_start3A_1422 = arith.constant 0 : i32
        %dma_start3A_1423 = tpu.memref_slice %arg4[%add3A_1339, %dma_start3A_1420, %add3A_235, %dma_start3A_1421, %dma_start3A_1422] : memref<200x8x128x8x128xf32, #tpu.memory_space<hbm>> -> memref<1x8x1x8x128xf32, #tpu.memory_space<hbm>>
        %dma_start3A_1424 = tpu.memref_squeeze %dma_start3A_1423 : memref<1x8x1x8x128xf32, #tpu.memory_space<hbm>> -> memref<8x8x128xf32, #tpu.memory_space<hbm>>
        %dma_start3A_1425 = arith.constant 0 : i32
        %dma_start3A_1426 = arith.constant 0 : i32
        %dma_start3A_1427 = arith.constant 0 : i32
        %dma_start3A_1428 = tpu.memref_slice %arg4[%add3A_1339, %dma_start3A_1425, %add3A_235, %dma_start3A_1426, %dma_start3A_1427] : memref<200x8x128x8x128xf32, #tpu.memory_space<hbm>> -> memref<1x8x1x8x128xf32, #tpu.memory_space<hbm>>
        %dma_start3A_1429 = tpu.memref_squeeze %dma_start3A_1428 : memref<1x8x1x8x128xf32, #tpu.memory_space<hbm>> -> memref<8x8x128xf32, #tpu.memory_space<hbm>>
        %dma_start3A_1430 = arith.constant 0 : i32
        %dma_start3A_1431 = arith.constant 0 : i32
        %dma_start3A_1432 = arith.constant 0 : i32
        %dma_start3A_1433 = tpu.memref_slice %arg8[%dma_start3A_1410, %dma_start3A_1430, %dma_start3A_1431, %dma_start3A_1432] : memref<4x8x8x131xf32, #tpu.memory_space<vmem>> -> memref<1x8x8x131xf32, #tpu.memory_space<vmem>>
        %dma_start3A_1434 = tpu.memref_squeeze %dma_start3A_1433 : memref<1x8x8x131xf32, #tpu.memory_space<vmem>> -> memref<8x8x131xf32, #tpu.memory_space<vmem>>
        %dma_start3A_1435 = arith.constant 0 : i32
        %dma_start3A_1436 = arith.constant 0 : i32
        %dma_start3A_1437 = arith.constant 0 : i32
        %dma_start3A_1438 = tpu.memref_slice %dma_start3A_1434[%dma_start3A_1435, %dma_start3A_1436, %dma_start3A_1437] : memref<8x8x131xf32, #tpu.memory_space<vmem>> -> memref<8x8x128xf32, #tpu.memory_space<vmem>>
        tpu.enqueue_dma source(%dma_start3A_1438 : memref<8x8x128xf32, #tpu.memory_space<vmem>>) target(%dma_start3A_1429 : memref<8x8x128xf32, #tpu.memory_space<hbm>>) target_semaphore(%arg16 : memref<!tpu.dma_semaphore, #tpu.memory_space<semaphore_mem>>)
      }
      %scan3A_591 = arith.constant 48 : i32
      %dma_wait3A_592 = arith.constant 0 : i32
      %dma_wait3A_593 = arith.constant 0 : i32
      %dma_wait3A_594 = arith.constant 0 : i32
      %dma_wait3A_595 = tpu.memref_slice %arg7[%dma_wait3A_592, %dma_wait3A_593, %dma_wait3A_594] : memref<4x128x64xf32, #tpu.memory_space<vmem>> -> memref<1x128x64xf32, #tpu.memory_space<vmem>>
      %dma_wait3A_596 = tpu.memref_squeeze %dma_wait3A_595 : memref<1x128x64xf32, #tpu.memory_space<vmem>> -> memref<128x64xf32, #tpu.memory_space<vmem>>
      %dma_wait3A_597 = arith.constant 0 : i32
      %dma_wait3A_598 = arith.constant 0 : i32
      %dma_wait3A_599 = tpu.memref_slice %arg3[%dma_wait3A_597, %dma_wait3A_598] : memref<100000x64xf32, #tpu.memory_space<hbm>> -> memref<128x64xf32, #tpu.memory_space<hbm>>
      %dma_wait3A_600 = arith.constant 0 : i32
      %dma_wait3A_601 = arith.constant 0 : i32
      %dma_wait3A_602 = tpu.memref_slice %arg7[%dma_wait3A_592, %dma_wait3A_600, %dma_wait3A_601] : memref<4x128x64xf32, #tpu.memory_space<vmem>> -> memref<1x128x64xf32, #tpu.memory_space<vmem>>
      %dma_wait3A_603 = tpu.memref_squeeze %dma_wait3A_602 : memref<1x128x64xf32, #tpu.memory_space<vmem>> -> memref<128x64xf32, #tpu.memory_space<vmem>>
      %dma_wait3A_604 = arith.constant 0 : i32
      %dma_wait3A_605 = arith.constant 0 : i32
      %dma_wait3A_606 = tpu.memref_slice %arg3[%dma_wait3A_604, %dma_wait3A_605] : memref<100000x64xf32, #tpu.memory_space<hbm>> -> memref<128x64xf32, #tpu.memory_space<hbm>>
      tpu.wait_dma2 semaphore(%arg9 : memref<!tpu.dma_semaphore, #tpu.memory_space<semaphore_mem>>) src(%dma_wait3A_606 : memref<128x64xf32, #tpu.memory_space<hbm>>) dst(%dma_wait3A_603 : memref<128x64xf32, #tpu.memory_space<vmem>>)
      %dma_wait3A_607 = arith.constant 0 : i32
      %dma_wait3A_608 = arith.constant 0 : i32
      %dma_wait3A_609 = arith.constant 0 : i32
      %dma_wait3A_610 = arith.constant 0 : i32
      %dma_wait3A_611 = arith.constant 0 : i32
      %dma_wait3A_612 = arith.constant 0 : i32
      %dma_wait3A_613 = tpu.memref_slice %arg8[%dma_wait3A_609, %dma_wait3A_610, %dma_wait3A_611, %dma_wait3A_612] : memref<4x8x8x131xf32, #tpu.memory_space<vmem>> -> memref<1x8x8x131xf32, #tpu.memory_space<vmem>>
      %dma_wait3A_614 = tpu.memref_squeeze %dma_wait3A_613 : memref<1x8x8x131xf32, #tpu.memory_space<vmem>> -> memref<8x8x131xf32, #tpu.memory_space<vmem>>
      %dma_wait3A_615 = arith.constant 0 : i32
      %dma_wait3A_616 = arith.constant 0 : i32
      %dma_wait3A_617 = arith.constant 0 : i32
      %dma_wait3A_618 = tpu.memref_slice %dma_wait3A_614[%dma_wait3A_615, %dma_wait3A_616, %dma_wait3A_617] : memref<8x8x131xf32, #tpu.memory_space<vmem>> -> memref<8x8x128xf32, #tpu.memory_space<vmem>>
      %dma_wait3A_619 = arith.constant 0 : i32
      %dma_wait3A_620 = arith.constant 0 : i32
      %dma_wait3A_621 = arith.constant 0 : i32
      %dma_wait3A_622 = tpu.memref_slice %arg4[%dma_wait3A_607, %dma_wait3A_619, %dma_wait3A_608, %dma_wait3A_620, %dma_wait3A_621] : memref<200x8x128x8x128xf32, #tpu.memory_space<hbm>> -> memref<1x8x1x8x128xf32, #tpu.memory_space<hbm>>
      %dma_wait3A_623 = tpu.memref_squeeze %dma_wait3A_622 : memref<1x8x1x8x128xf32, #tpu.memory_space<hbm>> -> memref<8x8x128xf32, #tpu.memory_space<hbm>>
      %dma_wait3A_624 = arith.constant 0 : i32
      %dma_wait3A_625 = arith.constant 0 : i32
      %dma_wait3A_626 = arith.constant 0 : i32
      %dma_wait3A_627 = tpu.memref_slice %arg8[%dma_wait3A_609, %dma_wait3A_624, %dma_wait3A_625, %dma_wait3A_626] : memref<4x8x8x131xf32, #tpu.memory_space<vmem>> -> memref<1x8x8x131xf32, #tpu.memory_space<vmem>>
      %dma_wait3A_628 = tpu.memref_squeeze %dma_wait3A_627 : memref<1x8x8x131xf32, #tpu.memory_space<vmem>> -> memref<8x8x131xf32, #tpu.memory_space<vmem>>
      %dma_wait3A_629 = arith.constant 0 : i32
      %dma_wait3A_630 = arith.constant 0 : i32
      %dma_wait3A_631 = arith.constant 0 : i32
      %dma_wait3A_632 = tpu.memref_slice %dma_wait3A_628[%dma_wait3A_629, %dma_wait3A_630, %dma_wait3A_631] : memref<8x8x131xf32, #tpu.memory_space<vmem>> -> memref<8x8x128xf32, #tpu.memory_space<vmem>>
      %dma_wait3A_633 = arith.constant 0 : i32
      %dma_wait3A_634 = arith.constant 0 : i32
      %dma_wait3A_635 = arith.constant 0 : i32
      %dma_wait3A_636 = tpu.memref_slice %arg4[%dma_wait3A_607, %dma_wait3A_633, %dma_wait3A_608, %dma_wait3A_634, %dma_wait3A_635] : memref<200x8x128x8x128xf32, #tpu.memory_space<hbm>> -> memref<1x8x1x8x128xf32, #tpu.memory_space<hbm>>
      %dma_wait3A_637 = tpu.memref_squeeze %dma_wait3A_636 : memref<1x8x1x8x128xf32, #tpu.memory_space<hbm>> -> memref<8x8x128xf32, #tpu.memory_space<hbm>>
      tpu.wait_dma2 semaphore(%arg13 : memref<!tpu.dma_semaphore, #tpu.memory_space<semaphore_mem>>) src(%dma_wait3A_637 : memref<8x8x128xf32, #tpu.memory_space<hbm>>) dst(%dma_wait3A_632 : memref<8x8x128xf32, #tpu.memory_space<vmem>>)
      %parallel_loop3A_638 = arith.constant 0 : i32
      %parallel_loop3A_639 = arith.constant 128 : i32
      %parallel_loop3A_640 = arith.constant 1 : i32
      scf.for %parallel_loop3A_1032 = %parallel_loop3A_638 to %parallel_loop3A_639 step %parallel_loop3A_640  : i32 {
        %parallel_loop3A_1033 = arith.constant 0 : i32
        %parallel_loop3A_1034 = vector.broadcast %parallel_loop3A_1033 : i32 to vector<16xi32>
        %parallel_loop3A_1035 = vector.broadcast %parallel_loop3A_1032 : i32 to vector<16xi32>
        %parallel_loop3A_1036 = arith.addi %parallel_loop3A_1034, %parallel_loop3A_1035 : vector<16xi32>
        %parallel_loop3A_1037 = arith.constant 0 : i32
        %parallel_loop3A_1038 = arith.index_cast %parallel_loop3A_1037 : i32 to index
        %parallel_loop3A_1039 = arith.index_cast %parallel_loop3A_1032 : i32 to index
        %parallel_loop3A_1040 = arith.constant 0 : index
        %parallel_loop3A_1041 = tpu.vector_load %arg7[%parallel_loop3A_1038, %parallel_loop3A_1039, %parallel_loop3A_1040] {strides = array<i32>} : memref<4x128x64xf32, #tpu.memory_space<vmem>>, vector<16xf32>,
        %parallel_loop3A_1042 = arith.constant 0 : i32
        %parallel_loop3A_1043 = arith.constant 0 : i32
        %parallel_loop3A_1044 = arith.constant 0 : i32
        %parallel_loop3A_1045 = arith.constant 0 : i32
        %parallel_loop3A_1046 = tpu.memref_slice %arg8[%parallel_loop3A_1042, %parallel_loop3A_1043, %parallel_loop3A_1044, %parallel_loop3A_1045] : memref<4x8x8x131xf32, #tpu.memory_space<vmem>> -> memref<1x8x8x131xf32, #tpu.memory_space<vmem>>
        %parallel_loop3A_1047 = tpu.memref_squeeze %parallel_loop3A_1046 : memref<1x8x8x131xf32, #tpu.memory_space<vmem>> -> memref<8x8x131xf32, #tpu.memory_space<vmem>>
        tpu.vector_store_idx %parallel_loop3A_1047[%select_n3A, %select_n3A_151, %parallel_loop3A_1036], %parallel_loop3A_1041 : memref<8x8x131xf32, #tpu.memory_space<vmem>>[vector<16xi32>, vector<16xi32>, vector<16xi32>], vector<16xf32>,
        %parallel_loop3A_1048 = arith.constant 0 : i32
        %parallel_loop3A_1049 = arith.index_cast %parallel_loop3A_1048 : i32 to index
        %parallel_loop3A_1050 = arith.index_cast %parallel_loop3A_1032 : i32 to index
        %parallel_loop3A_1051 = arith.constant 16 : index
        %parallel_loop3A_1052 = tpu.vector_load %arg7[%parallel_loop3A_1049, %parallel_loop3A_1050, %parallel_loop3A_1051] {strides = array<i32>} : memref<4x128x64xf32, #tpu.memory_space<vmem>>, vector<16xf32>,
        %parallel_loop3A_1053 = arith.constant 0 : i32
        %parallel_loop3A_1054 = arith.constant 0 : i32
        %parallel_loop3A_1055 = arith.constant 0 : i32
        %parallel_loop3A_1056 = arith.constant 0 : i32
        %parallel_loop3A_1057 = tpu.memref_slice %arg8[%parallel_loop3A_1053, %parallel_loop3A_1054, %parallel_loop3A_1055, %parallel_loop3A_1056] : memref<4x8x8x131xf32, #tpu.memory_space<vmem>> -> memref<1x8x8x131xf32, #tpu.memory_space<vmem>>
        %parallel_loop3A_1058 = tpu.memref_squeeze %parallel_loop3A_1057 : memref<1x8x8x131xf32, #tpu.memory_space<vmem>> -> memref<8x8x131xf32, #tpu.memory_space<vmem>>
        tpu.vector_store_idx %parallel_loop3A_1058[%select_n3A_60, %select_n3A_176, %parallel_loop3A_1036], %parallel_loop3A_1052 : memref<8x8x131xf32, #tpu.memory_space<vmem>>[vector<16xi32>, vector<16xi32>, vector<16xi32>], vector<16xf32>,
        %parallel_loop3A_1059 = arith.constant 0 : i32
        %parallel_loop3A_1060 = arith.index_cast %parallel_loop3A_1059 : i32 to index
        %parallel_loop3A_1061 = arith.index_cast %parallel_loop3A_1032 : i32 to index
        %parallel_loop3A_1062 = arith.constant 32 : index
        %parallel_loop3A_1063 = tpu.vector_load %arg7[%parallel_loop3A_1060, %parallel_loop3A_1061, %parallel_loop3A_1062] {strides = array<i32>} : memref<4x128x64xf32, #tpu.memory_space<vmem>>, vector<16xf32>,
        %parallel_loop3A_1064 = arith.constant 0 : i32
        %parallel_loop3A_1065 = arith.constant 0 : i32
        %parallel_loop3A_1066 = arith.constant 0 : i32
        %parallel_loop3A_1067 = arith.constant 0 : i32
        %parallel_loop3A_1068 = tpu.memref_slice %arg8[%parallel_loop3A_1064, %parallel_loop3A_1065, %parallel_loop3A_1066, %parallel_loop3A_1067] : memref<4x8x8x131xf32, #tpu.memory_space<vmem>> -> memref<1x8x8x131xf32, #tpu.memory_space<vmem>>
        %parallel_loop3A_1069 = tpu.memref_squeeze %parallel_loop3A_1068 : memref<1x8x8x131xf32, #tpu.memory_space<vmem>> -> memref<8x8x131xf32, #tpu.memory_space<vmem>>
        tpu.vector_store_idx %parallel_loop3A_1069[%select_n3A_94, %select_n3A_201, %parallel_loop3A_1036], %parallel_loop3A_1063 : memref<8x8x131xf32, #tpu.memory_space<vmem>>[vector<16xi32>, vector<16xi32>, vector<16xi32>], vector<16xf32>,
        %parallel_loop3A_1070 = arith.constant 0 : i32
        %parallel_loop3A_1071 = arith.index_cast %parallel_loop3A_1070 : i32 to index
        %parallel_loop3A_1072 = arith.index_cast %parallel_loop3A_1032 : i32 to index
        %parallel_loop3A_1073 = arith.constant 48 : index
        %parallel_loop3A_1074 = tpu.vector_load %arg7[%parallel_loop3A_1071, %parallel_loop3A_1072, %parallel_loop3A_1073] {strides = array<i32>} : memref<4x128x64xf32, #tpu.memory_space<vmem>>, vector<16xf32>,
        %parallel_loop3A_1075 = arith.constant 0 : i32
        %parallel_loop3A_1076 = arith.constant 0 : i32
        %parallel_loop3A_1077 = arith.constant 0 : i32
        %parallel_loop3A_1078 = arith.constant 0 : i32
        %parallel_loop3A_1079 = tpu.memref_slice %arg8[%parallel_loop3A_1075, %parallel_loop3A_1076, %parallel_loop3A_1077, %parallel_loop3A_1078] : memref<4x8x8x131xf32, #tpu.memory_space<vmem>> -> memref<1x8x8x131xf32, #tpu.memory_space<vmem>>
        %parallel_loop3A_1080 = tpu.memref_squeeze %parallel_loop3A_1079 : memref<1x8x8x131xf32, #tpu.memory_space<vmem>> -> memref<8x8x131xf32, #tpu.memory_space<vmem>>
        tpu.vector_store_idx %parallel_loop3A_1080[%select_n3A_128, %select_n3A_226, %parallel_loop3A_1036], %parallel_loop3A_1074 : memref<8x8x131xf32, #tpu.memory_space<vmem>>[vector<16xi32>, vector<16xi32>, vector<16xi32>], vector<16xf32>,
      } {sc.loop_unroll_factor = 4 : i64, sc.parallel_access}
      %dma_start3A_641 = arith.constant 0 : i32
      %dma_start3A_642 = arith.constant 196 : i32
      %dma_start3A_643 = arith.constant 0 : i32
      %dma_start3A_644 = arith.constant 0 : i32
      %dma_start3A_645 = arith.constant 0 : i32
      %dma_start3A_646 = tpu.memref_slice %arg8[%dma_start3A_641, %dma_start3A_643, %dma_start3A_644, %dma_start3A_645] : memref<4x8x8x131xf32, #tpu.memory_space<vmem>> -> memref<1x8x8x131xf32, #tpu.memory_space<vmem>>
      %dma_start3A_647 = tpu.memref_squeeze %dma_start3A_646 : memref<1x8x8x131xf32, #tpu.memory_space<vmem>> -> memref<8x8x131xf32, #tpu.memory_space<vmem>>
      %dma_start3A_648 = arith.constant 0 : i32
      %dma_start3A_649 = arith.constant 0 : i32
      %dma_start3A_650 = arith.constant 0 : i32
      %dma_start3A_651 = tpu.memref_slice %dma_start3A_647[%dma_start3A_648, %dma_start3A_649, %dma_start3A_650] : memref<8x8x131xf32, #tpu.memory_space<vmem>> -> memref<8x8x128xf32, #tpu.memory_space<vmem>>
      %dma_start3A_652 = arith.constant 0 : i32
      %dma_start3A_653 = arith.constant 0 : i32
      %dma_start3A_654 = arith.constant 0 : i32
      %dma_start3A_655 = tpu.memref_slice %arg4[%dma_start3A_642, %dma_start3A_652, %add3A_235, %dma_start3A_653, %dma_start3A_654] : memref<200x8x128x8x128xf32, #tpu.memory_space<hbm>> -> memref<1x8x1x8x128xf32, #tpu.memory_space<hbm>>
      %dma_start3A_656 = tpu.memref_squeeze %dma_start3A_655 : memref<1x8x1x8x128xf32, #tpu.memory_space<hbm>> -> memref<8x8x128xf32, #tpu.memory_space<hbm>>
      %dma_start3A_657 = arith.constant 0 : i32
      %dma_start3A_658 = arith.constant 0 : i32
      %dma_start3A_659 = arith.constant 0 : i32
      %dma_start3A_660 = tpu.memref_slice %arg4[%dma_start3A_642, %dma_start3A_657, %add3A_235, %dma_start3A_658, %dma_start3A_659] : memref<200x8x128x8x128xf32, #tpu.memory_space<hbm>> -> memref<1x8x1x8x128xf32, #tpu.memory_space<hbm>>
      %dma_start3A_661 = tpu.memref_squeeze %dma_start3A_660 : memref<1x8x1x8x128xf32, #tpu.memory_space<hbm>> -> memref<8x8x128xf32, #tpu.memory_space<hbm>>
      %dma_start3A_662 = arith.constant 0 : i32
      %dma_start3A_663 = arith.constant 0 : i32
      %dma_start3A_664 = arith.constant 0 : i32
      %dma_start3A_665 = tpu.memref_slice %arg8[%dma_start3A_641, %dma_start3A_662, %dma_start3A_663, %dma_start3A_664] : memref<4x8x8x131xf32, #tpu.memory_space<vmem>> -> memref<1x8x8x131xf32, #tpu.memory_space<vmem>>
      %dma_start3A_666 = tpu.memref_squeeze %dma_start3A_665 : memref<1x8x8x131xf32, #tpu.memory_space<vmem>> -> memref<8x8x131xf32, #tpu.memory_space<vmem>>
      %dma_start3A_667 = arith.constant 0 : i32
      %dma_start3A_668 = arith.constant 0 : i32
      %dma_start3A_669 = arith.constant 0 : i32
      %dma_start3A_670 = tpu.memref_slice %dma_start3A_666[%dma_start3A_667, %dma_start3A_668, %dma_start3A_669] : memref<8x8x131xf32, #tpu.memory_space<vmem>> -> memref<8x8x128xf32, #tpu.memory_space<vmem>>
      tpu.enqueue_dma source(%dma_start3A_670 : memref<8x8x128xf32, #tpu.memory_space<vmem>>) target(%dma_start3A_661 : memref<8x8x128xf32, #tpu.memory_space<hbm>>) target_semaphore(%arg13 : memref<!tpu.dma_semaphore, #tpu.memory_space<semaphore_mem>>)
      %dma_wait3A_671 = arith.constant 1 : i32
      %dma_wait3A_672 = arith.constant 0 : i32
      %dma_wait3A_673 = arith.constant 0 : i32
      %dma_wait3A_674 = tpu.memref_slice %arg7[%dma_wait3A_671, %dma_wait3A_672, %dma_wait3A_673] : memref<4x128x64xf32, #tpu.memory_space<vmem>> -> memref<1x128x64xf32, #tpu.memory_space<vmem>>
      %dma_wait3A_675 = tpu.memref_squeeze %dma_wait3A_674 : memref<1x128x64xf32, #tpu.memory_space<vmem>> -> memref<128x64xf32, #tpu.memory_space<vmem>>
      %dma_wait3A_676 = arith.constant 0 : i32
      %dma_wait3A_677 = arith.constant 0 : i32
      %dma_wait3A_678 = tpu.memref_slice %arg3[%dma_wait3A_676, %dma_wait3A_677] : memref<100000x64xf32, #tpu.memory_space<hbm>> -> memref<128x64xf32, #tpu.memory_space<hbm>>
      %dma_wait3A_679 = arith.constant 0 : i32
      %dma_wait3A_680 = arith.constant 0 : i32
      %dma_wait3A_681 = tpu.memref_slice %arg7[%dma_wait3A_671, %dma_wait3A_679, %dma_wait3A_680] : memref<4x128x64xf32, #tpu.memory_space<vmem>> -> memref<1x128x64xf32, #tpu.memory_space<vmem>>
      %dma_wait3A_682 = tpu.memref_squeeze %dma_wait3A_681 : memref<1x128x64xf32, #tpu.memory_space<vmem>> -> memref<128x64xf32, #tpu.memory_space<vmem>>
      %dma_wait3A_683 = arith.constant 0 : i32
      %dma_wait3A_684 = arith.constant 0 : i32
      %dma_wait3A_685 = tpu.memref_slice %arg3[%dma_wait3A_683, %dma_wait3A_684] : memref<100000x64xf32, #tpu.memory_space<hbm>> -> memref<128x64xf32, #tpu.memory_space<hbm>>
      tpu.wait_dma2 semaphore(%arg10 : memref<!tpu.dma_semaphore, #tpu.memory_space<semaphore_mem>>) src(%dma_wait3A_685 : memref<128x64xf32, #tpu.memory_space<hbm>>) dst(%dma_wait3A_682 : memref<128x64xf32, #tpu.memory_space<vmem>>)
      %dma_wait3A_686 = arith.constant 0 : i32
      %dma_wait3A_687 = arith.constant 0 : i32
      %dma_wait3A_688 = arith.constant 1 : i32
      %dma_wait3A_689 = arith.constant 0 : i32
      %dma_wait3A_690 = arith.constant 0 : i32
      %dma_wait3A_691 = arith.constant 0 : i32
      %dma_wait3A_692 = tpu.memref_slice %arg8[%dma_wait3A_688, %dma_wait3A_689, %dma_wait3A_690, %dma_wait3A_691] : memref<4x8x8x131xf32, #tpu.memory_space<vmem>> -> memref<1x8x8x131xf32, #tpu.memory_space<vmem>>
      %dma_wait3A_693 = tpu.memref_squeeze %dma_wait3A_692 : memref<1x8x8x131xf32, #tpu.memory_space<vmem>> -> memref<8x8x131xf32, #tpu.memory_space<vmem>>
      %dma_wait3A_694 = arith.constant 0 : i32
      %dma_wait3A_695 = arith.constant 0 : i32
      %dma_wait3A_696 = arith.constant 0 : i32
      %dma_wait3A_697 = tpu.memref_slice %dma_wait3A_693[%dma_wait3A_694, %dma_wait3A_695, %dma_wait3A_696] : memref<8x8x131xf32, #tpu.memory_space<vmem>> -> memref<8x8x128xf32, #tpu.memory_space<vmem>>
      %dma_wait3A_698 = arith.constant 0 : i32
      %dma_wait3A_699 = arith.constant 0 : i32
      %dma_wait3A_700 = arith.constant 0 : i32
      %dma_wait3A_701 = tpu.memref_slice %arg4[%dma_wait3A_686, %dma_wait3A_698, %dma_wait3A_687, %dma_wait3A_699, %dma_wait3A_700] : memref<200x8x128x8x128xf32, #tpu.memory_space<hbm>> -> memref<1x8x1x8x128xf32, #tpu.memory_space<hbm>>
      %dma_wait3A_702 = tpu.memref_squeeze %dma_wait3A_701 : memref<1x8x1x8x128xf32, #tpu.memory_space<hbm>> -> memref<8x8x128xf32, #tpu.memory_space<hbm>>
      %dma_wait3A_703 = arith.constant 0 : i32
      %dma_wait3A_704 = arith.constant 0 : i32
      %dma_wait3A_705 = arith.constant 0 : i32
      %dma_wait3A_706 = tpu.memref_slice %arg8[%dma_wait3A_688, %dma_wait3A_703, %dma_wait3A_704, %dma_wait3A_705] : memref<4x8x8x131xf32, #tpu.memory_space<vmem>> -> memref<1x8x8x131xf32, #tpu.memory_space<vmem>>
      %dma_wait3A_707 = tpu.memref_squeeze %dma_wait3A_706 : memref<1x8x8x131xf32, #tpu.memory_space<vmem>> -> memref<8x8x131xf32, #tpu.memory_space<vmem>>
      %dma_wait3A_708 = arith.constant 0 : i32
      %dma_wait3A_709 = arith.constant 0 : i32
      %dma_wait3A_710 = arith.constant 0 : i32
      %dma_wait3A_711 = tpu.memref_slice %dma_wait3A_707[%dma_wait3A_708, %dma_wait3A_709, %dma_wait3A_710] : memref<8x8x131xf32, #tpu.memory_space<vmem>> -> memref<8x8x128xf32, #tpu.memory_space<vmem>>
      %dma_wait3A_712 = arith.constant 0 : i32
      %dma_wait3A_713 = arith.constant 0 : i32
      %dma_wait3A_714 = arith.constant 0 : i32
      %dma_wait3A_715 = tpu.memref_slice %arg4[%dma_wait3A_686, %dma_wait3A_712, %dma_wait3A_687, %dma_wait3A_713, %dma_wait3A_714] : memref<200x8x128x8x128xf32, #tpu.memory_space<hbm>> -> memref<1x8x1x8x128xf32, #tpu.memory_space<hbm>>
      %dma_wait3A_716 = tpu.memref_squeeze %dma_wait3A_715 : memref<1x8x1x8x128xf32, #tpu.memory_space<hbm>> -> memref<8x8x128xf32, #tpu.memory_space<hbm>>
      tpu.wait_dma2 semaphore(%arg14 : memref<!tpu.dma_semaphore, #tpu.memory_space<semaphore_mem>>) src(%dma_wait3A_716 : memref<8x8x128xf32, #tpu.memory_space<hbm>>) dst(%dma_wait3A_711 : memref<8x8x128xf32, #tpu.memory_space<vmem>>)
      %parallel_loop3A_717 = arith.constant 0 : i32
      %parallel_loop3A_718 = arith.constant 128 : i32
      %parallel_loop3A_719 = arith.constant 1 : i32
      scf.for %parallel_loop3A_1032 = %parallel_loop3A_717 to %parallel_loop3A_718 step %parallel_loop3A_719  : i32 {
        %parallel_loop3A_1033 = arith.constant 0 : i32
        %parallel_loop3A_1034 = vector.broadcast %parallel_loop3A_1033 : i32 to vector<16xi32>
        %parallel_loop3A_1035 = vector.broadcast %parallel_loop3A_1032 : i32 to vector<16xi32>
        %parallel_loop3A_1036 = arith.addi %parallel_loop3A_1034, %parallel_loop3A_1035 : vector<16xi32>
        %parallel_loop3A_1037 = arith.constant 1 : i32
        %parallel_loop3A_1038 = arith.index_cast %parallel_loop3A_1037 : i32 to index
        %parallel_loop3A_1039 = arith.index_cast %parallel_loop3A_1032 : i32 to index
        %parallel_loop3A_1040 = arith.constant 0 : index
        %parallel_loop3A_1041 = tpu.vector_load %arg7[%parallel_loop3A_1038, %parallel_loop3A_1039, %parallel_loop3A_1040] {strides = array<i32>} : memref<4x128x64xf32, #tpu.memory_space<vmem>>, vector<16xf32>,
        %parallel_loop3A_1042 = arith.constant 1 : i32
        %parallel_loop3A_1043 = arith.constant 0 : i32
        %parallel_loop3A_1044 = arith.constant 0 : i32
        %parallel_loop3A_1045 = arith.constant 0 : i32
        %parallel_loop3A_1046 = tpu.memref_slice %arg8[%parallel_loop3A_1042, %parallel_loop3A_1043, %parallel_loop3A_1044, %parallel_loop3A_1045] : memref<4x8x8x131xf32, #tpu.memory_space<vmem>> -> memref<1x8x8x131xf32, #tpu.memory_space<vmem>>
        %parallel_loop3A_1047 = tpu.memref_squeeze %parallel_loop3A_1046 : memref<1x8x8x131xf32, #tpu.memory_space<vmem>> -> memref<8x8x131xf32, #tpu.memory_space<vmem>>
        tpu.vector_store_idx %parallel_loop3A_1047[%select_n3A, %select_n3A_151, %parallel_loop3A_1036], %parallel_loop3A_1041 : memref<8x8x131xf32, #tpu.memory_space<vmem>>[vector<16xi32>, vector<16xi32>, vector<16xi32>], vector<16xf32>,
        %parallel_loop3A_1048 = arith.constant 1 : i32
        %parallel_loop3A_1049 = arith.index_cast %parallel_loop3A_1048 : i32 to index
        %parallel_loop3A_1050 = arith.index_cast %parallel_loop3A_1032 : i32 to index
        %parallel_loop3A_1051 = arith.constant 16 : index
        %parallel_loop3A_1052 = tpu.vector_load %arg7[%parallel_loop3A_1049, %parallel_loop3A_1050, %parallel_loop3A_1051] {strides = array<i32>} : memref<4x128x64xf32, #tpu.memory_space<vmem>>, vector<16xf32>,
        %parallel_loop3A_1053 = arith.constant 1 : i32
        %parallel_loop3A_1054 = arith.constant 0 : i32
        %parallel_loop3A_1055 = arith.constant 0 : i32
        %parallel_loop3A_1056 = arith.constant 0 : i32
        %parallel_loop3A_1057 = tpu.memref_slice %arg8[%parallel_loop3A_1053, %parallel_loop3A_1054, %parallel_loop3A_1055, %parallel_loop3A_1056] : memref<4x8x8x131xf32, #tpu.memory_space<vmem>> -> memref<1x8x8x131xf32, #tpu.memory_space<vmem>>
        %parallel_loop3A_1058 = tpu.memref_squeeze %parallel_loop3A_1057 : memref<1x8x8x131xf32, #tpu.memory_space<vmem>> -> memref<8x8x131xf32, #tpu.memory_space<vmem>>
        tpu.vector_store_idx %parallel_loop3A_1058[%select_n3A_60, %select_n3A_176, %parallel_loop3A_1036], %parallel_loop3A_1052 : memref<8x8x131xf32, #tpu.memory_space<vmem>>[vector<16xi32>, vector<16xi32>, vector<16xi32>], vector<16xf32>,
        %parallel_loop3A_1059 = arith.constant 1 : i32
        %parallel_loop3A_1060 = arith.index_cast %parallel_loop3A_1059 : i32 to index
        %parallel_loop3A_1061 = arith.index_cast %parallel_loop3A_1032 : i32 to index
        %parallel_loop3A_1062 = arith.constant 32 : index
        %parallel_loop3A_1063 = tpu.vector_load %arg7[%parallel_loop3A_1060, %parallel_loop3A_1061, %parallel_loop3A_1062] {strides = array<i32>} : memref<4x128x64xf32, #tpu.memory_space<vmem>>, vector<16xf32>,
        %parallel_loop3A_1064 = arith.constant 1 : i32
        %parallel_loop3A_1065 = arith.constant 0 : i32
        %parallel_loop3A_1066 = arith.constant 0 : i32
        %parallel_loop3A_1067 = arith.constant 0 : i32
        %parallel_loop3A_1068 = tpu.memref_slice %arg8[%parallel_loop3A_1064, %parallel_loop3A_1065, %parallel_loop3A_1066, %parallel_loop3A_1067] : memref<4x8x8x131xf32, #tpu.memory_space<vmem>> -> memref<1x8x8x131xf32, #tpu.memory_space<vmem>>
        %parallel_loop3A_1069 = tpu.memref_squeeze %parallel_loop3A_1068 : memref<1x8x8x131xf32, #tpu.memory_space<vmem>> -> memref<8x8x131xf32, #tpu.memory_space<vmem>>
        tpu.vector_store_idx %parallel_loop3A_1069[%select_n3A_94, %select_n3A_201, %parallel_loop3A_1036], %parallel_loop3A_1063 : memref<8x8x131xf32, #tpu.memory_space<vmem>>[vector<16xi32>, vector<16xi32>, vector<16xi32>], vector<16xf32>,
        %parallel_loop3A_1070 = arith.constant 1 : i32
        %parallel_loop3A_1071 = arith.index_cast %parallel_loop3A_1070 : i32 to index
        %parallel_loop3A_1072 = arith.index_cast %parallel_loop3A_1032 : i32 to index
        %parallel_loop3A_1073 = arith.constant 48 : index
        %parallel_loop3A_1074 = tpu.vector_load %arg7[%parallel_loop3A_1071, %parallel_loop3A_1072, %parallel_loop3A_1073] {strides = array<i32>} : memref<4x128x64xf32, #tpu.memory_space<vmem>>, vector<16xf32>,
        %parallel_loop3A_1075 = arith.constant 1 : i32
        %parallel_loop3A_1076 = arith.constant 0 : i32
        %parallel_loop3A_1077 = arith.constant 0 : i32
        %parallel_loop3A_1078 = arith.constant 0 : i32
        %parallel_loop3A_1079 = tpu.memref_slice %arg8[%parallel_loop3A_1075, %parallel_loop3A_1076, %parallel_loop3A_1077, %parallel_loop3A_1078] : memref<4x8x8x131xf32, #tpu.memory_space<vmem>> -> memref<1x8x8x131xf32, #tpu.memory_space<vmem>>
        %parallel_loop3A_1080 = tpu.memref_squeeze %parallel_loop3A_1079 : memref<1x8x8x131xf32, #tpu.memory_space<vmem>> -> memref<8x8x131xf32, #tpu.memory_space<vmem>>
        tpu.vector_store_idx %parallel_loop3A_1080[%select_n3A_128, %select_n3A_226, %parallel_loop3A_1036], %parallel_loop3A_1074 : memref<8x8x131xf32, #tpu.memory_space<vmem>>[vector<16xi32>, vector<16xi32>, vector<16xi32>], vector<16xf32>,
      } {sc.loop_unroll_factor = 4 : i64, sc.parallel_access}
      %dma_start3A_720 = arith.constant 1 : i32
      %dma_start3A_721 = arith.constant 197 : i32
      %dma_start3A_722 = arith.constant 0 : i32
      %dma_start3A_723 = arith.constant 0 : i32
      %dma_start3A_724 = arith.constant 0 : i32
      %dma_start3A_725 = tpu.memref_slice %arg8[%dma_start3A_720, %dma_start3A_722, %dma_start3A_723, %dma_start3A_724] : memref<4x8x8x131xf32, #tpu.memory_space<vmem>> -> memref<1x8x8x131xf32, #tpu.memory_space<vmem>>
      %dma_start3A_726 = tpu.memref_squeeze %dma_start3A_725 : memref<1x8x8x131xf32, #tpu.memory_space<vmem>> -> memref<8x8x131xf32, #tpu.memory_space<vmem>>
      %dma_start3A_727 = arith.constant 0 : i32
      %dma_start3A_728 = arith.constant 0 : i32
      %dma_start3A_729 = arith.constant 0 : i32
      %dma_start3A_730 = tpu.memref_slice %dma_start3A_726[%dma_start3A_727, %dma_start3A_728, %dma_start3A_729] : memref<8x8x131xf32, #tpu.memory_space<vmem>> -> memref<8x8x128xf32, #tpu.memory_space<vmem>>
      %dma_start3A_731 = arith.constant 0 : i32
      %dma_start3A_732 = arith.constant 0 : i32
      %dma_start3A_733 = arith.constant 0 : i32
      %dma_start3A_734 = tpu.memref_slice %arg4[%dma_start3A_721, %dma_start3A_731, %add3A_235, %dma_start3A_732, %dma_start3A_733] : memref<200x8x128x8x128xf32, #tpu.memory_space<hbm>> -> memref<1x8x1x8x128xf32, #tpu.memory_space<hbm>>
      %dma_start3A_735 = tpu.memref_squeeze %dma_start3A_734 : memref<1x8x1x8x128xf32, #tpu.memory_space<hbm>> -> memref<8x8x128xf32, #tpu.memory_space<hbm>>
      %dma_start3A_736 = arith.constant 0 : i32
      %dma_start3A_737 = arith.constant 0 : i32
      %dma_start3A_738 = arith.constant 0 : i32
      %dma_start3A_739 = tpu.memref_slice %arg4[%dma_start3A_721, %dma_start3A_736, %add3A_235, %dma_start3A_737, %dma_start3A_738] : memref<200x8x128x8x128xf32, #tpu.memory_space<hbm>> -> memref<1x8x1x8x128xf32, #tpu.memory_space<hbm>>
      %dma_start3A_740 = tpu.memref_squeeze %dma_start3A_739 : memref<1x8x1x8x128xf32, #tpu.memory_space<hbm>> -> memref<8x8x128xf32, #tpu.memory_space<hbm>>
      %dma_start3A_741 = arith.constant 0 : i32
      %dma_start3A_742 = arith.constant 0 : i32
      %dma_start3A_743 = arith.constant 0 : i32
      %dma_start3A_744 = tpu.memref_slice %arg8[%dma_start3A_720, %dma_start3A_741, %dma_start3A_742, %dma_start3A_743] : memref<4x8x8x131xf32, #tpu.memory_space<vmem>> -> memref<1x8x8x131xf32, #tpu.memory_space<vmem>>
      %dma_start3A_745 = tpu.memref_squeeze %dma_start3A_744 : memref<1x8x8x131xf32, #tpu.memory_space<vmem>> -> memref<8x8x131xf32, #tpu.memory_space<vmem>>
      %dma_start3A_746 = arith.constant 0 : i32
      %dma_start3A_747 = arith.constant 0 : i32
      %dma_start3A_748 = arith.constant 0 : i32
      %dma_start3A_749 = tpu.memref_slice %dma_start3A_745[%dma_start3A_746, %dma_start3A_747, %dma_start3A_748] : memref<8x8x131xf32, #tpu.memory_space<vmem>> -> memref<8x8x128xf32, #tpu.memory_space<vmem>>
      tpu.enqueue_dma source(%dma_start3A_749 : memref<8x8x128xf32, #tpu.memory_space<vmem>>) target(%dma_start3A_740 : memref<8x8x128xf32, #tpu.memory_space<hbm>>) target_semaphore(%arg14 : memref<!tpu.dma_semaphore, #tpu.memory_space<semaphore_mem>>)
      %dma_wait3A_750 = arith.constant 2 : i32
      %dma_wait3A_751 = arith.constant 0 : i32
      %dma_wait3A_752 = arith.constant 0 : i32
      %dma_wait3A_753 = tpu.memref_slice %arg7[%dma_wait3A_750, %dma_wait3A_751, %dma_wait3A_752] : memref<4x128x64xf32, #tpu.memory_space<vmem>> -> memref<1x128x64xf32, #tpu.memory_space<vmem>>
      %dma_wait3A_754 = tpu.memref_squeeze %dma_wait3A_753 : memref<1x128x64xf32, #tpu.memory_space<vmem>> -> memref<128x64xf32, #tpu.memory_space<vmem>>
      %dma_wait3A_755 = arith.constant 0 : i32
      %dma_wait3A_756 = arith.constant 0 : i32
      %dma_wait3A_757 = tpu.memref_slice %arg3[%dma_wait3A_755, %dma_wait3A_756] : memref<100000x64xf32, #tpu.memory_space<hbm>> -> memref<128x64xf32, #tpu.memory_space<hbm>>
      %dma_wait3A_758 = arith.constant 0 : i32
      %dma_wait3A_759 = arith.constant 0 : i32
      %dma_wait3A_760 = tpu.memref_slice %arg7[%dma_wait3A_750, %dma_wait3A_758, %dma_wait3A_759] : memref<4x128x64xf32, #tpu.memory_space<vmem>> -> memref<1x128x64xf32, #tpu.memory_space<vmem>>
      %dma_wait3A_761 = tpu.memref_squeeze %dma_wait3A_760 : memref<1x128x64xf32, #tpu.memory_space<vmem>> -> memref<128x64xf32, #tpu.memory_space<vmem>>
      %dma_wait3A_762 = arith.constant 0 : i32
      %dma_wait3A_763 = arith.constant 0 : i32
      %dma_wait3A_764 = tpu.memref_slice %arg3[%dma_wait3A_762, %dma_wait3A_763] : memref<100000x64xf32, #tpu.memory_space<hbm>> -> memref<128x64xf32, #tpu.memory_space<hbm>>
      tpu.wait_dma2 semaphore(%arg11 : memref<!tpu.dma_semaphore, #tpu.memory_space<semaphore_mem>>) src(%dma_wait3A_764 : memref<128x64xf32, #tpu.memory_space<hbm>>) dst(%dma_wait3A_761 : memref<128x64xf32, #tpu.memory_space<vmem>>)
      %dma_wait3A_765 = arith.constant 0 : i32
      %dma_wait3A_766 = arith.constant 0 : i32
      %dma_wait3A_767 = arith.constant 2 : i32
      %dma_wait3A_768 = arith.constant 0 : i32
      %dma_wait3A_769 = arith.constant 0 : i32
      %dma_wait3A_770 = arith.constant 0 : i32
      %dma_wait3A_771 = tpu.memref_slice %arg8[%dma_wait3A_767, %dma_wait3A_768, %dma_wait3A_769, %dma_wait3A_770] : memref<4x8x8x131xf32, #tpu.memory_space<vmem>> -> memref<1x8x8x131xf32, #tpu.memory_space<vmem>>
      %dma_wait3A_772 = tpu.memref_squeeze %dma_wait3A_771 : memref<1x8x8x131xf32, #tpu.memory_space<vmem>> -> memref<8x8x131xf32, #tpu.memory_space<vmem>>
      %dma_wait3A_773 = arith.constant 0 : i32
      %dma_wait3A_774 = arith.constant 0 : i32
      %dma_wait3A_775 = arith.constant 0 : i32
      %dma_wait3A_776 = tpu.memref_slice %dma_wait3A_772[%dma_wait3A_773, %dma_wait3A_774, %dma_wait3A_775] : memref<8x8x131xf32, #tpu.memory_space<vmem>> -> memref<8x8x128xf32, #tpu.memory_space<vmem>>
      %dma_wait3A_777 = arith.constant 0 : i32
      %dma_wait3A_778 = arith.constant 0 : i32
      %dma_wait3A_779 = arith.constant 0 : i32
      %dma_wait3A_780 = tpu.memref_slice %arg4[%dma_wait3A_765, %dma_wait3A_777, %dma_wait3A_766, %dma_wait3A_778, %dma_wait3A_779] : memref<200x8x128x8x128xf32, #tpu.memory_space<hbm>> -> memref<1x8x1x8x128xf32, #tpu.memory_space<hbm>>
      %dma_wait3A_781 = tpu.memref_squeeze %dma_wait3A_780 : memref<1x8x1x8x128xf32, #tpu.memory_space<hbm>> -> memref<8x8x128xf32, #tpu.memory_space<hbm>>
      %dma_wait3A_782 = arith.constant 0 : i32
      %dma_wait3A_783 = arith.constant 0 : i32
      %dma_wait3A_784 = arith.constant 0 : i32
      %dma_wait3A_785 = tpu.memref_slice %arg8[%dma_wait3A_767, %dma_wait3A_782, %dma_wait3A_783, %dma_wait3A_784] : memref<4x8x8x131xf32, #tpu.memory_space<vmem>> -> memref<1x8x8x131xf32, #tpu.memory_space<vmem>>
      %dma_wait3A_786 = tpu.memref_squeeze %dma_wait3A_785 : memref<1x8x8x131xf32, #tpu.memory_space<vmem>> -> memref<8x8x131xf32, #tpu.memory_space<vmem>>
      %dma_wait3A_787 = arith.constant 0 : i32
      %dma_wait3A_788 = arith.constant 0 : i32
      %dma_wait3A_789 = arith.constant 0 : i32
      %dma_wait3A_790 = tpu.memref_slice %dma_wait3A_786[%dma_wait3A_787, %dma_wait3A_788, %dma_wait3A_789] : memref<8x8x131xf32, #tpu.memory_space<vmem>> -> memref<8x8x128xf32, #tpu.memory_space<vmem>>
      %dma_wait3A_791 = arith.constant 0 : i32
      %dma_wait3A_792 = arith.constant 0 : i32
      %dma_wait3A_793 = arith.constant 0 : i32
      %dma_wait3A_794 = tpu.memref_slice %arg4[%dma_wait3A_765, %dma_wait3A_791, %dma_wait3A_766, %dma_wait3A_792, %dma_wait3A_793] : memref<200x8x128x8x128xf32, #tpu.memory_space<hbm>> -> memref<1x8x1x8x128xf32, #tpu.memory_space<hbm>>
      %dma_wait3A_795 = tpu.memref_squeeze %dma_wait3A_794 : memref<1x8x1x8x128xf32, #tpu.memory_space<hbm>> -> memref<8x8x128xf32, #tpu.memory_space<hbm>>
      tpu.wait_dma2 semaphore(%arg15 : memref<!tpu.dma_semaphore, #tpu.memory_space<semaphore_mem>>) src(%dma_wait3A_795 : memref<8x8x128xf32, #tpu.memory_space<hbm>>) dst(%dma_wait3A_790 : memref<8x8x128xf32, #tpu.memory_space<vmem>>)
      %parallel_loop3A_796 = arith.constant 0 : i32
      %parallel_loop3A_797 = arith.constant 128 : i32
      %parallel_loop3A_798 = arith.constant 1 : i32
      scf.for %parallel_loop3A_1032 = %parallel_loop3A_796 to %parallel_loop3A_797 step %parallel_loop3A_798  : i32 {
        %parallel_loop3A_1033 = arith.constant 0 : i32
        %parallel_loop3A_1034 = vector.broadcast %parallel_loop3A_1033 : i32 to vector<16xi32>
        %parallel_loop3A_1035 = vector.broadcast %parallel_loop3A_1032 : i32 to vector<16xi32>
        %parallel_loop3A_1036 = arith.addi %parallel_loop3A_1034, %parallel_loop3A_1035 : vector<16xi32>
        %parallel_loop3A_1037 = arith.constant 2 : i32
        %parallel_loop3A_1038 = arith.index_cast %parallel_loop3A_1037 : i32 to index
        %parallel_loop3A_1039 = arith.index_cast %parallel_loop3A_1032 : i32 to index
        %parallel_loop3A_1040 = arith.constant 0 : index
        %parallel_loop3A_1041 = tpu.vector_load %arg7[%parallel_loop3A_1038, %parallel_loop3A_1039, %parallel_loop3A_1040] {strides = array<i32>} : memref<4x128x64xf32, #tpu.memory_space<vmem>>, vector<16xf32>,
        %parallel_loop3A_1042 = arith.constant 2 : i32
        %parallel_loop3A_1043 = arith.constant 0 : i32
        %parallel_loop3A_1044 = arith.constant 0 : i32
        %parallel_loop3A_1045 = arith.constant 0 : i32
        %parallel_loop3A_1046 = tpu.memref_slice %arg8[%parallel_loop3A_1042, %parallel_loop3A_1043, %parallel_loop3A_1044, %parallel_loop3A_1045] : memref<4x8x8x131xf32, #tpu.memory_space<vmem>> -> memref<1x8x8x131xf32, #tpu.memory_space<vmem>>
        %parallel_loop3A_1047 = tpu.memref_squeeze %parallel_loop3A_1046 : memref<1x8x8x131xf32, #tpu.memory_space<vmem>> -> memref<8x8x131xf32, #tpu.memory_space<vmem>>
        tpu.vector_store_idx %parallel_loop3A_1047[%select_n3A, %select_n3A_151, %parallel_loop3A_1036], %parallel_loop3A_1041 : memref<8x8x131xf32, #tpu.memory_space<vmem>>[vector<16xi32>, vector<16xi32>, vector<16xi32>], vector<16xf32>,
        %parallel_loop3A_1048 = arith.constant 2 : i32
        %parallel_loop3A_1049 = arith.index_cast %parallel_loop3A_1048 : i32 to index
        %parallel_loop3A_1050 = arith.index_cast %parallel_loop3A_1032 : i32 to index
        %parallel_loop3A_1051 = arith.constant 16 : index
        %parallel_loop3A_1052 = tpu.vector_load %arg7[%parallel_loop3A_1049, %parallel_loop3A_1050, %parallel_loop3A_1051] {strides = array<i32>} : memref<4x128x64xf32, #tpu.memory_space<vmem>>, vector<16xf32>,
        %parallel_loop3A_1053 = arith.constant 2 : i32
        %parallel_loop3A_1054 = arith.constant 0 : i32
        %parallel_loop3A_1055 = arith.constant 0 : i32
        %parallel_loop3A_1056 = arith.constant 0 : i32
        %parallel_loop3A_1057 = tpu.memref_slice %arg8[%parallel_loop3A_1053, %parallel_loop3A_1054, %parallel_loop3A_1055, %parallel_loop3A_1056] : memref<4x8x8x131xf32, #tpu.memory_space<vmem>> -> memref<1x8x8x131xf32, #tpu.memory_space<vmem>>
        %parallel_loop3A_1058 = tpu.memref_squeeze %parallel_loop3A_1057 : memref<1x8x8x131xf32, #tpu.memory_space<vmem>> -> memref<8x8x131xf32, #tpu.memory_space<vmem>>
        tpu.vector_store_idx %parallel_loop3A_1058[%select_n3A_60, %select_n3A_176, %parallel_loop3A_1036], %parallel_loop3A_1052 : memref<8x8x131xf32, #tpu.memory_space<vmem>>[vector<16xi32>, vector<16xi32>, vector<16xi32>], vector<16xf32>,
        %parallel_loop3A_1059 = arith.constant 2 : i32
        %parallel_loop3A_1060 = arith.index_cast %parallel_loop3A_1059 : i32 to index
        %parallel_loop3A_1061 = arith.index_cast %parallel_loop3A_1032 : i32 to index
        %parallel_loop3A_1062 = arith.constant 32 : index
        %parallel_loop3A_1063 = tpu.vector_load %arg7[%parallel_loop3A_1060, %parallel_loop3A_1061, %parallel_loop3A_1062] {strides = array<i32>} : memref<4x128x64xf32, #tpu.memory_space<vmem>>, vector<16xf32>,
        %parallel_loop3A_1064 = arith.constant 2 : i32
        %parallel_loop3A_1065 = arith.constant 0 : i32
        %parallel_loop3A_1066 = arith.constant 0 : i32
        %parallel_loop3A_1067 = arith.constant 0 : i32
        %parallel_loop3A_1068 = tpu.memref_slice %arg8[%parallel_loop3A_1064, %parallel_loop3A_1065, %parallel_loop3A_1066, %parallel_loop3A_1067] : memref<4x8x8x131xf32, #tpu.memory_space<vmem>> -> memref<1x8x8x131xf32, #tpu.memory_space<vmem>>
        %parallel_loop3A_1069 = tpu.memref_squeeze %parallel_loop3A_1068 : memref<1x8x8x131xf32, #tpu.memory_space<vmem>> -> memref<8x8x131xf32, #tpu.memory_space<vmem>>
        tpu.vector_store_idx %parallel_loop3A_1069[%select_n3A_94, %select_n3A_201, %parallel_loop3A_1036], %parallel_loop3A_1063 : memref<8x8x131xf32, #tpu.memory_space<vmem>>[vector<16xi32>, vector<16xi32>, vector<16xi32>], vector<16xf32>,
        %parallel_loop3A_1070 = arith.constant 2 : i32
        %parallel_loop3A_1071 = arith.index_cast %parallel_loop3A_1070 : i32 to index
        %parallel_loop3A_1072 = arith.index_cast %parallel_loop3A_1032 : i32 to index
        %parallel_loop3A_1073 = arith.constant 48 : index
        %parallel_loop3A_1074 = tpu.vector_load %arg7[%parallel_loop3A_1071, %parallel_loop3A_1072, %parallel_loop3A_1073] {strides = array<i32>} : memref<4x128x64xf32, #tpu.memory_space<vmem>>, vector<16xf32>,
        %parallel_loop3A_1075 = arith.constant 2 : i32
        %parallel_loop3A_1076 = arith.constant 0 : i32
        %parallel_loop3A_1077 = arith.constant 0 : i32
        %parallel_loop3A_1078 = arith.constant 0 : i32
        %parallel_loop3A_1079 = tpu.memref_slice %arg8[%parallel_loop3A_1075, %parallel_loop3A_1076, %parallel_loop3A_1077, %parallel_loop3A_1078] : memref<4x8x8x131xf32, #tpu.memory_space<vmem>> -> memref<1x8x8x131xf32, #tpu.memory_space<vmem>>
        %parallel_loop3A_1080 = tpu.memref_squeeze %parallel_loop3A_1079 : memref<1x8x8x131xf32, #tpu.memory_space<vmem>> -> memref<8x8x131xf32, #tpu.memory_space<vmem>>
        tpu.vector_store_idx %parallel_loop3A_1080[%select_n3A_128, %select_n3A_226, %parallel_loop3A_1036], %parallel_loop3A_1074 : memref<8x8x131xf32, #tpu.memory_space<vmem>>[vector<16xi32>, vector<16xi32>, vector<16xi32>], vector<16xf32>,
      } {sc.loop_unroll_factor = 4 : i64, sc.parallel_access}
      %dma_start3A_799 = arith.constant 2 : i32
      %dma_start3A_800 = arith.constant 198 : i32
      %dma_start3A_801 = arith.constant 0 : i32
      %dma_start3A_802 = arith.constant 0 : i32
      %dma_start3A_803 = arith.constant 0 : i32
      %dma_start3A_804 = tpu.memref_slice %arg8[%dma_start3A_799, %dma_start3A_801, %dma_start3A_802, %dma_start3A_803] : memref<4x8x8x131xf32, #tpu.memory_space<vmem>> -> memref<1x8x8x131xf32, #tpu.memory_space<vmem>>
      %dma_start3A_805 = tpu.memref_squeeze %dma_start3A_804 : memref<1x8x8x131xf32, #tpu.memory_space<vmem>> -> memref<8x8x131xf32, #tpu.memory_space<vmem>>
      %dma_start3A_806 = arith.constant 0 : i32
      %dma_start3A_807 = arith.constant 0 : i32
      %dma_start3A_808 = arith.constant 0 : i32
      %dma_start3A_809 = tpu.memref_slice %dma_start3A_805[%dma_start3A_806, %dma_start3A_807, %dma_start3A_808] : memref<8x8x131xf32, #tpu.memory_space<vmem>> -> memref<8x8x128xf32, #tpu.memory_space<vmem>>
      %dma_start3A_810 = arith.constant 0 : i32
      %dma_start3A_811 = arith.constant 0 : i32
      %dma_start3A_812 = arith.constant 0 : i32
      %dma_start3A_813 = tpu.memref_slice %arg4[%dma_start3A_800, %dma_start3A_810, %add3A_235, %dma_start3A_811, %dma_start3A_812] : memref<200x8x128x8x128xf32, #tpu.memory_space<hbm>> -> memref<1x8x1x8x128xf32, #tpu.memory_space<hbm>>
      %dma_start3A_814 = tpu.memref_squeeze %dma_start3A_813 : memref<1x8x1x8x128xf32, #tpu.memory_space<hbm>> -> memref<8x8x128xf32, #tpu.memory_space<hbm>>
      %dma_start3A_815 = arith.constant 0 : i32
      %dma_start3A_816 = arith.constant 0 : i32
      %dma_start3A_817 = arith.constant 0 : i32
      %dma_start3A_818 = tpu.memref_slice %arg4[%dma_start3A_800, %dma_start3A_815, %add3A_235, %dma_start3A_816, %dma_start3A_817] : memref<200x8x128x8x128xf32, #tpu.memory_space<hbm>> -> memref<1x8x1x8x128xf32, #tpu.memory_space<hbm>>
      %dma_start3A_819 = tpu.memref_squeeze %dma_start3A_818 : memref<1x8x1x8x128xf32, #tpu.memory_space<hbm>> -> memref<8x8x128xf32, #tpu.memory_space<hbm>>
      %dma_start3A_820 = arith.constant 0 : i32
      %dma_start3A_821 = arith.constant 0 : i32
      %dma_start3A_822 = arith.constant 0 : i32
      %dma_start3A_823 = tpu.memref_slice %arg8[%dma_start3A_799, %dma_start3A_820, %dma_start3A_821, %dma_start3A_822] : memref<4x8x8x131xf32, #tpu.memory_space<vmem>> -> memref<1x8x8x131xf32, #tpu.memory_space<vmem>>
      %dma_start3A_824 = tpu.memref_squeeze %dma_start3A_823 : memref<1x8x8x131xf32, #tpu.memory_space<vmem>> -> memref<8x8x131xf32, #tpu.memory_space<vmem>>
      %dma_start3A_825 = arith.constant 0 : i32
      %dma_start3A_826 = arith.constant 0 : i32
      %dma_start3A_827 = arith.constant 0 : i32
      %dma_start3A_828 = tpu.memref_slice %dma_start3A_824[%dma_start3A_825, %dma_start3A_826, %dma_start3A_827] : memref<8x8x131xf32, #tpu.memory_space<vmem>> -> memref<8x8x128xf32, #tpu.memory_space<vmem>>
      tpu.enqueue_dma source(%dma_start3A_828 : memref<8x8x128xf32, #tpu.memory_space<vmem>>) target(%dma_start3A_819 : memref<8x8x128xf32, #tpu.memory_space<hbm>>) target_semaphore(%arg15 : memref<!tpu.dma_semaphore, #tpu.memory_space<semaphore_mem>>)
      %dma_wait3A_829 = arith.constant 3 : i32
      %dma_wait3A_830 = arith.constant 0 : i32
      %dma_wait3A_831 = arith.constant 0 : i32
      %dma_wait3A_832 = tpu.memref_slice %arg7[%dma_wait3A_829, %dma_wait3A_830, %dma_wait3A_831] : memref<4x128x64xf32, #tpu.memory_space<vmem>> -> memref<1x128x64xf32, #tpu.memory_space<vmem>>
      %dma_wait3A_833 = tpu.memref_squeeze %dma_wait3A_832 : memref<1x128x64xf32, #tpu.memory_space<vmem>> -> memref<128x64xf32, #tpu.memory_space<vmem>>
      %dma_wait3A_834 = arith.constant 0 : i32
      %dma_wait3A_835 = arith.constant 0 : i32
      %dma_wait3A_836 = tpu.memref_slice %arg3[%dma_wait3A_834, %dma_wait3A_835] : memref<100000x64xf32, #tpu.memory_space<hbm>> -> memref<128x64xf32, #tpu.memory_space<hbm>>
      %dma_wait3A_837 = arith.constant 0 : i32
      %dma_wait3A_838 = arith.constant 0 : i32
      %dma_wait3A_839 = tpu.memref_slice %arg7[%dma_wait3A_829, %dma_wait3A_837, %dma_wait3A_838] : memref<4x128x64xf32, #tpu.memory_space<vmem>> -> memref<1x128x64xf32, #tpu.memory_space<vmem>>
      %dma_wait3A_840 = tpu.memref_squeeze %dma_wait3A_839 : memref<1x128x64xf32, #tpu.memory_space<vmem>> -> memref<128x64xf32, #tpu.memory_space<vmem>>
      %dma_wait3A_841 = arith.constant 0 : i32
      %dma_wait3A_842 = arith.constant 0 : i32
      %dma_wait3A_843 = tpu.memref_slice %arg3[%dma_wait3A_841, %dma_wait3A_842] : memref<100000x64xf32, #tpu.memory_space<hbm>> -> memref<128x64xf32, #tpu.memory_space<hbm>>
      tpu.wait_dma2 semaphore(%arg12 : memref<!tpu.dma_semaphore, #tpu.memory_space<semaphore_mem>>) src(%dma_wait3A_843 : memref<128x64xf32, #tpu.memory_space<hbm>>) dst(%dma_wait3A_840 : memref<128x64xf32, #tpu.memory_space<vmem>>)
      %dma_wait3A_844 = arith.constant 0 : i32
      %dma_wait3A_845 = arith.constant 0 : i32
      %dma_wait3A_846 = arith.constant 3 : i32
      %dma_wait3A_847 = arith.constant 0 : i32
      %dma_wait3A_848 = arith.constant 0 : i32
      %dma_wait3A_849 = arith.constant 0 : i32
      %dma_wait3A_850 = tpu.memref_slice %arg8[%dma_wait3A_846, %dma_wait3A_847, %dma_wait3A_848, %dma_wait3A_849] : memref<4x8x8x131xf32, #tpu.memory_space<vmem>> -> memref<1x8x8x131xf32, #tpu.memory_space<vmem>>
      %dma_wait3A_851 = tpu.memref_squeeze %dma_wait3A_850 : memref<1x8x8x131xf32, #tpu.memory_space<vmem>> -> memref<8x8x131xf32, #tpu.memory_space<vmem>>
      %dma_wait3A_852 = arith.constant 0 : i32
      %dma_wait3A_853 = arith.constant 0 : i32
      %dma_wait3A_854 = arith.constant 0 : i32
      %dma_wait3A_855 = tpu.memref_slice %dma_wait3A_851[%dma_wait3A_852, %dma_wait3A_853, %dma_wait3A_854] : memref<8x8x131xf32, #tpu.memory_space<vmem>> -> memref<8x8x128xf32, #tpu.memory_space<vmem>>
      %dma_wait3A_856 = arith.constant 0 : i32
      %dma_wait3A_857 = arith.constant 0 : i32
      %dma_wait3A_858 = arith.constant 0 : i32
      %dma_wait3A_859 = tpu.memref_slice %arg4[%dma_wait3A_844, %dma_wait3A_856, %dma_wait3A_845, %dma_wait3A_857, %dma_wait3A_858] : memref<200x8x128x8x128xf32, #tpu.memory_space<hbm>> -> memref<1x8x1x8x128xf32, #tpu.memory_space<hbm>>
      %dma_wait3A_860 = tpu.memref_squeeze %dma_wait3A_859 : memref<1x8x1x8x128xf32, #tpu.memory_space<hbm>> -> memref<8x8x128xf32, #tpu.memory_space<hbm>>
      %dma_wait3A_861 = arith.constant 0 : i32
      %dma_wait3A_862 = arith.constant 0 : i32
      %dma_wait3A_863 = arith.constant 0 : i32
      %dma_wait3A_864 = tpu.memref_slice %arg8[%dma_wait3A_846, %dma_wait3A_861, %dma_wait3A_862, %dma_wait3A_863] : memref<4x8x8x131xf32, #tpu.memory_space<vmem>> -> memref<1x8x8x131xf32, #tpu.memory_space<vmem>>
      %dma_wait3A_865 = tpu.memref_squeeze %dma_wait3A_864 : memref<1x8x8x131xf32, #tpu.memory_space<vmem>> -> memref<8x8x131xf32, #tpu.memory_space<vmem>>
      %dma_wait3A_866 = arith.constant 0 : i32
      %dma_wait3A_867 = arith.constant 0 : i32
      %dma_wait3A_868 = arith.constant 0 : i32
      %dma_wait3A_869 = tpu.memref_slice %dma_wait3A_865[%dma_wait3A_866, %dma_wait3A_867, %dma_wait3A_868] : memref<8x8x131xf32, #tpu.memory_space<vmem>> -> memref<8x8x128xf32, #tpu.memory_space<vmem>>
      %dma_wait3A_870 = arith.constant 0 : i32
      %dma_wait3A_871 = arith.constant 0 : i32
      %dma_wait3A_872 = arith.constant 0 : i32
      %dma_wait3A_873 = tpu.memref_slice %arg4[%dma_wait3A_844, %dma_wait3A_870, %dma_wait3A_845, %dma_wait3A_871, %dma_wait3A_872] : memref<200x8x128x8x128xf32, #tpu.memory_space<hbm>> -> memref<1x8x1x8x128xf32, #tpu.memory_space<hbm>>
      %dma_wait3A_874 = tpu.memref_squeeze %dma_wait3A_873 : memref<1x8x1x8x128xf32, #tpu.memory_space<hbm>> -> memref<8x8x128xf32, #tpu.memory_space<hbm>>
      tpu.wait_dma2 semaphore(%arg16 : memref<!tpu.dma_semaphore, #tpu.memory_space<semaphore_mem>>) src(%dma_wait3A_874 : memref<8x8x128xf32, #tpu.memory_space<hbm>>) dst(%dma_wait3A_869 : memref<8x8x128xf32, #tpu.memory_space<vmem>>)
      %parallel_loop3A_875 = arith.constant 0 : i32
      %parallel_loop3A_876 = arith.constant 128 : i32
      %parallel_loop3A_877 = arith.constant 1 : i32
      scf.for %parallel_loop3A_1032 = %parallel_loop3A_875 to %parallel_loop3A_876 step %parallel_loop3A_877  : i32 {
        %parallel_loop3A_1033 = arith.constant 0 : i32
        %parallel_loop3A_1034 = vector.broadcast %parallel_loop3A_1033 : i32 to vector<16xi32>
        %parallel_loop3A_1035 = vector.broadcast %parallel_loop3A_1032 : i32 to vector<16xi32>
        %parallel_loop3A_1036 = arith.addi %parallel_loop3A_1034, %parallel_loop3A_1035 : vector<16xi32>
        %parallel_loop3A_1037 = arith.constant 3 : i32
        %parallel_loop3A_1038 = arith.index_cast %parallel_loop3A_1037 : i32 to index
        %parallel_loop3A_1039 = arith.index_cast %parallel_loop3A_1032 : i32 to index
        %parallel_loop3A_1040 = arith.constant 0 : index
        %parallel_loop3A_1041 = tpu.vector_load %arg7[%parallel_loop3A_1038, %parallel_loop3A_1039, %parallel_loop3A_1040] {strides = array<i32>} : memref<4x128x64xf32, #tpu.memory_space<vmem>>, vector<16xf32>,
        %parallel_loop3A_1042 = arith.constant 3 : i32
        %parallel_loop3A_1043 = arith.constant 0 : i32
        %parallel_loop3A_1044 = arith.constant 0 : i32
        %parallel_loop3A_1045 = arith.constant 0 : i32
        %parallel_loop3A_1046 = tpu.memref_slice %arg8[%parallel_loop3A_1042, %parallel_loop3A_1043, %parallel_loop3A_1044, %parallel_loop3A_1045] : memref<4x8x8x131xf32, #tpu.memory_space<vmem>> -> memref<1x8x8x131xf32, #tpu.memory_space<vmem>>
        %parallel_loop3A_1047 = tpu.memref_squeeze %parallel_loop3A_1046 : memref<1x8x8x131xf32, #tpu.memory_space<vmem>> -> memref<8x8x131xf32, #tpu.memory_space<vmem>>
        tpu.vector_store_idx %parallel_loop3A_1047[%select_n3A, %select_n3A_151, %parallel_loop3A_1036], %parallel_loop3A_1041 : memref<8x8x131xf32, #tpu.memory_space<vmem>>[vector<16xi32>, vector<16xi32>, vector<16xi32>], vector<16xf32>,
        %parallel_loop3A_1048 = arith.constant 3 : i32
        %parallel_loop3A_1049 = arith.index_cast %parallel_loop3A_1048 : i32 to index
        %parallel_loop3A_1050 = arith.index_cast %parallel_loop3A_1032 : i32 to index
        %parallel_loop3A_1051 = arith.constant 16 : index
        %parallel_loop3A_1052 = tpu.vector_load %arg7[%parallel_loop3A_1049, %parallel_loop3A_1050, %parallel_loop3A_1051] {strides = array<i32>} : memref<4x128x64xf32, #tpu.memory_space<vmem>>, vector<16xf32>,
        %parallel_loop3A_1053 = arith.constant 3 : i32
        %parallel_loop3A_1054 = arith.constant 0 : i32
        %parallel_loop3A_1055 = arith.constant 0 : i32
        %parallel_loop3A_1056 = arith.constant 0 : i32
        %parallel_loop3A_1057 = tpu.memref_slice %arg8[%parallel_loop3A_1053, %parallel_loop3A_1054, %parallel_loop3A_1055, %parallel_loop3A_1056] : memref<4x8x8x131xf32, #tpu.memory_space<vmem>> -> memref<1x8x8x131xf32, #tpu.memory_space<vmem>>
        %parallel_loop3A_1058 = tpu.memref_squeeze %parallel_loop3A_1057 : memref<1x8x8x131xf32, #tpu.memory_space<vmem>> -> memref<8x8x131xf32, #tpu.memory_space<vmem>>
        tpu.vector_store_idx %parallel_loop3A_1058[%select_n3A_60, %select_n3A_176, %parallel_loop3A_1036], %parallel_loop3A_1052 : memref<8x8x131xf32, #tpu.memory_space<vmem>>[vector<16xi32>, vector<16xi32>, vector<16xi32>], vector<16xf32>,
        %parallel_loop3A_1059 = arith.constant 3 : i32
        %parallel_loop3A_1060 = arith.index_cast %parallel_loop3A_1059 : i32 to index
        %parallel_loop3A_1061 = arith.index_cast %parallel_loop3A_1032 : i32 to index
        %parallel_loop3A_1062 = arith.constant 32 : index
        %parallel_loop3A_1063 = tpu.vector_load %arg7[%parallel_loop3A_1060, %parallel_loop3A_1061, %parallel_loop3A_1062] {strides = array<i32>} : memref<4x128x64xf32, #tpu.memory_space<vmem>>, vector<16xf32>,
        %parallel_loop3A_1064 = arith.constant 3 : i32
        %parallel_loop3A_1065 = arith.constant 0 : i32
        %parallel_loop3A_1066 = arith.constant 0 : i32
        %parallel_loop3A_1067 = arith.constant 0 : i32
        %parallel_loop3A_1068 = tpu.memref_slice %arg8[%parallel_loop3A_1064, %parallel_loop3A_1065, %parallel_loop3A_1066, %parallel_loop3A_1067] : memref<4x8x8x131xf32, #tpu.memory_space<vmem>> -> memref<1x8x8x131xf32, #tpu.memory_space<vmem>>
        %parallel_loop3A_1069 = tpu.memref_squeeze %parallel_loop3A_1068 : memref<1x8x8x131xf32, #tpu.memory_space<vmem>> -> memref<8x8x131xf32, #tpu.memory_space<vmem>>
        tpu.vector_store_idx %parallel_loop3A_1069[%select_n3A_94, %select_n3A_201, %parallel_loop3A_1036], %parallel_loop3A_1063 : memref<8x8x131xf32, #tpu.memory_space<vmem>>[vector<16xi32>, vector<16xi32>, vector<16xi32>], vector<16xf32>,
        %parallel_loop3A_1070 = arith.constant 3 : i32
        %parallel_loop3A_1071 = arith.index_cast %parallel_loop3A_1070 : i32 to index
        %parallel_loop3A_1072 = arith.index_cast %parallel_loop3A_1032 : i32 to index
        %parallel_loop3A_1073 = arith.constant 48 : index
        %parallel_loop3A_1074 = tpu.vector_load %arg7[%parallel_loop3A_1071, %parallel_loop3A_1072, %parallel_loop3A_1073] {strides = array<i32>} : memref<4x128x64xf32, #tpu.memory_space<vmem>>, vector<16xf32>,
        %parallel_loop3A_1075 = arith.constant 3 : i32
        %parallel_loop3A_1076 = arith.constant 0 : i32
        %parallel_loop3A_1077 = arith.constant 0 : i32
        %parallel_loop3A_1078 = arith.constant 0 : i32
        %parallel_loop3A_1079 = tpu.memref_slice %arg8[%parallel_loop3A_1075, %parallel_loop3A_1076, %parallel_loop3A_1077, %parallel_loop3A_1078] : memref<4x8x8x131xf32, #tpu.memory_space<vmem>> -> memref<1x8x8x131xf32, #tpu.memory_space<vmem>>
        %parallel_loop3A_1080 = tpu.memref_squeeze %parallel_loop3A_1079 : memref<1x8x8x131xf32, #tpu.memory_space<vmem>> -> memref<8x8x131xf32, #tpu.memory_space<vmem>>
        tpu.vector_store_idx %parallel_loop3A_1080[%select_n3A_128, %select_n3A_226, %parallel_loop3A_1036], %parallel_loop3A_1074 : memref<8x8x131xf32, #tpu.memory_space<vmem>>[vector<16xi32>, vector<16xi32>, vector<16xi32>], vector<16xf32>,
      } {sc.loop_unroll_factor = 4 : i64, sc.parallel_access}
      %dma_start3A_878 = arith.constant 3 : i32
      %dma_start3A_879 = arith.constant 199 : i32
      %dma_start3A_880 = arith.constant 0 : i32
      %dma_start3A_881 = arith.constant 0 : i32
      %dma_start3A_882 = arith.constant 0 : i32
      %dma_start3A_883 = tpu.memref_slice %arg8[%dma_start3A_878, %dma_start3A_880, %dma_start3A_881, %dma_start3A_882] : memref<4x8x8x131xf32, #tpu.memory_space<vmem>> -> memref<1x8x8x131xf32, #tpu.memory_space<vmem>>
      %dma_start3A_884 = tpu.memref_squeeze %dma_start3A_883 : memref<1x8x8x131xf32, #tpu.memory_space<vmem>> -> memref<8x8x131xf32, #tpu.memory_space<vmem>>
      %dma_start3A_885 = arith.constant 0 : i32
      %dma_start3A_886 = arith.constant 0 : i32
      %dma_start3A_887 = arith.constant 0 : i32
      %dma_start3A_888 = tpu.memref_slice %dma_start3A_884[%dma_start3A_885, %dma_start3A_886, %dma_start3A_887] : memref<8x8x131xf32, #tpu.memory_space<vmem>> -> memref<8x8x128xf32, #tpu.memory_space<vmem>>
      %dma_start3A_889 = arith.constant 0 : i32
      %dma_start3A_890 = arith.constant 0 : i32
      %dma_start3A_891 = arith.constant 0 : i32
      %dma_start3A_892 = tpu.memref_slice %arg4[%dma_start3A_879, %dma_start3A_889, %add3A_235, %dma_start3A_890, %dma_start3A_891] : memref<200x8x128x8x128xf32, #tpu.memory_space<hbm>> -> memref<1x8x1x8x128xf32, #tpu.memory_space<hbm>>
      %dma_start3A_893 = tpu.memref_squeeze %dma_start3A_892 : memref<1x8x1x8x128xf32, #tpu.memory_space<hbm>> -> memref<8x8x128xf32, #tpu.memory_space<hbm>>
      %dma_start3A_894 = arith.constant 0 : i32
      %dma_start3A_895 = arith.constant 0 : i32
      %dma_start3A_896 = arith.constant 0 : i32
      %dma_start3A_897 = tpu.memref_slice %arg4[%dma_start3A_879, %dma_start3A_894, %add3A_235, %dma_start3A_895, %dma_start3A_896] : memref<200x8x128x8x128xf32, #tpu.memory_space<hbm>> -> memref<1x8x1x8x128xf32, #tpu.memory_space<hbm>>
      %dma_start3A_898 = tpu.memref_squeeze %dma_start3A_897 : memref<1x8x1x8x128xf32, #tpu.memory_space<hbm>> -> memref<8x8x128xf32, #tpu.memory_space<hbm>>
      %dma_start3A_899 = arith.constant 0 : i32
      %dma_start3A_900 = arith.constant 0 : i32
      %dma_start3A_901 = arith.constant 0 : i32
      %dma_start3A_902 = tpu.memref_slice %arg8[%dma_start3A_878, %dma_start3A_899, %dma_start3A_900, %dma_start3A_901] : memref<4x8x8x131xf32, #tpu.memory_space<vmem>> -> memref<1x8x8x131xf32, #tpu.memory_space<vmem>>
      %dma_start3A_903 = tpu.memref_squeeze %dma_start3A_902 : memref<1x8x8x131xf32, #tpu.memory_space<vmem>> -> memref<8x8x131xf32, #tpu.memory_space<vmem>>
      %dma_start3A_904 = arith.constant 0 : i32
      %dma_start3A_905 = arith.constant 0 : i32
      %dma_start3A_906 = arith.constant 0 : i32
      %dma_start3A_907 = tpu.memref_slice %dma_start3A_903[%dma_start3A_904, %dma_start3A_905, %dma_start3A_906] : memref<8x8x131xf32, #tpu.memory_space<vmem>> -> memref<8x8x128xf32, #tpu.memory_space<vmem>>
      tpu.enqueue_dma source(%dma_start3A_907 : memref<8x8x128xf32, #tpu.memory_space<vmem>>) target(%dma_start3A_898 : memref<8x8x128xf32, #tpu.memory_space<hbm>>) target_semaphore(%arg16 : memref<!tpu.dma_semaphore, #tpu.memory_space<semaphore_mem>>)
      %dma_wait3A_908 = arith.constant 0 : i32
      %dma_wait3A_909 = arith.constant 0 : i32
      %dma_wait3A_910 = arith.constant 0 : i32
      %dma_wait3A_911 = arith.constant 0 : i32
      %dma_wait3A_912 = arith.constant 0 : i32
      %dma_wait3A_913 = arith.constant 0 : i32
      %dma_wait3A_914 = tpu.memref_slice %arg8[%dma_wait3A_910, %dma_wait3A_911, %dma_wait3A_912, %dma_wait3A_913] : memref<4x8x8x131xf32, #tpu.memory_space<vmem>> -> memref<1x8x8x131xf32, #tpu.memory_space<vmem>>
      %dma_wait3A_915 = tpu.memref_squeeze %dma_wait3A_914 : memref<1x8x8x131xf32, #tpu.memory_space<vmem>> -> memref<8x8x131xf32, #tpu.memory_space<vmem>>
      %dma_wait3A_916 = arith.constant 0 : i32
      %dma_wait3A_917 = arith.constant 0 : i32
      %dma_wait3A_918 = arith.constant 0 : i32
      %dma_wait3A_919 = tpu.memref_slice %dma_wait3A_915[%dma_wait3A_916, %dma_wait3A_917, %dma_wait3A_918] : memref<8x8x131xf32, #tpu.memory_space<vmem>> -> memref<8x8x128xf32, #tpu.memory_space<vmem>>
      %dma_wait3A_920 = arith.constant 0 : i32
      %dma_wait3A_921 = arith.constant 0 : i32
      %dma_wait3A_922 = arith.constant 0 : i32
      %dma_wait3A_923 = tpu.memref_slice %arg4[%dma_wait3A_908, %dma_wait3A_920, %dma_wait3A_909, %dma_wait3A_921, %dma_wait3A_922] : memref<200x8x128x8x128xf32, #tpu.memory_space<hbm>> -> memref<1x8x1x8x128xf32, #tpu.memory_space<hbm>>
      %dma_wait3A_924 = tpu.memref_squeeze %dma_wait3A_923 : memref<1x8x1x8x128xf32, #tpu.memory_space<hbm>> -> memref<8x8x128xf32, #tpu.memory_space<hbm>>
      %dma_wait3A_925 = arith.constant 0 : i32
      %dma_wait3A_926 = arith.constant 0 : i32
      %dma_wait3A_927 = arith.constant 0 : i32
      %dma_wait3A_928 = tpu.memref_slice %arg8[%dma_wait3A_910, %dma_wait3A_925, %dma_wait3A_926, %dma_wait3A_927] : memref<4x8x8x131xf32, #tpu.memory_space<vmem>> -> memref<1x8x8x131xf32, #tpu.memory_space<vmem>>
      %dma_wait3A_929 = tpu.memref_squeeze %dma_wait3A_928 : memref<1x8x8x131xf32, #tpu.memory_space<vmem>> -> memref<8x8x131xf32, #tpu.memory_space<vmem>>
      %dma_wait3A_930 = arith.constant 0 : i32
      %dma_wait3A_931 = arith.constant 0 : i32
      %dma_wait3A_932 = arith.constant 0 : i32
      %dma_wait3A_933 = tpu.memref_slice %dma_wait3A_929[%dma_wait3A_930, %dma_wait3A_931, %dma_wait3A_932] : memref<8x8x131xf32, #tpu.memory_space<vmem>> -> memref<8x8x128xf32, #tpu.memory_space<vmem>>
      %dma_wait3A_934 = arith.constant 0 : i32
      %dma_wait3A_935 = arith.constant 0 : i32
      %dma_wait3A_936 = arith.constant 0 : i32
      %dma_wait3A_937 = tpu.memref_slice %arg4[%dma_wait3A_908, %dma_wait3A_934, %dma_wait3A_909, %dma_wait3A_935, %dma_wait3A_936] : memref<200x8x128x8x128xf32, #tpu.memory_space<hbm>> -> memref<1x8x1x8x128xf32, #tpu.memory_space<hbm>>
      %dma_wait3A_938 = tpu.memref_squeeze %dma_wait3A_937 : memref<1x8x1x8x128xf32, #tpu.memory_space<hbm>> -> memref<8x8x128xf32, #tpu.memory_space<hbm>>
      tpu.wait_dma2 semaphore(%arg13 : memref<!tpu.dma_semaphore, #tpu.memory_space<semaphore_mem>>) src(%dma_wait3A_938 : memref<8x8x128xf32, #tpu.memory_space<hbm>>) dst(%dma_wait3A_933 : memref<8x8x128xf32, #tpu.memory_space<vmem>>)
      %dma_wait3A_939 = arith.constant 0 : i32
      %dma_wait3A_940 = arith.constant 0 : i32
      %dma_wait3A_941 = arith.constant 1 : i32
      %dma_wait3A_942 = arith.constant 0 : i32
      %dma_wait3A_943 = arith.constant 0 : i32
      %dma_wait3A_944 = arith.constant 0 : i32
      %dma_wait3A_945 = tpu.memref_slice %arg8[%dma_wait3A_941, %dma_wait3A_942, %dma_wait3A_943, %dma_wait3A_944] : memref<4x8x8x131xf32, #tpu.memory_space<vmem>> -> memref<1x8x8x131xf32, #tpu.memory_space<vmem>>
      %dma_wait3A_946 = tpu.memref_squeeze %dma_wait3A_945 : memref<1x8x8x131xf32, #tpu.memory_space<vmem>> -> memref<8x8x131xf32, #tpu.memory_space<vmem>>
      %dma_wait3A_947 = arith.constant 0 : i32
      %dma_wait3A_948 = arith.constant 0 : i32
      %dma_wait3A_949 = arith.constant 0 : i32
      %dma_wait3A_950 = tpu.memref_slice %dma_wait3A_946[%dma_wait3A_947, %dma_wait3A_948, %dma_wait3A_949] : memref<8x8x131xf32, #tpu.memory_space<vmem>> -> memref<8x8x128xf32, #tpu.memory_space<vmem>>
      %dma_wait3A_951 = arith.constant 0 : i32
      %dma_wait3A_952 = arith.constant 0 : i32
      %dma_wait3A_953 = arith.constant 0 : i32
      %dma_wait3A_954 = tpu.memref_slice %arg4[%dma_wait3A_939, %dma_wait3A_951, %dma_wait3A_940, %dma_wait3A_952, %dma_wait3A_953] : memref<200x8x128x8x128xf32, #tpu.memory_space<hbm>> -> memref<1x8x1x8x128xf32, #tpu.memory_space<hbm>>
      %dma_wait3A_955 = tpu.memref_squeeze %dma_wait3A_954 : memref<1x8x1x8x128xf32, #tpu.memory_space<hbm>> -> memref<8x8x128xf32, #tpu.memory_space<hbm>>
      %dma_wait3A_956 = arith.constant 0 : i32
      %dma_wait3A_957 = arith.constant 0 : i32
      %dma_wait3A_958 = arith.constant 0 : i32
      %dma_wait3A_959 = tpu.memref_slice %arg8[%dma_wait3A_941, %dma_wait3A_956, %dma_wait3A_957, %dma_wait3A_958] : memref<4x8x8x131xf32, #tpu.memory_space<vmem>> -> memref<1x8x8x131xf32, #tpu.memory_space<vmem>>
      %dma_wait3A_960 = tpu.memref_squeeze %dma_wait3A_959 : memref<1x8x8x131xf32, #tpu.memory_space<vmem>> -> memref<8x8x131xf32, #tpu.memory_space<vmem>>
      %dma_wait3A_961 = arith.constant 0 : i32
      %dma_wait3A_962 = arith.constant 0 : i32
      %dma_wait3A_963 = arith.constant 0 : i32
      %dma_wait3A_964 = tpu.memref_slice %dma_wait3A_960[%dma_wait3A_961, %dma_wait3A_962, %dma_wait3A_963] : memref<8x8x131xf32, #tpu.memory_space<vmem>> -> memref<8x8x128xf32, #tpu.memory_space<vmem>>
      %dma_wait3A_965 = arith.constant 0 : i32
      %dma_wait3A_966 = arith.constant 0 : i32
      %dma_wait3A_967 = arith.constant 0 : i32
      %dma_wait3A_968 = tpu.memref_slice %arg4[%dma_wait3A_939, %dma_wait3A_965, %dma_wait3A_940, %dma_wait3A_966, %dma_wait3A_967] : memref<200x8x128x8x128xf32, #tpu.memory_space<hbm>> -> memref<1x8x1x8x128xf32, #tpu.memory_space<hbm>>
      %dma_wait3A_969 = tpu.memref_squeeze %dma_wait3A_968 : memref<1x8x1x8x128xf32, #tpu.memory_space<hbm>> -> memref<8x8x128xf32, #tpu.memory_space<hbm>>
      tpu.wait_dma2 semaphore(%arg14 : memref<!tpu.dma_semaphore, #tpu.memory_space<semaphore_mem>>) src(%dma_wait3A_969 : memref<8x8x128xf32, #tpu.memory_space<hbm>>) dst(%dma_wait3A_964 : memref<8x8x128xf32, #tpu.memory_space<vmem>>)
      %dma_wait3A_970 = arith.constant 0 : i32
      %dma_wait3A_971 = arith.constant 0 : i32
      %dma_wait3A_972 = arith.constant 2 : i32
      %dma_wait3A_973 = arith.constant 0 : i32
      %dma_wait3A_974 = arith.constant 0 : i32
      %dma_wait3A_975 = arith.constant 0 : i32
      %dma_wait3A_976 = tpu.memref_slice %arg8[%dma_wait3A_972, %dma_wait3A_973, %dma_wait3A_974, %dma_wait3A_975] : memref<4x8x8x131xf32, #tpu.memory_space<vmem>> -> memref<1x8x8x131xf32, #tpu.memory_space<vmem>>
      %dma_wait3A_977 = tpu.memref_squeeze %dma_wait3A_976 : memref<1x8x8x131xf32, #tpu.memory_space<vmem>> -> memref<8x8x131xf32, #tpu.memory_space<vmem>>
      %dma_wait3A_978 = arith.constant 0 : i32
      %dma_wait3A_979 = arith.constant 0 : i32
      %dma_wait3A_980 = arith.constant 0 : i32
      %dma_wait3A_981 = tpu.memref_slice %dma_wait3A_977[%dma_wait3A_978, %dma_wait3A_979, %dma_wait3A_980] : memref<8x8x131xf32, #tpu.memory_space<vmem>> -> memref<8x8x128xf32, #tpu.memory_space<vmem>>
      %dma_wait3A_982 = arith.constant 0 : i32
      %dma_wait3A_983 = arith.constant 0 : i32
      %dma_wait3A_984 = arith.constant 0 : i32
      %dma_wait3A_985 = tpu.memref_slice %arg4[%dma_wait3A_970, %dma_wait3A_982, %dma_wait3A_971, %dma_wait3A_983, %dma_wait3A_984] : memref<200x8x128x8x128xf32, #tpu.memory_space<hbm>> -> memref<1x8x1x8x128xf32, #tpu.memory_space<hbm>>
      %dma_wait3A_986 = tpu.memref_squeeze %dma_wait3A_985 : memref<1x8x1x8x128xf32, #tpu.memory_space<hbm>> -> memref<8x8x128xf32, #tpu.memory_space<hbm>>
      %dma_wait3A_987 = arith.constant 0 : i32
      %dma_wait3A_988 = arith.constant 0 : i32
      %dma_wait3A_989 = arith.constant 0 : i32
      %dma_wait3A_990 = tpu.memref_slice %arg8[%dma_wait3A_972, %dma_wait3A_987, %dma_wait3A_988, %dma_wait3A_989] : memref<4x8x8x131xf32, #tpu.memory_space<vmem>> -> memref<1x8x8x131xf32, #tpu.memory_space<vmem>>
      %dma_wait3A_991 = tpu.memref_squeeze %dma_wait3A_990 : memref<1x8x8x131xf32, #tpu.memory_space<vmem>> -> memref<8x8x131xf32, #tpu.memory_space<vmem>>
      %dma_wait3A_992 = arith.constant 0 : i32
      %dma_wait3A_993 = arith.constant 0 : i32
      %dma_wait3A_994 = arith.constant 0 : i32
      %dma_wait3A_995 = tpu.memref_slice %dma_wait3A_991[%dma_wait3A_992, %dma_wait3A_993, %dma_wait3A_994] : memref<8x8x131xf32, #tpu.memory_space<vmem>> -> memref<8x8x128xf32, #tpu.memory_space<vmem>>
      %dma_wait3A_996 = arith.constant 0 : i32
      %dma_wait3A_997 = arith.constant 0 : i32
      %dma_wait3A_998 = arith.constant 0 : i32
      %dma_wait3A_999 = tpu.memref_slice %arg4[%dma_wait3A_970, %dma_wait3A_996, %dma_wait3A_971, %dma_wait3A_997, %dma_wait3A_998] : memref<200x8x128x8x128xf32, #tpu.memory_space<hbm>> -> memref<1x8x1x8x128xf32, #tpu.memory_space<hbm>>
      %dma_wait3A_1000 = tpu.memref_squeeze %dma_wait3A_999 : memref<1x8x1x8x128xf32, #tpu.memory_space<hbm>> -> memref<8x8x128xf32, #tpu.memory_space<hbm>>
      tpu.wait_dma2 semaphore(%arg15 : memref<!tpu.dma_semaphore, #tpu.memory_space<semaphore_mem>>) src(%dma_wait3A_1000 : memref<8x8x128xf32, #tpu.memory_space<hbm>>) dst(%dma_wait3A_995 : memref<8x8x128xf32, #tpu.memory_space<vmem>>)
      %dma_wait3A_1001 = arith.constant 0 : i32
      %dma_wait3A_1002 = arith.constant 0 : i32
      %dma_wait3A_1003 = arith.constant 3 : i32
      %dma_wait3A_1004 = arith.constant 0 : i32
      %dma_wait3A_1005 = arith.constant 0 : i32
      %dma_wait3A_1006 = arith.constant 0 : i32
      %dma_wait3A_1007 = tpu.memref_slice %arg8[%dma_wait3A_1003, %dma_wait3A_1004, %dma_wait3A_1005, %dma_wait3A_1006] : memref<4x8x8x131xf32, #tpu.memory_space<vmem>> -> memref<1x8x8x131xf32, #tpu.memory_space<vmem>>
      %dma_wait3A_1008 = tpu.memref_squeeze %dma_wait3A_1007 : memref<1x8x8x131xf32, #tpu.memory_space<vmem>> -> memref<8x8x131xf32, #tpu.memory_space<vmem>>
      %dma_wait3A_1009 = arith.constant 0 : i32
      %dma_wait3A_1010 = arith.constant 0 : i32
      %dma_wait3A_1011 = arith.constant 0 : i32
      %dma_wait3A_1012 = tpu.memref_slice %dma_wait3A_1008[%dma_wait3A_1009, %dma_wait3A_1010, %dma_wait3A_1011] : memref<8x8x131xf32, #tpu.memory_space<vmem>> -> memref<8x8x128xf32, #tpu.memory_space<vmem>>
      %dma_wait3A_1013 = arith.constant 0 : i32
      %dma_wait3A_1014 = arith.constant 0 : i32
      %dma_wait3A_1015 = arith.constant 0 : i32
      %dma_wait3A_1016 = tpu.memref_slice %arg4[%dma_wait3A_1001, %dma_wait3A_1013, %dma_wait3A_1002, %dma_wait3A_1014, %dma_wait3A_1015] : memref<200x8x128x8x128xf32, #tpu.memory_space<hbm>> -> memref<1x8x1x8x128xf32, #tpu.memory_space<hbm>>
      %dma_wait3A_1017 = tpu.memref_squeeze %dma_wait3A_1016 : memref<1x8x1x8x128xf32, #tpu.memory_space<hbm>> -> memref<8x8x128xf32, #tpu.memory_space<hbm>>
      %dma_wait3A_1018 = arith.constant 0 : i32
      %dma_wait3A_1019 = arith.constant 0 : i32
      %dma_wait3A_1020 = arith.constant 0 : i32
      %dma_wait3A_1021 = tpu.memref_slice %arg8[%dma_wait3A_1003, %dma_wait3A_1018, %dma_wait3A_1019, %dma_wait3A_1020] : memref<4x8x8x131xf32, #tpu.memory_space<vmem>> -> memref<1x8x8x131xf32, #tpu.memory_space<vmem>>
      %dma_wait3A_1022 = tpu.memref_squeeze %dma_wait3A_1021 : memref<1x8x8x131xf32, #tpu.memory_space<vmem>> -> memref<8x8x131xf32, #tpu.memory_space<vmem>>
      %dma_wait3A_1023 = arith.constant 0 : i32
      %dma_wait3A_1024 = arith.constant 0 : i32
      %dma_wait3A_1025 = arith.constant 0 : i32
      %dma_wait3A_1026 = tpu.memref_slice %dma_wait3A_1022[%dma_wait3A_1023, %dma_wait3A_1024, %dma_wait3A_1025] : memref<8x8x131xf32, #tpu.memory_space<vmem>> -> memref<8x8x128xf32, #tpu.memory_space<vmem>>
      %dma_wait3A_1027 = arith.constant 0 : i32
      %dma_wait3A_1028 = arith.constant 0 : i32
      %dma_wait3A_1029 = arith.constant 0 : i32
      %dma_wait3A_1030 = tpu.memref_slice %arg4[%dma_wait3A_1001, %dma_wait3A_1027, %dma_wait3A_1002, %dma_wait3A_1028, %dma_wait3A_1029] : memref<200x8x128x8x128xf32, #tpu.memory_space<hbm>> -> memref<1x8x1x8x128xf32, #tpu.memory_space<hbm>>
      %dma_wait3A_1031 = tpu.memref_squeeze %dma_wait3A_1030 : memref<1x8x1x8x128xf32, #tpu.memory_space<hbm>> -> memref<8x8x128xf32, #tpu.memory_space<hbm>>
      tpu.wait_dma2 semaphore(%arg16 : memref<!tpu.dma_semaphore, #tpu.memory_space<semaphore_mem>>) src(%dma_wait3A_1031 : memref<8x8x128xf32, #tpu.memory_space<hbm>>) dst(%dma_wait3A_1026 : memref<8x8x128xf32, #tpu.memory_space<vmem>>)
    }
    %scan3A_231 = arith.constant 4 : i32
    return
  }
}

</mosaic_0001>

<sc_bundles>
// kernel: kernel.3.cloned.1.call-start
scs
__scs_entry_jumppad:
0x0: {  	(pc) =	sbr.rel $0x88, $3  }
0x1: {  	(tag) =	ssettag $0x0;
	lr =	simm.s32 $0x1  }
0x2: {  	[smem:$0x3F9F] =	sst lr;
	_ =	strace $0xD0000000  }
0x3: {  	_ = 	snop  }
0x4: {  	_ = 	snop  }
0x5: {  	_ = 	snop  }
0x6: {  	_ = 	snop  }
0x7: {  	_ = 	snop  }
__scs_overlays_trampoline_lowered:
0x8: {  	[smem:$0x3FAE] =	sst s0  }
0x9: {  	[smem:$0x3FAF] =	sst s1  }
0xa: {  	[smem:$0x3FB0] =	sst s2  }
0xb: {  	[smem:$0x3FB1] =	sst s3  }
0xc: {  	[smem:$0x3FB2] =	sst s4  }
0xd: {  	[smem:$0x3FB3] =	sst s5  }
0xe: {  	[smem:$0x3FB4] =	sst s6  }
0xf: {  	[smem:$0x3FB5] =	sst s7  }
0x10: {  	[smem:$0x3FB6] =	sst s8  }
0x11: {  	[smem:$0x3FB7] =	sst s9;
	s0 =	simm.s32 @!p0 $0x0  }
0x12: {  	s1 =	sld [smem:$0x3F9D];
	s0 =	simm.s32 @p0 $0x1  }
0x13: {  	[smem:$0x3FB8] =	sst s0;
	s0 =	simm.s32 @!p1 $0x0  }
0x14: {  	s2 =	sld [smem:$0x3F9C];
	s0 =	simm.s32 @p1 $0x1  }
0x15: {  	[smem:$0x3FB9] =	sst s0;
	s0 =	simm.s32 @!p2 $0x0  }
0x16: {  	s3 =	sld [smem:$0x3FDB];
	s0 =	simm.s32 @p2 $0x1  }
0x17: {  	s4 =	simm.s32 $0x1BF5;
	[smem:$0x3FBB] =	sst s0  }
0x18: {  	s0 =	sld [smem:$0x3F9E];
	_ =	swait.ge [sflag:s4], $0x0  }
0x19: {  	s7 =	sld [smem:$0x3F9F]  }
0x1a: {  	s8 =	sadd.s32 $0xFFFFE003, lr  }
0x1b: {  	s9 =	sadd.s32 $0xFFFFFEF7, lr;
	s5 =	simm.s32 $0xFFFFFFFF;
	p2 =	slt.u32 s8, $0xFFFFF086  }
0x1c: {  	p1 =	slt.u32 s9, $0xF7A;
	s5 =	simm.s32 @!p2 $0x0  }
0x1d: {  	s5 =	simm.s32 @p1 $0x1;
	p0 =	seq.s32 s7, s2  }
0x1e: {  	s7 =	smul.u32 @!p0 $0xF7A, s2;
	p2 =	seq.s32 @!p0 s5, $0x0  }
0x1f: {  	s9 =	smul.u32 $0xF7A, s1;
	s8 =	simm.s32 @!p0 $0x1BF5;
	p2 =	por !p2, p0  }
0x20: {  	[sflag:s8] =	ssyncset.s32 @!p0 $0xFFFFF086;
	s6 =	sadd.s32 @!p0 s3, s7;
	s7 =	simm.s32 @!p0 $0x108  }
0x21: {  	s3 =	sadd.s32 s3, s9;
	s6 =	sadd.s32 @!p0 $0x88, s6;
	s7 =	simm.s32 @p2 $0x1082  }
0x22: {  	[simem:s7], [sflag:s8] =	dma.local @!p0 [hbm:s6], $0xF7A  }
0x23: {  	s9 =	sor.u32 $0xD0000000, s2;
	s6 =	simm.s32 $0x108;
	_ =	swait.ge @!p0 [sflag:s8], $0x0  }
0x24: {  	s3 =	sadd.s32 $0x88, s3;
	s6 =	simm.s32 @!p1 $0x1082;
	[sflag:s4] =	ssyncset.s32 $0xFFFFF086  }
0x25: {  	[simem:s6], [sflag:s4] =	dma.local [hbm:s3], $0xF7A  }
0x26: {  	[smem:$0x3F9F] =	sst s1;
	(tag) =	ssettag s2;
	_ =	strace s9  }
0x27: {  	s1 =	sld [smem:$0x3FAF]  }
0x28: {  	s2 =	sld [smem:$0x3FB0]  }
0x29: {  	s4 =	sld [smem:$0x3FB2]  }
0x2a: {  	p0 =	seq.s32 s5, $0x0;
	s5 =	sld [smem:$0x3FB3]  }
0x2b: {  	s6 =	sld [smem:$0x3FB4]  }
0x2c: {  	s7 =	sld [smem:$0x3FB5]  }
0x2d: {  	s3 =	simm.s32 $0x108;
	s8 =	sld [smem:$0x3FB6]  }
0x2e: {  	s3 =	simm.s32 @!p0 $0x1082;
	s9 =	sld [smem:$0x3FB7]  }
0x2f: {  	lr =	sadd.s32 s0, s3;
	s0 =	sld [smem:$0x3FAE]  }
0x30: {  	s3 =	sld [smem:$0x3FB1]  }
0x31: {  	[smem:$0x3FBA] =	sst s10  }
0x32: {  	s10 =	sld [smem:$0x3FB8];
	_ =	sdelay $0x3  }
0x33: {  	p0 =	seq.s32 s10, $0x1;
	s10 =	sld [smem:$0x3FBA];
	_ =	sdelay $0x3  }
0x34: {  	[smem:$0x3FBA] =	sst s10  }
0x35: {  	s10 =	sld [smem:$0x3FB9];
	_ =	sdelay $0x3  }
0x36: {  	p1 =	seq.s32 s10, $0x1;
	s10 =	sld [smem:$0x3FBA];
	_ =	sdelay $0x3  }
0x37: {  	[smem:$0x3FBA] =	sst s10  }
0x38: {  	s10 =	sld [smem:$0x3FBB]  }
0x39: {  	_ = 	snop;
	(pc) =	sbr.ind lr, $3  }
0x3a: {  	_ = 	snop  }
0x3b: {  	_ = 	snop  }
0x3c: {  	p2 =	seq.s32 s10, $0x1;
	s10 =	sld [smem:$0x3FBA]  }
0x3d: {  	_ =	shalt  }
0x3e: {  	_ =	shalt  }
0x3f: {  	_ =	shalt  }
0x40: {  	_ =	shalt  }
0x41: {  	_ =	shalt  }
0x42: {  	_ =	shalt  }
0x43: {  	_ =	shalt  }
0x44: {  	_ =	shalt  }
0x45: {  	_ =	shalt  }
0x46: {  	_ =	shalt  }
0x47: {  	_ =	shalt  }
0x48: {  	_ =	shalt  }
0x49: {  	_ =	shalt  }
0x4a: {  	_ =	shalt  }
0x4b: {  	_ =	shalt  }
0x4c: {  	_ =	shalt  }
0x4d: {  	_ =	shalt  }
0x4e: {  	_ =	shalt  }
0x4f: {  	_ =	shalt  }
0x50: {  	_ =	shalt  }
0x51: {  	_ =	shalt  }
0x52: {  	_ =	shalt  }
0x53: {  	_ =	shalt  }
0x54: {  	_ =	shalt  }
0x55: {  	_ =	shalt  }
0x56: {  	_ =	shalt  }
0x57: {  	_ =	shalt  }
0x58: {  	_ =	shalt  }
0x59: {  	_ =	shalt  }
0x5a: {  	_ =	shalt  }
0x5b: {  	_ =	shalt  }
0x5c: {  	_ =	shalt  }
0x5d: {  	_ =	shalt  }
0x5e: {  	_ =	shalt  }
0x5f: {  	_ =	shalt  }
0x60: {  	_ =	shalt  }
0x61: {  	_ =	shalt  }
0x62: {  	_ =	shalt  }
0x63: {  	_ =	shalt  }
0x64: {  	_ =	shalt  }
0x65: {  	_ =	shalt  }
0x66: {  	_ =	shalt  }
0x67: {  	_ =	shalt  }
0x68: {  	_ =	shalt  }
0x69: {  	_ =	shalt  }
0x6a: {  	_ =	shalt  }
0x6b: {  	_ =	shalt  }
0x6c: {  	_ =	shalt  }
0x6d: {  	_ =	shalt  }
0x6e: {  	_ =	shalt  }
0x6f: {  	_ =	shalt  }
0x70: {  	_ =	shalt  }
0x71: {  	_ =	shalt  }
0x72: {  	_ =	shalt  }
0x73: {  	_ =	shalt  }
0x74: {  	_ =	shalt  }
0x75: {  	_ =	shalt  }
0x76: {  	_ =	shalt  }
0x77: {  	_ =	shalt  }
0x78: {  	_ =	shalt  }
0x79: {  	_ =	shalt  }
0x7a: {  	_ =	shalt  }
0x7b: {  	_ =	shalt  }
0x7c: {  	_ =	shalt  }
0x7d: {  	_ =	shalt  }
0x7e: {  	_ =	shalt  }
0x7f: {  	_ =	shalt  }
0x80: {  	_ =	shalt  }
0x81: {  	_ =	shalt  }
0x82: {  	_ =	shalt  }
0x83: {  	_ =	shalt  }
0x84: {  	_ =	shalt  }
0x85: {  	_ =	shalt  }
0x86: {  	_ =	shalt  }
0x87: {  	_ =	shalt  }
.Lfunc_end0:
.L_simem_size_0:
called_computation_lowered:
.L_overlay_start_0:
0x88: {  	s2 =	sld [smem:$0x3FD9]  }
0x89: {  	s3 =	sld [smem:$0x3FFE];
	_ =	sdelay $0x1  }
0x8a: {  	s1 =	srdreg.scid  }
0x8b: {  	s0 =	sand.u32 $0x1, s1  }
0x8c: {  	s17 =	sshll.u32 s0, $0xA;
	s2 =	sadd.s32 s3, s2  }
0x8d: {  	s2 =	sadd.s32 s2, s17  }
0x8e: {  	[smem:$0x3FC6] =	sst s2  }
0x8f: {  	_ = 	snop  }
0x90: {  	s2 =	sld [smem:$0x3FD0];
	(tm) =	ssettm $0x1  }
0x91: {  	s18 =	sld [smem:$0x3FFB];
	_ =	sdelay $0x3  }
0x92: {  	_ =	strace s18  }
0x93: {  	s3 =	sld [smem:$0x3FFC];
	_ =	sdelay $0x3  }
0x94: {  	_ =	strace s3  }
0x95: {  	s3 =	sld [smem:$0x3FFD];
	_ =	sdelay $0x3  }
0x96: {  	_ =	strace s3  }
0x97: {  	_ =	strace $0x8FFFFFFF  }
0x98: {  	s19 =	sld [smem:$0x3FDB];
	_ =	sdelay $0x1  }
0x99: {  	s4 =	simm.s32 $_scs_section_size  }
0x9a: {  	s5 =	simm.s32 $_size__tile_overlayer_lowered;
	s6 =	simm.s32 $_tile_overlayer_lowered  }
0x9b: {  	s22 =	simm.s32 $0x1BFF;
	s21 =	sshll.u32 s6, $0x1;
	s3 =	sadd.s32 s4, s19  }
0x9c: {  	s7 =	simm.s32 $0x0;
	s20 =	sshll.u32 s5, $0x1;
	s5 =	sadd.s32 s21, s3  }
0x9d: {  	[timem:s7], [sflag:s22] =	dma.local [hbm:s5], s20  }
0x9e: {  	_ =	swait.ge [sflag:s22], s20  }
0x9f: {  	s4 =	ssub.s32 $0x0, s20;
	[sflag:s22] =	ssyncset.done $0x0  }
0xa0: {  	[sflag:s22] =	ssyncadd.s32 s4;
	_ =	sdelay $0x1  }
0xa1: {  	s23 =	simm.s32 $0x1B8B  }
0xa2: {  	_ =	swait.ge [sflag:s23], $0x1  }
0xa3: {  	[sflag:s23] =	ssyncset.done $0x0  }
0xa4: {  	s25 =	simm.s32 $0x1B8E;
	s24 =	sld [smem:$0x3FFE];
	[sflag:s23] =	ssyncadd.s32 $0xFFFFFFFF  }
0xa5: {  	s26 =	simm.s32 $execute0_lowered;
	[smem:$0x3FD2] =	sst s25  }
0xa6: {  	s5 =	sshll.u32 s26, $0x1;
	_ =	strace $0x80000046;
	[dreg:$0x1] =	wrdreg $0xFFFFFFFF  }
0xa7: {  	s28 =	simm.s32 $_size_execute0_lowered;
	s3 =	sadd.s32 s3, s5;
	[dreg:$0x0] =	wrdreg $0x0  }
0xa8: {  	s5 =	sshll.u32 s28, $0x1;
	[dreg:$0x2] =	wrdreg s3  }
0xa9: {  	[dreg:$0x3] =	wrdreg s5  }
0xaa: {  	[dreg:$0x4] =	wrdreg $0xC0  }
0xab: {  	_ =	task [dreg:s7], $0x5FFFF  }
0xac: {  	[dreg:$0x1] =	wrdreg $0xFFFFFFFF  }
0xad: {  	[dreg:$0x0] =	wrdreg $0x60  }
0xae: {  	[dreg:$0x2] =	wrdreg s24  }
0xaf: {  	[dreg:$0x3] =	wrdreg s2  }
0xb0: {  	[dreg:$0x4] =	wrdreg $0x9  }
0xb1: {  	_ =	task.clear_ibuf [dreg:s7], $0x5FFFF;
	_ =	strace $0x90000046  }
0xb2: {  	s29 =	simm.s32 $0x9;
	_ =	strace $0x80000048  }
0xb3: {  	_ =	swait.ge [sflag:s29], $0x1  }
0xb4: {  	[sflag:s29] =	ssyncadd.s32 $0xFFFFFFFF  }
0xb5: {  	_ =	strace $0x90000048  }
0xb6: {  	_ =	sfence  }
0xb7: {  	s30 =	sld [smem:$0x0];
	_ =	sdelay $0x2  }
0xb8: {  	s31 =	sshll.u32 s1, $0xD;
	s1 =	sshrl.u32 s1, $0x2  }
0xb9: {  	s3 =	sand.u32 $0x4000, s31;
	s1 =	sadd.s32 s1, s30  }
0xba: {  	s0 =	sor.u32 s3, s0;
	s1 =	sshll.u32 s1, $0x11  }
0xbb: {  	s0 =	sor.u32 s1, s0  }
0xbc: {  	s0 =	sadd.s32 $0x8F2B, s0  }
0xbd: {  	[sflag:s0] =	ssyncadd.remote.s32 $0x1  }
0xbe: {  	_ =	sfence.sel $0xFFFF  }
0xbf: {  	[dreg:$0x0] =	wrdreg $0xFFFFFFFF;
	(pc) =	sbr.abs _section_cstart, $3  }
0xc0: {  	[dreg:$0x1] =	wrdreg $0xFFFFFFFF  }
0xc1: {  	_ =	task.clear_ibuf [dreg:s7], $0x2FFFF;
	_ =	strace $0x9FFFFFFF  }
0xc2: {  	(tm) =	ssettm $0x7FFFFFFF  }
0xc3: {  	_ =	shalt  }
tec
execute0_lowered:
.L_overlay_start_1:
0x0: {  	(tag) =	ssettag $0x1  }
0x1: {  	s0 =	rddreg [dreg:$0x0]  }
0x2: {  	s1 =	rddreg [dreg:$0x1]  }
0x3: {  	s2 =	simm.s32 $0x0;
	s3 =	srdreg.scid;
	s6 =	stileid.u32  }
0x4: {  	s16 =	simm.s32 $0x80;
	s28 =	simm.s32 $0x2;
	s29 =	simm.s32 $0x10C00  }
0x5: {  	s30 =	simm.s32 $0x3;
	s31 =	simm.s32 $0x12E00;
	s14 =	simm.s32 $0x5  }
0x6: {  	s7 =	simm.s32 $0x8;
	[smem:$0x7FF] =	sst s2;
	s4 =	sadd.s32 $0x400, s0  }
0x7: {  	s20 =	sadd.s32 $0x20000, s1;
	_ =	strace $0x80000047;
	[dreg:$0x3] =	wrdreg s4  }
0x8: {  	s9 =	simm.s32 $0x0;
	s21 =	sadd.s32 $0x40000, s1;
	[dreg:$0x5] =	wrdreg s20  }
0x9: {  	s3 =	sand.u32 $0x1, s3;
	s22 =	sadd.s32 $0x60000, s1;
	[dreg:$0x6] =	wrdreg s21  }
0xa: {  	s5 =	sadd.s32 $0x64400, s0;
	s23 =	sadd.s32 $0x1880000, s1;
	[dreg:$0x7] =	wrdreg s22  }
0xb: {  	s6 =	sshll.u32 s6, $0x3;
	s24 =	sadd.s32 $0x18A0000, s1;
	[dreg:$0x8] =	wrdreg s23  }
0xc: {  	s25 =	sadd.s32 $0x18C0000, s1;
	s26 =	sadd.s32 $0x18E0000, s1;
	[dreg:$0x9] =	wrdreg s24  }
0xd: {  	v1 =	vlaneseq.u32;
	s18 =	ssub.s32 $0x2, s3;
	s3 =	sshll.u32 s3, $0x2;
	[dreg:$0xa] =	wrdreg s25  }
0xe: {  	v0 =	vmul.u32 $0xD0, v1;
	[dreg:$0xb] =	wrdreg s26;
	s20 =	simm.s32 $0x8A00;
	s21 =	simm.s32 $0x6900  }
0xf: {  	v1 =	vmul.u32 $0x88, v1;
	s22 =	simm.s32 $0xAA00;
	s23 =	simm.s32 $0x6980;
	s24 =	simm.s32 $0xCA00  }
0x10: {  	s25 =	simm.s32 $0x1;
	s26 =	simm.s32 $0xEA00;
	s19 =	sshrl.u32 s18, $0x1;
	v2 =	vor.u32 $0x1, v0  }
0x11: {  	s4 =	simm.s32 $0x6;
	s3 =	sor.u32 s3, s6;
	v3 =	vor.u32 $0x2, v0;
	v4 =	vor.u32 $0x3, v0;
	v5 =	vadd.s32 $0x880, v1;
	s0 =	ssub.s32 s18, s19  }
0x12: {  	v6 =	vadd.s32 $0x1100, v1;
	v7 =	vadd.s32 $0x1980, v1;
	v8 =	vor.u32 $0x4, v0;
	s6 =	simm.s32 $0x7;
	[dreg:$0x4] =	wrdreg s3;
	s0 =	smax.u32 s0, $0x1  }
0x13: {  	v9 =	vor.u32 $0x5, v0;
	v10 =	vor.u32 $0x6, v0;
	v11 =	vor.u32 $0x7, v0;
	s3 =	simm.s32 $0x15000;
	[dreg:$0xc] =	wrdreg s0;
	s0 =	simm.s32 $0x4  }
.LBB2_1:
0x14: {  	[dreg:$0xd] =	wrdreg s9;
	s9 =	simm.s32 $0x0  }
.LBB2_2:
0x15: {  	s8 =	rddreg [dreg:$0x4]  }
0x16: {  	[dreg:$0xe] =	wrdreg s9;
	s9 =	sadd.s32 s8, s9  }
0x17: {  	s8 =	smul.u32 $0xC80, s9  }
0x18: {  	s10 =	rddreg [dreg:$0x3]  }
0x19: {  	s11 =	simm.s32 $0x19;
	s10 =	sadd.s32 s10, s8  }
0x1a: {  	s12 =	simm.s32 $0xD0;
	s8 =	simm.s32 $0x0;
	s13 =	sadd.s32 $0x0, s10  }
.LBB2_3:
0x1b: {  	[tilespmem:s8], [sflag:$0x9] =	stream.linear.gather [hbm4b:s13+s2], $0xC8, $0x38;
	[tilespmem:$0x17200] =	vst v63  }
0x1c: {  	s13 =	smov.u32 s11;
	s8 =	smov.u32 s12;
	p0 =	sne.s32 s11, $0xC67  }
.Ltmp0:
0x1d: {  	s11 =	sadd.s32 $0x19, s11;
	(pc) =	sbr.rel @p0 .LBB2_3-.Ltmp0, $2  }
0x1e: {  	_ =	sdelay $0x2  }
0x1f: {  	s12 =	sadd.s32 $0xD0, s12;
	s13 =	sadd.s32 s13, s10  }
0x20: {  	s10 =	simm.s32 $0x0  }
0x21: {  	v12 =	vmov s10  }
0x22: {  	v12 =	vmul.u32 $0xD0, v12;
	_ =	sdelay $0x1  }
0x23: {  	v12 =	vbroadcast v12, $0x0  }
0x24: {  	s17 =	simm.s32 $0x10  }
0x25: {  	[tilespmem:s8], [sflag:$0x9] =	stream.linear.gather [hbm4b:s13+s2], $0xC8, $0x38;
	v13 =	vmov s17;
	v12 =	vadd.s32 v0, v12;
	[tilespmem:$0x17200] =	vst v63  }
0x26: {  	s18 =	simm.s32 $0x9;
	v13 =	vmul.u32 $0xD0, v13  }
0x27: {  	_ =	swait.ge [sflag:s18], $0x6400  }
0x28: {  	[sflag:s18] =	ssyncset.done $0x0;
	v13 =	vbroadcast v13, $0x0  }
0x29: {  	s19 =	simm.s32 $0x20;
	[sflag:s18] =	ssyncadd.s32 $0xFFFF9C00  }
0x2a: {  	v14 =	vld.idx.msk [tilespmem:v12+s2+$0x0], $0xffff;
	v12 =	vadd.s32 v0, v13;
	v13 =	vmov s19  }
0x2b: {  	v13 =	vmul.u32 $0xD0, v13;
	_ =	sdelay $0x1  }
0x2c: {  	v13 =	vbroadcast v13, $0x0  }
0x2d: {  	s8 =	simm.s32 $0x6800  }
0x2e: {  	s10 =	simm.s32 $0x30;
	v12 =	vld.idx.msk [tilespmem:v12+s2+$0x0], $0xffff;
	[tilespmem:s8+$0x0] =	vst v14;
	v13 =	vadd.s32 v0, v13  }
.LBB2_5:
0x2f: {  	v14 =	vmov s10;
	p0 =	sne.s32 s10, $0x70;
	s10 =	sadd.s32 $0x10, s10  }
.Ltmp1:
0x30: {  	v14 =	vmul.u32 $0xD0, v14;
	(pc) =	sbr.rel @p0 .LBB2_5-.Ltmp1, $4  }
0x31: {  	_ = 	snop  }
0x32: {  	s8 =	sadd.s32 $0x10, s8;
	v14 =	vbroadcast v14, $0x0  }
0x33: {  	[tilespmem:s8+$0x0] =	vst v12;
	v12 =	vld.idx.msk [tilespmem:v13+s2+$0x0], $0xffff  }
0x34: {  	v13 =	vadd.s32 v0, v14  }
0x35: {  	s10 =	simm.s32 $0x0  }
0x36: {  	v14 =	vmov s10  }
0x37: {  	v14 =	vmul.u32 $0xD0, v14;
	_ =	sdelay $0x1  }
0x38: {  	v13 =	vld.idx.msk [tilespmem:v13+s2+$0x0], $0xffff;
	v14 =	vbroadcast v14, $0x0  }
0x39: {  	s15 =	simm.s32 $0x10  }
0x3a: {  	s8 =	sadd.s32 $0x10, s8;
	v15 =	vmov s15;
	v14 =	vadd.s32 v2, v14  }
0x3b: {  	[tilespmem:s8+$0x0] =	vst v12;
	v12 =	vmul.u32 $0xD0, v15  }
0x3c: {  	s8 =	sadd.s32 $0x10, s8  }
0x3d: {  	s17 =	simm.s32 $0x6800;
	s18 =	simm.s32 $0x6A00;
	s19 =	simm.s32 $0x20;
	[tilespmem:s8+$0x0] =	vst v13;
	v12 =	vbroadcast v12, $0x0  }
0x3e: {  	[tilespmem:s18], [sflag:$0x1] =	stream.indirect.gather [hbm4b:s5+s16], $0x40, s17, s16, $0xb8;
	[tilespmem:$0x17200] =	vst v63  }
0x3f: {  	v12 =	vadd.s32 v2, v12;
	v13 =	vld.idx.msk [tilespmem:v14+s2+$0x0], $0xffff;
	v14 =	vmov s19  }
0x40: {  	v14 =	vmul.u32 $0xD0, v14;
	_ =	sdelay $0x1  }
0x41: {  	v14 =	vbroadcast v14, $0x0  }
0x42: {  	s8 =	simm.s32 $0x6880  }
0x43: {  	s10 =	simm.s32 $0x30;
	v12 =	vld.idx.msk [tilespmem:v12+s2+$0x0], $0xffff;
	[tilespmem:s8+$0x0] =	vst v13;
	v13 =	vadd.s32 v2, v14  }
.LBB2_7:
0x44: {  	v14 =	vmov s10;
	p0 =	sne.s32 s10, $0x70;
	s10 =	sadd.s32 $0x10, s10  }
.Ltmp2:
0x45: {  	v14 =	vmul.u32 $0xD0, v14;
	(pc) =	sbr.rel @p0 .LBB2_7-.Ltmp2, $4  }
0x46: {  	_ = 	snop  }
0x47: {  	s8 =	sadd.s32 $0x10, s8;
	v14 =	vbroadcast v14, $0x0  }
0x48: {  	[tilespmem:s8+$0x0] =	vst v12;
	v12 =	vld.idx.msk [tilespmem:v13+s2+$0x0], $0xffff  }
0x49: {  	v13 =	vadd.s32 v2, v14  }
0x4a: {  	s10 =	simm.s32 $0x0  }
0x4b: {  	v14 =	vmov s10  }
0x4c: {  	v14 =	vmul.u32 $0xD0, v14;
	_ =	sdelay $0x1  }
0x4d: {  	v13 =	vld.idx.msk [tilespmem:v13+s2+$0x0], $0xffff;
	v14 =	vbroadcast v14, $0x0  }
0x4e: {  	s17 =	simm.s32 $0x10  }
0x4f: {  	s8 =	sadd.s32 $0x10, s8;
	v15 =	vmov s17;
	v14 =	vadd.s32 v3, v14  }
0x50: {  	[tilespmem:s8+$0x0] =	vst v12;
	v12 =	vmul.u32 $0xD0, v15  }
0x51: {  	s8 =	sadd.s32 $0x10, s8  }
0x52: {  	s18 =	simm.s32 $0x6880;
	s19 =	simm.s32 $0x20;
	[tilespmem:s8+$0x0] =	vst v13;
	v12 =	vbroadcast v12, $0x0  }
0x53: {  	[tilespmem:s20], [sflag:$0x2] =	stream.indirect.gather [hbm4b:s5+s16], $0x40, s18, s16, $0xb8;
	[tilespmem:$0x17200] =	vst v63  }
0x54: {  	v12 =	vadd.s32 v3, v12;
	v13 =	vld.idx.msk [tilespmem:v14+s2+$0x0], $0xffff;
	v14 =	vmov s19  }
0x55: {  	v14 =	vmul.u32 $0xD0, v14;
	_ =	sdelay $0x1  }
0x56: {  	v14 =	vbroadcast v14, $0x0  }
0x57: {  	s8 =	simm.s32 $0x6900  }
0x58: {  	s10 =	simm.s32 $0x30;
	v12 =	vld.idx.msk [tilespmem:v12+s2+$0x0], $0xffff;
	[tilespmem:s8+$0x0] =	vst v13;
	v13 =	vadd.s32 v3, v14  }
.LBB2_9:
0x59: {  	v14 =	vmov s10;
	p0 =	sne.s32 s10, $0x70;
	s10 =	sadd.s32 $0x10, s10  }
.Ltmp3:
0x5a: {  	v14 =	vmul.u32 $0xD0, v14;
	(pc) =	sbr.rel @p0 .LBB2_9-.Ltmp3, $4  }
0x5b: {  	_ = 	snop  }
0x5c: {  	s8 =	sadd.s32 $0x10, s8;
	v14 =	vbroadcast v14, $0x0  }
0x5d: {  	[tilespmem:s8+$0x0] =	vst v12;
	v12 =	vld.idx.msk [tilespmem:v13+s2+$0x0], $0xffff  }
0x5e: {  	v13 =	vadd.s32 v3, v14  }
0x5f: {  	s10 =	simm.s32 $0x0  }
0x60: {  	v14 =	vmov s10  }
0x61: {  	v14 =	vmul.u32 $0xD0, v14;
	_ =	sdelay $0x1  }
0x62: {  	v13 =	vld.idx.msk [tilespmem:v13+s2+$0x0], $0xffff;
	v14 =	vbroadcast v14, $0x0  }
0x63: {  	s18 =	simm.s32 $0x10  }
0x64: {  	s8 =	sadd.s32 $0x10, s8;
	v15 =	vmov s18;
	v14 =	vadd.s32 v4, v14  }
0x65: {  	[tilespmem:s8+$0x0] =	vst v12;
	v12 =	vmul.u32 $0xD0, v15  }
0x66: {  	s8 =	sadd.s32 $0x10, s8  }
0x67: {  	s19 =	simm.s32 $0x20;
	[tilespmem:s8+$0x0] =	vst v13;
	v12 =	vbroadcast v12, $0x0  }
0x68: {  	[tilespmem:s22], [sflag:$0x3] =	stream.indirect.gather [hbm4b:s5+s16], $0x40, s21, s16, $0xb8;
	[tilespmem:$0x17200] =	vst v63  }
0x69: {  	v12 =	vadd.s32 v4, v12;
	v13 =	vld.idx.msk [tilespmem:v14+s2+$0x0], $0xffff;
	v14 =	vmov s19  }
0x6a: {  	v14 =	vmul.u32 $0xD0, v14;
	_ =	sdelay $0x1  }
0x6b: {  	v14 =	vbroadcast v14, $0x0  }
0x6c: {  	s8 =	simm.s32 $0x6980  }
0x6d: {  	s10 =	simm.s32 $0x30;
	v12 =	vld.idx.msk [tilespmem:v12+s2+$0x0], $0xffff;
	[tilespmem:s8+$0x0] =	vst v13;
	v13 =	vadd.s32 v4, v14  }
.LBB2_11:
0x6e: {  	v14 =	vmov s10;
	p0 =	sne.s32 s10, $0x70;
	s10 =	sadd.s32 $0x10, s10  }
.Ltmp4:
0x6f: {  	v14 =	vmul.u32 $0xD0, v14;
	(pc) =	sbr.rel @p0 .LBB2_11-.Ltmp4, $4  }
0x70: {  	_ = 	snop  }
0x71: {  	s8 =	sadd.s32 $0x10, s8;
	v14 =	vbroadcast v14, $0x0  }
0x72: {  	[tilespmem:s8+$0x0] =	vst v12;
	v12 =	vld.idx.msk [tilespmem:v13+s2+$0x0], $0xffff  }
0x73: {  	v13 =	vadd.s32 v4, v14  }
0x74: {  	_ =	sdelay $0x3  }
0x75: {  	v13 =	vld.idx.msk [tilespmem:v13+s2+$0x0], $0xffff;
	_ =	sdelay $0x2  }
0x76: {  	s8 =	sadd.s32 $0x10, s8  }
0x77: {  	[tilespmem:s8+$0x0] =	vst v12;
	s8 =	sadd.s32 $0x10, s8  }
0x78: {  	[tilespmem:s8+$0x0] =	vst v13  }
0x79: {  	[tilespmem:s24], [sflag:$0x4] =	stream.indirect.gather [hbm4b:s5+s16], $0x40, s23, s16, $0xb8;
	[tilespmem:$0x17200] =	vst v63  }
0x7a: {  	s12 =	simm.s32 $0x3;
	_ =	swait.ge [sflag:s25], $0x2000  }
0x7b: {  	s10 =	simm.s32 $0x0;
	v12 =	vmov s12;
	[sflag:s25] =	ssyncset.done $0x0  }
0x7c: {  	s13 =	simm.s32 $0x1;
	s12 =	simm.s32 $0x6A80;
	v13 =	vand.u32 $0x7F, v12;
	v12 =	vmov s10;
	[sflag:s25] =	ssyncadd.s32 $0xFFFFE000  }
0x7d: {  	v16 =	vadd.s32 v1, v13;
	v14 =	vand.u32 $0x7C, v12;
	v12 =	vmov s13;
	v15 =	vld [tilespmem:s12+$0x40]  }
0x7e: {  	v18 =	vadd.s32 v1, v14;
	v19 =	vand.u32 $0x7D, v12;
	v17 =	vld [tilespmem:s12+$0xFFFFFF80]  }
0x7f: {  	s15 =	simm.s32 $0x2;
	v20 =	vadd.s32 v1, v19;
	v12 =	vld [tilespmem:s12+$0xFFFFFFC0]  }
0x80: {  	v21 =	vmov s15  }
0x81: {  	v21 =	vand.u32 $0x7E, v21  }
0x82: {  	v23 =	vadd.s32 v1, v21;
	v22 =	vld [tilespmem:s12+$0x0];
	[tilespmem:v16+s26+$0x0] =	vst.idx.msk $0xffff, v15  }
0x83: {  	v16 =	vadd.s32 v5, v13;
	[tilespmem:v18+s26+$0x0] =	vst.idx.msk $0xffff, v17;
	v15 =	vld [tilespmem:s12+$0x50]  }
0x84: {  	v18 =	vadd.s32 v5, v14;
	[tilespmem:v20+s26+$0x0] =	vst.idx.msk $0xffff, v12;
	v17 =	vld [tilespmem:s12+$0xFFFFFF90]  }
0x85: {  	v20 =	vadd.s32 v5, v19;
	v12 =	vld [tilespmem:s12+$0xFFFFFFD0];
	_ =	sdelay $0x1  }
0x86: {  	[tilespmem:v23+s26+$0x0] =	vst.idx.msk $0xffff, v22  }
0x87: {  	v24 =	vadd.s32 v5, v21;
	v23 =	vld [tilespmem:s12+$0x10];
	[tilespmem:v16+s26+$0x0] =	vst.idx.msk $0xffff, v15  }
0x88: {  	s17 =	simm.s32 $0x7;
	v22 =	vadd.s32 v6, v13;
	[tilespmem:v18+s26+$0x0] =	vst.idx.msk $0xffff, v17;
	v15 =	vld [tilespmem:s12+$0x60]  }
0x89: {  	s11 =	simm.s32 $0x4;
	v18 =	vadd.s32 v6, v14;
	v16 =	vmov s17;
	[tilespmem:v20+s26+$0x0] =	vst.idx.msk $0xffff, v12;
	v17 =	vld [tilespmem:s12+$0xFFFFFFA0]  }
0x8a: {  	v25 =	vadd.s32 v6, v19;
	v12 =	vmov s11;
	s11 =	simm.s32 $0x6B80;
	v16 =	vand.u32 $0x7F, v16;
	v20 =	vld [tilespmem:s12+$0xFFFFFFE0]  }
0x8b: {  	v26 =	vld [tilespmem:s11+$0x40];
	v27 =	vadd.s32 v1, v16  }
0x8c: {  	s18 =	simm.s32 $0x5;
	[tilespmem:v24+s26+$0x0] =	vst.idx.msk $0xffff, v23  }
0x8d: {  	v30 =	vmov s18;
	v12 =	vand.u32 $0x7C, v12;
	[tilespmem:v22+s26+$0x0] =	vst.idx.msk $0xffff, v15  }
0x8e: {  	s19 =	simm.s32 $0x6;
	v28 =	vld [tilespmem:s11+$0xFFFFFF80];
	v29 =	vadd.s32 v1, v12;
	v15 =	vand.u32 $0x7D, v30;
	[tilespmem:v18+s26+$0x0] =	vst.idx.msk $0xffff, v17  }
0x8f: {  	v22 =	vmov s19;
	v17 =	vld [tilespmem:s11+$0xFFFFFFC0];
	[tilespmem:v25+s26+$0x0] =	vst.idx.msk $0xffff, v20;
	v18 =	vadd.s32 v1, v15  }
0x90: {  	v24 =	vadd.s32 v7, v13;
	v20 =	vld [tilespmem:s12+$0x20];
	v13 =	vand.u32 $0x7E, v22;
	[tilespmem:v27+s26+$0x0] =	vst.idx.msk $0xffff, v26;
	v26 =	vadd.s32 v6, v21  }
0x91: {  	v22 =	vld [tilespmem:s11+$0x0];
	v62 =	vadd.s32 v1, v13  }
0x92: {  	v23 =	vld [tilespmem:s12+$0x70]  }
0x93: {  	v63 =	vadd.s32 v5, v16;
	[tilespmem:v29+s26+$0x0] =	vst.idx.msk $0xffff, v28;
	v27 =	vld [tilespmem:s11+$0x50]  }
0x94: {  	v31 =	vadd.s32 v5, v12;
	v29 =	vld [tilespmem:s11+$0xFFFFFF90];
	[tilespmem:v18+s26+$0x0] =	vst.idx.msk $0xffff, v17  }
0x95: {  	v33 =	vadd.s32 v7, v19;
	v32 =	vld [tilespmem:s12+$0xFFFFFFF0];
	[tilespmem:v26+s26+$0x0] =	vst.idx.msk $0xffff, v20  }
0x96: {  	v26 =	vadd.s32 v5, v15;
	v25 =	vld [tilespmem:s11+$0xFFFFFFD0];
	[tilespmem:v62+s26+$0x0] =	vst.idx.msk $0xffff, v22  }
0x97: {  	[tilespmem:v24+s26+$0x0] =	vst.idx.msk $0xffff, v23;
	v24 =	vadd.s32 v5, v13;
	v23 =	vld [tilespmem:s11+$0x10]  }
0x98: {  	[tilespmem:v63+s26+$0x0] =	vst.idx.msk $0xffff, v27;
	v19 =	vld [tilespmem:s12+$0x30];
	v22 =	vadd.s32 v7, v21  }
0x99: {  	v20 =	vadd.s32 v6, v16;
	[tilespmem:v31+s26+$0x0] =	vst.idx.msk $0xffff, v29;
	v17 =	vld [tilespmem:s11+$0x60]  }
0x9a: {  	s15 =	simm.s32 $0xB;
	s8 =	simm.s32 $0xC;
	s13 =	simm.s32 $0x8;
	[tilespmem:v33+s26+$0x0] =	vst.idx.msk $0xffff, v32;
	v21 =	vadd.s32 v6, v12;
	v18 =	vld [tilespmem:s11+$0xFFFFFFA0]  }
.LBB2_13:
0x9b: {  	p0 =	slt.u32 s8, $0x7C;
	v27 =	vmov s15;
	[tilespmem:v26+s26+$0x0] =	vst.idx.msk $0xffff, v25;
	v25 =	vld [tilespmem:s12+$0xFFFFFFB0];
	v26 =	vadd.s32 v7, v14;
	v14 =	vmov v12;
	s12 =	smov.u32 s11  }
0x9c: {  	v12 =	vmov s13;
	v29 =	vadd.s32 v6, v15;
	s11 =	sadd.s32 $0x100, s11;
	v27 =	vand.u32 $0x7F, v27;
	v28 =	vld [tilespmem:s12+$0xFFFFFFE0];
	[tilespmem:v24+s26+$0x0] =	vst.idx.msk $0xffff, v23  }
0x9d: {  	s15 =	sadd.s32 $0x1, s13;
	v12 =	vand.u32 $0x7C, v12;
	v23 =	vld [tilespmem:s11+$0x40];
	v24 =	vadd.s32 v1, v27;
	[tilespmem:v22+s26+$0x0] =	vst.idx.msk $0xffff, v19  }
0x9e: {  	v30 =	vmov s15;
	s15 =	sadd.s32 $0x2, s13;
	s13 =	smov.u32 s8;
	v22 =	vadd.s32 v1, v12;
	v19 =	vld [tilespmem:s11+$0xFFFFFF80];
	[tilespmem:v20+s26+$0x0] =	vst.idx.msk $0xffff, v17  }
0x9f: {  	v17 =	vand.u32 $0x7D, v30;
	v20 =	vmov s15;
	[tilespmem:v21+s26+$0x0] =	vst.idx.msk $0xffff, v18;
	v18 =	vld [tilespmem:s12+$0x70];
	v21 =	vadd.s32 v7, v16;
	v16 =	vmovc v27  }
0xa0: {  	v30 =	vadd.s32 v1, v17;
	v20 =	vand.u32 $0x7E, v20;
	v27 =	vld [tilespmem:s11+$0xFFFFFFC0];
	[tilespmem:v26+s26+$0x0] =	vst.idx.msk $0xffff, v25  }
0xa1: {  	v32 =	vadd.s32 v1, v20;
	v31 =	vld [tilespmem:s11+$0x0];
	[tilespmem:v29+s26+$0x0] =	vst.idx.msk $0xffff, v28  }
0xa2: {  	v29 =	vadd.s32 v6, v13;
	[tilespmem:v24+s26+$0x0] =	vst.idx.msk $0xffff, v23;
	v28 =	vld [tilespmem:s12+$0x20]  }
0xa3: {  	[tilespmem:v22+s26+$0x0] =	vst.idx.msk $0xffff, v19;
	v19 =	vld [tilespmem:s11+$0x50];
	v22 =	vadd.s32 v5, v16  }
0xa4: {  	v34 =	vadd.s32 v5, v12;
	v33 =	vld [tilespmem:s11+$0xFFFFFF90];
	[tilespmem:v21+s26+$0x0] =	vst.idx.msk $0xffff, v18  }
0xa5: {  	[tilespmem:v30+s26+$0x0] =	vst.idx.msk $0xffff, v27;
	v27 =	vld [tilespmem:s12+$0xFFFFFFF0];
	v30 =	vadd.s32 v7, v15;
	v15 =	vmov v17  }
.Ltmp5:
0xa6: {  	v25 =	vld [tilespmem:s11+$0xFFFFFFD0];
	v26 =	vadd.s32 v5, v15;
	[tilespmem:v32+s26+$0x0] =	vst.idx.msk $0xffff, v31;
	(pc) =	sbr.rel @p0 .LBB2_13-.Ltmp5, $4  }
0xa7: {  	v24 =	vadd.s32 v5, v20;
	v23 =	vld [tilespmem:s11+$0x10];
	[tilespmem:v29+s26+$0x0] =	vst.idx.msk $0xffff, v28  }
0xa8: {  	[tilespmem:v22+s26+$0x0] =	vst.idx.msk $0xffff, v19;
	v19 =	vld [tilespmem:s12+$0x30];
	v22 =	vadd.s32 v7, v13;
	v13 =	vmov v20  }
0xa9: {  	v20 =	vadd.s32 v6, v16;
	[tilespmem:v34+s26+$0x0] =	vst.idx.msk $0xffff, v33;
	v17 =	vld [tilespmem:s11+$0x60]  }
0xaa: {  	s8 =	sadd.s32 $0x4, s8;
	s15 =	sadd.s32 $0x3, s13;
	v21 =	vadd.s32 v6, v12;
	v18 =	vld [tilespmem:s11+$0xFFFFFFA0];
	[tilespmem:v30+s26+$0x0] =	vst.idx.msk $0xffff, v27  }
0xab: {  	_ =	sdelay $0x2  }
0xac: {  	v27 =	vmov s15;
	s19 =	sadd.s32 $0x1, s13  }
0xad: {  	[tilespmem:v26+s26+$0x0] =	vst.idx.msk $0xffff, v25;
	v35 =	vld [tilespmem:s12+$0xFFFFFFB0];
	v14 =	vadd.s32 v7, v14;
	s8 =	sadd.s32 $0x100, s11;
	s17 =	sadd.s32 $0x2, s13;
	v36 =	vand.u32 $0x7F, v27;
	v37 =	vmov s19  }
0xae: {  	[tilespmem:v24+s26+$0x0] =	vst.idx.msk $0xffff, v23;
	v38 =	vld [tilespmem:s8+$0x40];
	v28 =	vmov s17;
	v39 =	vadd.s32 v1, v36;
	v27 =	vand.u32 $0x7D, v37  }
0xaf: {  	v29 =	vmov s13;
	v40 =	vld [tilespmem:s8+$0xFFFFFFC0];
	[tilespmem:v22+s26+$0x0] =	vst.idx.msk $0xffff, v19;
	v28 =	vand.u32 $0x7E, v28;
	v41 =	vadd.s32 v1, v27  }
0xb0: {  	v29 =	vand.u32 $0x7C, v29;
	v42 =	vld [tilespmem:s8+$0x0];
	[tilespmem:v20+s26+$0x0] =	vst.idx.msk $0xffff, v17;
	v43 =	vadd.s32 v1, v28  }
0xb1: {  	v30 =	vld [tilespmem:s8+$0xFFFFFF80];
	v44 =	vadd.s32 v1, v29;
	[tilespmem:v21+s26+$0x0] =	vst.idx.msk $0xffff, v18  }
0xb2: {  	v45 =	vld [tilespmem:s11+$0xFFFFFFE0];
	[tilespmem:v14+s26+$0x0] =	vst.idx.msk $0xffff, v35;
	v14 =	vadd.s32 v6, v15  }
0xb3: {  	v52 =	vadd.s32 v6, v13;
	v51 =	vld [tilespmem:s11+$0x20];
	[tilespmem:v39+s26+$0x0] =	vst.idx.msk $0xffff, v38  }
0xb4: {  	v47 =	vadd.s32 v5, v36;
	v23 =	vld [tilespmem:s8+$0x50];
	[tilespmem:v41+s26+$0x0] =	vst.idx.msk $0xffff, v40  }
0xb5: {  	v48 =	vadd.s32 v5, v27;
	[tilespmem:v43+s26+$0x0] =	vst.idx.msk $0xffff, v42;
	v19 =	vld [tilespmem:s8+$0xFFFFFFD0]  }
0xb6: {  	v49 =	vadd.s32 v5, v28;
	[tilespmem:v44+s26+$0x0] =	vst.idx.msk $0xffff, v30;
	v17 =	vld [tilespmem:s8+$0x10]  }
0xb7: {  	v50 =	vadd.s32 v5, v29;
	[tilespmem:v14+s26+$0x0] =	vst.idx.msk $0xffff, v45;
	v14 =	vld [tilespmem:s8+$0xFFFFFF90]  }
0xb8: {  	v16 =	vadd.s32 v7, v16;
	v46 =	vld [tilespmem:s11+$0x70];
	[tilespmem:v52+s26+$0x0] =	vst.idx.msk $0xffff, v51  }
0xb9: {  	v15 =	vadd.s32 v7, v15;
	v53 =	vld [tilespmem:s11+$0xFFFFFFF0];
	[tilespmem:v47+s26+$0x0] =	vst.idx.msk $0xffff, v23  }
0xba: {  	v54 =	vadd.s32 v6, v36;
	v23 =	vld [tilespmem:s8+$0x60];
	[tilespmem:v48+s26+$0x0] =	vst.idx.msk $0xffff, v19  }
0xbb: {  	v55 =	vadd.s32 v6, v27;
	[tilespmem:v49+s26+$0x0] =	vst.idx.msk $0xffff, v17;
	v19 =	vld [tilespmem:s8+$0xFFFFFFE0]  }
0xbc: {  	v56 =	vadd.s32 v6, v28;
	[tilespmem:v50+s26+$0x0] =	vst.idx.msk $0xffff, v14;
	v14 =	vld [tilespmem:s8+$0x20]  }
0xbd: {  	v58 =	vadd.s32 v6, v29;
	[tilespmem:v16+s26+$0x0] =	vst.idx.msk $0xffff, v46;
	v57 =	vld [tilespmem:s8+$0xFFFFFFA0]  }
0xbe: {  	v13 =	vadd.s32 v7, v13;
	v21 =	vld [tilespmem:s11+$0x30];
	[tilespmem:v15+s26+$0x0] =	vst.idx.msk $0xffff, v53  }
0xbf: {  	v12 =	vadd.s32 v7, v12;
	v59 =	vmov s10;
	v15 =	vld [tilespmem:s11+$0xFFFFFFB0];
	[tilespmem:v54+s26+$0x0] =	vst.idx.msk $0xffff, v23  }
0xc0: {  	v60 =	vadd.s32 v7, v36;
	v16 =	vmul.u32 $0xD0, v59;
	v23 =	vld [tilespmem:s8+$0x70];
	[tilespmem:v55+s26+$0x0] =	vst.idx.msk $0xffff, v19  }
0xc1: {  	v61 =	vadd.s32 v7, v27;
	[tilespmem:v56+s26+$0x0] =	vst.idx.msk $0xffff, v14;
	v19 =	vld [tilespmem:s8+$0xFFFFFFF0]  }
0xc2: {  	v62 =	vadd.s32 v7, v28;
	v16 =	vbroadcast v16, $0x0;
	[tilespmem:v58+s26+$0x0] =	vst.idx.msk $0xffff, v57;
	v14 =	vld [tilespmem:s8+$0x30]  }
0xc3: {  	s18 =	simm.s32 $0x10;
	v63 =	vadd.s32 v7, v29;
	[tilespmem:v13+s26+$0x0] =	vst.idx.msk $0xffff, v21;
	v13 =	vld [tilespmem:s8+$0xFFFFFFB0]  }
0xc4: {  	[tilespmem:v12+s26+$0x0] =	vst.idx.msk $0xffff, v15;
	v12 =	vadd.s32 v8, v16;
	v15 =	vmov s18  }
0xc5: {  	v15 =	vmul.u32 $0xD0, v15;
	[tilespmem:v60+s26+$0x0] =	vst.idx.msk $0xffff, v23  }
0xc6: {  	[tilespmem:v61+s26+$0x0] =	vst.idx.msk $0xffff, v19  }
0xc7: {  	[tilespmem:v62+s26+$0x0] =	vst.idx.msk $0xffff, v14;
	v14 =	vbroadcast v15, $0x0  }
0xc8: {  	s19 =	simm.s32 $0x20;
	[tilespmem:v63+s26+$0x0] =	vst.idx.msk $0xffff, v13  }
0xc9: {  	v13 =	vld.idx.msk [tilespmem:v12+s2+$0x0], $0xffff;
	v12 =	vadd.s32 v8, v14;
	v14 =	vmov s19  }
0xca: {  	v14 =	vmul.u32 $0xD0, v14;
	_ =	sdelay $0x1  }
0xcb: {  	v14 =	vbroadcast v14, $0x0  }
0xcc: {  	s8 =	simm.s32 $0x6800  }
0xcd: {  	s10 =	simm.s32 $0x30;
	v12 =	vld.idx.msk [tilespmem:v12+s2+$0x0], $0xffff;
	[tilespmem:s8+$0x0] =	vst v13;
	v13 =	vadd.s32 v8, v14  }
.LBB2_15:
0xce: {  	v14 =	vmov s10;
	p0 =	sne.s32 s10, $0x70;
	s10 =	sadd.s32 $0x10, s10  }
.Ltmp6:
0xcf: {  	v14 =	vmul.u32 $0xD0, v14;
	(pc) =	sbr.rel @p0 .LBB2_15-.Ltmp6, $4  }
0xd0: {  	_ = 	snop  }
0xd1: {  	s8 =	sadd.s32 $0x10, s8;
	v14 =	vbroadcast v14, $0x0  }
0xd2: {  	[tilespmem:s8+$0x0] =	vst v12;
	v12 =	vld.idx.msk [tilespmem:v13+s2+$0x0], $0xffff  }
0xd3: {  	v13 =	vadd.s32 v8, v14  }
0xd4: {  	_ =	sdelay $0x3  }
0xd5: {  	v13 =	vld.idx.msk [tilespmem:v13+s2+$0x0], $0xffff;
	_ =	sdelay $0x2  }
0xd6: {  	s8 =	sadd.s32 $0x10, s8  }
0xd7: {  	[tilespmem:s8+$0x0] =	vst v12;
	s8 =	sadd.s32 $0x10, s8  }
0xd8: {  	s11 =	simm.s32 $0x6800;
	s10 =	simm.s32 $0x6A00;
	s9 =	sshll.u32 s9, $0x7;
	[tilespmem:s8+$0x0] =	vst v13  }
0xd9: {  	[tilespmem:s10], [sflag:$0x1] =	stream.indirect.gather [hbm4b:s5+s16], $0x40, s11, s16, $0xb8;
	[tilespmem:$0x17200] =	vst v63  }
0xda: {  	s12 =	simm.s32 $0xEA00;
	s10 =	sadd.s32 s1, s9  }
0xdb: {  	[hbm4b:s10+s2] =	stream.linear.scatter [tilespmem:s12], [sflag:$0x5], $0x80, $0x38;
	[tilespmem:$0x17200] =	vst v63  }
0xdc: {  	s13 =	simm.s32 $0xEA88;
	s11 =	sadd.s32 $0x10, s10  }
0xdd: {  	[hbm4b:s11+s2] =	stream.linear.scatter [tilespmem:s13], [sflag:$0x5], $0x80, $0x38;
	[tilespmem:$0x17200] =	vst v63  }
0xde: {  	s15 =	simm.s32 $0xEB10;
	s18 =	simm.s32 $0xEB98;
	s17 =	sadd.s32 $0x20, s10  }
0xdf: {  	[hbm4b:s17+s2] =	stream.linear.scatter [tilespmem:s15], [sflag:$0x5], $0x80, $0x38;
	[tilespmem:$0x17200] =	vst v63  }
0xe0: {  	s8 =	simm.s32 $0x440;
	s19 =	sadd.s32 $0x30, s10;
	s12 =	simm.s32 $0xEC20  }
0xe1: {  	[hbm4b:s19+s2] =	stream.linear.scatter [tilespmem:s18], [sflag:$0x5], $0x80, $0x38;
	[tilespmem:$0x17200] =	vst v63  }
0xe2: {  	s13 =	sadd.s32 $0x40, s10;
	s11 =	simm.s32 $0x2200;
	s15 =	simm.s32 $0xECA8  }
0xe3: {  	[hbm4b:s13+s2] =	stream.linear.scatter [tilespmem:s12], [sflag:$0x5], $0x80, $0x38;
	[tilespmem:$0x17200] =	vst v63  }
0xe4: {  	s17 =	sadd.s32 $0x50, s10;
	s18 =	simm.s32 $0xED30;
	s19 =	sadd.s32 $0x60, s10  }
0xe5: {  	[hbm4b:s17+s2] =	stream.linear.scatter [tilespmem:s15], [sflag:$0x5], $0x80, $0x38;
	[tilespmem:$0x17200] =	vst v63  }
0xe6: {  	s12 =	simm.s32 $0xEDB8;
	s13 =	sadd.s32 $0x70, s10;
	s10 =	sadd.s32 $0x4000, s10  }
0xe7: {  	[hbm4b:s19+s2] =	stream.linear.scatter [tilespmem:s18], [sflag:$0x5], $0x80, $0x38;
	[tilespmem:$0x17200] =	vst v63  }
.LBB2_17:
0xe8: {  	[hbm4b:s13+s2] =	stream.linear.scatter [tilespmem:s12], [sflag:$0x5], $0x80, $0x38;
	[tilespmem:$0x17200] =	vst v63  }
0xe9: {  	s12 =	smov.u32 s8;
	s8 =	smov.u32 s11  }
0xea: {  	s15 =	sadd.s32 $0x1100, s11;
	s8 =	sshra.s32 s8, $0x2;
	s13 =	sadd.s32 $0xEA00, s12  }
0xeb: {  	[hbm4b:s10+s2] =	stream.linear.scatter [tilespmem:s13], [sflag:$0x5], $0x80, $0x38;
	[tilespmem:$0x17200] =	vst v63  }
0xec: {  	p0 =	sne.s32 s11, $0x7700;
	s11 =	sadd.s32 $0xEA88, s12;
	s13 =	sadd.s32 $0x10, s10  }
0xed: {  	[hbm4b:s13+s2] =	stream.linear.scatter [tilespmem:s11], [sflag:$0x5], $0x80, $0x38;
	[tilespmem:$0x17200] =	vst v63  }
0xee: {  	s11 =	sadd.s32 $0xEB10, s12;
	s13 =	sadd.s32 $0x20, s10  }
0xef: {  	[hbm4b:s13+s2] =	stream.linear.scatter [tilespmem:s11], [sflag:$0x5], $0x80, $0x38;
	[tilespmem:$0x17200] =	vst v63  }
0xf0: {  	s11 =	sadd.s32 $0xEB98, s12;
	s13 =	sadd.s32 $0x30, s10  }
0xf1: {  	[hbm4b:s13+s2] =	stream.linear.scatter [tilespmem:s11], [sflag:$0x5], $0x80, $0x38;
	[tilespmem:$0x17200] =	vst v63  }
0xf2: {  	s11 =	sadd.s32 $0xEC20, s12;
	s13 =	sadd.s32 $0x40, s10  }
0xf3: {  	[hbm4b:s13+s2] =	stream.linear.scatter [tilespmem:s11], [sflag:$0x5], $0x80, $0x38;
	[tilespmem:$0x17200] =	vst v63  }
.Ltmp7:
0xf4: {  	s11 =	sadd.s32 $0xECA8, s12;
	s13 =	sadd.s32 $0x50, s10;
	(pc) =	sbr.rel @p0 .LBB2_17-.Ltmp7, $4  }
0xf5: {  	[hbm4b:s13+s2] =	stream.linear.scatter [tilespmem:s11], [sflag:$0x5], $0x80, $0x38;
	[tilespmem:$0x17200] =	vst v63  }
0xf6: {  	s11 =	sadd.s32 $0xED30, s12;
	s13 =	sadd.s32 $0x60, s10;
	s12 =	sadd.s32 $0xEDB8, s12  }
0xf7: {  	[hbm4b:s13+s2] =	stream.linear.scatter [tilespmem:s11], [sflag:$0x5], $0x80, $0x38;
	[tilespmem:$0x17200] =	vst v63  }
0xf8: {  	s13 =	sadd.s32 $0x70, s10;
	s10 =	sadd.s32 $0x4000, s10;
	s11 =	smov.u32 s15  }
0xf9: {  	[hbm4b:s13+s2] =	stream.linear.scatter [tilespmem:s12], [sflag:$0x5], $0x80, $0x38;
	[tilespmem:$0x17200] =	vst v63  }
0xfa: {  	s11 =	sadd.s32 $0xEA00, s8  }
0xfb: {  	[hbm4b:s10+s2] =	stream.linear.scatter [tilespmem:s11], [sflag:$0x5], $0x80, $0x38;
	[tilespmem:$0x17200] =	vst v63  }
0xfc: {  	s18 =	sadd.s32 $0xEA88, s8;
	s19 =	sadd.s32 $0x10, s10  }
0xfd: {  	[hbm4b:s19+s2] =	stream.linear.scatter [tilespmem:s18], [sflag:$0x5], $0x80, $0x38;
	[tilespmem:$0x17200] =	vst v63  }
0xfe: {  	s12 =	sadd.s32 $0xEB10, s8;
	s13 =	sadd.s32 $0x20, s10  }
0xff: {  	[hbm4b:s13+s2] =	stream.linear.scatter [tilespmem:s12], [sflag:$0x5], $0x80, $0x38;
	[tilespmem:$0x17200] =	vst v63  }
0x100: {  	s15 =	sadd.s32 $0xEB98, s8;
	s17 =	sadd.s32 $0x30, s10  }
0x101: {  	[hbm4b:s17+s2] =	stream.linear.scatter [tilespmem:s15], [sflag:$0x5], $0x80, $0x38;
	[tilespmem:$0x17200] =	vst v63  }
0x102: {  	s18 =	sadd.s32 $0xEC20, s8;
	s19 =	sadd.s32 $0x40, s10  }
0x103: {  	[hbm4b:s19+s2] =	stream.linear.scatter [tilespmem:s18], [sflag:$0x5], $0x80, $0x38;
	[tilespmem:$0x17200] =	vst v63  }
0x104: {  	s12 =	sadd.s32 $0xECA8, s8;
	s13 =	sadd.s32 $0x50, s10  }
0x105: {  	[hbm4b:s13+s2] =	stream.linear.scatter [tilespmem:s12], [sflag:$0x5], $0x80, $0x38;
	[tilespmem:$0x17200] =	vst v63  }
0x106: {  	s15 =	sadd.s32 $0xED30, s8;
	s17 =	sadd.s32 $0x60, s10  }
0x107: {  	[hbm4b:s17+s2] =	stream.linear.scatter [tilespmem:s15], [sflag:$0x5], $0x80, $0x38;
	[tilespmem:$0x17200] =	vst v63  }
0x108: {  	s18 =	sadd.s32 $0xEDB8, s8;
	s19 =	sadd.s32 $0x70, s10  }
0x109: {  	[hbm4b:s19+s2] =	stream.linear.scatter [tilespmem:s18], [sflag:$0x5], $0x80, $0x38;
	[tilespmem:$0x17200] =	vst v63  }
0x10a: {  	s10 =	simm.s32 $0x3;
	_ =	swait.ge [sflag:s28], $0x2000  }
0x10b: {  	v12 =	vmov s10;
	s10 =	simm.s32 $0x0;
	[sflag:s28] =	ssyncset.done $0x0  }
0x10c: {  	s11 =	simm.s32 $0x1;
	s12 =	simm.s32 $0x8AF0;
	v13 =	vand.u32 $0x7F, v12;
	v12 =	vmov s10;
	[sflag:s28] =	ssyncadd.s32 $0xFFFFE000  }
0x10d: {  	v16 =	vadd.s32 v1, v13;
	v14 =	vand.u32 $0x7C, v12;
	v12 =	vmov s11;
	v15 =	vld [tilespmem:s12+$0xFFFFFFD0]  }
0x10e: {  	v18 =	vadd.s32 v1, v14;
	v19 =	vand.u32 $0x7D, v12;
	v17 =	vld [tilespmem:s12+$0xFFFFFF10]  }
0x10f: {  	s13 =	simm.s32 $0x2;
	v20 =	vadd.s32 v1, v19;
	v12 =	vld [tilespmem:s12+$0xFFFFFF50]  }
0x110: {  	v21 =	vmov s13  }
0x111: {  	v21 =	vand.u32 $0x7E, v21  }
0x112: {  	v23 =	vadd.s32 v1, v21;
	v22 =	vld [tilespmem:s12+$0xFFFFFF90];
	[tilespmem:v16+s29+$0x0] =	vst.idx.msk $0xffff, v15  }
0x113: {  	v16 =	vadd.s32 v5, v13;
	[tilespmem:v18+s29+$0x0] =	vst.idx.msk $0xffff, v17;
	v15 =	vld [tilespmem:s12+$0xFFFFFFE0]  }
0x114: {  	v18 =	vadd.s32 v5, v14;
	[tilespmem:v20+s29+$0x0] =	vst.idx.msk $0xffff, v12;
	v17 =	vld [tilespmem:s12+$0xFFFFFF20]  }
0x115: {  	v20 =	vadd.s32 v5, v19;
	v12 =	vld [tilespmem:s12+$0xFFFFFF60];
	_ =	sdelay $0x1  }
0x116: {  	[tilespmem:v23+s29+$0x0] =	vst.idx.msk $0xffff, v22  }
0x117: {  	v24 =	vadd.s32 v5, v21;
	v23 =	vld [tilespmem:s12+$0xFFFFFFA0];
	[tilespmem:v16+s29+$0x0] =	vst.idx.msk $0xffff, v15  }
0x118: {  	s15 =	simm.s32 $0x7;
	v22 =	vadd.s32 v6, v13;
	[tilespmem:v18+s29+$0x0] =	vst.idx.msk $0xffff, v17;
	v15 =	vld [tilespmem:s12+$0xFFFFFFF0]  }
0x119: {  	v18 =	vadd.s32 v6, v14;
	v16 =	vmov s15;
	[tilespmem:v20+s29+$0x0] =	vst.idx.msk $0xffff, v12;
	v17 =	vld [tilespmem:s12+$0xFFFFFF30]  }
0x11a: {  	s11 =	simm.s32 $0x8BF0;
	v25 =	vadd.s32 v6, v19;
	v16 =	vand.u32 $0x7F, v16;
	v20 =	vld [tilespmem:s12+$0xFFFFFF70]  }
0x11b: {  	s17 =	simm.s32 $0x4;
	v26 =	vld [tilespmem:s11+$0xFFFFFFD0];
	v27 =	vadd.s32 v1, v16  }
0x11c: {  	s18 =	simm.s32 $0x5;
	v12 =	vmov s17;
	[tilespmem:v24+s29+$0x0] =	vst.idx.msk $0xffff, v23  }
0x11d: {  	v30 =	vmov s18;
	v12 =	vand.u32 $0x7C, v12;
	[tilespmem:v22+s29+$0x0] =	vst.idx.msk $0xffff, v15  }
0x11e: {  	s19 =	simm.s32 $0x6;
	v28 =	vld [tilespmem:s11+$0xFFFFFF10];
	v29 =	vadd.s32 v1, v12;
	v15 =	vand.u32 $0x7D, v30;
	[tilespmem:v18+s29+$0x0] =	vst.idx.msk $0xffff, v17  }
0x11f: {  	v22 =	vmov s19;
	v17 =	vld [tilespmem:s11+$0xFFFFFF50];
	[tilespmem:v25+s29+$0x0] =	vst.idx.msk $0xffff, v20;
	v18 =	vadd.s32 v1, v15  }
0x120: {  	v24 =	vadd.s32 v7, v13;
	v20 =	vld [tilespmem:s12+$0xFFFFFFB0];
	v13 =	vand.u32 $0x7E, v22;
	[tilespmem:v27+s29+$0x0] =	vst.idx.msk $0xffff, v26;
	v26 =	vadd.s32 v6, v21  }
0x121: {  	v22 =	vld [tilespmem:s11+$0xFFFFFF90];
	v62 =	vadd.s32 v1, v13  }
0x122: {  	v23 =	vld [tilespmem:s12+$0x0]  }
0x123: {  	v63 =	vadd.s32 v5, v16;
	[tilespmem:v29+s29+$0x0] =	vst.idx.msk $0xffff, v28;
	v27 =	vld [tilespmem:s11+$0xFFFFFFE0]  }
0x124: {  	v31 =	vadd.s32 v5, v12;
	v29 =	vld [tilespmem:s11+$0xFFFFFF20];
	[tilespmem:v18+s29+$0x0] =	vst.idx.msk $0xffff, v17  }
0x125: {  	v33 =	vadd.s32 v7, v19;
	v32 =	vld [tilespmem:s12+$0xFFFFFF80];
	[tilespmem:v26+s29+$0x0] =	vst.idx.msk $0xffff, v20  }
0x126: {  	v26 =	vadd.s32 v5, v15;
	v25 =	vld [tilespmem:s11+$0xFFFFFF60];
	[tilespmem:v62+s29+$0x0] =	vst.idx.msk $0xffff, v22  }
0x127: {  	[tilespmem:v24+s29+$0x0] =	vst.idx.msk $0xffff, v23;
	v24 =	vadd.s32 v5, v13;
	v23 =	vld [tilespmem:s11+$0xFFFFFFA0]  }
0x128: {  	[tilespmem:v63+s29+$0x0] =	vst.idx.msk $0xffff, v27;
	v19 =	vld [tilespmem:s12+$0xFFFFFFC0];
	v22 =	vadd.s32 v7, v21  }
0x129: {  	v20 =	vadd.s32 v6, v16;
	[tilespmem:v31+s29+$0x0] =	vst.idx.msk $0xffff, v29;
	v17 =	vld [tilespmem:s11+$0xFFFFFFF0]  }
0x12a: {  	s8 =	simm.s32 $0xC;
	s13 =	simm.s32 $0x8;
	s15 =	simm.s32 $0xB;
	[tilespmem:v33+s29+$0x0] =	vst.idx.msk $0xffff, v32;
	v21 =	vadd.s32 v6, v12;
	v18 =	vld [tilespmem:s11+$0xFFFFFF30]  }
.LBB2_19:
0x12b: {  	p0 =	slt.u32 s8, $0x7C;
	v27 =	vmov s15;
	[tilespmem:v26+s29+$0x0] =	vst.idx.msk $0xffff, v25;
	v25 =	vld [tilespmem:s12+$0xFFFFFF40];
	v26 =	vadd.s32 v7, v14;
	v14 =	vmov v12;
	s12 =	smov.u32 s11  }
0x12c: {  	v12 =	vmov s13;
	v29 =	vadd.s32 v6, v15;
	s11 =	sadd.s32 $0x100, s11;
	v27 =	vand.u32 $0x7F, v27;
	v28 =	vld [tilespmem:s12+$0xFFFFFF70];
	[tilespmem:v24+s29+$0x0] =	vst.idx.msk $0xffff, v23  }
0x12d: {  	s15 =	sadd.s32 $0x1, s13;
	v12 =	vand.u32 $0x7C, v12;
	v23 =	vld [tilespmem:s11+$0xFFFFFFD0];
	v24 =	vadd.s32 v1, v27;
	[tilespmem:v22+s29+$0x0] =	vst.idx.msk $0xffff, v19  }
0x12e: {  	v30 =	vmov s15;
	s15 =	sadd.s32 $0x2, s13;
	s13 =	smov.u32 s8;
	v22 =	vadd.s32 v1, v12;
	v19 =	vld [tilespmem:s11+$0xFFFFFF10];
	[tilespmem:v20+s29+$0x0] =	vst.idx.msk $0xffff, v17  }
0x12f: {  	v17 =	vand.u32 $0x7D, v30;
	v20 =	vmov s15;
	[tilespmem:v21+s29+$0x0] =	vst.idx.msk $0xffff, v18;
	v18 =	vld [tilespmem:s12+$0x0];
	v21 =	vadd.s32 v7, v16;
	v16 =	vmovc v27  }
0x130: {  	v30 =	vadd.s32 v1, v17;
	v20 =	vand.u32 $0x7E, v20;
	v27 =	vld [tilespmem:s11+$0xFFFFFF50];
	[tilespmem:v26+s29+$0x0] =	vst.idx.msk $0xffff, v25  }
0x131: {  	v32 =	vadd.s32 v1, v20;
	v31 =	vld [tilespmem:s11+$0xFFFFFF90];
	[tilespmem:v29+s29+$0x0] =	vst.idx.msk $0xffff, v28  }
0x132: {  	v29 =	vadd.s32 v6, v13;
	[tilespmem:v24+s29+$0x0] =	vst.idx.msk $0xffff, v23;
	v28 =	vld [tilespmem:s12+$0xFFFFFFB0]  }
0x133: {  	[tilespmem:v22+s29+$0x0] =	vst.idx.msk $0xffff, v19;
	v19 =	vld [tilespmem:s11+$0xFFFFFFE0];
	v22 =	vadd.s32 v5, v16  }
0x134: {  	v34 =	vadd.s32 v5, v12;
	v33 =	vld [tilespmem:s11+$0xFFFFFF20];
	[tilespmem:v21+s29+$0x0] =	vst.idx.msk $0xffff, v18  }
0x135: {  	[tilespmem:v30+s29+$0x0] =	vst.idx.msk $0xffff, v27;
	v27 =	vld [tilespmem:s12+$0xFFFFFF80];
	v30 =	vadd.s32 v7, v15;
	v15 =	vmov v17  }
.Ltmp8:
0x136: {  	v25 =	vld [tilespmem:s11+$0xFFFFFF60];
	v26 =	vadd.s32 v5, v15;
	[tilespmem:v32+s29+$0x0] =	vst.idx.msk $0xffff, v31;
	(pc) =	sbr.rel @p0 .LBB2_19-.Ltmp8, $4  }
0x137: {  	v24 =	vadd.s32 v5, v20;
	v23 =	vld [tilespmem:s11+$0xFFFFFFA0];
	[tilespmem:v29+s29+$0x0] =	vst.idx.msk $0xffff, v28  }
0x138: {  	[tilespmem:v22+s29+$0x0] =	vst.idx.msk $0xffff, v19;
	v19 =	vld [tilespmem:s12+$0xFFFFFFC0];
	v22 =	vadd.s32 v7, v13;
	v13 =	vmov v20  }
0x139: {  	v20 =	vadd.s32 v6, v16;
	[tilespmem:v34+s29+$0x0] =	vst.idx.msk $0xffff, v33;
	v17 =	vld [tilespmem:s11+$0xFFFFFFF0]  }
0x13a: {  	s8 =	sadd.s32 $0x4, s8;
	s15 =	sadd.s32 $0x3, s13;
	v21 =	vadd.s32 v6, v12;
	v18 =	vld [tilespmem:s11+$0xFFFFFF30];
	[tilespmem:v30+s29+$0x0] =	vst.idx.msk $0xffff, v27  }
0x13b: {  	_ =	sdelay $0x2  }
0x13c: {  	v27 =	vmov s15;
	s19 =	sadd.s32 $0x1, s13  }
0x13d: {  	[tilespmem:v26+s29+$0x0] =	vst.idx.msk $0xffff, v25;
	v35 =	vld [tilespmem:s12+$0xFFFFFF40];
	v14 =	vadd.s32 v7, v14;
	s8 =	sadd.s32 $0x100, s11;
	s17 =	sadd.s32 $0x2, s13;
	v36 =	vand.u32 $0x7F, v27;
	v37 =	vmov s19  }
0x13e: {  	[tilespmem:v24+s29+$0x0] =	vst.idx.msk $0xffff, v23;
	v38 =	vld [tilespmem:s8+$0xFFFFFFD0];
	v28 =	vmov s17;
	v39 =	vadd.s32 v1, v36;
	v27 =	vand.u32 $0x7D, v37  }
0x13f: {  	v29 =	vmov s13;
	v40 =	vld [tilespmem:s8+$0xFFFFFF50];
	[tilespmem:v22+s29+$0x0] =	vst.idx.msk $0xffff, v19;
	v28 =	vand.u32 $0x7E, v28;
	v41 =	vadd.s32 v1, v27  }
0x140: {  	v29 =	vand.u32 $0x7C, v29;
	v42 =	vld [tilespmem:s8+$0xFFFFFF90];
	[tilespmem:v20+s29+$0x0] =	vst.idx.msk $0xffff, v17;
	v43 =	vadd.s32 v1, v28  }
0x141: {  	v30 =	vld [tilespmem:s8+$0xFFFFFF10];
	v44 =	vadd.s32 v1, v29;
	[tilespmem:v21+s29+$0x0] =	vst.idx.msk $0xffff, v18  }
0x142: {  	v45 =	vld [tilespmem:s11+$0xFFFFFF70];
	[tilespmem:v14+s29+$0x0] =	vst.idx.msk $0xffff, v35;
	v14 =	vadd.s32 v6, v15  }
0x143: {  	v52 =	vadd.s32 v6, v13;
	v51 =	vld [tilespmem:s11+$0xFFFFFFB0];
	[tilespmem:v39+s29+$0x0] =	vst.idx.msk $0xffff, v38  }
0x144: {  	v47 =	vadd.s32 v5, v36;
	v23 =	vld [tilespmem:s8+$0xFFFFFFE0];
	[tilespmem:v41+s29+$0x0] =	vst.idx.msk $0xffff, v40  }
0x145: {  	v48 =	vadd.s32 v5, v27;
	[tilespmem:v43+s29+$0x0] =	vst.idx.msk $0xffff, v42;
	v19 =	vld [tilespmem:s8+$0xFFFFFF60]  }
0x146: {  	v49 =	vadd.s32 v5, v28;
	[tilespmem:v44+s29+$0x0] =	vst.idx.msk $0xffff, v30;
	v17 =	vld [tilespmem:s8+$0xFFFFFFA0]  }
0x147: {  	v50 =	vadd.s32 v5, v29;
	[tilespmem:v14+s29+$0x0] =	vst.idx.msk $0xffff, v45;
	v14 =	vld [tilespmem:s8+$0xFFFFFF20]  }
0x148: {  	v16 =	vadd.s32 v7, v16;
	v46 =	vld [tilespmem:s11+$0x0];
	[tilespmem:v52+s29+$0x0] =	vst.idx.msk $0xffff, v51  }
0x149: {  	v15 =	vadd.s32 v7, v15;
	v53 =	vld [tilespmem:s11+$0xFFFFFF80];
	[tilespmem:v47+s29+$0x0] =	vst.idx.msk $0xffff, v23  }
0x14a: {  	v54 =	vadd.s32 v6, v36;
	v23 =	vld [tilespmem:s8+$0xFFFFFFF0];
	[tilespmem:v48+s29+$0x0] =	vst.idx.msk $0xffff, v19  }
0x14b: {  	v55 =	vadd.s32 v6, v27;
	[tilespmem:v49+s29+$0x0] =	vst.idx.msk $0xffff, v17;
	v19 =	vld [tilespmem:s8+$0xFFFFFF70]  }
0x14c: {  	v56 =	vadd.s32 v6, v28;
	[tilespmem:v50+s29+$0x0] =	vst.idx.msk $0xffff, v14;
	v14 =	vld [tilespmem:s8+$0xFFFFFFB0]  }
0x14d: {  	v58 =	vadd.s32 v6, v29;
	[tilespmem:v16+s29+$0x0] =	vst.idx.msk $0xffff, v46;
	v57 =	vld [tilespmem:s8+$0xFFFFFF30]  }
0x14e: {  	v13 =	vadd.s32 v7, v13;
	v21 =	vld [tilespmem:s11+$0xFFFFFFC0];
	[tilespmem:v15+s29+$0x0] =	vst.idx.msk $0xffff, v53  }
0x14f: {  	v12 =	vadd.s32 v7, v12;
	v59 =	vmov s10;
	v15 =	vld [tilespmem:s11+$0xFFFFFF40];
	[tilespmem:v54+s29+$0x0] =	vst.idx.msk $0xffff, v23  }
0x150: {  	v60 =	vadd.s32 v7, v36;
	v16 =	vmul.u32 $0xD0, v59;
	v23 =	vld [tilespmem:s8+$0x0];
	[tilespmem:v55+s29+$0x0] =	vst.idx.msk $0xffff, v19  }
0x151: {  	v61 =	vadd.s32 v7, v27;
	[tilespmem:v56+s29+$0x0] =	vst.idx.msk $0xffff, v14;
	v19 =	vld [tilespmem:s8+$0xFFFFFF80]  }
0x152: {  	v62 =	vadd.s32 v7, v28;
	v16 =	vbroadcast v16, $0x0;
	[tilespmem:v58+s29+$0x0] =	vst.idx.msk $0xffff, v57;
	v14 =	vld [tilespmem:s8+$0xFFFFFFC0]  }
0x153: {  	s18 =	simm.s32 $0x10;
	v63 =	vadd.s32 v7, v29;
	[tilespmem:v13+s29+$0x0] =	vst.idx.msk $0xffff, v21;
	v13 =	vld [tilespmem:s8+$0xFFFFFF40]  }
0x154: {  	[tilespmem:v12+s29+$0x0] =	vst.idx.msk $0xffff, v15;
	v12 =	vadd.s32 v9, v16;
	v15 =	vmov s18  }
0x155: {  	v15 =	vmul.u32 $0xD0, v15;
	[tilespmem:v60+s29+$0x0] =	vst.idx.msk $0xffff, v23  }
0x156: {  	[tilespmem:v61+s29+$0x0] =	vst.idx.msk $0xffff, v19  }
0x157: {  	[tilespmem:v62+s29+$0x0] =	vst.idx.msk $0xffff, v14;
	v14 =	vbroadcast v15, $0x0  }
0x158: {  	s19 =	simm.s32 $0x20;
	[tilespmem:v63+s29+$0x0] =	vst.idx.msk $0xffff, v13  }
0x159: {  	v13 =	vld.idx.msk [tilespmem:v12+s2+$0x0], $0xffff;
	v12 =	vadd.s32 v9, v14;
	v14 =	vmov s19  }
0x15a: {  	v14 =	vmul.u32 $0xD0, v14;
	_ =	sdelay $0x1  }
0x15b: {  	v14 =	vbroadcast v14, $0x0  }
0x15c: {  	s8 =	simm.s32 $0x6880  }
0x15d: {  	s10 =	simm.s32 $0x30;
	v12 =	vld.idx.msk [tilespmem:v12+s2+$0x0], $0xffff;
	[tilespmem:s8+$0x0] =	vst v13;
	v13 =	vadd.s32 v9, v14  }
.LBB2_21:
0x15e: {  	v14 =	vmov s10;
	p0 =	sne.s32 s10, $0x70;
	s10 =	sadd.s32 $0x10, s10  }
.Ltmp9:
0x15f: {  	v14 =	vmul.u32 $0xD0, v14;
	(pc) =	sbr.rel @p0 .LBB2_21-.Ltmp9, $4  }
0x160: {  	_ = 	snop  }
0x161: {  	s8 =	sadd.s32 $0x10, s8;
	v14 =	vbroadcast v14, $0x0  }
0x162: {  	[tilespmem:s8+$0x0] =	vst v12;
	v12 =	vld.idx.msk [tilespmem:v13+s2+$0x0], $0xffff  }
0x163: {  	v13 =	vadd.s32 v9, v14  }
0x164: {  	_ =	sdelay $0x3  }
0x165: {  	v13 =	vld.idx.msk [tilespmem:v13+s2+$0x0], $0xffff;
	_ =	sdelay $0x2  }
0x166: {  	s8 =	sadd.s32 $0x10, s8  }
0x167: {  	[tilespmem:s8+$0x0] =	vst v12;
	s8 =	sadd.s32 $0x10, s8  }
0x168: {  	s10 =	simm.s32 $0x6880;
	[tilespmem:s8+$0x0] =	vst v13  }
0x169: {  	[tilespmem:s20], [sflag:$0x2] =	stream.indirect.gather [hbm4b:s5+s16], $0x40, s10, s16, $0xb8;
	[tilespmem:$0x17200] =	vst v63  }
0x16a: {  	s11 =	rddreg [dreg:$0x5]  }
0x16b: {  	s12 =	simm.s32 $0x10C00;
	s10 =	sadd.s32 s9, s11  }
0x16c: {  	[hbm4b:s10+s2] =	stream.linear.scatter [tilespmem:s12], [sflag:$0x6], $0x80, $0x38;
	[tilespmem:$0x17200] =	vst v63  }
0x16d: {  	s13 =	simm.s32 $0x10C88;
	s11 =	sadd.s32 $0x10, s10  }
0x16e: {  	[hbm4b:s11+s2] =	stream.linear.scatter [tilespmem:s13], [sflag:$0x6], $0x80, $0x38;
	[tilespmem:$0x17200] =	vst v63  }
0x16f: {  	s15 =	simm.s32 $0x10D10;
	s18 =	simm.s32 $0x10D98;
	s17 =	sadd.s32 $0x20, s10  }
0x170: {  	[hbm4b:s17+s2] =	stream.linear.scatter [tilespmem:s15], [sflag:$0x6], $0x80, $0x38;
	[tilespmem:$0x17200] =	vst v63  }
0x171: {  	s8 =	simm.s32 $0x440;
	s19 =	sadd.s32 $0x30, s10;
	s12 =	simm.s32 $0x10E20  }
0x172: {  	[hbm4b:s19+s2] =	stream.linear.scatter [tilespmem:s18], [sflag:$0x6], $0x80, $0x38;
	[tilespmem:$0x17200] =	vst v63  }
0x173: {  	s13 =	sadd.s32 $0x40, s10;
	s11 =	simm.s32 $0x2200;
	s15 =	simm.s32 $0x10EA8  }
0x174: {  	[hbm4b:s13+s2] =	stream.linear.scatter [tilespmem:s12], [sflag:$0x6], $0x80, $0x38;
	[tilespmem:$0x17200] =	vst v63  }
0x175: {  	s17 =	sadd.s32 $0x50, s10;
	s18 =	simm.s32 $0x10F30;
	s19 =	sadd.s32 $0x60, s10  }
0x176: {  	[hbm4b:s17+s2] =	stream.linear.scatter [tilespmem:s15], [sflag:$0x6], $0x80, $0x38;
	[tilespmem:$0x17200] =	vst v63  }
0x177: {  	s12 =	simm.s32 $0x10FB8;
	s13 =	sadd.s32 $0x70, s10;
	s10 =	sadd.s32 $0x4000, s10  }
0x178: {  	[hbm4b:s19+s2] =	stream.linear.scatter [tilespmem:s18], [sflag:$0x6], $0x80, $0x38;
	[tilespmem:$0x17200] =	vst v63  }
.LBB2_23:
0x179: {  	[hbm4b:s13+s2] =	stream.linear.scatter [tilespmem:s12], [sflag:$0x6], $0x80, $0x38;
	[tilespmem:$0x17200] =	vst v63  }
0x17a: {  	s12 =	smov.u32 s8;
	s8 =	smov.u32 s11  }
0x17b: {  	s15 =	sadd.s32 $0x1100, s11;
	s8 =	sshra.s32 s8, $0x2;
	s13 =	sadd.s32 $0x10C00, s12  }
0x17c: {  	[hbm4b:s10+s2] =	stream.linear.scatter [tilespmem:s13], [sflag:$0x6], $0x80, $0x38;
	[tilespmem:$0x17200] =	vst v63  }
0x17d: {  	p0 =	sne.s32 s11, $0x7700;
	s11 =	sadd.s32 $0x10C88, s12;
	s13 =	sadd.s32 $0x10, s10  }
0x17e: {  	[hbm4b:s13+s2] =	stream.linear.scatter [tilespmem:s11], [sflag:$0x6], $0x80, $0x38;
	[tilespmem:$0x17200] =	vst v63  }
0x17f: {  	s11 =	sadd.s32 $0x10D10, s12;
	s13 =	sadd.s32 $0x20, s10  }
0x180: {  	[hbm4b:s13+s2] =	stream.linear.scatter [tilespmem:s11], [sflag:$0x6], $0x80, $0x38;
	[tilespmem:$0x17200] =	vst v63  }
0x181: {  	s11 =	sadd.s32 $0x10D98, s12;
	s13 =	sadd.s32 $0x30, s10  }
0x182: {  	[hbm4b:s13+s2] =	stream.linear.scatter [tilespmem:s11], [sflag:$0x6], $0x80, $0x38;
	[tilespmem:$0x17200] =	vst v63  }
0x183: {  	s11 =	sadd.s32 $0x10E20, s12;
	s13 =	sadd.s32 $0x40, s10  }
0x184: {  	[hbm4b:s13+s2] =	stream.linear.scatter [tilespmem:s11], [sflag:$0x6], $0x80, $0x38;
	[tilespmem:$0x17200] =	vst v63  }
.Ltmp10:
0x185: {  	s11 =	sadd.s32 $0x10EA8, s12;
	s13 =	sadd.s32 $0x50, s10;
	(pc) =	sbr.rel @p0 .LBB2_23-.Ltmp10, $4  }
0x186: {  	[hbm4b:s13+s2] =	stream.linear.scatter [tilespmem:s11], [sflag:$0x6], $0x80, $0x38;
	[tilespmem:$0x17200] =	vst v63  }
0x187: {  	s11 =	sadd.s32 $0x10F30, s12;
	s13 =	sadd.s32 $0x60, s10;
	s12 =	sadd.s32 $0x10FB8, s12  }
0x188: {  	[hbm4b:s13+s2] =	stream.linear.scatter [tilespmem:s11], [sflag:$0x6], $0x80, $0x38;
	[tilespmem:$0x17200] =	vst v63  }
0x189: {  	s13 =	sadd.s32 $0x70, s10;
	s10 =	sadd.s32 $0x4000, s10;
	s11 =	smov.u32 s15  }
0x18a: {  	[hbm4b:s13+s2] =	stream.linear.scatter [tilespmem:s12], [sflag:$0x6], $0x80, $0x38;
	[tilespmem:$0x17200] =	vst v63  }
0x18b: {  	s11 =	sadd.s32 $0x10C00, s8  }
0x18c: {  	[hbm4b:s10+s2] =	stream.linear.scatter [tilespmem:s11], [sflag:$0x6], $0x80, $0x38;
	[tilespmem:$0x17200] =	vst v63  }
0x18d: {  	s18 =	sadd.s32 $0x10C88, s8;
	s19 =	sadd.s32 $0x10, s10  }
0x18e: {  	[hbm4b:s19+s2] =	stream.linear.scatter [tilespmem:s18], [sflag:$0x6], $0x80, $0x38;
	[tilespmem:$0x17200] =	vst v63  }
0x18f: {  	s12 =	sadd.s32 $0x10D10, s8;
	s13 =	sadd.s32 $0x20, s10  }
0x190: {  	[hbm4b:s13+s2] =	stream.linear.scatter [tilespmem:s12], [sflag:$0x6], $0x80, $0x38;
	[tilespmem:$0x17200] =	vst v63  }
0x191: {  	s15 =	sadd.s32 $0x10D98, s8;
	s17 =	sadd.s32 $0x30, s10  }
0x192: {  	[hbm4b:s17+s2] =	stream.linear.scatter [tilespmem:s15], [sflag:$0x6], $0x80, $0x38;
	[tilespmem:$0x17200] =	vst v63  }
0x193: {  	s18 =	sadd.s32 $0x10E20, s8;
	s19 =	sadd.s32 $0x40, s10  }
0x194: {  	[hbm4b:s19+s2] =	stream.linear.scatter [tilespmem:s18], [sflag:$0x6], $0x80, $0x38;
	[tilespmem:$0x17200] =	vst v63  }
0x195: {  	s12 =	sadd.s32 $0x10EA8, s8;
	s13 =	sadd.s32 $0x50, s10  }
0x196: {  	[hbm4b:s13+s2] =	stream.linear.scatter [tilespmem:s12], [sflag:$0x6], $0x80, $0x38;
	[tilespmem:$0x17200] =	vst v63  }
0x197: {  	s15 =	sadd.s32 $0x10F30, s8;
	s17 =	sadd.s32 $0x60, s10  }
0x198: {  	[hbm4b:s17+s2] =	stream.linear.scatter [tilespmem:s15], [sflag:$0x6], $0x80, $0x38;
	[tilespmem:$0x17200] =	vst v63  }
0x199: {  	s18 =	sadd.s32 $0x10FB8, s8;
	s19 =	sadd.s32 $0x70, s10  }
0x19a: {  	[hbm4b:s19+s2] =	stream.linear.scatter [tilespmem:s18], [sflag:$0x6], $0x80, $0x38;
	[tilespmem:$0x17200] =	vst v63  }
0x19b: {  	s10 =	simm.s32 $0x3;
	_ =	swait.ge [sflag:s30], $0x2000  }
0x19c: {  	v12 =	vmov s10;
	s10 =	simm.s32 $0x0;
	[sflag:s30] =	ssyncset.done $0x0  }
0x19d: {  	s11 =	simm.s32 $0x1;
	s12 =	simm.s32 $0xAAF0;
	v13 =	vand.u32 $0x7F, v12;
	v12 =	vmov s10;
	[sflag:s30] =	ssyncadd.s32 $0xFFFFE000  }
0x19e: {  	v16 =	vadd.s32 v1, v13;
	v14 =	vand.u32 $0x7C, v12;
	v12 =	vmov s11;
	v15 =	vld [tilespmem:s12+$0xFFFFFFD0]  }
0x19f: {  	v18 =	vadd.s32 v1, v14;
	v19 =	vand.u32 $0x7D, v12;
	v17 =	vld [tilespmem:s12+$0xFFFFFF10]  }
0x1a0: {  	s13 =	simm.s32 $0x2;
	v20 =	vadd.s32 v1, v19;
	v12 =	vld [tilespmem:s12+$0xFFFFFF50]  }
0x1a1: {  	v21 =	vmov s13  }
0x1a2: {  	v21 =	vand.u32 $0x7E, v21  }
0x1a3: {  	v23 =	vadd.s32 v1, v21;
	v22 =	vld [tilespmem:s12+$0xFFFFFF90];
	[tilespmem:v16+s31+$0x0] =	vst.idx.msk $0xffff, v15  }
0x1a4: {  	v16 =	vadd.s32 v5, v13;
	[tilespmem:v18+s31+$0x0] =	vst.idx.msk $0xffff, v17;
	v15 =	vld [tilespmem:s12+$0xFFFFFFE0]  }
0x1a5: {  	v18 =	vadd.s32 v5, v14;
	[tilespmem:v20+s31+$0x0] =	vst.idx.msk $0xffff, v12;
	v17 =	vld [tilespmem:s12+$0xFFFFFF20]  }
0x1a6: {  	v20 =	vadd.s32 v5, v19;
	v12 =	vld [tilespmem:s12+$0xFFFFFF60];
	_ =	sdelay $0x1  }
0x1a7: {  	[tilespmem:v23+s31+$0x0] =	vst.idx.msk $0xffff, v22  }
0x1a8: {  	v24 =	vadd.s32 v5, v21;
	v23 =	vld [tilespmem:s12+$0xFFFFFFA0];
	[tilespmem:v16+s31+$0x0] =	vst.idx.msk $0xffff, v15  }
0x1a9: {  	s15 =	simm.s32 $0x7;
	v22 =	vadd.s32 v6, v13;
	[tilespmem:v18+s31+$0x0] =	vst.idx.msk $0xffff, v17;
	v15 =	vld [tilespmem:s12+$0xFFFFFFF0]  }
0x1aa: {  	v18 =	vadd.s32 v6, v14;
	v16 =	vmov s15;
	[tilespmem:v20+s31+$0x0] =	vst.idx.msk $0xffff, v12;
	v17 =	vld [tilespmem:s12+$0xFFFFFF30]  }
0x1ab: {  	s11 =	simm.s32 $0xABF0;
	v25 =	vadd.s32 v6, v19;
	v16 =	vand.u32 $0x7F, v16;
	v20 =	vld [tilespmem:s12+$0xFFFFFF70]  }
0x1ac: {  	s17 =	simm.s32 $0x4;
	v26 =	vld [tilespmem:s11+$0xFFFFFFD0];
	v27 =	vadd.s32 v1, v16  }
0x1ad: {  	s18 =	simm.s32 $0x5;
	v12 =	vmov s17;
	[tilespmem:v24+s31+$0x0] =	vst.idx.msk $0xffff, v23  }
0x1ae: {  	v30 =	vmov s18;
	v12 =	vand.u32 $0x7C, v12;
	[tilespmem:v22+s31+$0x0] =	vst.idx.msk $0xffff, v15  }
0x1af: {  	s19 =	simm.s32 $0x6;
	v28 =	vld [tilespmem:s11+$0xFFFFFF10];
	v29 =	vadd.s32 v1, v12;
	v15 =	vand.u32 $0x7D, v30;
	[tilespmem:v18+s31+$0x0] =	vst.idx.msk $0xffff, v17  }
0x1b0: {  	v22 =	vmov s19;
	v17 =	vld [tilespmem:s11+$0xFFFFFF50];
	[tilespmem:v25+s31+$0x0] =	vst.idx.msk $0xffff, v20;
	v18 =	vadd.s32 v1, v15  }
0x1b1: {  	v24 =	vadd.s32 v7, v13;
	v20 =	vld [tilespmem:s12+$0xFFFFFFB0];
	v13 =	vand.u32 $0x7E, v22;
	[tilespmem:v27+s31+$0x0] =	vst.idx.msk $0xffff, v26;
	v26 =	vadd.s32 v6, v21  }
0x1b2: {  	v22 =	vld [tilespmem:s11+$0xFFFFFF90];
	v62 =	vadd.s32 v1, v13  }
0x1b3: {  	v23 =	vld [tilespmem:s12+$0x0]  }
0x1b4: {  	v63 =	vadd.s32 v5, v16;
	[tilespmem:v29+s31+$0x0] =	vst.idx.msk $0xffff, v28;
	v27 =	vld [tilespmem:s11+$0xFFFFFFE0]  }
0x1b5: {  	v31 =	vadd.s32 v5, v12;
	v29 =	vld [tilespmem:s11+$0xFFFFFF20];
	[tilespmem:v18+s31+$0x0] =	vst.idx.msk $0xffff, v17  }
0x1b6: {  	v33 =	vadd.s32 v7, v19;
	v32 =	vld [tilespmem:s12+$0xFFFFFF80];
	[tilespmem:v26+s31+$0x0] =	vst.idx.msk $0xffff, v20  }
0x1b7: {  	v26 =	vadd.s32 v5, v15;
	v25 =	vld [tilespmem:s11+$0xFFFFFF60];
	[tilespmem:v62+s31+$0x0] =	vst.idx.msk $0xffff, v22  }
0x1b8: {  	[tilespmem:v24+s31+$0x0] =	vst.idx.msk $0xffff, v23;
	v24 =	vadd.s32 v5, v13;
	v23 =	vld [tilespmem:s11+$0xFFFFFFA0]  }
0x1b9: {  	[tilespmem:v63+s31+$0x0] =	vst.idx.msk $0xffff, v27;
	v19 =	vld [tilespmem:s12+$0xFFFFFFC0];
	v22 =	vadd.s32 v7, v21  }
0x1ba: {  	v20 =	vadd.s32 v6, v16;
	[tilespmem:v31+s31+$0x0] =	vst.idx.msk $0xffff, v29;
	v17 =	vld [tilespmem:s11+$0xFFFFFFF0]  }
0x1bb: {  	s8 =	simm.s32 $0xC;
	s13 =	simm.s32 $0x8;
	s15 =	simm.s32 $0xB;
	[tilespmem:v33+s31+$0x0] =	vst.idx.msk $0xffff, v32;
	v21 =	vadd.s32 v6, v12;
	v18 =	vld [tilespmem:s11+$0xFFFFFF30]  }
.LBB2_25:
0x1bc: {  	p0 =	slt.u32 s8, $0x7C;
	v27 =	vmov s15;
	[tilespmem:v26+s31+$0x0] =	vst.idx.msk $0xffff, v25;
	v25 =	vld [tilespmem:s12+$0xFFFFFF40];
	v26 =	vadd.s32 v7, v14;
	v14 =	vmov v12;
	s12 =	smov.u32 s11  }
0x1bd: {  	v12 =	vmov s13;
	v29 =	vadd.s32 v6, v15;
	s11 =	sadd.s32 $0x100, s11;
	v27 =	vand.u32 $0x7F, v27;
	v28 =	vld [tilespmem:s12+$0xFFFFFF70];
	[tilespmem:v24+s31+$0x0] =	vst.idx.msk $0xffff, v23  }
0x1be: {  	s15 =	sadd.s32 $0x1, s13;
	v12 =	vand.u32 $0x7C, v12;
	v23 =	vld [tilespmem:s11+$0xFFFFFFD0];
	v24 =	vadd.s32 v1, v27;
	[tilespmem:v22+s31+$0x0] =	vst.idx.msk $0xffff, v19  }
0x1bf: {  	v30 =	vmov s15;
	s15 =	sadd.s32 $0x2, s13;
	s13 =	smov.u32 s8;
	v22 =	vadd.s32 v1, v12;
	v19 =	vld [tilespmem:s11+$0xFFFFFF10];
	[tilespmem:v20+s31+$0x0] =	vst.idx.msk $0xffff, v17  }
0x1c0: {  	v17 =	vand.u32 $0x7D, v30;
	v20 =	vmov s15;
	[tilespmem:v21+s31+$0x0] =	vst.idx.msk $0xffff, v18;
	v18 =	vld [tilespmem:s12+$0x0];
	v21 =	vadd.s32 v7, v16;
	v16 =	vmovc v27  }
0x1c1: {  	v30 =	vadd.s32 v1, v17;
	v20 =	vand.u32 $0x7E, v20;
	v27 =	vld [tilespmem:s11+$0xFFFFFF50];
	[tilespmem:v26+s31+$0x0] =	vst.idx.msk $0xffff, v25  }
0x1c2: {  	v32 =	vadd.s32 v1, v20;
	v31 =	vld [tilespmem:s11+$0xFFFFFF90];
	[tilespmem:v29+s31+$0x0] =	vst.idx.msk $0xffff, v28  }
0x1c3: {  	v29 =	vadd.s32 v6, v13;
	[tilespmem:v24+s31+$0x0] =	vst.idx.msk $0xffff, v23;
	v28 =	vld [tilespmem:s12+$0xFFFFFFB0]  }
0x1c4: {  	[tilespmem:v22+s31+$0x0] =	vst.idx.msk $0xffff, v19;
	v19 =	vld [tilespmem:s11+$0xFFFFFFE0];
	v22 =	vadd.s32 v5, v16  }
0x1c5: {  	v34 =	vadd.s32 v5, v12;
	v33 =	vld [tilespmem:s11+$0xFFFFFF20];
	[tilespmem:v21+s31+$0x0] =	vst.idx.msk $0xffff, v18  }
0x1c6: {  	[tilespmem:v30+s31+$0x0] =	vst.idx.msk $0xffff, v27;
	v27 =	vld [tilespmem:s12+$0xFFFFFF80];
	v30 =	vadd.s32 v7, v15;
	v15 =	vmov v17  }
.Ltmp11:
0x1c7: {  	v25 =	vld [tilespmem:s11+$0xFFFFFF60];
	v26 =	vadd.s32 v5, v15;
	[tilespmem:v32+s31+$0x0] =	vst.idx.msk $0xffff, v31;
	(pc) =	sbr.rel @p0 .LBB2_25-.Ltmp11, $4  }
0x1c8: {  	v24 =	vadd.s32 v5, v20;
	v23 =	vld [tilespmem:s11+$0xFFFFFFA0];
	[tilespmem:v29+s31+$0x0] =	vst.idx.msk $0xffff, v28  }
0x1c9: {  	[tilespmem:v22+s31+$0x0] =	vst.idx.msk $0xffff, v19;
	v19 =	vld [tilespmem:s12+$0xFFFFFFC0];
	v22 =	vadd.s32 v7, v13;
	v13 =	vmov v20  }
0x1ca: {  	v20 =	vadd.s32 v6, v16;
	[tilespmem:v34+s31+$0x0] =	vst.idx.msk $0xffff, v33;
	v17 =	vld [tilespmem:s11+$0xFFFFFFF0]  }
0x1cb: {  	s8 =	sadd.s32 $0x4, s8;
	s15 =	sadd.s32 $0x3, s13;
	v21 =	vadd.s32 v6, v12;
	v18 =	vld [tilespmem:s11+$0xFFFFFF30];
	[tilespmem:v30+s31+$0x0] =	vst.idx.msk $0xffff, v27  }
0x1cc: {  	_ =	sdelay $0x2  }
0x1cd: {  	v27 =	vmov s15;
	s19 =	sadd.s32 $0x1, s13  }
0x1ce: {  	[tilespmem:v26+s31+$0x0] =	vst.idx.msk $0xffff, v25;
	v35 =	vld [tilespmem:s12+$0xFFFFFF40];
	v14 =	vadd.s32 v7, v14;
	s8 =	sadd.s32 $0x100, s11;
	s17 =	sadd.s32 $0x2, s13;
	v36 =	vand.u32 $0x7F, v27;
	v37 =	vmov s19  }
0x1cf: {  	[tilespmem:v24+s31+$0x0] =	vst.idx.msk $0xffff, v23;
	v38 =	vld [tilespmem:s8+$0xFFFFFFD0];
	v28 =	vmov s17;
	v39 =	vadd.s32 v1, v36;
	v27 =	vand.u32 $0x7D, v37  }
0x1d0: {  	v29 =	vmov s13;
	v40 =	vld [tilespmem:s8+$0xFFFFFF50];
	[tilespmem:v22+s31+$0x0] =	vst.idx.msk $0xffff, v19;
	v28 =	vand.u32 $0x7E, v28;
	v41 =	vadd.s32 v1, v27  }
0x1d1: {  	v29 =	vand.u32 $0x7C, v29;
	v42 =	vld [tilespmem:s8+$0xFFFFFF90];
	[tilespmem:v20+s31+$0x0] =	vst.idx.msk $0xffff, v17;
	v43 =	vadd.s32 v1, v28  }
0x1d2: {  	v30 =	vld [tilespmem:s8+$0xFFFFFF10];
	v44 =	vadd.s32 v1, v29;
	[tilespmem:v21+s31+$0x0] =	vst.idx.msk $0xffff, v18  }
0x1d3: {  	v45 =	vld [tilespmem:s11+$0xFFFFFF70];
	[tilespmem:v14+s31+$0x0] =	vst.idx.msk $0xffff, v35;
	v14 =	vadd.s32 v6, v15  }
0x1d4: {  	v52 =	vadd.s32 v6, v13;
	v51 =	vld [tilespmem:s11+$0xFFFFFFB0];
	[tilespmem:v39+s31+$0x0] =	vst.idx.msk $0xffff, v38  }
0x1d5: {  	v47 =	vadd.s32 v5, v36;
	v23 =	vld [tilespmem:s8+$0xFFFFFFE0];
	[tilespmem:v41+s31+$0x0] =	vst.idx.msk $0xffff, v40  }
0x1d6: {  	v48 =	vadd.s32 v5, v27;
	[tilespmem:v43+s31+$0x0] =	vst.idx.msk $0xffff, v42;
	v19 =	vld [tilespmem:s8+$0xFFFFFF60]  }
0x1d7: {  	v49 =	vadd.s32 v5, v28;
	[tilespmem:v44+s31+$0x0] =	vst.idx.msk $0xffff, v30;
	v17 =	vld [tilespmem:s8+$0xFFFFFFA0]  }
0x1d8: {  	v50 =	vadd.s32 v5, v29;
	[tilespmem:v14+s31+$0x0] =	vst.idx.msk $0xffff, v45;
	v14 =	vld [tilespmem:s8+$0xFFFFFF20]  }
0x1d9: {  	v16 =	vadd.s32 v7, v16;
	v46 =	vld [tilespmem:s11+$0x0];
	[tilespmem:v52+s31+$0x0] =	vst.idx.msk $0xffff, v51  }
0x1da: {  	v15 =	vadd.s32 v7, v15;
	v53 =	vld [tilespmem:s11+$0xFFFFFF80];
	[tilespmem:v47+s31+$0x0] =	vst.idx.msk $0xffff, v23  }
0x1db: {  	v54 =	vadd.s32 v6, v36;
	v23 =	vld [tilespmem:s8+$0xFFFFFFF0];
	[tilespmem:v48+s31+$0x0] =	vst.idx.msk $0xffff, v19  }
0x1dc: {  	v55 =	vadd.s32 v6, v27;
	[tilespmem:v49+s31+$0x0] =	vst.idx.msk $0xffff, v17;
	v19 =	vld [tilespmem:s8+$0xFFFFFF70]  }
0x1dd: {  	v56 =	vadd.s32 v6, v28;
	[tilespmem:v50+s31+$0x0] =	vst.idx.msk $0xffff, v14;
	v14 =	vld [tilespmem:s8+$0xFFFFFFB0]  }
0x1de: {  	v58 =	vadd.s32 v6, v29;
	[tilespmem:v16+s31+$0x0] =	vst.idx.msk $0xffff, v46;
	v57 =	vld [tilespmem:s8+$0xFFFFFF30]  }
0x1df: {  	v13 =	vadd.s32 v7, v13;
	v21 =	vld [tilespmem:s11+$0xFFFFFFC0];
	[tilespmem:v15+s31+$0x0] =	vst.idx.msk $0xffff, v53  }
0x1e0: {  	v12 =	vadd.s32 v7, v12;
	v59 =	vmov s10;
	v15 =	vld [tilespmem:s11+$0xFFFFFF40];
	[tilespmem:v54+s31+$0x0] =	vst.idx.msk $0xffff, v23  }
0x1e1: {  	v60 =	vadd.s32 v7, v36;
	v16 =	vmul.u32 $0xD0, v59;
	v23 =	vld [tilespmem:s8+$0x0];
	[tilespmem:v55+s31+$0x0] =	vst.idx.msk $0xffff, v19  }
0x1e2: {  	v61 =	vadd.s32 v7, v27;
	[tilespmem:v56+s31+$0x0] =	vst.idx.msk $0xffff, v14;
	v19 =	vld [tilespmem:s8+$0xFFFFFF80]  }
0x1e3: {  	v62 =	vadd.s32 v7, v28;
	v16 =	vbroadcast v16, $0x0;
	[tilespmem:v58+s31+$0x0] =	vst.idx.msk $0xffff, v57;
	v14 =	vld [tilespmem:s8+$0xFFFFFFC0]  }
0x1e4: {  	s18 =	simm.s32 $0x10;
	v63 =	vadd.s32 v7, v29;
	[tilespmem:v13+s31+$0x0] =	vst.idx.msk $0xffff, v21;
	v13 =	vld [tilespmem:s8+$0xFFFFFF40]  }
0x1e5: {  	[tilespmem:v12+s31+$0x0] =	vst.idx.msk $0xffff, v15;
	v12 =	vadd.s32 v10, v16;
	v15 =	vmov s18  }
0x1e6: {  	v15 =	vmul.u32 $0xD0, v15;
	[tilespmem:v60+s31+$0x0] =	vst.idx.msk $0xffff, v23  }
0x1e7: {  	[tilespmem:v61+s31+$0x0] =	vst.idx.msk $0xffff, v19  }
0x1e8: {  	[tilespmem:v62+s31+$0x0] =	vst.idx.msk $0xffff, v14;
	v14 =	vbroadcast v15, $0x0  }
0x1e9: {  	s19 =	simm.s32 $0x20;
	[tilespmem:v63+s31+$0x0] =	vst.idx.msk $0xffff, v13  }
0x1ea: {  	v13 =	vld.idx.msk [tilespmem:v12+s2+$0x0], $0xffff;
	v12 =	vadd.s32 v10, v14;
	v14 =	vmov s19  }
0x1eb: {  	v14 =	vmul.u32 $0xD0, v14;
	_ =	sdelay $0x1  }
0x1ec: {  	v14 =	vbroadcast v14, $0x0  }
0x1ed: {  	s8 =	simm.s32 $0x6900  }
0x1ee: {  	s10 =	simm.s32 $0x30;
	v12 =	vld.idx.msk [tilespmem:v12+s2+$0x0], $0xffff;
	[tilespmem:s8+$0x0] =	vst v13;
	v13 =	vadd.s32 v10, v14  }
.LBB2_27:
0x1ef: {  	v14 =	vmov s10;
	p0 =	sne.s32 s10, $0x70;
	s10 =	sadd.s32 $0x10, s10  }
.Ltmp12:
0x1f0: {  	v14 =	vmul.u32 $0xD0, v14;
	(pc) =	sbr.rel @p0 .LBB2_27-.Ltmp12, $4  }
0x1f1: {  	_ = 	snop  }
0x1f2: {  	s8 =	sadd.s32 $0x10, s8;
	v14 =	vbroadcast v14, $0x0  }
0x1f3: {  	[tilespmem:s8+$0x0] =	vst v12;
	v12 =	vld.idx.msk [tilespmem:v13+s2+$0x0], $0xffff  }
0x1f4: {  	v13 =	vadd.s32 v10, v14  }
0x1f5: {  	_ =	sdelay $0x3  }
0x1f6: {  	v13 =	vld.idx.msk [tilespmem:v13+s2+$0x0], $0xffff;
	_ =	sdelay $0x2  }
0x1f7: {  	s8 =	sadd.s32 $0x10, s8  }
0x1f8: {  	[tilespmem:s8+$0x0] =	vst v12;
	s8 =	sadd.s32 $0x10, s8  }
0x1f9: {  	[tilespmem:s8+$0x0] =	vst v13  }
0x1fa: {  	[tilespmem:s22], [sflag:$0x3] =	stream.indirect.gather [hbm4b:s5+s16], $0x40, s21, s16, $0xb8;
	[tilespmem:$0x17200] =	vst v63  }
0x1fb: {  	s8 =	rddreg [dreg:$0x6]  }
0x1fc: {  	s12 =	simm.s32 $0x12E00;
	s10 =	sadd.s32 s9, s8  }
0x1fd: {  	[hbm4b:s10+s2] =	stream.linear.scatter [tilespmem:s12], [sflag:$0x7], $0x80, $0x38;
	[tilespmem:$0x17200] =	vst v63  }
0x1fe: {  	s13 =	simm.s32 $0x12E88;
	s11 =	sadd.s32 $0x10, s10  }
0x1ff: {  	[hbm4b:s11+s2] =	stream.linear.scatter [tilespmem:s13], [sflag:$0x7], $0x80, $0x38;
	[tilespmem:$0x17200] =	vst v63  }
0x200: {  	s15 =	simm.s32 $0x12F10;
	s18 =	simm.s32 $0x12F98;
	s17 =	sadd.s32 $0x20, s10  }
0x201: {  	[hbm4b:s17+s2] =	stream.linear.scatter [tilespmem:s15], [sflag:$0x7], $0x80, $0x38;
	[tilespmem:$0x17200] =	vst v63  }
0x202: {  	s8 =	simm.s32 $0x440;
	s19 =	sadd.s32 $0x30, s10;
	s12 =	simm.s32 $0x13020  }
0x203: {  	[hbm4b:s19+s2] =	stream.linear.scatter [tilespmem:s18], [sflag:$0x7], $0x80, $0x38;
	[tilespmem:$0x17200] =	vst v63  }
0x204: {  	s13 =	sadd.s32 $0x40, s10;
	s11 =	simm.s32 $0x2200;
	s15 =	simm.s32 $0x130A8  }
0x205: {  	[hbm4b:s13+s2] =	stream.linear.scatter [tilespmem:s12], [sflag:$0x7], $0x80, $0x38;
	[tilespmem:$0x17200] =	vst v63  }
0x206: {  	s17 =	sadd.s32 $0x50, s10;
	s18 =	simm.s32 $0x13130;
	s19 =	sadd.s32 $0x60, s10  }
0x207: {  	[hbm4b:s17+s2] =	stream.linear.scatter [tilespmem:s15], [sflag:$0x7], $0x80, $0x38;
	[tilespmem:$0x17200] =	vst v63  }
0x208: {  	s12 =	simm.s32 $0x131B8;
	s13 =	sadd.s32 $0x70, s10;
	s10 =	sadd.s32 $0x4000, s10  }
0x209: {  	[hbm4b:s19+s2] =	stream.linear.scatter [tilespmem:s18], [sflag:$0x7], $0x80, $0x38;
	[tilespmem:$0x17200] =	vst v63  }
.LBB2_29:
0x20a: {  	[hbm4b:s13+s2] =	stream.linear.scatter [tilespmem:s12], [sflag:$0x7], $0x80, $0x38;
	[tilespmem:$0x17200] =	vst v63  }
0x20b: {  	s12 =	smov.u32 s8;
	s8 =	smov.u32 s11  }
0x20c: {  	s15 =	sadd.s32 $0x1100, s11;
	s8 =	sshra.s32 s8, $0x2;
	s13 =	sadd.s32 $0x12E00, s12  }
0x20d: {  	[hbm4b:s10+s2] =	stream.linear.scatter [tilespmem:s13], [sflag:$0x7], $0x80, $0x38;
	[tilespmem:$0x17200] =	vst v63  }
0x20e: {  	p0 =	sne.s32 s11, $0x7700;
	s11 =	sadd.s32 $0x12E88, s12;
	s13 =	sadd.s32 $0x10, s10  }
0x20f: {  	[hbm4b:s13+s2] =	stream.linear.scatter [tilespmem:s11], [sflag:$0x7], $0x80, $0x38;
	[tilespmem:$0x17200] =	vst v63  }
0x210: {  	s11 =	sadd.s32 $0x12F10, s12;
	s13 =	sadd.s32 $0x20, s10  }
0x211: {  	[hbm4b:s13+s2] =	stream.linear.scatter [tilespmem:s11], [sflag:$0x7], $0x80, $0x38;
	[tilespmem:$0x17200] =	vst v63  }
0x212: {  	s11 =	sadd.s32 $0x12F98, s12;
	s13 =	sadd.s32 $0x30, s10  }
0x213: {  	[hbm4b:s13+s2] =	stream.linear.scatter [tilespmem:s11], [sflag:$0x7], $0x80, $0x38;
	[tilespmem:$0x17200] =	vst v63  }
0x214: {  	s11 =	sadd.s32 $0x13020, s12;
	s13 =	sadd.s32 $0x40, s10  }
0x215: {  	[hbm4b:s13+s2] =	stream.linear.scatter [tilespmem:s11], [sflag:$0x7], $0x80, $0x38;
	[tilespmem:$0x17200] =	vst v63  }
.Ltmp13:
0x216: {  	s11 =	sadd.s32 $0x130A8, s12;
	s13 =	sadd.s32 $0x50, s10;
	(pc) =	sbr.rel @p0 .LBB2_29-.Ltmp13, $4  }
0x217: {  	[hbm4b:s13+s2] =	stream.linear.scatter [tilespmem:s11], [sflag:$0x7], $0x80, $0x38;
	[tilespmem:$0x17200] =	vst v63  }
0x218: {  	s11 =	sadd.s32 $0x13130, s12;
	s13 =	sadd.s32 $0x60, s10;
	s12 =	sadd.s32 $0x131B8, s12  }
0x219: {  	[hbm4b:s13+s2] =	stream.linear.scatter [tilespmem:s11], [sflag:$0x7], $0x80, $0x38;
	[tilespmem:$0x17200] =	vst v63  }
0x21a: {  	s13 =	sadd.s32 $0x70, s10;
	s10 =	sadd.s32 $0x4000, s10;
	s11 =	smov.u32 s15  }
0x21b: {  	[hbm4b:s13+s2] =	stream.linear.scatter [tilespmem:s12], [sflag:$0x7], $0x80, $0x38;
	[tilespmem:$0x17200] =	vst v63  }
0x21c: {  	s11 =	sadd.s32 $0x12E00, s8  }
0x21d: {  	[hbm4b:s10+s2] =	stream.linear.scatter [tilespmem:s11], [sflag:$0x7], $0x80, $0x38;
	[tilespmem:$0x17200] =	vst v63  }
0x21e: {  	s18 =	sadd.s32 $0x12E88, s8;
	s19 =	sadd.s32 $0x10, s10  }
0x21f: {  	[hbm4b:s19+s2] =	stream.linear.scatter [tilespmem:s18], [sflag:$0x7], $0x80, $0x38;
	[tilespmem:$0x17200] =	vst v63  }
0x220: {  	s12 =	sadd.s32 $0x12F10, s8;
	s13 =	sadd.s32 $0x20, s10  }
0x221: {  	[hbm4b:s13+s2] =	stream.linear.scatter [tilespmem:s12], [sflag:$0x7], $0x80, $0x38;
	[tilespmem:$0x17200] =	vst v63  }
0x222: {  	s15 =	sadd.s32 $0x12F98, s8;
	s17 =	sadd.s32 $0x30, s10  }
0x223: {  	[hbm4b:s17+s2] =	stream.linear.scatter [tilespmem:s15], [sflag:$0x7], $0x80, $0x38;
	[tilespmem:$0x17200] =	vst v63  }
0x224: {  	s18 =	sadd.s32 $0x13020, s8;
	s19 =	sadd.s32 $0x40, s10  }
0x225: {  	[hbm4b:s19+s2] =	stream.linear.scatter [tilespmem:s18], [sflag:$0x7], $0x80, $0x38;
	[tilespmem:$0x17200] =	vst v63  }
0x226: {  	s12 =	sadd.s32 $0x130A8, s8;
	s13 =	sadd.s32 $0x50, s10  }
0x227: {  	[hbm4b:s13+s2] =	stream.linear.scatter [tilespmem:s12], [sflag:$0x7], $0x80, $0x38;
	[tilespmem:$0x17200] =	vst v63  }
0x228: {  	s15 =	sadd.s32 $0x13130, s8;
	s17 =	sadd.s32 $0x60, s10  }
0x229: {  	[hbm4b:s17+s2] =	stream.linear.scatter [tilespmem:s15], [sflag:$0x7], $0x80, $0x38;
	[tilespmem:$0x17200] =	vst v63  }
0x22a: {  	s18 =	sadd.s32 $0x131B8, s8;
	s19 =	sadd.s32 $0x70, s10  }
0x22b: {  	[hbm4b:s19+s2] =	stream.linear.scatter [tilespmem:s18], [sflag:$0x7], $0x80, $0x38;
	[tilespmem:$0x17200] =	vst v63  }
0x22c: {  	s10 =	simm.s32 $0x3;
	_ =	swait.ge [sflag:s0], $0x2000  }
0x22d: {  	v12 =	vmov s10;
	s10 =	simm.s32 $0x0;
	[sflag:s0] =	ssyncset.done $0x0  }
0x22e: {  	s11 =	simm.s32 $0x1;
	s12 =	simm.s32 $0xCAF0;
	v13 =	vand.u32 $0x7F, v12;
	v12 =	vmov s10;
	[sflag:s0] =	ssyncadd.s32 $0xFFFFE000  }
0x22f: {  	v16 =	vadd.s32 v1, v13;
	v14 =	vand.u32 $0x7C, v12;
	v12 =	vmov s11;
	v15 =	vld [tilespmem:s12+$0xFFFFFFD0]  }
0x230: {  	v18 =	vadd.s32 v1, v14;
	v19 =	vand.u32 $0x7D, v12;
	v17 =	vld [tilespmem:s12+$0xFFFFFF10]  }
0x231: {  	s13 =	simm.s32 $0x2;
	v20 =	vadd.s32 v1, v19;
	v12 =	vld [tilespmem:s12+$0xFFFFFF50]  }
0x232: {  	v21 =	vmov s13  }
0x233: {  	v21 =	vand.u32 $0x7E, v21  }
0x234: {  	v23 =	vadd.s32 v1, v21;
	v22 =	vld [tilespmem:s12+$0xFFFFFF90];
	[tilespmem:v16+s3+$0x0] =	vst.idx.msk $0xffff, v15  }
0x235: {  	v16 =	vadd.s32 v5, v13;
	[tilespmem:v18+s3+$0x0] =	vst.idx.msk $0xffff, v17;
	v15 =	vld [tilespmem:s12+$0xFFFFFFE0]  }
0x236: {  	v18 =	vadd.s32 v5, v14;
	[tilespmem:v20+s3+$0x0] =	vst.idx.msk $0xffff, v12;
	v17 =	vld [tilespmem:s12+$0xFFFFFF20]  }
0x237: {  	v20 =	vadd.s32 v5, v19;
	v12 =	vld [tilespmem:s12+$0xFFFFFF60];
	_ =	sdelay $0x1  }
0x238: {  	[tilespmem:v23+s3+$0x0] =	vst.idx.msk $0xffff, v22  }
0x239: {  	v24 =	vadd.s32 v5, v21;
	v23 =	vld [tilespmem:s12+$0xFFFFFFA0];
	[tilespmem:v16+s3+$0x0] =	vst.idx.msk $0xffff, v15  }
0x23a: {  	s15 =	simm.s32 $0x7;
	v22 =	vadd.s32 v6, v13;
	[tilespmem:v18+s3+$0x0] =	vst.idx.msk $0xffff, v17;
	v15 =	vld [tilespmem:s12+$0xFFFFFFF0]  }
0x23b: {  	v18 =	vadd.s32 v6, v14;
	v16 =	vmov s15;
	[tilespmem:v20+s3+$0x0] =	vst.idx.msk $0xffff, v12;
	v17 =	vld [tilespmem:s12+$0xFFFFFF30]  }
0x23c: {  	s11 =	simm.s32 $0xCBF0;
	v25 =	vadd.s32 v6, v19;
	v16 =	vand.u32 $0x7F, v16;
	v20 =	vld [tilespmem:s12+$0xFFFFFF70]  }
0x23d: {  	s17 =	simm.s32 $0x4;
	v26 =	vld [tilespmem:s11+$0xFFFFFFD0];
	v27 =	vadd.s32 v1, v16  }
0x23e: {  	s18 =	simm.s32 $0x5;
	v12 =	vmov s17;
	[tilespmem:v24+s3+$0x0] =	vst.idx.msk $0xffff, v23  }
0x23f: {  	v30 =	vmov s18;
	v12 =	vand.u32 $0x7C, v12;
	[tilespmem:v22+s3+$0x0] =	vst.idx.msk $0xffff, v15  }
0x240: {  	s19 =	simm.s32 $0x6;
	v28 =	vld [tilespmem:s11+$0xFFFFFF10];
	v29 =	vadd.s32 v1, v12;
	v15 =	vand.u32 $0x7D, v30;
	[tilespmem:v18+s3+$0x0] =	vst.idx.msk $0xffff, v17  }
0x241: {  	v22 =	vmov s19;
	v17 =	vld [tilespmem:s11+$0xFFFFFF50];
	[tilespmem:v25+s3+$0x0] =	vst.idx.msk $0xffff, v20;
	v18 =	vadd.s32 v1, v15  }
0x242: {  	v24 =	vadd.s32 v7, v13;
	v20 =	vld [tilespmem:s12+$0xFFFFFFB0];
	v13 =	vand.u32 $0x7E, v22;
	[tilespmem:v27+s3+$0x0] =	vst.idx.msk $0xffff, v26;
	v26 =	vadd.s32 v6, v21  }
0x243: {  	v22 =	vld [tilespmem:s11+$0xFFFFFF90];
	v62 =	vadd.s32 v1, v13  }
0x244: {  	v23 =	vld [tilespmem:s12+$0x0]  }
0x245: {  	v63 =	vadd.s32 v5, v16;
	[tilespmem:v29+s3+$0x0] =	vst.idx.msk $0xffff, v28;
	v27 =	vld [tilespmem:s11+$0xFFFFFFE0]  }
0x246: {  	v31 =	vadd.s32 v5, v12;
	v29 =	vld [tilespmem:s11+$0xFFFFFF20];
	[tilespmem:v18+s3+$0x0] =	vst.idx.msk $0xffff, v17  }
0x247: {  	v33 =	vadd.s32 v7, v19;
	v32 =	vld [tilespmem:s12+$0xFFFFFF80];
	[tilespmem:v26+s3+$0x0] =	vst.idx.msk $0xffff, v20  }
0x248: {  	v26 =	vadd.s32 v5, v15;
	v25 =	vld [tilespmem:s11+$0xFFFFFF60];
	[tilespmem:v62+s3+$0x0] =	vst.idx.msk $0xffff, v22  }
0x249: {  	[tilespmem:v24+s3+$0x0] =	vst.idx.msk $0xffff, v23;
	v24 =	vadd.s32 v5, v13;
	v23 =	vld [tilespmem:s11+$0xFFFFFFA0]  }
0x24a: {  	[tilespmem:v63+s3+$0x0] =	vst.idx.msk $0xffff, v27;
	v19 =	vld [tilespmem:s12+$0xFFFFFFC0];
	v22 =	vadd.s32 v7, v21  }
0x24b: {  	v20 =	vadd.s32 v6, v16;
	[tilespmem:v31+s3+$0x0] =	vst.idx.msk $0xffff, v29;
	v17 =	vld [tilespmem:s11+$0xFFFFFFF0]  }
0x24c: {  	s8 =	simm.s32 $0xC;
	s13 =	simm.s32 $0x8;
	s15 =	simm.s32 $0xB;
	[tilespmem:v33+s3+$0x0] =	vst.idx.msk $0xffff, v32;
	v21 =	vadd.s32 v6, v12;
	v18 =	vld [tilespmem:s11+$0xFFFFFF30]  }
.LBB2_31:
0x24d: {  	p0 =	slt.u32 s8, $0x7C;
	v27 =	vmov s15;
	[tilespmem:v26+s3+$0x0] =	vst.idx.msk $0xffff, v25;
	v25 =	vld [tilespmem:s12+$0xFFFFFF40];
	v26 =	vadd.s32 v7, v14;
	v14 =	vmov v12;
	s12 =	smov.u32 s11  }
0x24e: {  	v12 =	vmov s13;
	v29 =	vadd.s32 v6, v15;
	s11 =	sadd.s32 $0x100, s11;
	v27 =	vand.u32 $0x7F, v27;
	v28 =	vld [tilespmem:s12+$0xFFFFFF70];
	[tilespmem:v24+s3+$0x0] =	vst.idx.msk $0xffff, v23  }
0x24f: {  	s15 =	sadd.s32 $0x1, s13;
	v12 =	vand.u32 $0x7C, v12;
	v23 =	vld [tilespmem:s11+$0xFFFFFFD0];
	v24 =	vadd.s32 v1, v27;
	[tilespmem:v22+s3+$0x0] =	vst.idx.msk $0xffff, v19  }
0x250: {  	v30 =	vmov s15;
	s15 =	sadd.s32 $0x2, s13;
	s13 =	smov.u32 s8;
	v22 =	vadd.s32 v1, v12;
	v19 =	vld [tilespmem:s11+$0xFFFFFF10];
	[tilespmem:v20+s3+$0x0] =	vst.idx.msk $0xffff, v17  }
0x251: {  	v17 =	vand.u32 $0x7D, v30;
	v20 =	vmov s15;
	[tilespmem:v21+s3+$0x0] =	vst.idx.msk $0xffff, v18;
	v18 =	vld [tilespmem:s12+$0x0];
	v21 =	vadd.s32 v7, v16;
	v16 =	vmovc v27  }
0x252: {  	v30 =	vadd.s32 v1, v17;
	v20 =	vand.u32 $0x7E, v20;
	v27 =	vld [tilespmem:s11+$0xFFFFFF50];
	[tilespmem:v26+s3+$0x0] =	vst.idx.msk $0xffff, v25  }
0x253: {  	v32 =	vadd.s32 v1, v20;
	v31 =	vld [tilespmem:s11+$0xFFFFFF90];
	[tilespmem:v29+s3+$0x0] =	vst.idx.msk $0xffff, v28  }
0x254: {  	v29 =	vadd.s32 v6, v13;
	[tilespmem:v24+s3+$0x0] =	vst.idx.msk $0xffff, v23;
	v28 =	vld [tilespmem:s12+$0xFFFFFFB0]  }
0x255: {  	[tilespmem:v22+s3+$0x0] =	vst.idx.msk $0xffff, v19;
	v19 =	vld [tilespmem:s11+$0xFFFFFFE0];
	v22 =	vadd.s32 v5, v16  }
0x256: {  	v34 =	vadd.s32 v5, v12;
	v33 =	vld [tilespmem:s11+$0xFFFFFF20];
	[tilespmem:v21+s3+$0x0] =	vst.idx.msk $0xffff, v18  }
0x257: {  	[tilespmem:v30+s3+$0x0] =	vst.idx.msk $0xffff, v27;
	v27 =	vld [tilespmem:s12+$0xFFFFFF80];
	v30 =	vadd.s32 v7, v15;
	v15 =	vmov v17  }
.Ltmp14:
0x258: {  	v25 =	vld [tilespmem:s11+$0xFFFFFF60];
	v26 =	vadd.s32 v5, v15;
	[tilespmem:v32+s3+$0x0] =	vst.idx.msk $0xffff, v31;
	(pc) =	sbr.rel @p0 .LBB2_31-.Ltmp14, $4  }
0x259: {  	v24 =	vadd.s32 v5, v20;
	v23 =	vld [tilespmem:s11+$0xFFFFFFA0];
	[tilespmem:v29+s3+$0x0] =	vst.idx.msk $0xffff, v28  }
0x25a: {  	[tilespmem:v22+s3+$0x0] =	vst.idx.msk $0xffff, v19;
	v19 =	vld [tilespmem:s12+$0xFFFFFFC0];
	v22 =	vadd.s32 v7, v13;
	v13 =	vmov v20  }
0x25b: {  	v20 =	vadd.s32 v6, v16;
	[tilespmem:v34+s3+$0x0] =	vst.idx.msk $0xffff, v33;
	v17 =	vld [tilespmem:s11+$0xFFFFFFF0]  }
0x25c: {  	s8 =	sadd.s32 $0x4, s8;
	s15 =	sadd.s32 $0x3, s13;
	v21 =	vadd.s32 v6, v12;
	v18 =	vld [tilespmem:s11+$0xFFFFFF30];
	[tilespmem:v30+s3+$0x0] =	vst.idx.msk $0xffff, v27  }
0x25d: {  	_ =	sdelay $0x2  }
0x25e: {  	v27 =	vmov s15;
	s19 =	sadd.s32 $0x1, s13  }
0x25f: {  	[tilespmem:v26+s3+$0x0] =	vst.idx.msk $0xffff, v25;
	v35 =	vld [tilespmem:s12+$0xFFFFFF40];
	v14 =	vadd.s32 v7, v14;
	s8 =	sadd.s32 $0x100, s11;
	s17 =	sadd.s32 $0x2, s13;
	v36 =	vand.u32 $0x7F, v27;
	v37 =	vmov s19  }
0x260: {  	[tilespmem:v24+s3+$0x0] =	vst.idx.msk $0xffff, v23;
	v38 =	vld [tilespmem:s8+$0xFFFFFFD0];
	v28 =	vmov s17;
	v39 =	vadd.s32 v1, v36;
	v27 =	vand.u32 $0x7D, v37  }
0x261: {  	v29 =	vmov s13;
	v40 =	vld [tilespmem:s8+$0xFFFFFF50];
	[tilespmem:v22+s3+$0x0] =	vst.idx.msk $0xffff, v19;
	v28 =	vand.u32 $0x7E, v28;
	v41 =	vadd.s32 v1, v27  }
0x262: {  	v29 =	vand.u32 $0x7C, v29;
	v42 =	vld [tilespmem:s8+$0xFFFFFF90];
	[tilespmem:v20+s3+$0x0] =	vst.idx.msk $0xffff, v17;
	v43 =	vadd.s32 v1, v28  }
0x263: {  	v30 =	vld [tilespmem:s8+$0xFFFFFF10];
	v44 =	vadd.s32 v1, v29;
	[tilespmem:v21+s3+$0x0] =	vst.idx.msk $0xffff, v18  }
0x264: {  	v45 =	vld [tilespmem:s11+$0xFFFFFF70];
	[tilespmem:v14+s3+$0x0] =	vst.idx.msk $0xffff, v35;
	v14 =	vadd.s32 v6, v15  }
0x265: {  	v52 =	vadd.s32 v6, v13;
	v51 =	vld [tilespmem:s11+$0xFFFFFFB0];
	[tilespmem:v39+s3+$0x0] =	vst.idx.msk $0xffff, v38  }
0x266: {  	v47 =	vadd.s32 v5, v36;
	v23 =	vld [tilespmem:s8+$0xFFFFFFE0];
	[tilespmem:v41+s3+$0x0] =	vst.idx.msk $0xffff, v40  }
0x267: {  	v48 =	vadd.s32 v5, v27;
	[tilespmem:v43+s3+$0x0] =	vst.idx.msk $0xffff, v42;
	v19 =	vld [tilespmem:s8+$0xFFFFFF60]  }
0x268: {  	v49 =	vadd.s32 v5, v28;
	[tilespmem:v44+s3+$0x0] =	vst.idx.msk $0xffff, v30;
	v17 =	vld [tilespmem:s8+$0xFFFFFFA0]  }
0x269: {  	v50 =	vadd.s32 v5, v29;
	[tilespmem:v14+s3+$0x0] =	vst.idx.msk $0xffff, v45;
	v14 =	vld [tilespmem:s8+$0xFFFFFF20]  }
0x26a: {  	v16 =	vadd.s32 v7, v16;
	v46 =	vld [tilespmem:s11+$0x0];
	[tilespmem:v52+s3+$0x0] =	vst.idx.msk $0xffff, v51  }
0x26b: {  	v15 =	vadd.s32 v7, v15;
	v53 =	vld [tilespmem:s11+$0xFFFFFF80];
	[tilespmem:v47+s3+$0x0] =	vst.idx.msk $0xffff, v23  }
0x26c: {  	v54 =	vadd.s32 v6, v36;
	v23 =	vld [tilespmem:s8+$0xFFFFFFF0];
	[tilespmem:v48+s3+$0x0] =	vst.idx.msk $0xffff, v19  }
0x26d: {  	v55 =	vadd.s32 v6, v27;
	[tilespmem:v49+s3+$0x0] =	vst.idx.msk $0xffff, v17;
	v19 =	vld [tilespmem:s8+$0xFFFFFF70]  }
0x26e: {  	v56 =	vadd.s32 v6, v28;
	[tilespmem:v50+s3+$0x0] =	vst.idx.msk $0xffff, v14;
	v14 =	vld [tilespmem:s8+$0xFFFFFFB0]  }
0x26f: {  	v58 =	vadd.s32 v6, v29;
	[tilespmem:v16+s3+$0x0] =	vst.idx.msk $0xffff, v46;
	v57 =	vld [tilespmem:s8+$0xFFFFFF30]  }
0x270: {  	v13 =	vadd.s32 v7, v13;
	v21 =	vld [tilespmem:s11+$0xFFFFFFC0];
	[tilespmem:v15+s3+$0x0] =	vst.idx.msk $0xffff, v53  }
0x271: {  	v12 =	vadd.s32 v7, v12;
	v59 =	vmov s10;
	v15 =	vld [tilespmem:s11+$0xFFFFFF40];
	[tilespmem:v54+s3+$0x0] =	vst.idx.msk $0xffff, v23  }
0x272: {  	v60 =	vadd.s32 v7, v36;
	v16 =	vmul.u32 $0xD0, v59;
	v23 =	vld [tilespmem:s8+$0x0];
	[tilespmem:v55+s3+$0x0] =	vst.idx.msk $0xffff, v19  }
0x273: {  	v61 =	vadd.s32 v7, v27;
	[tilespmem:v56+s3+$0x0] =	vst.idx.msk $0xffff, v14;
	v19 =	vld [tilespmem:s8+$0xFFFFFF80]  }
0x274: {  	v62 =	vadd.s32 v7, v28;
	v16 =	vbroadcast v16, $0x0;
	[tilespmem:v58+s3+$0x0] =	vst.idx.msk $0xffff, v57;
	v14 =	vld [tilespmem:s8+$0xFFFFFFC0]  }
0x275: {  	s18 =	simm.s32 $0x10;
	v63 =	vadd.s32 v7, v29;
	[tilespmem:v13+s3+$0x0] =	vst.idx.msk $0xffff, v21;
	v13 =	vld [tilespmem:s8+$0xFFFFFF40]  }
0x276: {  	[tilespmem:v12+s3+$0x0] =	vst.idx.msk $0xffff, v15;
	v12 =	vadd.s32 v11, v16;
	v15 =	vmov s18  }
0x277: {  	v15 =	vmul.u32 $0xD0, v15;
	[tilespmem:v60+s3+$0x0] =	vst.idx.msk $0xffff, v23  }
0x278: {  	[tilespmem:v61+s3+$0x0] =	vst.idx.msk $0xffff, v19  }
0x279: {  	[tilespmem:v62+s3+$0x0] =	vst.idx.msk $0xffff, v14;
	v14 =	vbroadcast v15, $0x0  }
0x27a: {  	s19 =	simm.s32 $0x20;
	[tilespmem:v63+s3+$0x0] =	vst.idx.msk $0xffff, v13  }
0x27b: {  	v13 =	vld.idx.msk [tilespmem:v12+s2+$0x0], $0xffff;
	v12 =	vadd.s32 v11, v14;
	v14 =	vmov s19  }
0x27c: {  	v14 =	vmul.u32 $0xD0, v14;
	_ =	sdelay $0x1  }
0x27d: {  	v14 =	vbroadcast v14, $0x0  }
0x27e: {  	s8 =	simm.s32 $0x6980  }
0x27f: {  	s10 =	simm.s32 $0x30;
	v12 =	vld.idx.msk [tilespmem:v12+s2+$0x0], $0xffff;
	[tilespmem:s8+$0x0] =	vst v13;
	v13 =	vadd.s32 v11, v14  }
.LBB2_33:
0x280: {  	v14 =	vmov s10;
	p0 =	sne.s32 s10, $0x70;
	s10 =	sadd.s32 $0x10, s10  }
.Ltmp15:
0x281: {  	v14 =	vmul.u32 $0xD0, v14;
	(pc) =	sbr.rel @p0 .LBB2_33-.Ltmp15, $4  }
0x282: {  	_ = 	snop  }
0x283: {  	s8 =	sadd.s32 $0x10, s8;
	v14 =	vbroadcast v14, $0x0  }
0x284: {  	[tilespmem:s8+$0x0] =	vst v12;
	v12 =	vld.idx.msk [tilespmem:v13+s2+$0x0], $0xffff  }
0x285: {  	v13 =	vadd.s32 v11, v14  }
0x286: {  	_ =	sdelay $0x3  }
0x287: {  	v13 =	vld.idx.msk [tilespmem:v13+s2+$0x0], $0xffff;
	_ =	sdelay $0x2  }
0x288: {  	s8 =	sadd.s32 $0x10, s8  }
0x289: {  	[tilespmem:s8+$0x0] =	vst v12;
	s8 =	sadd.s32 $0x10, s8  }
0x28a: {  	[tilespmem:s8+$0x0] =	vst v13  }
0x28b: {  	[tilespmem:s24], [sflag:$0x4] =	stream.indirect.gather [hbm4b:s5+s16], $0x40, s23, s16, $0xb8;
	[tilespmem:$0x17200] =	vst v63  }
0x28c: {  	s8 =	rddreg [dreg:$0x7]  }
0x28d: {  	s12 =	simm.s32 $0x15000;
	s10 =	sadd.s32 s9, s8  }
0x28e: {  	[hbm4b:s10+s2] =	stream.linear.scatter [tilespmem:s12], [sflag:$0x8], $0x80, $0x38;
	[tilespmem:$0x17200] =	vst v63  }
0x28f: {  	s13 =	simm.s32 $0x15088;
	s11 =	sadd.s32 $0x10, s10  }
0x290: {  	[hbm4b:s11+s2] =	stream.linear.scatter [tilespmem:s13], [sflag:$0x8], $0x80, $0x38;
	[tilespmem:$0x17200] =	vst v63  }
0x291: {  	s15 =	simm.s32 $0x15110;
	s18 =	simm.s32 $0x15198;
	s17 =	sadd.s32 $0x20, s10  }
0x292: {  	[hbm4b:s17+s2] =	stream.linear.scatter [tilespmem:s15], [sflag:$0x8], $0x80, $0x38;
	[tilespmem:$0x17200] =	vst v63  }
0x293: {  	s8 =	simm.s32 $0x440;
	s19 =	sadd.s32 $0x30, s10;
	s12 =	simm.s32 $0x15220  }
0x294: {  	[hbm4b:s19+s2] =	stream.linear.scatter [tilespmem:s18], [sflag:$0x8], $0x80, $0x38;
	[tilespmem:$0x17200] =	vst v63  }
0x295: {  	s13 =	sadd.s32 $0x40, s10;
	s11 =	simm.s32 $0x2200;
	s15 =	simm.s32 $0x152A8  }
0x296: {  	[hbm4b:s13+s2] =	stream.linear.scatter [tilespmem:s12], [sflag:$0x8], $0x80, $0x38;
	[tilespmem:$0x17200] =	vst v63  }
0x297: {  	s17 =	sadd.s32 $0x50, s10;
	s18 =	simm.s32 $0x15330;
	s19 =	sadd.s32 $0x60, s10  }
0x298: {  	[hbm4b:s17+s2] =	stream.linear.scatter [tilespmem:s15], [sflag:$0x8], $0x80, $0x38;
	[tilespmem:$0x17200] =	vst v63  }
0x299: {  	s12 =	simm.s32 $0x153B8;
	s13 =	sadd.s32 $0x70, s10;
	s10 =	sadd.s32 $0x4000, s10  }
0x29a: {  	[hbm4b:s19+s2] =	stream.linear.scatter [tilespmem:s18], [sflag:$0x8], $0x80, $0x38;
	[tilespmem:$0x17200] =	vst v63  }
.LBB2_35:
0x29b: {  	[hbm4b:s13+s2] =	stream.linear.scatter [tilespmem:s12], [sflag:$0x8], $0x80, $0x38;
	[tilespmem:$0x17200] =	vst v63  }
0x29c: {  	s12 =	smov.u32 s8;
	s8 =	smov.u32 s11  }
0x29d: {  	s15 =	sadd.s32 $0x1100, s11;
	s8 =	sshra.s32 s8, $0x2;
	s13 =	sadd.s32 $0x15000, s12  }
0x29e: {  	[hbm4b:s10+s2] =	stream.linear.scatter [tilespmem:s13], [sflag:$0x8], $0x80, $0x38;
	[tilespmem:$0x17200] =	vst v63  }
0x29f: {  	p0 =	sne.s32 s11, $0x7700;
	s11 =	sadd.s32 $0x15088, s12;
	s13 =	sadd.s32 $0x10, s10  }
0x2a0: {  	[hbm4b:s13+s2] =	stream.linear.scatter [tilespmem:s11], [sflag:$0x8], $0x80, $0x38;
	[tilespmem:$0x17200] =	vst v63  }
0x2a1: {  	s11 =	sadd.s32 $0x15110, s12;
	s13 =	sadd.s32 $0x20, s10  }
0x2a2: {  	[hbm4b:s13+s2] =	stream.linear.scatter [tilespmem:s11], [sflag:$0x8], $0x80, $0x38;
	[tilespmem:$0x17200] =	vst v63  }
0x2a3: {  	s11 =	sadd.s32 $0x15198, s12;
	s13 =	sadd.s32 $0x30, s10  }
0x2a4: {  	[hbm4b:s13+s2] =	stream.linear.scatter [tilespmem:s11], [sflag:$0x8], $0x80, $0x38;
	[tilespmem:$0x17200] =	vst v63  }
0x2a5: {  	s11 =	sadd.s32 $0x15220, s12;
	s13 =	sadd.s32 $0x40, s10  }
0x2a6: {  	[hbm4b:s13+s2] =	stream.linear.scatter [tilespmem:s11], [sflag:$0x8], $0x80, $0x38;
	[tilespmem:$0x17200] =	vst v63  }
.Ltmp16:
0x2a7: {  	s11 =	sadd.s32 $0x152A8, s12;
	s13 =	sadd.s32 $0x50, s10;
	(pc) =	sbr.rel @p0 .LBB2_35-.Ltmp16, $4  }
0x2a8: {  	[hbm4b:s13+s2] =	stream.linear.scatter [tilespmem:s11], [sflag:$0x8], $0x80, $0x38;
	[tilespmem:$0x17200] =	vst v63  }
0x2a9: {  	s11 =	sadd.s32 $0x15330, s12;
	s13 =	sadd.s32 $0x60, s10;
	s12 =	sadd.s32 $0x153B8, s12  }
0x2aa: {  	[hbm4b:s13+s2] =	stream.linear.scatter [tilespmem:s11], [sflag:$0x8], $0x80, $0x38;
	[tilespmem:$0x17200] =	vst v63  }
0x2ab: {  	s13 =	sadd.s32 $0x70, s10;
	s10 =	sadd.s32 $0x4000, s10;
	s11 =	smov.u32 s15  }
0x2ac: {  	[hbm4b:s13+s2] =	stream.linear.scatter [tilespmem:s12], [sflag:$0x8], $0x80, $0x38;
	[tilespmem:$0x17200] =	vst v63  }
0x2ad: {  	s11 =	sadd.s32 $0x15000, s8  }
0x2ae: {  	[hbm4b:s10+s2] =	stream.linear.scatter [tilespmem:s11], [sflag:$0x8], $0x80, $0x38;
	[tilespmem:$0x17200] =	vst v63  }
0x2af: {  	s18 =	sadd.s32 $0x15088, s8;
	s19 =	sadd.s32 $0x10, s10  }
0x2b0: {  	[hbm4b:s19+s2] =	stream.linear.scatter [tilespmem:s18], [sflag:$0x8], $0x80, $0x38;
	[tilespmem:$0x17200] =	vst v63  }
0x2b1: {  	s12 =	sadd.s32 $0x15110, s8;
	s13 =	sadd.s32 $0x20, s10  }
0x2b2: {  	[hbm4b:s13+s2] =	stream.linear.scatter [tilespmem:s12], [sflag:$0x8], $0x80, $0x38;
	[tilespmem:$0x17200] =	vst v63  }
0x2b3: {  	s15 =	sadd.s32 $0x15198, s8;
	s17 =	sadd.s32 $0x30, s10  }
0x2b4: {  	[hbm4b:s17+s2] =	stream.linear.scatter [tilespmem:s15], [sflag:$0x8], $0x80, $0x38;
	[tilespmem:$0x17200] =	vst v63  }
0x2b5: {  	s18 =	sadd.s32 $0x15220, s8;
	s19 =	sadd.s32 $0x40, s10  }
0x2b6: {  	[hbm4b:s19+s2] =	stream.linear.scatter [tilespmem:s18], [sflag:$0x8], $0x80, $0x38;
	[tilespmem:$0x17200] =	vst v63  }
0x2b7: {  	s12 =	sadd.s32 $0x152A8, s8;
	s13 =	sadd.s32 $0x50, s10  }
0x2b8: {  	[hbm4b:s13+s2] =	stream.linear.scatter [tilespmem:s12], [sflag:$0x8], $0x80, $0x38;
	[tilespmem:$0x17200] =	vst v63  }
0x2b9: {  	s15 =	sadd.s32 $0x15330, s8;
	s17 =	sadd.s32 $0x60, s10  }
0x2ba: {  	[hbm4b:s17+s2] =	stream.linear.scatter [tilespmem:s15], [sflag:$0x8], $0x80, $0x38;
	[tilespmem:$0x17200] =	vst v63  }
0x2bb: {  	s18 =	sadd.s32 $0x153B8, s8;
	s19 =	sadd.s32 $0x70, s10;
	s10 =	simm.s32 $0x1  }
0x2bc: {  	[hbm4b:s19+s2] =	stream.linear.scatter [tilespmem:s18], [sflag:$0x8], $0x80, $0x38;
	[tilespmem:$0x17200] =	vst v63  }
.LBB2_37:
0x2bd: {  	_ =	swait.ge [sflag:s25], $0x2000  }
0x2be: {  	[sflag:s25] =	ssyncset.done $0x0  }
0x2bf: {  	[sflag:s25] =	ssyncadd.s32 $0xFFFFE000  }
0x2c0: {  	s8 =	simm.s32 $0x3;
	_ =	swait.ge [sflag:s14], $0x2000  }
0x2c1: {  	s11 =	simm.s32 $0x0;
	v12 =	vmov s8;
	[sflag:s14] =	ssyncset.done $0x0  }
0x2c2: {  	s12 =	simm.s32 $0x6A80;
	s13 =	simm.s32 $0x1;
	v13 =	vand.u32 $0x7F, v12;
	v12 =	vmov s11;
	[sflag:s14] =	ssyncadd.s32 $0xFFFFE000  }
0x2c3: {  	v16 =	vadd.s32 v1, v13;
	v14 =	vand.u32 $0x7C, v12;
	v12 =	vmov s13;
	v15 =	vld [tilespmem:s12+$0x40]  }
0x2c4: {  	v18 =	vadd.s32 v1, v14;
	v19 =	vand.u32 $0x7D, v12;
	v17 =	vld [tilespmem:s12+$0xFFFFFF80]  }
0x2c5: {  	s15 =	simm.s32 $0x2;
	v20 =	vadd.s32 v1, v19;
	v12 =	vld [tilespmem:s12+$0xFFFFFFC0]  }
0x2c6: {  	v21 =	vmov s15  }
0x2c7: {  	v21 =	vand.u32 $0x7E, v21  }
0x2c8: {  	v23 =	vadd.s32 v1, v21;
	v22 =	vld [tilespmem:s12+$0x0];
	[tilespmem:v16+s26+$0x0] =	vst.idx.msk $0xffff, v15  }
0x2c9: {  	v16 =	vadd.s32 v5, v13;
	[tilespmem:v18+s26+$0x0] =	vst.idx.msk $0xffff, v17;
	v15 =	vld [tilespmem:s12+$0x50]  }
0x2ca: {  	v18 =	vadd.s32 v5, v14;
	[tilespmem:v20+s26+$0x0] =	vst.idx.msk $0xffff, v12;
	v17 =	vld [tilespmem:s12+$0xFFFFFF90]  }
0x2cb: {  	v20 =	vadd.s32 v5, v19;
	v12 =	vld [tilespmem:s12+$0xFFFFFFD0];
	_ =	sdelay $0x1  }
0x2cc: {  	[tilespmem:v23+s26+$0x0] =	vst.idx.msk $0xffff, v22  }
0x2cd: {  	v24 =	vadd.s32 v5, v21;
	v23 =	vld [tilespmem:s12+$0x10];
	[tilespmem:v16+s26+$0x0] =	vst.idx.msk $0xffff, v15  }
0x2ce: {  	s17 =	simm.s32 $0x7;
	v22 =	vadd.s32 v6, v13;
	[tilespmem:v18+s26+$0x0] =	vst.idx.msk $0xffff, v17;
	v15 =	vld [tilespmem:s12+$0x60]  }
0x2cf: {  	s11 =	simm.s32 $0x4;
	v18 =	vadd.s32 v6, v14;
	v16 =	vmov s17;
	[tilespmem:v20+s26+$0x0] =	vst.idx.msk $0xffff, v12;
	v17 =	vld [tilespmem:s12+$0xFFFFFFA0]  }
0x2d0: {  	v25 =	vadd.s32 v6, v19;
	v12 =	vmov s11;
	s11 =	simm.s32 $0x6B80;
	v16 =	vand.u32 $0x7F, v16;
	v20 =	vld [tilespmem:s12+$0xFFFFFFE0]  }
0x2d1: {  	v26 =	vld [tilespmem:s11+$0x40];
	v27 =	vadd.s32 v1, v16  }
0x2d2: {  	s18 =	simm.s32 $0x5;
	[tilespmem:v24+s26+$0x0] =	vst.idx.msk $0xffff, v23  }
0x2d3: {  	v30 =	vmov s18;
	v12 =	vand.u32 $0x7C, v12;
	[tilespmem:v22+s26+$0x0] =	vst.idx.msk $0xffff, v15  }
0x2d4: {  	s19 =	simm.s32 $0x6;
	v28 =	vld [tilespmem:s11+$0xFFFFFF80];
	v29 =	vadd.s32 v1, v12;
	v15 =	vand.u32 $0x7D, v30;
	[tilespmem:v18+s26+$0x0] =	vst.idx.msk $0xffff, v17  }
0x2d5: {  	v22 =	vmov s19;
	v17 =	vld [tilespmem:s11+$0xFFFFFFC0];
	[tilespmem:v25+s26+$0x0] =	vst.idx.msk $0xffff, v20;
	v18 =	vadd.s32 v1, v15  }
0x2d6: {  	v24 =	vadd.s32 v7, v13;
	v20 =	vld [tilespmem:s12+$0x20];
	v13 =	vand.u32 $0x7E, v22;
	[tilespmem:v27+s26+$0x0] =	vst.idx.msk $0xffff, v26;
	v26 =	vadd.s32 v6, v21  }
0x2d7: {  	v22 =	vld [tilespmem:s11+$0x0];
	v62 =	vadd.s32 v1, v13  }
0x2d8: {  	v23 =	vld [tilespmem:s12+$0x70]  }
0x2d9: {  	v63 =	vadd.s32 v5, v16;
	[tilespmem:v29+s26+$0x0] =	vst.idx.msk $0xffff, v28;
	v27 =	vld [tilespmem:s11+$0x50]  }
0x2da: {  	v31 =	vadd.s32 v5, v12;
	v29 =	vld [tilespmem:s11+$0xFFFFFF90];
	[tilespmem:v18+s26+$0x0] =	vst.idx.msk $0xffff, v17  }
0x2db: {  	v33 =	vadd.s32 v7, v19;
	v32 =	vld [tilespmem:s12+$0xFFFFFFF0];
	[tilespmem:v26+s26+$0x0] =	vst.idx.msk $0xffff, v20  }
0x2dc: {  	v26 =	vadd.s32 v5, v15;
	v25 =	vld [tilespmem:s11+$0xFFFFFFD0];
	[tilespmem:v62+s26+$0x0] =	vst.idx.msk $0xffff, v22  }
0x2dd: {  	[tilespmem:v24+s26+$0x0] =	vst.idx.msk $0xffff, v23;
	v24 =	vadd.s32 v5, v13;
	v23 =	vld [tilespmem:s11+$0x10]  }
0x2de: {  	[tilespmem:v63+s26+$0x0] =	vst.idx.msk $0xffff, v27;
	v19 =	vld [tilespmem:s12+$0x30];
	v22 =	vadd.s32 v7, v21  }
0x2df: {  	v20 =	vadd.s32 v6, v16;
	[tilespmem:v31+s26+$0x0] =	vst.idx.msk $0xffff, v29;
	v17 =	vld [tilespmem:s11+$0x60]  }
0x2e0: {  	s15 =	simm.s32 $0xB;
	s8 =	simm.s32 $0xC;
	s13 =	simm.s32 $0x8;
	[tilespmem:v33+s26+$0x0] =	vst.idx.msk $0xffff, v32;
	v21 =	vadd.s32 v6, v12;
	v18 =	vld [tilespmem:s11+$0xFFFFFFA0]  }
.LBB2_38:
0x2e1: {  	p0 =	slt.u32 s8, $0x7C;
	v27 =	vmov s15;
	[tilespmem:v26+s26+$0x0] =	vst.idx.msk $0xffff, v25;
	v25 =	vld [tilespmem:s12+$0xFFFFFFB0];
	v26 =	vadd.s32 v7, v14;
	v14 =	vmov v12;
	s12 =	smov.u32 s11  }
0x2e2: {  	v12 =	vmov s13;
	v29 =	vadd.s32 v6, v15;
	s11 =	sadd.s32 $0x100, s11;
	v27 =	vand.u32 $0x7F, v27;
	v28 =	vld [tilespmem:s12+$0xFFFFFFE0];
	[tilespmem:v24+s26+$0x0] =	vst.idx.msk $0xffff, v23  }
0x2e3: {  	s15 =	sadd.s32 $0x1, s13;
	v12 =	vand.u32 $0x7C, v12;
	v23 =	vld [tilespmem:s11+$0x40];
	v24 =	vadd.s32 v1, v27;
	[tilespmem:v22+s26+$0x0] =	vst.idx.msk $0xffff, v19  }
0x2e4: {  	v30 =	vmov s15;
	s15 =	sadd.s32 $0x2, s13;
	s13 =	smov.u32 s8;
	v22 =	vadd.s32 v1, v12;
	v19 =	vld [tilespmem:s11+$0xFFFFFF80];
	[tilespmem:v20+s26+$0x0] =	vst.idx.msk $0xffff, v17  }
0x2e5: {  	v17 =	vand.u32 $0x7D, v30;
	v20 =	vmov s15;
	[tilespmem:v21+s26+$0x0] =	vst.idx.msk $0xffff, v18;
	v18 =	vld [tilespmem:s12+$0x70];
	v21 =	vadd.s32 v7, v16;
	v16 =	vmovc v27  }
0x2e6: {  	v30 =	vadd.s32 v1, v17;
	v20 =	vand.u32 $0x7E, v20;
	v27 =	vld [tilespmem:s11+$0xFFFFFFC0];
	[tilespmem:v26+s26+$0x0] =	vst.idx.msk $0xffff, v25  }
0x2e7: {  	v32 =	vadd.s32 v1, v20;
	v31 =	vld [tilespmem:s11+$0x0];
	[tilespmem:v29+s26+$0x0] =	vst.idx.msk $0xffff, v28  }
0x2e8: {  	v29 =	vadd.s32 v6, v13;
	[tilespmem:v24+s26+$0x0] =	vst.idx.msk $0xffff, v23;
	v28 =	vld [tilespmem:s12+$0x20]  }
0x2e9: {  	[tilespmem:v22+s26+$0x0] =	vst.idx.msk $0xffff, v19;
	v19 =	vld [tilespmem:s11+$0x50];
	v22 =	vadd.s32 v5, v16  }
0x2ea: {  	v34 =	vadd.s32 v5, v12;
	v33 =	vld [tilespmem:s11+$0xFFFFFF90];
	[tilespmem:v21+s26+$0x0] =	vst.idx.msk $0xffff, v18  }
0x2eb: {  	[tilespmem:v30+s26+$0x0] =	vst.idx.msk $0xffff, v27;
	v27 =	vld [tilespmem:s12+$0xFFFFFFF0];
	v30 =	vadd.s32 v7, v15;
	v15 =	vmov v17  }
.Ltmp17:
0x2ec: {  	v25 =	vld [tilespmem:s11+$0xFFFFFFD0];
	v26 =	vadd.s32 v5, v15;
	[tilespmem:v32+s26+$0x0] =	vst.idx.msk $0xffff, v31;
	(pc) =	sbr.rel @p0 .LBB2_38-.Ltmp17, $4  }
0x2ed: {  	v24 =	vadd.s32 v5, v20;
	v23 =	vld [tilespmem:s11+$0x10];
	[tilespmem:v29+s26+$0x0] =	vst.idx.msk $0xffff, v28  }
0x2ee: {  	[tilespmem:v22+s26+$0x0] =	vst.idx.msk $0xffff, v19;
	v19 =	vld [tilespmem:s12+$0x30];
	v22 =	vadd.s32 v7, v13;
	v13 =	vmov v20  }
0x2ef: {  	v20 =	vadd.s32 v6, v16;
	[tilespmem:v34+s26+$0x0] =	vst.idx.msk $0xffff, v33;
	v17 =	vld [tilespmem:s11+$0x60]  }
0x2f0: {  	s8 =	sadd.s32 $0x4, s8;
	s15 =	sadd.s32 $0x3, s13;
	v21 =	vadd.s32 v6, v12;
	v18 =	vld [tilespmem:s11+$0xFFFFFFA0];
	[tilespmem:v30+s26+$0x0] =	vst.idx.msk $0xffff, v27  }
0x2f1: {  	_ =	sdelay $0x2  }
0x2f2: {  	v27 =	vmov s15;
	s18 =	sadd.s32 $0x1, s13  }
0x2f3: {  	[tilespmem:v26+s26+$0x0] =	vst.idx.msk $0xffff, v25;
	v34 =	vld [tilespmem:s12+$0xFFFFFFB0];
	v14 =	vadd.s32 v7, v14;
	s8 =	sadd.s32 $0x100, s11;
	s19 =	sadd.s32 $0x2, s13;
	v35 =	vand.u32 $0x7F, v27;
	v36 =	vmov s18  }
0x2f4: {  	[tilespmem:v24+s26+$0x0] =	vst.idx.msk $0xffff, v23;
	v37 =	vld [tilespmem:s8+$0x40];
	v28 =	vmov s19;
	v38 =	vadd.s32 v1, v35;
	v27 =	vand.u32 $0x7D, v36  }
0x2f5: {  	v29 =	vmov s13;
	v39 =	vld [tilespmem:s8+$0xFFFFFFC0];
	[tilespmem:v22+s26+$0x0] =	vst.idx.msk $0xffff, v19;
	v28 =	vand.u32 $0x7E, v28;
	v40 =	vadd.s32 v1, v27  }
0x2f6: {  	v29 =	vand.u32 $0x7C, v29;
	v41 =	vld [tilespmem:s8+$0x0];
	[tilespmem:v20+s26+$0x0] =	vst.idx.msk $0xffff, v17;
	v42 =	vadd.s32 v1, v28  }
0x2f7: {  	v30 =	vld [tilespmem:s8+$0xFFFFFF80];
	v43 =	vadd.s32 v1, v29;
	[tilespmem:v21+s26+$0x0] =	vst.idx.msk $0xffff, v18  }
0x2f8: {  	v44 =	vld [tilespmem:s11+$0xFFFFFFE0];
	[tilespmem:v14+s26+$0x0] =	vst.idx.msk $0xffff, v34;
	v14 =	vadd.s32 v6, v15  }
0x2f9: {  	v51 =	vadd.s32 v6, v13;
	v50 =	vld [tilespmem:s11+$0x20];
	[tilespmem:v38+s26+$0x0] =	vst.idx.msk $0xffff, v37  }
0x2fa: {  	v46 =	vadd.s32 v5, v35;
	v23 =	vld [tilespmem:s8+$0x50];
	[tilespmem:v40+s26+$0x0] =	vst.idx.msk $0xffff, v39  }
0x2fb: {  	v47 =	vadd.s32 v5, v27;
	[tilespmem:v42+s26+$0x0] =	vst.idx.msk $0xffff, v41;
	v19 =	vld [tilespmem:s8+$0xFFFFFFD0]  }
0x2fc: {  	v48 =	vadd.s32 v5, v28;
	[tilespmem:v43+s26+$0x0] =	vst.idx.msk $0xffff, v30;
	v17 =	vld [tilespmem:s8+$0x10]  }
0x2fd: {  	v49 =	vadd.s32 v5, v29;
	[tilespmem:v14+s26+$0x0] =	vst.idx.msk $0xffff, v44;
	v14 =	vld [tilespmem:s8+$0xFFFFFF90]  }
0x2fe: {  	v16 =	vadd.s32 v7, v16;
	v45 =	vld [tilespmem:s11+$0x70];
	[tilespmem:v51+s26+$0x0] =	vst.idx.msk $0xffff, v50  }
0x2ff: {  	v15 =	vadd.s32 v7, v15;
	v52 =	vld [tilespmem:s11+$0xFFFFFFF0];
	[tilespmem:v46+s26+$0x0] =	vst.idx.msk $0xffff, v23  }
0x300: {  	v53 =	vadd.s32 v6, v35;
	v23 =	vld [tilespmem:s8+$0x60];
	[tilespmem:v47+s26+$0x0] =	vst.idx.msk $0xffff, v19  }
0x301: {  	v54 =	vadd.s32 v6, v27;
	[tilespmem:v48+s26+$0x0] =	vst.idx.msk $0xffff, v17;
	v19 =	vld [tilespmem:s8+$0xFFFFFFE0]  }
0x302: {  	v55 =	vadd.s32 v6, v28;
	[tilespmem:v49+s26+$0x0] =	vst.idx.msk $0xffff, v14;
	v14 =	vld [tilespmem:s8+$0x20]  }
0x303: {  	v57 =	vadd.s32 v6, v29;
	[tilespmem:v16+s26+$0x0] =	vst.idx.msk $0xffff, v45;
	v56 =	vld [tilespmem:s8+$0xFFFFFFA0]  }
0x304: {  	v13 =	vadd.s32 v7, v13;
	s15 =	simm.s32 $0x0;
	v21 =	vld [tilespmem:s11+$0x30];
	[tilespmem:v15+s26+$0x0] =	vst.idx.msk $0xffff, v52  }
0x305: {  	v58 =	vadd.s32 v7, v12;
	v12 =	vmov s15;
	v15 =	vld [tilespmem:s11+$0xFFFFFFB0];
	s11 =	sshll.u32 s10, $0x2;
	[tilespmem:v53+s26+$0x0] =	vst.idx.msk $0xffff, v23  }
0x306: {  	v59 =	vadd.s32 v7, v35;
	v12 =	vmul.u32 $0xD0, v12;
	s17 =	sadd.s32 $0x4, s11;
	v23 =	vld [tilespmem:s8+$0x70];
	[tilespmem:v54+s26+$0x0] =	vst.idx.msk $0xffff, v19  }
0x307: {  	v60 =	vadd.s32 v7, v27;
	[tilespmem:v55+s26+$0x0] =	vst.idx.msk $0xffff, v14;
	v14 =	vmov s17;
	v19 =	vld [tilespmem:s8+$0xFFFFFFF0]  }
0x308: {  	v61 =	vadd.s32 v7, v28;
	v62 =	vbroadcast v12, $0x0;
	[tilespmem:v57+s26+$0x0] =	vst.idx.msk $0xffff, v56;
	v17 =	vld [tilespmem:s8+$0x30];
	v14 =	vand.u32 $0x1FC, v14  }
0x309: {  	s18 =	simm.s32 $0x10;
	v63 =	vadd.s32 v7, v29;
	[tilespmem:v13+s26+$0x0] =	vst.idx.msk $0xffff, v21;
	v13 =	vld [tilespmem:s8+$0xFFFFFFB0];
	v12 =	vadd.s32 v0, v14  }
0x30a: {  	[tilespmem:v58+s26+$0x0] =	vst.idx.msk $0xffff, v15;
	v15 =	vmov s18;
	v14 =	vadd.s32 v62, v12  }
0x30b: {  	v15 =	vmul.u32 $0xD0, v15;
	[tilespmem:v59+s26+$0x0] =	vst.idx.msk $0xffff, v23  }
0x30c: {  	[tilespmem:v60+s26+$0x0] =	vst.idx.msk $0xffff, v19  }
0x30d: {  	v15 =	vbroadcast v15, $0x0;
	[tilespmem:v61+s26+$0x0] =	vst.idx.msk $0xffff, v17  }
0x30e: {  	s19 =	simm.s32 $0x20;
	[tilespmem:v63+s26+$0x0] =	vst.idx.msk $0xffff, v13  }
0x30f: {  	v13 =	vadd.s32 v15, v12;
	v15 =	vmov s19;
	v14 =	vld.idx.msk [tilespmem:v14+s2+$0x0], $0xffff  }
0x310: {  	v15 =	vmul.u32 $0xD0, v15;
	_ =	sdelay $0x1  }
0x311: {  	v15 =	vbroadcast v15, $0x0  }
0x312: {  	s8 =	simm.s32 $0x6800  }
0x313: {  	s12 =	simm.s32 $0x30;
	v13 =	vld.idx.msk [tilespmem:v13+s2+$0x0], $0xffff;
	[tilespmem:s8+$0x0] =	vst v14;
	v14 =	vadd.s32 v15, v12  }
.LBB2_40:
0x314: {  	v15 =	vmov s12;
	p0 =	sne.s32 s12, $0x70;
	s12 =	sadd.s32 $0x10, s12  }
.Ltmp18:
0x315: {  	v15 =	vmul.u32 $0xD0, v15;
	(pc) =	sbr.rel @p0 .LBB2_40-.Ltmp18, $4  }
0x316: {  	_ = 	snop  }
0x317: {  	s8 =	sadd.s32 $0x10, s8;
	v15 =	vbroadcast v15, $0x0  }
0x318: {  	[tilespmem:s8+$0x0] =	vst v13;
	v13 =	vld.idx.msk [tilespmem:v14+s2+$0x0], $0xffff  }
0x319: {  	v14 =	vadd.s32 v15, v12  }
0x31a: {  	_ =	sdelay $0x3  }
0x31b: {  	v12 =	vld.idx.msk [tilespmem:v14+s2+$0x0], $0xffff;
	_ =	sdelay $0x2  }
0x31c: {  	s8 =	sadd.s32 $0x10, s8  }
0x31d: {  	[tilespmem:s8+$0x0] =	vst v13;
	s8 =	sadd.s32 $0x10, s8  }
0x31e: {  	s19 =	simm.s32 $0x6800;
	s12 =	simm.s32 $0x6A00;
	s13 =	sshll.u32 s10, $0x13;
	[tilespmem:s8+$0x0] =	vst v12  }
0x31f: {  	[tilespmem:s12], [sflag:$0x1] =	stream.indirect.gather [hbm4b:s5+s16], $0x40, s19, s16, $0xb8;
	[tilespmem:$0x17200] =	vst v63  }
0x320: {  	s12 =	sadd.s32 s9, s13  }
0x321: {  	s15 =	simm.s32 $0xEA00;
	s13 =	sadd.s32 s1, s12  }
0x322: {  	[hbm4b:s13+s2] =	stream.linear.scatter [tilespmem:s15], [sflag:$0x5], $0x80, $0x38;
	[tilespmem:$0x17200] =	vst v63  }
0x323: {  	s17 =	simm.s32 $0xEA88;
	s15 =	sadd.s32 $0x10, s13  }
0x324: {  	[hbm4b:s15+s2] =	stream.linear.scatter [tilespmem:s17], [sflag:$0x5], $0x80, $0x38;
	[tilespmem:$0x17200] =	vst v63  }
0x325: {  	s18 =	simm.s32 $0xEB10;
	s19 =	sadd.s32 $0x20, s13  }
0x326: {  	[hbm4b:s19+s2] =	stream.linear.scatter [tilespmem:s18], [sflag:$0x5], $0x80, $0x38;
	[tilespmem:$0x17200] =	vst v63  }
0x327: {  	s15 =	simm.s32 $0xEB98;
	s17 =	sadd.s32 $0x30, s13  }
0x328: {  	[hbm4b:s17+s2] =	stream.linear.scatter [tilespmem:s15], [sflag:$0x5], $0x80, $0x38;
	[tilespmem:$0x17200] =	vst v63  }
0x329: {  	s18 =	simm.s32 $0xEC20;
	s19 =	sadd.s32 $0x40, s13  }
0x32a: {  	[hbm4b:s19+s2] =	stream.linear.scatter [tilespmem:s18], [sflag:$0x5], $0x80, $0x38;
	[tilespmem:$0x17200] =	vst v63  }
0x32b: {  	s8 =	simm.s32 $0x440;
	s15 =	simm.s32 $0xECA8;
	s17 =	sadd.s32 $0x50, s13  }
0x32c: {  	[hbm4b:s17+s2] =	stream.linear.scatter [tilespmem:s15], [sflag:$0x5], $0x80, $0x38;
	[tilespmem:$0x17200] =	vst v63  }
0x32d: {  	s18 =	simm.s32 $0xED30;
	s19 =	sadd.s32 $0x60, s13;
	s15 =	simm.s32 $0x2200  }
0x32e: {  	[hbm4b:s19+s2] =	stream.linear.scatter [tilespmem:s18], [sflag:$0x5], $0x80, $0x38;
	[tilespmem:$0x17200] =	vst v63  }
0x32f: {  	s17 =	simm.s32 $0xEDB8;
	s18 =	sadd.s32 $0x70, s13;
	s13 =	sadd.s32 $0x4000, s13  }
.LBB2_42:
0x330: {  	[hbm4b:s18+s2] =	stream.linear.scatter [tilespmem:s17], [sflag:$0x5], $0x80, $0x38;
	[tilespmem:$0x17200] =	vst v63  }
0x331: {  	s17 =	smov.u32 s8;
	s8 =	smov.u32 s15  }
0x332: {  	s19 =	sadd.s32 $0x1100, s15;
	s8 =	sshra.s32 s8, $0x2;
	s18 =	sadd.s32 $0xEA00, s17  }
0x333: {  	[hbm4b:s13+s2] =	stream.linear.scatter [tilespmem:s18], [sflag:$0x5], $0x80, $0x38;
	[tilespmem:$0x17200] =	vst v63  }
0x334: {  	p0 =	sne.s32 s15, $0x7700;
	s15 =	sadd.s32 $0xEA88, s17;
	s18 =	sadd.s32 $0x10, s13  }
0x335: {  	[hbm4b:s18+s2] =	stream.linear.scatter [tilespmem:s15], [sflag:$0x5], $0x80, $0x38;
	[tilespmem:$0x17200] =	vst v63  }
0x336: {  	s15 =	sadd.s32 $0xEB10, s17;
	s18 =	sadd.s32 $0x20, s13  }
0x337: {  	[hbm4b:s18+s2] =	stream.linear.scatter [tilespmem:s15], [sflag:$0x5], $0x80, $0x38;
	[tilespmem:$0x17200] =	vst v63  }
0x338: {  	s15 =	sadd.s32 $0xEB98, s17;
	s18 =	sadd.s32 $0x30, s13  }
0x339: {  	[hbm4b:s18+s2] =	stream.linear.scatter [tilespmem:s15], [sflag:$0x5], $0x80, $0x38;
	[tilespmem:$0x17200] =	vst v63  }
0x33a: {  	s15 =	sadd.s32 $0xEC20, s17;
	s18 =	sadd.s32 $0x40, s13  }
0x33b: {  	[hbm4b:s18+s2] =	stream.linear.scatter [tilespmem:s15], [sflag:$0x5], $0x80, $0x38;
	[tilespmem:$0x17200] =	vst v63  }
.Ltmp19:
0x33c: {  	s15 =	sadd.s32 $0xECA8, s17;
	s18 =	sadd.s32 $0x50, s13;
	(pc) =	sbr.rel @p0 .LBB2_42-.Ltmp19, $4  }
0x33d: {  	[hbm4b:s18+s2] =	stream.linear.scatter [tilespmem:s15], [sflag:$0x5], $0x80, $0x38;
	[tilespmem:$0x17200] =	vst v63  }
0x33e: {  	s15 =	sadd.s32 $0xED30, s17;
	s18 =	sadd.s32 $0x60, s13;
	s17 =	sadd.s32 $0xEDB8, s17  }
0x33f: {  	[hbm4b:s18+s2] =	stream.linear.scatter [tilespmem:s15], [sflag:$0x5], $0x80, $0x38;
	[tilespmem:$0x17200] =	vst v63  }
0x340: {  	s18 =	sadd.s32 $0x70, s13;
	s13 =	sadd.s32 $0x4000, s13;
	s15 =	smov.u32 s19  }
0x341: {  	[hbm4b:s18+s2] =	stream.linear.scatter [tilespmem:s17], [sflag:$0x5], $0x80, $0x38;
	[tilespmem:$0x17200] =	vst v63  }
0x342: {  	s15 =	sadd.s32 $0xEA00, s8  }
0x343: {  	[hbm4b:s13+s2] =	stream.linear.scatter [tilespmem:s15], [sflag:$0x5], $0x80, $0x38;
	[tilespmem:$0x17200] =	vst v63  }
0x344: {  	s18 =	sadd.s32 $0xEA88, s8;
	s19 =	sadd.s32 $0x10, s13  }
0x345: {  	[hbm4b:s19+s2] =	stream.linear.scatter [tilespmem:s18], [sflag:$0x5], $0x80, $0x38;
	[tilespmem:$0x17200] =	vst v63  }
0x346: {  	s18 =	sadd.s32 $0xEB10, s8;
	s19 =	sadd.s32 $0x20, s13  }
0x347: {  	[hbm4b:s19+s2] =	stream.linear.scatter [tilespmem:s18], [sflag:$0x5], $0x80, $0x38;
	[tilespmem:$0x17200] =	vst v63  }
0x348: {  	s18 =	sadd.s32 $0xEB98, s8;
	s19 =	sadd.s32 $0x30, s13  }
0x349: {  	[hbm4b:s19+s2] =	stream.linear.scatter [tilespmem:s18], [sflag:$0x5], $0x80, $0x38;
	[tilespmem:$0x17200] =	vst v63  }
0x34a: {  	s18 =	sadd.s32 $0xEC20, s8;
	s19 =	sadd.s32 $0x40, s13  }
0x34b: {  	[hbm4b:s19+s2] =	stream.linear.scatter [tilespmem:s18], [sflag:$0x5], $0x80, $0x38;
	[tilespmem:$0x17200] =	vst v63  }
0x34c: {  	s18 =	sadd.s32 $0xECA8, s8;
	s19 =	sadd.s32 $0x50, s13  }
0x34d: {  	[hbm4b:s19+s2] =	stream.linear.scatter [tilespmem:s18], [sflag:$0x5], $0x80, $0x38;
	[tilespmem:$0x17200] =	vst v63  }
0x34e: {  	s18 =	sadd.s32 $0xED30, s8;
	s19 =	sadd.s32 $0x60, s13  }
0x34f: {  	[hbm4b:s19+s2] =	stream.linear.scatter [tilespmem:s18], [sflag:$0x5], $0x80, $0x38;
	[tilespmem:$0x17200] =	vst v63  }
0x350: {  	s18 =	sadd.s32 $0xEDB8, s8;
	s19 =	sadd.s32 $0x70, s13  }
0x351: {  	[hbm4b:s19+s2] =	stream.linear.scatter [tilespmem:s18], [sflag:$0x5], $0x80, $0x38;
	[tilespmem:$0x17200] =	vst v63  }
0x352: {  	_ =	swait.ge [sflag:s28], $0x2000  }
0x353: {  	[sflag:s28] =	ssyncset.done $0x0  }
0x354: {  	[sflag:s28] =	ssyncadd.s32 $0xFFFFE000  }
0x355: {  	s15 =	simm.s32 $0x3;
	_ =	swait.ge [sflag:s4], $0x2000  }
0x356: {  	s17 =	simm.s32 $0x0;
	v12 =	vmov s15;
	[sflag:s4] =	ssyncset.done $0x0  }
0x357: {  	s15 =	simm.s32 $0x8AF0;
	v13 =	vand.u32 $0x7F, v12;
	v12 =	vmov s17;
	s18 =	simm.s32 $0x1;
	[sflag:s4] =	ssyncadd.s32 $0xFFFFE000  }
0x358: {  	v16 =	vadd.s32 v1, v13;
	v14 =	vand.u32 $0x7C, v12;
	v12 =	vmov s18;
	v15 =	vld [tilespmem:s15+$0xFFFFFFD0]  }
0x359: {  	v18 =	vadd.s32 v1, v14;
	v19 =	vand.u32 $0x7D, v12;
	v17 =	vld [tilespmem:s15+$0xFFFFFF10]  }
0x35a: {  	s19 =	simm.s32 $0x2;
	v20 =	vadd.s32 v1, v19;
	v12 =	vld [tilespmem:s15+$0xFFFFFF50]  }
0x35b: {  	v21 =	vmov s19  }
0x35c: {  	v21 =	vand.u32 $0x7E, v21  }
0x35d: {  	v23 =	vadd.s32 v1, v21;
	v22 =	vld [tilespmem:s15+$0xFFFFFF90];
	[tilespmem:v16+s29+$0x0] =	vst.idx.msk $0xffff, v15  }
0x35e: {  	v16 =	vadd.s32 v5, v13;
	[tilespmem:v18+s29+$0x0] =	vst.idx.msk $0xffff, v17;
	v15 =	vld [tilespmem:s15+$0xFFFFFFE0]  }
0x35f: {  	v18 =	vadd.s32 v5, v14;
	[tilespmem:v20+s29+$0x0] =	vst.idx.msk $0xffff, v12;
	v17 =	vld [tilespmem:s15+$0xFFFFFF20]  }
0x360: {  	v20 =	vadd.s32 v5, v19;
	v12 =	vld [tilespmem:s15+$0xFFFFFF60];
	_ =	sdelay $0x1  }
0x361: {  	[tilespmem:v23+s29+$0x0] =	vst.idx.msk $0xffff, v22  }
0x362: {  	v24 =	vadd.s32 v5, v21;
	v23 =	vld [tilespmem:s15+$0xFFFFFFA0];
	[tilespmem:v16+s29+$0x0] =	vst.idx.msk $0xffff, v15  }
0x363: {  	s13 =	simm.s32 $0x7;
	v22 =	vadd.s32 v6, v13;
	[tilespmem:v18+s29+$0x0] =	vst.idx.msk $0xffff, v17;
	v15 =	vld [tilespmem:s15+$0xFFFFFFF0]  }
0x364: {  	v18 =	vadd.s32 v6, v14;
	v16 =	vmov s13;
	[tilespmem:v20+s29+$0x0] =	vst.idx.msk $0xffff, v12;
	v17 =	vld [tilespmem:s15+$0xFFFFFF30]  }
0x365: {  	v25 =	vadd.s32 v6, v19;
	s13 =	simm.s32 $0x8BF0;
	v16 =	vand.u32 $0x7F, v16;
	v20 =	vld [tilespmem:s15+$0xFFFFFF70]  }
0x366: {  	s17 =	simm.s32 $0x4;
	v26 =	vld [tilespmem:s13+$0xFFFFFFD0];
	v27 =	vadd.s32 v1, v16  }
0x367: {  	s18 =	simm.s32 $0x5;
	v12 =	vmov s17;
	[tilespmem:v24+s29+$0x0] =	vst.idx.msk $0xffff, v23  }
0x368: {  	v30 =	vmov s18;
	v12 =	vand.u32 $0x7C, v12;
	[tilespmem:v22+s29+$0x0] =	vst.idx.msk $0xffff, v15  }
0x369: {  	s19 =	simm.s32 $0x6;
	v28 =	vld [tilespmem:s13+$0xFFFFFF10];
	v29 =	vadd.s32 v1, v12;
	v15 =	vand.u32 $0x7D, v30;
	[tilespmem:v18+s29+$0x0] =	vst.idx.msk $0xffff, v17  }
0x36a: {  	v22 =	vmov s19;
	v17 =	vld [tilespmem:s13+$0xFFFFFF50];
	[tilespmem:v25+s29+$0x0] =	vst.idx.msk $0xffff, v20;
	v18 =	vadd.s32 v1, v15  }
0x36b: {  	v24 =	vadd.s32 v7, v13;
	v20 =	vld [tilespmem:s15+$0xFFFFFFB0];
	v13 =	vand.u32 $0x7E, v22;
	[tilespmem:v27+s29+$0x0] =	vst.idx.msk $0xffff, v26;
	v26 =	vadd.s32 v6, v21  }
0x36c: {  	v22 =	vld [tilespmem:s13+$0xFFFFFF90];
	v62 =	vadd.s32 v1, v13  }
0x36d: {  	v23 =	vld [tilespmem:s15+$0x0]  }
0x36e: {  	v63 =	vadd.s32 v5, v16;
	[tilespmem:v29+s29+$0x0] =	vst.idx.msk $0xffff, v28;
	v27 =	vld [tilespmem:s13+$0xFFFFFFE0]  }
0x36f: {  	v31 =	vadd.s32 v5, v12;
	v29 =	vld [tilespmem:s13+$0xFFFFFF20];
	[tilespmem:v18+s29+$0x0] =	vst.idx.msk $0xffff, v17  }
0x370: {  	v33 =	vadd.s32 v7, v19;
	v32 =	vld [tilespmem:s15+$0xFFFFFF80];
	[tilespmem:v26+s29+$0x0] =	vst.idx.msk $0xffff, v20  }
0x371: {  	v26 =	vadd.s32 v5, v15;
	v25 =	vld [tilespmem:s13+$0xFFFFFF60];
	[tilespmem:v62+s29+$0x0] =	vst.idx.msk $0xffff, v22  }
0x372: {  	[tilespmem:v24+s29+$0x0] =	vst.idx.msk $0xffff, v23;
	v24 =	vadd.s32 v5, v13;
	v23 =	vld [tilespmem:s13+$0xFFFFFFA0]  }
0x373: {  	[tilespmem:v63+s29+$0x0] =	vst.idx.msk $0xffff, v27;
	v19 =	vld [tilespmem:s15+$0xFFFFFFC0];
	v22 =	vadd.s32 v7, v21  }
0x374: {  	v20 =	vadd.s32 v6, v16;
	[tilespmem:v31+s29+$0x0] =	vst.idx.msk $0xffff, v29;
	v17 =	vld [tilespmem:s13+$0xFFFFFFF0]  }
0x375: {  	s8 =	simm.s32 $0x8;
	s18 =	simm.s32 $0xB;
	s17 =	simm.s32 $0xC;
	[tilespmem:v33+s29+$0x0] =	vst.idx.msk $0xffff, v32;
	v21 =	vadd.s32 v6, v12;
	v18 =	vld [tilespmem:s13+$0xFFFFFF30]  }
.LBB2_44:
0x376: {  	p0 =	slt.u32 s17, $0x7C;
	v27 =	vmov s18;
	[tilespmem:v26+s29+$0x0] =	vst.idx.msk $0xffff, v25;
	v25 =	vld [tilespmem:s15+$0xFFFFFF40];
	v26 =	vadd.s32 v7, v14;
	v14 =	vmov v12;
	s15 =	smov.u32 s13  }
0x377: {  	v12 =	vmov s8;
	v29 =	vadd.s32 v6, v15;
	s13 =	sadd.s32 $0x100, s13;
	v27 =	vand.u32 $0x7F, v27;
	v28 =	vld [tilespmem:s15+$0xFFFFFF70];
	[tilespmem:v24+s29+$0x0] =	vst.idx.msk $0xffff, v23  }
0x378: {  	s18 =	sadd.s32 $0x1, s8;
	v12 =	vand.u32 $0x7C, v12;
	v23 =	vld [tilespmem:s13+$0xFFFFFFD0];
	v24 =	vadd.s32 v1, v27;
	[tilespmem:v22+s29+$0x0] =	vst.idx.msk $0xffff, v19  }
0x379: {  	v30 =	vmov s18;
	s18 =	sadd.s32 $0x2, s8;
	s8 =	smov.u32 s17;
	v22 =	vadd.s32 v1, v12;
	v19 =	vld [tilespmem:s13+$0xFFFFFF10];
	[tilespmem:v20+s29+$0x0] =	vst.idx.msk $0xffff, v17  }
0x37a: {  	v17 =	vand.u32 $0x7D, v30;
	v20 =	vmov s18;
	[tilespmem:v21+s29+$0x0] =	vst.idx.msk $0xffff, v18;
	v18 =	vld [tilespmem:s15+$0x0];
	v21 =	vadd.s32 v7, v16;
	v16 =	vmovc v27  }
0x37b: {  	v30 =	vadd.s32 v1, v17;
	v20 =	vand.u32 $0x7E, v20;
	v27 =	vld [tilespmem:s13+$0xFFFFFF50];
	[tilespmem:v26+s29+$0x0] =	vst.idx.msk $0xffff, v25  }
0x37c: {  	v32 =	vadd.s32 v1, v20;
	v31 =	vld [tilespmem:s13+$0xFFFFFF90];
	[tilespmem:v29+s29+$0x0] =	vst.idx.msk $0xffff, v28  }
0x37d: {  	v29 =	vadd.s32 v6, v13;
	[tilespmem:v24+s29+$0x0] =	vst.idx.msk $0xffff, v23;
	v28 =	vld [tilespmem:s15+$0xFFFFFFB0]  }
0x37e: {  	[tilespmem:v22+s29+$0x0] =	vst.idx.msk $0xffff, v19;
	v19 =	vld [tilespmem:s13+$0xFFFFFFE0];
	v22 =	vadd.s32 v5, v16  }
0x37f: {  	v34 =	vadd.s32 v5, v12;
	v33 =	vld [tilespmem:s13+$0xFFFFFF20];
	[tilespmem:v21+s29+$0x0] =	vst.idx.msk $0xffff, v18  }
0x380: {  	[tilespmem:v30+s29+$0x0] =	vst.idx.msk $0xffff, v27;
	v27 =	vld [tilespmem:s15+$0xFFFFFF80];
	v30 =	vadd.s32 v7, v15;
	v15 =	vmov v17  }
.Ltmp20:
0x381: {  	v25 =	vld [tilespmem:s13+$0xFFFFFF60];
	v26 =	vadd.s32 v5, v15;
	[tilespmem:v32+s29+$0x0] =	vst.idx.msk $0xffff, v31;
	(pc) =	sbr.rel @p0 .LBB2_44-.Ltmp20, $4  }
0x382: {  	v24 =	vadd.s32 v5, v20;
	v23 =	vld [tilespmem:s13+$0xFFFFFFA0];
	[tilespmem:v29+s29+$0x0] =	vst.idx.msk $0xffff, v28  }
0x383: {  	[tilespmem:v22+s29+$0x0] =	vst.idx.msk $0xffff, v19;
	v19 =	vld [tilespmem:s15+$0xFFFFFFC0];
	v22 =	vadd.s32 v7, v13;
	v13 =	vmov v20  }
0x384: {  	v20 =	vadd.s32 v6, v16;
	[tilespmem:v34+s29+$0x0] =	vst.idx.msk $0xffff, v33;
	v17 =	vld [tilespmem:s13+$0xFFFFFFF0]  }
0x385: {  	s17 =	sadd.s32 $0x4, s17;
	s18 =	sadd.s32 $0x3, s8;
	v21 =	vadd.s32 v6, v12;
	v18 =	vld [tilespmem:s13+$0xFFFFFF30];
	[tilespmem:v30+s29+$0x0] =	vst.idx.msk $0xffff, v27  }
0x386: {  	_ =	sdelay $0x2  }
0x387: {  	v27 =	vmov s18;
	s17 =	sadd.s32 $0x1, s8  }
0x388: {  	[tilespmem:v26+s29+$0x0] =	vst.idx.msk $0xffff, v25;
	v34 =	vld [tilespmem:s15+$0xFFFFFF40];
	v14 =	vadd.s32 v7, v14;
	s15 =	sadd.s32 $0x100, s13;
	s18 =	sadd.s32 $0x2, s8;
	v35 =	vand.u32 $0x7F, v27;
	v36 =	vmov s17  }
0x389: {  	[tilespmem:v24+s29+$0x0] =	vst.idx.msk $0xffff, v23;
	v37 =	vld [tilespmem:s15+$0xFFFFFFD0];
	v28 =	vmov s18;
	v38 =	vadd.s32 v1, v35;
	v27 =	vand.u32 $0x7D, v36  }
0x38a: {  	v29 =	vmov s8;
	v39 =	vld [tilespmem:s15+$0xFFFFFF50];
	[tilespmem:v22+s29+$0x0] =	vst.idx.msk $0xffff, v19;
	v28 =	vand.u32 $0x7E, v28;
	v40 =	vadd.s32 v1, v27  }
0x38b: {  	v29 =	vand.u32 $0x7C, v29;
	v41 =	vld [tilespmem:s15+$0xFFFFFF90];
	[tilespmem:v20+s29+$0x0] =	vst.idx.msk $0xffff, v17;
	v42 =	vadd.s32 v1, v28  }
0x38c: {  	v30 =	vld [tilespmem:s15+$0xFFFFFF10];
	v43 =	vadd.s32 v1, v29;
	[tilespmem:v21+s29+$0x0] =	vst.idx.msk $0xffff, v18  }
0x38d: {  	v44 =	vld [tilespmem:s13+$0xFFFFFF70];
	[tilespmem:v14+s29+$0x0] =	vst.idx.msk $0xffff, v34;
	v14 =	vadd.s32 v6, v15  }
0x38e: {  	v51 =	vadd.s32 v6, v13;
	v50 =	vld [tilespmem:s13+$0xFFFFFFB0];
	[tilespmem:v38+s29+$0x0] =	vst.idx.msk $0xffff, v37  }
0x38f: {  	v46 =	vadd.s32 v5, v35;
	v23 =	vld [tilespmem:s15+$0xFFFFFFE0];
	[tilespmem:v40+s29+$0x0] =	vst.idx.msk $0xffff, v39  }
0x390: {  	v47 =	vadd.s32 v5, v27;
	[tilespmem:v42+s29+$0x0] =	vst.idx.msk $0xffff, v41;
	v19 =	vld [tilespmem:s15+$0xFFFFFF60]  }
0x391: {  	v48 =	vadd.s32 v5, v28;
	[tilespmem:v43+s29+$0x0] =	vst.idx.msk $0xffff, v30;
	v17 =	vld [tilespmem:s15+$0xFFFFFFA0]  }
0x392: {  	v49 =	vadd.s32 v5, v29;
	[tilespmem:v14+s29+$0x0] =	vst.idx.msk $0xffff, v44;
	v14 =	vld [tilespmem:s15+$0xFFFFFF20]  }
0x393: {  	v16 =	vadd.s32 v7, v16;
	v45 =	vld [tilespmem:s13+$0x0];
	[tilespmem:v51+s29+$0x0] =	vst.idx.msk $0xffff, v50  }
0x394: {  	v15 =	vadd.s32 v7, v15;
	v52 =	vld [tilespmem:s13+$0xFFFFFF80];
	[tilespmem:v46+s29+$0x0] =	vst.idx.msk $0xffff, v23  }
0x395: {  	v53 =	vadd.s32 v6, v35;
	v23 =	vld [tilespmem:s15+$0xFFFFFFF0];
	[tilespmem:v47+s29+$0x0] =	vst.idx.msk $0xffff, v19  }
0x396: {  	v54 =	vadd.s32 v6, v27;
	[tilespmem:v48+s29+$0x0] =	vst.idx.msk $0xffff, v17;
	v19 =	vld [tilespmem:s15+$0xFFFFFF70]  }
0x397: {  	v55 =	vadd.s32 v6, v28;
	[tilespmem:v49+s29+$0x0] =	vst.idx.msk $0xffff, v14;
	v14 =	vld [tilespmem:s15+$0xFFFFFFB0]  }
0x398: {  	v57 =	vadd.s32 v6, v29;
	[tilespmem:v16+s29+$0x0] =	vst.idx.msk $0xffff, v45;
	v56 =	vld [tilespmem:s15+$0xFFFFFF30]  }
0x399: {  	v13 =	vadd.s32 v7, v13;
	s19 =	simm.s32 $0x0;
	v21 =	vld [tilespmem:s13+$0xFFFFFFC0];
	[tilespmem:v15+s29+$0x0] =	vst.idx.msk $0xffff, v52  }
0x39a: {  	v58 =	vadd.s32 v7, v12;
	v12 =	vmov s19;
	v15 =	vld [tilespmem:s13+$0xFFFFFF40];
	[tilespmem:v53+s29+$0x0] =	vst.idx.msk $0xffff, v23  }
0x39b: {  	s17 =	sadd.s32 $0x5, s11;
	v59 =	vadd.s32 v7, v35;
	v12 =	vmul.u32 $0xD0, v12;
	v23 =	vld [tilespmem:s15+$0x0];
	[tilespmem:v54+s29+$0x0] =	vst.idx.msk $0xffff, v19  }
0x39c: {  	v60 =	vadd.s32 v7, v27;
	[tilespmem:v55+s29+$0x0] =	vst.idx.msk $0xffff, v14;
	v14 =	vmov s17;
	v19 =	vld [tilespmem:s15+$0xFFFFFF80]  }
0x39d: {  	v61 =	vadd.s32 v7, v28;
	v62 =	vbroadcast v12, $0x0;
	[tilespmem:v57+s29+$0x0] =	vst.idx.msk $0xffff, v56;
	v17 =	vld [tilespmem:s15+$0xFFFFFFC0];
	v14 =	vand.u32 $0x1FD, v14  }
0x39e: {  	s18 =	simm.s32 $0x10;
	v63 =	vadd.s32 v7, v29;
	[tilespmem:v13+s29+$0x0] =	vst.idx.msk $0xffff, v21;
	v13 =	vld [tilespmem:s15+$0xFFFFFF40];
	v12 =	vadd.s32 v0, v14  }
0x39f: {  	[tilespmem:v58+s29+$0x0] =	vst.idx.msk $0xffff, v15;
	v15 =	vmov s18;
	v14 =	vadd.s32 v62, v12  }
0x3a0: {  	v15 =	vmul.u32 $0xD0, v15;
	[tilespmem:v59+s29+$0x0] =	vst.idx.msk $0xffff, v23  }
0x3a1: {  	[tilespmem:v60+s29+$0x0] =	vst.idx.msk $0xffff, v19  }
0x3a2: {  	v15 =	vbroadcast v15, $0x0;
	[tilespmem:v61+s29+$0x0] =	vst.idx.msk $0xffff, v17  }
0x3a3: {  	s19 =	simm.s32 $0x20;
	[tilespmem:v63+s29+$0x0] =	vst.idx.msk $0xffff, v13  }
0x3a4: {  	v13 =	vadd.s32 v15, v12;
	v15 =	vmov s19;
	v14 =	vld.idx.msk [tilespmem:v14+s2+$0x0], $0xffff  }
0x3a5: {  	v15 =	vmul.u32 $0xD0, v15;
	_ =	sdelay $0x1  }
0x3a6: {  	v15 =	vbroadcast v15, $0x0  }
0x3a7: {  	s8 =	simm.s32 $0x6880  }
0x3a8: {  	s13 =	simm.s32 $0x30;
	v13 =	vld.idx.msk [tilespmem:v13+s2+$0x0], $0xffff;
	[tilespmem:s8+$0x0] =	vst v14;
	v14 =	vadd.s32 v15, v12  }
.LBB2_46:
0x3a9: {  	v15 =	vmov s13;
	p0 =	sne.s32 s13, $0x70;
	s13 =	sadd.s32 $0x10, s13  }
.Ltmp21:
0x3aa: {  	v15 =	vmul.u32 $0xD0, v15;
	(pc) =	sbr.rel @p0 .LBB2_46-.Ltmp21, $4  }
0x3ab: {  	_ = 	snop  }
0x3ac: {  	s8 =	sadd.s32 $0x10, s8;
	v15 =	vbroadcast v15, $0x0  }
0x3ad: {  	[tilespmem:s8+$0x0] =	vst v13;
	v13 =	vld.idx.msk [tilespmem:v14+s2+$0x0], $0xffff  }
0x3ae: {  	v14 =	vadd.s32 v15, v12  }
0x3af: {  	_ =	sdelay $0x3  }
0x3b0: {  	v12 =	vld.idx.msk [tilespmem:v14+s2+$0x0], $0xffff;
	_ =	sdelay $0x2  }
0x3b1: {  	s8 =	sadd.s32 $0x10, s8  }
0x3b2: {  	[tilespmem:s8+$0x0] =	vst v13;
	s8 =	sadd.s32 $0x10, s8  }
0x3b3: {  	s19 =	simm.s32 $0x6880;
	s13 =	sor.u32 $0x20000, s12;
	[tilespmem:s8+$0x0] =	vst v12  }
0x3b4: {  	[tilespmem:s20], [sflag:$0x2] =	stream.indirect.gather [hbm4b:s5+s16], $0x40, s19, s16, $0xb8;
	[tilespmem:$0x17200] =	vst v63  }
0x3b5: {  	s15 =	simm.s32 $0x10C00;
	s13 =	sadd.s32 s1, s13  }
0x3b6: {  	[hbm4b:s13+s2] =	stream.linear.scatter [tilespmem:s15], [sflag:$0x6], $0x80, $0x38;
	[tilespmem:$0x17200] =	vst v63  }
0x3b7: {  	s17 =	simm.s32 $0x10C88;
	s15 =	sadd.s32 $0x10, s13  }
0x3b8: {  	[hbm4b:s15+s2] =	stream.linear.scatter [tilespmem:s17], [sflag:$0x6], $0x80, $0x38;
	[tilespmem:$0x17200] =	vst v63  }
0x3b9: {  	s18 =	simm.s32 $0x10D10;
	s19 =	sadd.s32 $0x20, s13  }
0x3ba: {  	[hbm4b:s19+s2] =	stream.linear.scatter [tilespmem:s18], [sflag:$0x6], $0x80, $0x38;
	[tilespmem:$0x17200] =	vst v63  }
0x3bb: {  	s15 =	simm.s32 $0x10D98;
	s17 =	sadd.s32 $0x30, s13  }
0x3bc: {  	[hbm4b:s17+s2] =	stream.linear.scatter [tilespmem:s15], [sflag:$0x6], $0x80, $0x38;
	[tilespmem:$0x17200] =	vst v63  }
0x3bd: {  	s18 =	simm.s32 $0x10E20;
	s19 =	sadd.s32 $0x40, s13  }
0x3be: {  	[hbm4b:s19+s2] =	stream.linear.scatter [tilespmem:s18], [sflag:$0x6], $0x80, $0x38;
	[tilespmem:$0x17200] =	vst v63  }
0x3bf: {  	s8 =	simm.s32 $0x440;
	s15 =	simm.s32 $0x10EA8;
	s17 =	sadd.s32 $0x50, s13  }
0x3c0: {  	[hbm4b:s17+s2] =	stream.linear.scatter [tilespmem:s15], [sflag:$0x6], $0x80, $0x38;
	[tilespmem:$0x17200] =	vst v63  }
0x3c1: {  	s18 =	simm.s32 $0x10F30;
	s19 =	sadd.s32 $0x60, s13;
	s15 =	simm.s32 $0x2200  }
0x3c2: {  	[hbm4b:s19+s2] =	stream.linear.scatter [tilespmem:s18], [sflag:$0x6], $0x80, $0x38;
	[tilespmem:$0x17200] =	vst v63  }
0x3c3: {  	s17 =	simm.s32 $0x10FB8;
	s18 =	sadd.s32 $0x70, s13;
	s13 =	sadd.s32 $0x4000, s13  }
.LBB2_48:
0x3c4: {  	[hbm4b:s18+s2] =	stream.linear.scatter [tilespmem:s17], [sflag:$0x6], $0x80, $0x38;
	[tilespmem:$0x17200] =	vst v63  }
0x3c5: {  	s17 =	smov.u32 s8;
	s8 =	smov.u32 s15  }
0x3c6: {  	s19 =	sadd.s32 $0x1100, s15;
	s8 =	sshra.s32 s8, $0x2;
	s18 =	sadd.s32 $0x10C00, s17  }
0x3c7: {  	[hbm4b:s13+s2] =	stream.linear.scatter [tilespmem:s18], [sflag:$0x6], $0x80, $0x38;
	[tilespmem:$0x17200] =	vst v63  }
0x3c8: {  	p0 =	sne.s32 s15, $0x7700;
	s15 =	sadd.s32 $0x10C88, s17;
	s18 =	sadd.s32 $0x10, s13  }
0x3c9: {  	[hbm4b:s18+s2] =	stream.linear.scatter [tilespmem:s15], [sflag:$0x6], $0x80, $0x38;
	[tilespmem:$0x17200] =	vst v63  }
0x3ca: {  	s15 =	sadd.s32 $0x10D10, s17;
	s18 =	sadd.s32 $0x20, s13  }
0x3cb: {  	[hbm4b:s18+s2] =	stream.linear.scatter [tilespmem:s15], [sflag:$0x6], $0x80, $0x38;
	[tilespmem:$0x17200] =	vst v63  }
0x3cc: {  	s15 =	sadd.s32 $0x10D98, s17;
	s18 =	sadd.s32 $0x30, s13  }
0x3cd: {  	[hbm4b:s18+s2] =	stream.linear.scatter [tilespmem:s15], [sflag:$0x6], $0x80, $0x38;
	[tilespmem:$0x17200] =	vst v63  }
0x3ce: {  	s15 =	sadd.s32 $0x10E20, s17;
	s18 =	sadd.s32 $0x40, s13  }
0x3cf: {  	[hbm4b:s18+s2] =	stream.linear.scatter [tilespmem:s15], [sflag:$0x6], $0x80, $0x38;
	[tilespmem:$0x17200] =	vst v63  }
.Ltmp22:
0x3d0: {  	s15 =	sadd.s32 $0x10EA8, s17;
	s18 =	sadd.s32 $0x50, s13;
	(pc) =	sbr.rel @p0 .LBB2_48-.Ltmp22, $4  }
0x3d1: {  	[hbm4b:s18+s2] =	stream.linear.scatter [tilespmem:s15], [sflag:$0x6], $0x80, $0x38;
	[tilespmem:$0x17200] =	vst v63  }
0x3d2: {  	s15 =	sadd.s32 $0x10F30, s17;
	s18 =	sadd.s32 $0x60, s13;
	s17 =	sadd.s32 $0x10FB8, s17  }
0x3d3: {  	[hbm4b:s18+s2] =	stream.linear.scatter [tilespmem:s15], [sflag:$0x6], $0x80, $0x38;
	[tilespmem:$0x17200] =	vst v63  }
0x3d4: {  	s18 =	sadd.s32 $0x70, s13;
	s13 =	sadd.s32 $0x4000, s13;
	s15 =	smov.u32 s19  }
0x3d5: {  	[hbm4b:s18+s2] =	stream.linear.scatter [tilespmem:s17], [sflag:$0x6], $0x80, $0x38;
	[tilespmem:$0x17200] =	vst v63  }
0x3d6: {  	s15 =	sadd.s32 $0x10C00, s8  }
0x3d7: {  	[hbm4b:s13+s2] =	stream.linear.scatter [tilespmem:s15], [sflag:$0x6], $0x80, $0x38;
	[tilespmem:$0x17200] =	vst v63  }
0x3d8: {  	s18 =	sadd.s32 $0x10C88, s8;
	s19 =	sadd.s32 $0x10, s13  }
0x3d9: {  	[hbm4b:s19+s2] =	stream.linear.scatter [tilespmem:s18], [sflag:$0x6], $0x80, $0x38;
	[tilespmem:$0x17200] =	vst v63  }
0x3da: {  	s18 =	sadd.s32 $0x10D10, s8;
	s19 =	sadd.s32 $0x20, s13  }
0x3db: {  	[hbm4b:s19+s2] =	stream.linear.scatter [tilespmem:s18], [sflag:$0x6], $0x80, $0x38;
	[tilespmem:$0x17200] =	vst v63  }
0x3dc: {  	s18 =	sadd.s32 $0x10D98, s8;
	s19 =	sadd.s32 $0x30, s13  }
0x3dd: {  	[hbm4b:s19+s2] =	stream.linear.scatter [tilespmem:s18], [sflag:$0x6], $0x80, $0x38;
	[tilespmem:$0x17200] =	vst v63  }
0x3de: {  	s18 =	sadd.s32 $0x10E20, s8;
	s19 =	sadd.s32 $0x40, s13  }
0x3df: {  	[hbm4b:s19+s2] =	stream.linear.scatter [tilespmem:s18], [sflag:$0x6], $0x80, $0x38;
	[tilespmem:$0x17200] =	vst v63  }
0x3e0: {  	s18 =	sadd.s32 $0x10EA8, s8;
	s19 =	sadd.s32 $0x50, s13  }
0x3e1: {  	[hbm4b:s19+s2] =	stream.linear.scatter [tilespmem:s18], [sflag:$0x6], $0x80, $0x38;
	[tilespmem:$0x17200] =	vst v63  }
0x3e2: {  	s18 =	sadd.s32 $0x10F30, s8;
	s19 =	sadd.s32 $0x60, s13  }
0x3e3: {  	[hbm4b:s19+s2] =	stream.linear.scatter [tilespmem:s18], [sflag:$0x6], $0x80, $0x38;
	[tilespmem:$0x17200] =	vst v63  }
0x3e4: {  	s18 =	sadd.s32 $0x10FB8, s8;
	s19 =	sadd.s32 $0x70, s13  }
0x3e5: {  	[hbm4b:s19+s2] =	stream.linear.scatter [tilespmem:s18], [sflag:$0x6], $0x80, $0x38;
	[tilespmem:$0x17200] =	vst v63  }
0x3e6: {  	_ =	swait.ge [sflag:s30], $0x2000  }
0x3e7: {  	[sflag:s30] =	ssyncset.done $0x0  }
0x3e8: {  	[sflag:s30] =	ssyncadd.s32 $0xFFFFE000  }
0x3e9: {  	s15 =	simm.s32 $0x3;
	_ =	swait.ge [sflag:s6], $0x2000  }
0x3ea: {  	s17 =	simm.s32 $0x0;
	v12 =	vmov s15;
	[sflag:s6] =	ssyncset.done $0x0  }
0x3eb: {  	s15 =	simm.s32 $0xAAF0;
	v13 =	vand.u32 $0x7F, v12;
	v12 =	vmov s17;
	s18 =	simm.s32 $0x1;
	[sflag:s6] =	ssyncadd.s32 $0xFFFFE000  }
0x3ec: {  	v16 =	vadd.s32 v1, v13;
	v14 =	vand.u32 $0x7C, v12;
	v12 =	vmov s18;
	v15 =	vld [tilespmem:s15+$0xFFFFFFD0]  }
0x3ed: {  	v18 =	vadd.s32 v1, v14;
	v19 =	vand.u32 $0x7D, v12;
	v17 =	vld [tilespmem:s15+$0xFFFFFF10]  }
0x3ee: {  	s19 =	simm.s32 $0x2;
	v20 =	vadd.s32 v1, v19;
	v12 =	vld [tilespmem:s15+$0xFFFFFF50]  }
0x3ef: {  	v21 =	vmov s19  }
0x3f0: {  	v21 =	vand.u32 $0x7E, v21  }
0x3f1: {  	v23 =	vadd.s32 v1, v21;
	v22 =	vld [tilespmem:s15+$0xFFFFFF90];
	[tilespmem:v16+s31+$0x0] =	vst.idx.msk $0xffff, v15  }
0x3f2: {  	v16 =	vadd.s32 v5, v13;
	[tilespmem:v18+s31+$0x0] =	vst.idx.msk $0xffff, v17;
	v15 =	vld [tilespmem:s15+$0xFFFFFFE0]  }
0x3f3: {  	v18 =	vadd.s32 v5, v14;
	[tilespmem:v20+s31+$0x0] =	vst.idx.msk $0xffff, v12;
	v17 =	vld [tilespmem:s15+$0xFFFFFF20]  }
0x3f4: {  	v20 =	vadd.s32 v5, v19;
	v12 =	vld [tilespmem:s15+$0xFFFFFF60];
	_ =	sdelay $0x1  }
0x3f5: {  	[tilespmem:v23+s31+$0x0] =	vst.idx.msk $0xffff, v22  }
0x3f6: {  	v24 =	vadd.s32 v5, v21;
	v23 =	vld [tilespmem:s15+$0xFFFFFFA0];
	[tilespmem:v16+s31+$0x0] =	vst.idx.msk $0xffff, v15  }
0x3f7: {  	s13 =	simm.s32 $0x7;
	v22 =	vadd.s32 v6, v13;
	[tilespmem:v18+s31+$0x0] =	vst.idx.msk $0xffff, v17;
	v15 =	vld [tilespmem:s15+$0xFFFFFFF0]  }
0x3f8: {  	v18 =	vadd.s32 v6, v14;
	v16 =	vmov s13;
	[tilespmem:v20+s31+$0x0] =	vst.idx.msk $0xffff, v12;
	v17 =	vld [tilespmem:s15+$0xFFFFFF30]  }
0x3f9: {  	v25 =	vadd.s32 v6, v19;
	s13 =	simm.s32 $0xABF0;
	v16 =	vand.u32 $0x7F, v16;
	v20 =	vld [tilespmem:s15+$0xFFFFFF70]  }
0x3fa: {  	s17 =	simm.s32 $0x4;
	v26 =	vld [tilespmem:s13+$0xFFFFFFD0];
	v27 =	vadd.s32 v1, v16  }
0x3fb: {  	s18 =	simm.s32 $0x5;
	v12 =	vmov s17;
	[tilespmem:v24+s31+$0x0] =	vst.idx.msk $0xffff, v23  }
0x3fc: {  	v30 =	vmov s18;
	v12 =	vand.u32 $0x7C, v12;
	[tilespmem:v22+s31+$0x0] =	vst.idx.msk $0xffff, v15  }
0x3fd: {  	s19 =	simm.s32 $0x6;
	v28 =	vld [tilespmem:s13+$0xFFFFFF10];
	v29 =	vadd.s32 v1, v12;
	v15 =	vand.u32 $0x7D, v30;
	[tilespmem:v18+s31+$0x0] =	vst.idx.msk $0xffff, v17  }
0x3fe: {  	v22 =	vmov s19;
	v17 =	vld [tilespmem:s13+$0xFFFFFF50];
	[tilespmem:v25+s31+$0x0] =	vst.idx.msk $0xffff, v20;
	v18 =	vadd.s32 v1, v15  }
0x3ff: {  	v24 =	vadd.s32 v7, v13;
	v20 =	vld [tilespmem:s15+$0xFFFFFFB0];
	v13 =	vand.u32 $0x7E, v22;
	[tilespmem:v27+s31+$0x0] =	vst.idx.msk $0xffff, v26;
	v26 =	vadd.s32 v6, v21  }
0x400: {  	v22 =	vld [tilespmem:s13+$0xFFFFFF90];
	v62 =	vadd.s32 v1, v13  }
0x401: {  	v23 =	vld [tilespmem:s15+$0x0]  }
0x402: {  	v63 =	vadd.s32 v5, v16;
	[tilespmem:v29+s31+$0x0] =	vst.idx.msk $0xffff, v28;
	v27 =	vld [tilespmem:s13+$0xFFFFFFE0]  }
0x403: {  	v31 =	vadd.s32 v5, v12;
	v29 =	vld [tilespmem:s13+$0xFFFFFF20];
	[tilespmem:v18+s31+$0x0] =	vst.idx.msk $0xffff, v17  }
0x404: {  	v33 =	vadd.s32 v7, v19;
	v32 =	vld [tilespmem:s15+$0xFFFFFF80];
	[tilespmem:v26+s31+$0x0] =	vst.idx.msk $0xffff, v20  }
0x405: {  	v26 =	vadd.s32 v5, v15;
	v25 =	vld [tilespmem:s13+$0xFFFFFF60];
	[tilespmem:v62+s31+$0x0] =	vst.idx.msk $0xffff, v22  }
0x406: {  	[tilespmem:v24+s31+$0x0] =	vst.idx.msk $0xffff, v23;
	v24 =	vadd.s32 v5, v13;
	v23 =	vld [tilespmem:s13+$0xFFFFFFA0]  }
0x407: {  	[tilespmem:v63+s31+$0x0] =	vst.idx.msk $0xffff, v27;
	v19 =	vld [tilespmem:s15+$0xFFFFFFC0];
	v22 =	vadd.s32 v7, v21  }
0x408: {  	v20 =	vadd.s32 v6, v16;
	[tilespmem:v31+s31+$0x0] =	vst.idx.msk $0xffff, v29;
	v17 =	vld [tilespmem:s13+$0xFFFFFFF0]  }
0x409: {  	s8 =	simm.s32 $0x8;
	s18 =	simm.s32 $0xB;
	s17 =	simm.s32 $0xC;
	[tilespmem:v33+s31+$0x0] =	vst.idx.msk $0xffff, v32;
	v21 =	vadd.s32 v6, v12;
	v18 =	vld [tilespmem:s13+$0xFFFFFF30]  }
.LBB2_50:
0x40a: {  	p0 =	slt.u32 s17, $0x7C;
	v27 =	vmov s18;
	[tilespmem:v26+s31+$0x0] =	vst.idx.msk $0xffff, v25;
	v25 =	vld [tilespmem:s15+$0xFFFFFF40];
	v26 =	vadd.s32 v7, v14;
	v14 =	vmov v12;
	s15 =	smov.u32 s13  }
0x40b: {  	v12 =	vmov s8;
	v29 =	vadd.s32 v6, v15;
	s13 =	sadd.s32 $0x100, s13;
	v27 =	vand.u32 $0x7F, v27;
	v28 =	vld [tilespmem:s15+$0xFFFFFF70];
	[tilespmem:v24+s31+$0x0] =	vst.idx.msk $0xffff, v23  }
0x40c: {  	s18 =	sadd.s32 $0x1, s8;
	v12 =	vand.u32 $0x7C, v12;
	v23 =	vld [tilespmem:s13+$0xFFFFFFD0];
	v24 =	vadd.s32 v1, v27;
	[tilespmem:v22+s31+$0x0] =	vst.idx.msk $0xffff, v19  }
0x40d: {  	v30 =	vmov s18;
	s18 =	sadd.s32 $0x2, s8;
	s8 =	smov.u32 s17;
	v22 =	vadd.s32 v1, v12;
	v19 =	vld [tilespmem:s13+$0xFFFFFF10];
	[tilespmem:v20+s31+$0x0] =	vst.idx.msk $0xffff, v17  }
0x40e: {  	v17 =	vand.u32 $0x7D, v30;
	v20 =	vmov s18;
	[tilespmem:v21+s31+$0x0] =	vst.idx.msk $0xffff, v18;
	v18 =	vld [tilespmem:s15+$0x0];
	v21 =	vadd.s32 v7, v16;
	v16 =	vmovc v27  }
0x40f: {  	v30 =	vadd.s32 v1, v17;
	v20 =	vand.u32 $0x7E, v20;
	v27 =	vld [tilespmem:s13+$0xFFFFFF50];
	[tilespmem:v26+s31+$0x0] =	vst.idx.msk $0xffff, v25  }
0x410: {  	v32 =	vadd.s32 v1, v20;
	v31 =	vld [tilespmem:s13+$0xFFFFFF90];
	[tilespmem:v29+s31+$0x0] =	vst.idx.msk $0xffff, v28  }
0x411: {  	v29 =	vadd.s32 v6, v13;
	[tilespmem:v24+s31+$0x0] =	vst.idx.msk $0xffff, v23;
	v28 =	vld [tilespmem:s15+$0xFFFFFFB0]  }
0x412: {  	[tilespmem:v22+s31+$0x0] =	vst.idx.msk $0xffff, v19;
	v19 =	vld [tilespmem:s13+$0xFFFFFFE0];
	v22 =	vadd.s32 v5, v16  }
0x413: {  	v34 =	vadd.s32 v5, v12;
	v33 =	vld [tilespmem:s13+$0xFFFFFF20];
	[tilespmem:v21+s31+$0x0] =	vst.idx.msk $0xffff, v18  }
0x414: {  	[tilespmem:v30+s31+$0x0] =	vst.idx.msk $0xffff, v27;
	v27 =	vld [tilespmem:s15+$0xFFFFFF80];
	v30 =	vadd.s32 v7, v15;
	v15 =	vmov v17  }
.Ltmp23:
0x415: {  	v25 =	vld [tilespmem:s13+$0xFFFFFF60];
	v26 =	vadd.s32 v5, v15;
	[tilespmem:v32+s31+$0x0] =	vst.idx.msk $0xffff, v31;
	(pc) =	sbr.rel @p0 .LBB2_50-.Ltmp23, $4  }
0x416: {  	v24 =	vadd.s32 v5, v20;
	v23 =	vld [tilespmem:s13+$0xFFFFFFA0];
	[tilespmem:v29+s31+$0x0] =	vst.idx.msk $0xffff, v28  }
0x417: {  	[tilespmem:v22+s31+$0x0] =	vst.idx.msk $0xffff, v19;
	v19 =	vld [tilespmem:s15+$0xFFFFFFC0];
	v22 =	vadd.s32 v7, v13;
	v13 =	vmov v20  }
0x418: {  	v20 =	vadd.s32 v6, v16;
	[tilespmem:v34+s31+$0x0] =	vst.idx.msk $0xffff, v33;
	v17 =	vld [tilespmem:s13+$0xFFFFFFF0]  }
0x419: {  	s17 =	sadd.s32 $0x4, s17;
	s18 =	sadd.s32 $0x3, s8;
	v21 =	vadd.s32 v6, v12;
	v18 =	vld [tilespmem:s13+$0xFFFFFF30];
	[tilespmem:v30+s31+$0x0] =	vst.idx.msk $0xffff, v27  }
0x41a: {  	_ =	sdelay $0x2  }
0x41b: {  	v27 =	vmov s18;
	s17 =	sadd.s32 $0x1, s8  }
0x41c: {  	[tilespmem:v26+s31+$0x0] =	vst.idx.msk $0xffff, v25;
	v34 =	vld [tilespmem:s15+$0xFFFFFF40];
	v14 =	vadd.s32 v7, v14;
	s15 =	sadd.s32 $0x100, s13;
	s18 =	sadd.s32 $0x2, s8;
	v35 =	vand.u32 $0x7F, v27;
	v36 =	vmov s17  }
0x41d: {  	[tilespmem:v24+s31+$0x0] =	vst.idx.msk $0xffff, v23;
	v37 =	vld [tilespmem:s15+$0xFFFFFFD0];
	v28 =	vmov s18;
	v38 =	vadd.s32 v1, v35;
	v27 =	vand.u32 $0x7D, v36  }
0x41e: {  	v29 =	vmov s8;
	v39 =	vld [tilespmem:s15+$0xFFFFFF50];
	[tilespmem:v22+s31+$0x0] =	vst.idx.msk $0xffff, v19;
	v28 =	vand.u32 $0x7E, v28;
	v40 =	vadd.s32 v1, v27  }
0x41f: {  	v29 =	vand.u32 $0x7C, v29;
	v41 =	vld [tilespmem:s15+$0xFFFFFF90];
	[tilespmem:v20+s31+$0x0] =	vst.idx.msk $0xffff, v17;
	v42 =	vadd.s32 v1, v28  }
0x420: {  	v30 =	vld [tilespmem:s15+$0xFFFFFF10];
	v43 =	vadd.s32 v1, v29;
	[tilespmem:v21+s31+$0x0] =	vst.idx.msk $0xffff, v18  }
0x421: {  	v44 =	vld [tilespmem:s13+$0xFFFFFF70];
	[tilespmem:v14+s31+$0x0] =	vst.idx.msk $0xffff, v34;
	v14 =	vadd.s32 v6, v15  }
0x422: {  	v51 =	vadd.s32 v6, v13;
	v50 =	vld [tilespmem:s13+$0xFFFFFFB0];
	[tilespmem:v38+s31+$0x0] =	vst.idx.msk $0xffff, v37  }
0x423: {  	v46 =	vadd.s32 v5, v35;
	v23 =	vld [tilespmem:s15+$0xFFFFFFE0];
	[tilespmem:v40+s31+$0x0] =	vst.idx.msk $0xffff, v39  }
0x424: {  	v47 =	vadd.s32 v5, v27;
	[tilespmem:v42+s31+$0x0] =	vst.idx.msk $0xffff, v41;
	v19 =	vld [tilespmem:s15+$0xFFFFFF60]  }
0x425: {  	v48 =	vadd.s32 v5, v28;
	[tilespmem:v43+s31+$0x0] =	vst.idx.msk $0xffff, v30;
	v17 =	vld [tilespmem:s15+$0xFFFFFFA0]  }
0x426: {  	v49 =	vadd.s32 v5, v29;
	[tilespmem:v14+s31+$0x0] =	vst.idx.msk $0xffff, v44;
	v14 =	vld [tilespmem:s15+$0xFFFFFF20]  }
0x427: {  	v16 =	vadd.s32 v7, v16;
	v45 =	vld [tilespmem:s13+$0x0];
	[tilespmem:v51+s31+$0x0] =	vst.idx.msk $0xffff, v50  }
0x428: {  	v15 =	vadd.s32 v7, v15;
	v52 =	vld [tilespmem:s13+$0xFFFFFF80];
	[tilespmem:v46+s31+$0x0] =	vst.idx.msk $0xffff, v23  }
0x429: {  	v53 =	vadd.s32 v6, v35;
	v23 =	vld [tilespmem:s15+$0xFFFFFFF0];
	[tilespmem:v47+s31+$0x0] =	vst.idx.msk $0xffff, v19  }
0x42a: {  	v54 =	vadd.s32 v6, v27;
	[tilespmem:v48+s31+$0x0] =	vst.idx.msk $0xffff, v17;
	v19 =	vld [tilespmem:s15+$0xFFFFFF70]  }
0x42b: {  	v55 =	vadd.s32 v6, v28;
	[tilespmem:v49+s31+$0x0] =	vst.idx.msk $0xffff, v14;
	v14 =	vld [tilespmem:s15+$0xFFFFFFB0]  }
0x42c: {  	v57 =	vadd.s32 v6, v29;
	[tilespmem:v16+s31+$0x0] =	vst.idx.msk $0xffff, v45;
	v56 =	vld [tilespmem:s15+$0xFFFFFF30]  }
0x42d: {  	v13 =	vadd.s32 v7, v13;
	s19 =	simm.s32 $0x0;
	v21 =	vld [tilespmem:s13+$0xFFFFFFC0];
	[tilespmem:v15+s31+$0x0] =	vst.idx.msk $0xffff, v52  }
0x42e: {  	v58 =	vadd.s32 v7, v12;
	v12 =	vmov s19;
	v15 =	vld [tilespmem:s13+$0xFFFFFF40];
	[tilespmem:v53+s31+$0x0] =	vst.idx.msk $0xffff, v23  }
0x42f: {  	s17 =	sadd.s32 $0x6, s11;
	v59 =	vadd.s32 v7, v35;
	v12 =	vmul.u32 $0xD0, v12;
	v23 =	vld [tilespmem:s15+$0x0];
	[tilespmem:v54+s31+$0x0] =	vst.idx.msk $0xffff, v19  }
0x430: {  	v60 =	vadd.s32 v7, v27;
	[tilespmem:v55+s31+$0x0] =	vst.idx.msk $0xffff, v14;
	v14 =	vmov s17;
	v19 =	vld [tilespmem:s15+$0xFFFFFF80]  }
0x431: {  	v61 =	vadd.s32 v7, v28;
	v62 =	vbroadcast v12, $0x0;
	[tilespmem:v57+s31+$0x0] =	vst.idx.msk $0xffff, v56;
	v17 =	vld [tilespmem:s15+$0xFFFFFFC0];
	v14 =	vand.u32 $0x1FE, v14  }
0x432: {  	s18 =	simm.s32 $0x10;
	v63 =	vadd.s32 v7, v29;
	[tilespmem:v13+s31+$0x0] =	vst.idx.msk $0xffff, v21;
	v13 =	vld [tilespmem:s15+$0xFFFFFF40];
	v12 =	vadd.s32 v0, v14  }
0x433: {  	[tilespmem:v58+s31+$0x0] =	vst.idx.msk $0xffff, v15;
	v15 =	vmov s18;
	v14 =	vadd.s32 v62, v12  }
0x434: {  	v15 =	vmul.u32 $0xD0, v15;
	[tilespmem:v59+s31+$0x0] =	vst.idx.msk $0xffff, v23  }
0x435: {  	[tilespmem:v60+s31+$0x0] =	vst.idx.msk $0xffff, v19  }
0x436: {  	v15 =	vbroadcast v15, $0x0;
	[tilespmem:v61+s31+$0x0] =	vst.idx.msk $0xffff, v17  }
0x437: {  	s19 =	simm.s32 $0x20;
	[tilespmem:v63+s31+$0x0] =	vst.idx.msk $0xffff, v13  }
0x438: {  	v13 =	vadd.s32 v15, v12;
	v15 =	vmov s19;
	v14 =	vld.idx.msk [tilespmem:v14+s2+$0x0], $0xffff  }
0x439: {  	v15 =	vmul.u32 $0xD0, v15;
	_ =	sdelay $0x1  }
0x43a: {  	v15 =	vbroadcast v15, $0x0  }
0x43b: {  	s8 =	simm.s32 $0x6900  }
0x43c: {  	s13 =	simm.s32 $0x30;
	v13 =	vld.idx.msk [tilespmem:v13+s2+$0x0], $0xffff;
	[tilespmem:s8+$0x0] =	vst v14;
	v14 =	vadd.s32 v15, v12  }
.LBB2_52:
0x43d: {  	v15 =	vmov s13;
	p0 =	sne.s32 s13, $0x70;
	s13 =	sadd.s32 $0x10, s13  }
.Ltmp24:
0x43e: {  	v15 =	vmul.u32 $0xD0, v15;
	(pc) =	sbr.rel @p0 .LBB2_52-.Ltmp24, $4  }
0x43f: {  	_ = 	snop  }
0x440: {  	s8 =	sadd.s32 $0x10, s8;
	v15 =	vbroadcast v15, $0x0  }
0x441: {  	[tilespmem:s8+$0x0] =	vst v13;
	v13 =	vld.idx.msk [tilespmem:v14+s2+$0x0], $0xffff  }
0x442: {  	v14 =	vadd.s32 v15, v12  }
0x443: {  	_ =	sdelay $0x3  }
0x444: {  	v12 =	vld.idx.msk [tilespmem:v14+s2+$0x0], $0xffff;
	_ =	sdelay $0x2  }
0x445: {  	s8 =	sadd.s32 $0x10, s8  }
0x446: {  	[tilespmem:s8+$0x0] =	vst v13;
	s8 =	sadd.s32 $0x10, s8  }
0x447: {  	s13 =	sor.u32 $0x40000, s12;
	[tilespmem:s8+$0x0] =	vst v12  }
0x448: {  	[tilespmem:s22], [sflag:$0x3] =	stream.indirect.gather [hbm4b:s5+s16], $0x40, s21, s16, $0xb8;
	[tilespmem:$0x17200] =	vst v63  }
0x449: {  	s15 =	simm.s32 $0x12E00;
	s13 =	sadd.s32 s1, s13  }
0x44a: {  	[hbm4b:s13+s2] =	stream.linear.scatter [tilespmem:s15], [sflag:$0x7], $0x80, $0x38;
	[tilespmem:$0x17200] =	vst v63  }
0x44b: {  	s17 =	simm.s32 $0x12E88;
	s15 =	sadd.s32 $0x10, s13  }
0x44c: {  	[hbm4b:s15+s2] =	stream.linear.scatter [tilespmem:s17], [sflag:$0x7], $0x80, $0x38;
	[tilespmem:$0x17200] =	vst v63  }
0x44d: {  	s18 =	simm.s32 $0x12F10;
	s19 =	sadd.s32 $0x20, s13  }
0x44e: {  	[hbm4b:s19+s2] =	stream.linear.scatter [tilespmem:s18], [sflag:$0x7], $0x80, $0x38;
	[tilespmem:$0x17200] =	vst v63  }
0x44f: {  	s15 =	simm.s32 $0x12F98;
	s17 =	sadd.s32 $0x30, s13  }
0x450: {  	[hbm4b:s17+s2] =	stream.linear.scatter [tilespmem:s15], [sflag:$0x7], $0x80, $0x38;
	[tilespmem:$0x17200] =	vst v63  }
0x451: {  	s18 =	simm.s32 $0x13020;
	s19 =	sadd.s32 $0x40, s13  }
0x452: {  	[hbm4b:s19+s2] =	stream.linear.scatter [tilespmem:s18], [sflag:$0x7], $0x80, $0x38;
	[tilespmem:$0x17200] =	vst v63  }
0x453: {  	s8 =	simm.s32 $0x440;
	s15 =	simm.s32 $0x130A8;
	s17 =	sadd.s32 $0x50, s13  }
0x454: {  	[hbm4b:s17+s2] =	stream.linear.scatter [tilespmem:s15], [sflag:$0x7], $0x80, $0x38;
	[tilespmem:$0x17200] =	vst v63  }
0x455: {  	s18 =	simm.s32 $0x13130;
	s19 =	sadd.s32 $0x60, s13;
	s15 =	simm.s32 $0x2200  }
0x456: {  	[hbm4b:s19+s2] =	stream.linear.scatter [tilespmem:s18], [sflag:$0x7], $0x80, $0x38;
	[tilespmem:$0x17200] =	vst v63  }
0x457: {  	s17 =	simm.s32 $0x131B8;
	s18 =	sadd.s32 $0x70, s13;
	s13 =	sadd.s32 $0x4000, s13  }
.LBB2_54:
0x458: {  	[hbm4b:s18+s2] =	stream.linear.scatter [tilespmem:s17], [sflag:$0x7], $0x80, $0x38;
	[tilespmem:$0x17200] =	vst v63  }
0x459: {  	s17 =	smov.u32 s8;
	s8 =	smov.u32 s15  }
0x45a: {  	s19 =	sadd.s32 $0x1100, s15;
	s8 =	sshra.s32 s8, $0x2;
	s18 =	sadd.s32 $0x12E00, s17  }
0x45b: {  	[hbm4b:s13+s2] =	stream.linear.scatter [tilespmem:s18], [sflag:$0x7], $0x80, $0x38;
	[tilespmem:$0x17200] =	vst v63  }
0x45c: {  	p0 =	sne.s32 s15, $0x7700;
	s15 =	sadd.s32 $0x12E88, s17;
	s18 =	sadd.s32 $0x10, s13  }
0x45d: {  	[hbm4b:s18+s2] =	stream.linear.scatter [tilespmem:s15], [sflag:$0x7], $0x80, $0x38;
	[tilespmem:$0x17200] =	vst v63  }
0x45e: {  	s15 =	sadd.s32 $0x12F10, s17;
	s18 =	sadd.s32 $0x20, s13  }
0x45f: {  	[hbm4b:s18+s2] =	stream.linear.scatter [tilespmem:s15], [sflag:$0x7], $0x80, $0x38;
	[tilespmem:$0x17200] =	vst v63  }
0x460: {  	s15 =	sadd.s32 $0x12F98, s17;
	s18 =	sadd.s32 $0x30, s13  }
0x461: {  	[hbm4b:s18+s2] =	stream.linear.scatter [tilespmem:s15], [sflag:$0x7], $0x80, $0x38;
	[tilespmem:$0x17200] =	vst v63  }
0x462: {  	s15 =	sadd.s32 $0x13020, s17;
	s18 =	sadd.s32 $0x40, s13  }
0x463: {  	[hbm4b:s18+s2] =	stream.linear.scatter [tilespmem:s15], [sflag:$0x7], $0x80, $0x38;
	[tilespmem:$0x17200] =	vst v63  }
.Ltmp25:
0x464: {  	s15 =	sadd.s32 $0x130A8, s17;
	s18 =	sadd.s32 $0x50, s13;
	(pc) =	sbr.rel @p0 .LBB2_54-.Ltmp25, $4  }
0x465: {  	[hbm4b:s18+s2] =	stream.linear.scatter [tilespmem:s15], [sflag:$0x7], $0x80, $0x38;
	[tilespmem:$0x17200] =	vst v63  }
0x466: {  	s15 =	sadd.s32 $0x13130, s17;
	s18 =	sadd.s32 $0x60, s13;
	s17 =	sadd.s32 $0x131B8, s17  }
0x467: {  	[hbm4b:s18+s2] =	stream.linear.scatter [tilespmem:s15], [sflag:$0x7], $0x80, $0x38;
	[tilespmem:$0x17200] =	vst v63  }
0x468: {  	s18 =	sadd.s32 $0x70, s13;
	s13 =	sadd.s32 $0x4000, s13;
	s15 =	smov.u32 s19  }
0x469: {  	[hbm4b:s18+s2] =	stream.linear.scatter [tilespmem:s17], [sflag:$0x7], $0x80, $0x38;
	[tilespmem:$0x17200] =	vst v63  }
0x46a: {  	s15 =	sadd.s32 $0x12E00, s8  }
0x46b: {  	[hbm4b:s13+s2] =	stream.linear.scatter [tilespmem:s15], [sflag:$0x7], $0x80, $0x38;
	[tilespmem:$0x17200] =	vst v63  }
0x46c: {  	s18 =	sadd.s32 $0x12E88, s8;
	s19 =	sadd.s32 $0x10, s13  }
0x46d: {  	[hbm4b:s19+s2] =	stream.linear.scatter [tilespmem:s18], [sflag:$0x7], $0x80, $0x38;
	[tilespmem:$0x17200] =	vst v63  }
0x46e: {  	s18 =	sadd.s32 $0x12F10, s8;
	s19 =	sadd.s32 $0x20, s13  }
0x46f: {  	[hbm4b:s19+s2] =	stream.linear.scatter [tilespmem:s18], [sflag:$0x7], $0x80, $0x38;
	[tilespmem:$0x17200] =	vst v63  }
0x470: {  	s18 =	sadd.s32 $0x12F98, s8;
	s19 =	sadd.s32 $0x30, s13  }
0x471: {  	[hbm4b:s19+s2] =	stream.linear.scatter [tilespmem:s18], [sflag:$0x7], $0x80, $0x38;
	[tilespmem:$0x17200] =	vst v63  }
0x472: {  	s18 =	sadd.s32 $0x13020, s8;
	s19 =	sadd.s32 $0x40, s13  }
0x473: {  	[hbm4b:s19+s2] =	stream.linear.scatter [tilespmem:s18], [sflag:$0x7], $0x80, $0x38;
	[tilespmem:$0x17200] =	vst v63  }
0x474: {  	s18 =	sadd.s32 $0x130A8, s8;
	s19 =	sadd.s32 $0x50, s13  }
0x475: {  	[hbm4b:s19+s2] =	stream.linear.scatter [tilespmem:s18], [sflag:$0x7], $0x80, $0x38;
	[tilespmem:$0x17200] =	vst v63  }
0x476: {  	s18 =	sadd.s32 $0x13130, s8;
	s19 =	sadd.s32 $0x60, s13  }
0x477: {  	[hbm4b:s19+s2] =	stream.linear.scatter [tilespmem:s18], [sflag:$0x7], $0x80, $0x38;
	[tilespmem:$0x17200] =	vst v63  }
0x478: {  	s18 =	sadd.s32 $0x131B8, s8;
	s19 =	sadd.s32 $0x70, s13  }
0x479: {  	[hbm4b:s19+s2] =	stream.linear.scatter [tilespmem:s18], [sflag:$0x7], $0x80, $0x38;
	[tilespmem:$0x17200] =	vst v63  }
0x47a: {  	_ =	swait.ge [sflag:s0], $0x2000  }
0x47b: {  	[sflag:s0] =	ssyncset.done $0x0  }
0x47c: {  	[sflag:s0] =	ssyncadd.s32 $0xFFFFE000  }
0x47d: {  	s15 =	simm.s32 $0x3;
	_ =	swait.ge [sflag:s7], $0x2000  }
0x47e: {  	s17 =	simm.s32 $0x0;
	v12 =	vmov s15;
	[sflag:s7] =	ssyncset.done $0x0  }
0x47f: {  	s15 =	simm.s32 $0xCAF0;
	v13 =	vand.u32 $0x7F, v12;
	v12 =	vmov s17;
	s18 =	simm.s32 $0x1;
	[sflag:s7] =	ssyncadd.s32 $0xFFFFE000  }
0x480: {  	v16 =	vadd.s32 v1, v13;
	v14 =	vand.u32 $0x7C, v12;
	v12 =	vmov s18;
	v15 =	vld [tilespmem:s15+$0xFFFFFFD0]  }
0x481: {  	v18 =	vadd.s32 v1, v14;
	v19 =	vand.u32 $0x7D, v12;
	v17 =	vld [tilespmem:s15+$0xFFFFFF10]  }
0x482: {  	s19 =	simm.s32 $0x2;
	v20 =	vadd.s32 v1, v19;
	v12 =	vld [tilespmem:s15+$0xFFFFFF50]  }
0x483: {  	v21 =	vmov s19  }
0x484: {  	v21 =	vand.u32 $0x7E, v21  }
0x485: {  	v23 =	vadd.s32 v1, v21;
	v22 =	vld [tilespmem:s15+$0xFFFFFF90];
	[tilespmem:v16+s3+$0x0] =	vst.idx.msk $0xffff, v15  }
0x486: {  	v16 =	vadd.s32 v5, v13;
	[tilespmem:v18+s3+$0x0] =	vst.idx.msk $0xffff, v17;
	v15 =	vld [tilespmem:s15+$0xFFFFFFE0]  }
0x487: {  	v18 =	vadd.s32 v5, v14;
	[tilespmem:v20+s3+$0x0] =	vst.idx.msk $0xffff, v12;
	v17 =	vld [tilespmem:s15+$0xFFFFFF20]  }
0x488: {  	v20 =	vadd.s32 v5, v19;
	v12 =	vld [tilespmem:s15+$0xFFFFFF60];
	_ =	sdelay $0x1  }
0x489: {  	[tilespmem:v23+s3+$0x0] =	vst.idx.msk $0xffff, v22  }
0x48a: {  	v24 =	vadd.s32 v5, v21;
	v23 =	vld [tilespmem:s15+$0xFFFFFFA0];
	[tilespmem:v16+s3+$0x0] =	vst.idx.msk $0xffff, v15  }
0x48b: {  	s13 =	simm.s32 $0x7;
	v22 =	vadd.s32 v6, v13;
	[tilespmem:v18+s3+$0x0] =	vst.idx.msk $0xffff, v17;
	v15 =	vld [tilespmem:s15+$0xFFFFFFF0]  }
0x48c: {  	v18 =	vadd.s32 v6, v14;
	v16 =	vmov s13;
	[tilespmem:v20+s3+$0x0] =	vst.idx.msk $0xffff, v12;
	v17 =	vld [tilespmem:s15+$0xFFFFFF30]  }
0x48d: {  	v25 =	vadd.s32 v6, v19;
	s13 =	simm.s32 $0xCBF0;
	v16 =	vand.u32 $0x7F, v16;
	v20 =	vld [tilespmem:s15+$0xFFFFFF70]  }
0x48e: {  	s17 =	simm.s32 $0x4;
	v26 =	vld [tilespmem:s13+$0xFFFFFFD0];
	v27 =	vadd.s32 v1, v16  }
0x48f: {  	s18 =	simm.s32 $0x5;
	v12 =	vmov s17;
	[tilespmem:v24+s3+$0x0] =	vst.idx.msk $0xffff, v23  }
0x490: {  	v30 =	vmov s18;
	v12 =	vand.u32 $0x7C, v12;
	[tilespmem:v22+s3+$0x0] =	vst.idx.msk $0xffff, v15  }
0x491: {  	s19 =	simm.s32 $0x6;
	v28 =	vld [tilespmem:s13+$0xFFFFFF10];
	v29 =	vadd.s32 v1, v12;
	v15 =	vand.u32 $0x7D, v30;
	[tilespmem:v18+s3+$0x0] =	vst.idx.msk $0xffff, v17  }
0x492: {  	v22 =	vmov s19;
	v17 =	vld [tilespmem:s13+$0xFFFFFF50];
	[tilespmem:v25+s3+$0x0] =	vst.idx.msk $0xffff, v20;
	v18 =	vadd.s32 v1, v15  }
0x493: {  	v24 =	vadd.s32 v7, v13;
	v20 =	vld [tilespmem:s15+$0xFFFFFFB0];
	v13 =	vand.u32 $0x7E, v22;
	[tilespmem:v27+s3+$0x0] =	vst.idx.msk $0xffff, v26;
	v26 =	vadd.s32 v6, v21  }
0x494: {  	v22 =	vld [tilespmem:s13+$0xFFFFFF90];
	v62 =	vadd.s32 v1, v13  }
0x495: {  	v23 =	vld [tilespmem:s15+$0x0]  }
0x496: {  	v63 =	vadd.s32 v5, v16;
	[tilespmem:v29+s3+$0x0] =	vst.idx.msk $0xffff, v28;
	v27 =	vld [tilespmem:s13+$0xFFFFFFE0]  }
0x497: {  	v31 =	vadd.s32 v5, v12;
	v29 =	vld [tilespmem:s13+$0xFFFFFF20];
	[tilespmem:v18+s3+$0x0] =	vst.idx.msk $0xffff, v17  }
0x498: {  	v33 =	vadd.s32 v7, v19;
	v32 =	vld [tilespmem:s15+$0xFFFFFF80];
	[tilespmem:v26+s3+$0x0] =	vst.idx.msk $0xffff, v20  }
0x499: {  	v26 =	vadd.s32 v5, v15;
	v25 =	vld [tilespmem:s13+$0xFFFFFF60];
	[tilespmem:v62+s3+$0x0] =	vst.idx.msk $0xffff, v22  }
0x49a: {  	[tilespmem:v24+s3+$0x0] =	vst.idx.msk $0xffff, v23;
	v24 =	vadd.s32 v5, v13;
	v23 =	vld [tilespmem:s13+$0xFFFFFFA0]  }
0x49b: {  	[tilespmem:v63+s3+$0x0] =	vst.idx.msk $0xffff, v27;
	v19 =	vld [tilespmem:s15+$0xFFFFFFC0];
	v22 =	vadd.s32 v7, v21  }
0x49c: {  	v20 =	vadd.s32 v6, v16;
	[tilespmem:v31+s3+$0x0] =	vst.idx.msk $0xffff, v29;
	v17 =	vld [tilespmem:s13+$0xFFFFFFF0]  }
0x49d: {  	s8 =	simm.s32 $0x8;
	s18 =	simm.s32 $0xB;
	s17 =	simm.s32 $0xC;
	[tilespmem:v33+s3+$0x0] =	vst.idx.msk $0xffff, v32;
	v21 =	vadd.s32 v6, v12;
	v18 =	vld [tilespmem:s13+$0xFFFFFF30]  }
.LBB2_56:
0x49e: {  	p0 =	slt.u32 s17, $0x7C;
	v27 =	vmov s18;
	[tilespmem:v26+s3+$0x0] =	vst.idx.msk $0xffff, v25;
	v25 =	vld [tilespmem:s15+$0xFFFFFF40];
	v26 =	vadd.s32 v7, v14;
	v14 =	vmov v12;
	s15 =	smov.u32 s13  }
0x49f: {  	v12 =	vmov s8;
	v29 =	vadd.s32 v6, v15;
	s13 =	sadd.s32 $0x100, s13;
	v27 =	vand.u32 $0x7F, v27;
	v28 =	vld [tilespmem:s15+$0xFFFFFF70];
	[tilespmem:v24+s3+$0x0] =	vst.idx.msk $0xffff, v23  }
0x4a0: {  	s18 =	sadd.s32 $0x1, s8;
	v12 =	vand.u32 $0x7C, v12;
	v23 =	vld [tilespmem:s13+$0xFFFFFFD0];
	v24 =	vadd.s32 v1, v27;
	[tilespmem:v22+s3+$0x0] =	vst.idx.msk $0xffff, v19  }
0x4a1: {  	v30 =	vmov s18;
	s18 =	sadd.s32 $0x2, s8;
	s8 =	smov.u32 s17;
	v22 =	vadd.s32 v1, v12;
	v19 =	vld [tilespmem:s13+$0xFFFFFF10];
	[tilespmem:v20+s3+$0x0] =	vst.idx.msk $0xffff, v17  }
0x4a2: {  	v17 =	vand.u32 $0x7D, v30;
	v20 =	vmov s18;
	[tilespmem:v21+s3+$0x0] =	vst.idx.msk $0xffff, v18;
	v18 =	vld [tilespmem:s15+$0x0];
	v21 =	vadd.s32 v7, v16;
	v16 =	vmovc v27  }
0x4a3: {  	v30 =	vadd.s32 v1, v17;
	v20 =	vand.u32 $0x7E, v20;
	v27 =	vld [tilespmem:s13+$0xFFFFFF50];
	[tilespmem:v26+s3+$0x0] =	vst.idx.msk $0xffff, v25  }
0x4a4: {  	v32 =	vadd.s32 v1, v20;
	v31 =	vld [tilespmem:s13+$0xFFFFFF90];
	[tilespmem:v29+s3+$0x0] =	vst.idx.msk $0xffff, v28  }
0x4a5: {  	v29 =	vadd.s32 v6, v13;
	[tilespmem:v24+s3+$0x0] =	vst.idx.msk $0xffff, v23;
	v28 =	vld [tilespmem:s15+$0xFFFFFFB0]  }
0x4a6: {  	[tilespmem:v22+s3+$0x0] =	vst.idx.msk $0xffff, v19;
	v19 =	vld [tilespmem:s13+$0xFFFFFFE0];
	v22 =	vadd.s32 v5, v16  }
0x4a7: {  	v34 =	vadd.s32 v5, v12;
	v33 =	vld [tilespmem:s13+$0xFFFFFF20];
	[tilespmem:v21+s3+$0x0] =	vst.idx.msk $0xffff, v18  }
0x4a8: {  	[tilespmem:v30+s3+$0x0] =	vst.idx.msk $0xffff, v27;
	v27 =	vld [tilespmem:s15+$0xFFFFFF80];
	v30 =	vadd.s32 v7, v15;
	v15 =	vmov v17  }
.Ltmp26:
0x4a9: {  	v25 =	vld [tilespmem:s13+$0xFFFFFF60];
	v26 =	vadd.s32 v5, v15;
	[tilespmem:v32+s3+$0x0] =	vst.idx.msk $0xffff, v31;
	(pc) =	sbr.rel @p0 .LBB2_56-.Ltmp26, $4  }
0x4aa: {  	v24 =	vadd.s32 v5, v20;
	v23 =	vld [tilespmem:s13+$0xFFFFFFA0];
	[tilespmem:v29+s3+$0x0] =	vst.idx.msk $0xffff, v28  }
0x4ab: {  	[tilespmem:v22+s3+$0x0] =	vst.idx.msk $0xffff, v19;
	v19 =	vld [tilespmem:s15+$0xFFFFFFC0];
	v22 =	vadd.s32 v7, v13;
	v13 =	vmov v20  }
0x4ac: {  	v20 =	vadd.s32 v6, v16;
	[tilespmem:v34+s3+$0x0] =	vst.idx.msk $0xffff, v33;
	v17 =	vld [tilespmem:s13+$0xFFFFFFF0]  }
0x4ad: {  	s17 =	sadd.s32 $0x4, s17;
	s18 =	sadd.s32 $0x3, s8;
	v21 =	vadd.s32 v6, v12;
	v18 =	vld [tilespmem:s13+$0xFFFFFF30];
	[tilespmem:v30+s3+$0x0] =	vst.idx.msk $0xffff, v27  }
0x4ae: {  	_ =	sdelay $0x2  }
0x4af: {  	v27 =	vmov s18;
	s17 =	sadd.s32 $0x1, s8  }
0x4b0: {  	[tilespmem:v26+s3+$0x0] =	vst.idx.msk $0xffff, v25;
	v34 =	vld [tilespmem:s15+$0xFFFFFF40];
	v14 =	vadd.s32 v7, v14;
	s15 =	sadd.s32 $0x100, s13;
	s18 =	sadd.s32 $0x2, s8;
	v35 =	vand.u32 $0x7F, v27;
	v36 =	vmov s17  }
0x4b1: {  	[tilespmem:v24+s3+$0x0] =	vst.idx.msk $0xffff, v23;
	v37 =	vld [tilespmem:s15+$0xFFFFFFD0];
	v28 =	vmov s18;
	v38 =	vadd.s32 v1, v35;
	v27 =	vand.u32 $0x7D, v36  }
0x4b2: {  	v29 =	vmov s8;
	v39 =	vld [tilespmem:s15+$0xFFFFFF50];
	[tilespmem:v22+s3+$0x0] =	vst.idx.msk $0xffff, v19;
	v28 =	vand.u32 $0x7E, v28;
	v40 =	vadd.s32 v1, v27  }
0x4b3: {  	v29 =	vand.u32 $0x7C, v29;
	v41 =	vld [tilespmem:s15+$0xFFFFFF90];
	[tilespmem:v20+s3+$0x0] =	vst.idx.msk $0xffff, v17;
	v42 =	vadd.s32 v1, v28  }
0x4b4: {  	v30 =	vld [tilespmem:s15+$0xFFFFFF10];
	v43 =	vadd.s32 v1, v29;
	[tilespmem:v21+s3+$0x0] =	vst.idx.msk $0xffff, v18  }
0x4b5: {  	v44 =	vld [tilespmem:s13+$0xFFFFFF70];
	[tilespmem:v14+s3+$0x0] =	vst.idx.msk $0xffff, v34;
	v14 =	vadd.s32 v6, v15  }
0x4b6: {  	v51 =	vadd.s32 v6, v13;
	v50 =	vld [tilespmem:s13+$0xFFFFFFB0];
	[tilespmem:v38+s3+$0x0] =	vst.idx.msk $0xffff, v37  }
0x4b7: {  	v46 =	vadd.s32 v5, v35;
	v23 =	vld [tilespmem:s15+$0xFFFFFFE0];
	[tilespmem:v40+s3+$0x0] =	vst.idx.msk $0xffff, v39  }
0x4b8: {  	v47 =	vadd.s32 v5, v27;
	[tilespmem:v42+s3+$0x0] =	vst.idx.msk $0xffff, v41;
	v19 =	vld [tilespmem:s15+$0xFFFFFF60]  }
0x4b9: {  	v48 =	vadd.s32 v5, v28;
	[tilespmem:v43+s3+$0x0] =	vst.idx.msk $0xffff, v30;
	v17 =	vld [tilespmem:s15+$0xFFFFFFA0]  }
0x4ba: {  	v49 =	vadd.s32 v5, v29;
	[tilespmem:v14+s3+$0x0] =	vst.idx.msk $0xffff, v44;
	v14 =	vld [tilespmem:s15+$0xFFFFFF20]  }
0x4bb: {  	v16 =	vadd.s32 v7, v16;
	v45 =	vld [tilespmem:s13+$0x0];
	[tilespmem:v51+s3+$0x0] =	vst.idx.msk $0xffff, v50  }
0x4bc: {  	v15 =	vadd.s32 v7, v15;
	v52 =	vld [tilespmem:s13+$0xFFFFFF80];
	[tilespmem:v46+s3+$0x0] =	vst.idx.msk $0xffff, v23  }
0x4bd: {  	v53 =	vadd.s32 v6, v35;
	v23 =	vld [tilespmem:s15+$0xFFFFFFF0];
	[tilespmem:v47+s3+$0x0] =	vst.idx.msk $0xffff, v19  }
0x4be: {  	v54 =	vadd.s32 v6, v27;
	[tilespmem:v48+s3+$0x0] =	vst.idx.msk $0xffff, v17;
	v19 =	vld [tilespmem:s15+$0xFFFFFF70]  }
0x4bf: {  	v55 =	vadd.s32 v6, v28;
	[tilespmem:v49+s3+$0x0] =	vst.idx.msk $0xffff, v14;
	v14 =	vld [tilespmem:s15+$0xFFFFFFB0]  }
0x4c0: {  	v57 =	vadd.s32 v6, v29;
	[tilespmem:v16+s3+$0x0] =	vst.idx.msk $0xffff, v45;
	v56 =	vld [tilespmem:s15+$0xFFFFFF30]  }
0x4c1: {  	v13 =	vadd.s32 v7, v13;
	s19 =	simm.s32 $0x0;
	v21 =	vld [tilespmem:s13+$0xFFFFFFC0];
	[tilespmem:v15+s3+$0x0] =	vst.idx.msk $0xffff, v52  }
0x4c2: {  	v58 =	vadd.s32 v7, v12;
	v12 =	vmov s19;
	v15 =	vld [tilespmem:s13+$0xFFFFFF40];
	[tilespmem:v53+s3+$0x0] =	vst.idx.msk $0xffff, v23  }
0x4c3: {  	s17 =	sadd.s32 $0x7, s11;
	v59 =	vadd.s32 v7, v35;
	v12 =	vmul.u32 $0xD0, v12;
	v23 =	vld [tilespmem:s15+$0x0];
	[tilespmem:v54+s3+$0x0] =	vst.idx.msk $0xffff, v19  }
0x4c4: {  	v60 =	vadd.s32 v7, v27;
	[tilespmem:v55+s3+$0x0] =	vst.idx.msk $0xffff, v14;
	v14 =	vmov s17;
	v19 =	vld [tilespmem:s15+$0xFFFFFF80]  }
0x4c5: {  	v61 =	vadd.s32 v7, v28;
	v62 =	vbroadcast v12, $0x0;
	[tilespmem:v57+s3+$0x0] =	vst.idx.msk $0xffff, v56;
	v17 =	vld [tilespmem:s15+$0xFFFFFFC0];
	v14 =	vand.u32 $0x1FF, v14  }
0x4c6: {  	s18 =	simm.s32 $0x10;
	v63 =	vadd.s32 v7, v29;
	[tilespmem:v13+s3+$0x0] =	vst.idx.msk $0xffff, v21;
	v13 =	vld [tilespmem:s15+$0xFFFFFF40];
	v12 =	vadd.s32 v0, v14  }
0x4c7: {  	[tilespmem:v58+s3+$0x0] =	vst.idx.msk $0xffff, v15;
	v15 =	vmov s18;
	v14 =	vadd.s32 v62, v12  }
0x4c8: {  	v15 =	vmul.u32 $0xD0, v15;
	[tilespmem:v59+s3+$0x0] =	vst.idx.msk $0xffff, v23  }
0x4c9: {  	[tilespmem:v60+s3+$0x0] =	vst.idx.msk $0xffff, v19  }
0x4ca: {  	v15 =	vbroadcast v15, $0x0;
	[tilespmem:v61+s3+$0x0] =	vst.idx.msk $0xffff, v17  }
0x4cb: {  	s19 =	simm.s32 $0x20;
	[tilespmem:v63+s3+$0x0] =	vst.idx.msk $0xffff, v13  }
0x4cc: {  	v13 =	vadd.s32 v15, v12;
	v15 =	vmov s19;
	v14 =	vld.idx.msk [tilespmem:v14+s2+$0x0], $0xffff  }
0x4cd: {  	v15 =	vmul.u32 $0xD0, v15;
	_ =	sdelay $0x1  }
0x4ce: {  	v15 =	vbroadcast v15, $0x0  }
0x4cf: {  	s8 =	simm.s32 $0x6980  }
0x4d0: {  	s11 =	simm.s32 $0x30;
	v13 =	vld.idx.msk [tilespmem:v13+s2+$0x0], $0xffff;
	[tilespmem:s8+$0x0] =	vst v14;
	v14 =	vadd.s32 v15, v12  }
.LBB2_58:
0x4d1: {  	v15 =	vmov s11;
	p0 =	sne.s32 s11, $0x70;
	s11 =	sadd.s32 $0x10, s11  }
.Ltmp27:
0x4d2: {  	v15 =	vmul.u32 $0xD0, v15;
	(pc) =	sbr.rel @p0 .LBB2_58-.Ltmp27, $4  }
0x4d3: {  	_ = 	snop  }
0x4d4: {  	s8 =	sadd.s32 $0x10, s8;
	v15 =	vbroadcast v15, $0x0  }
0x4d5: {  	[tilespmem:s8+$0x0] =	vst v13;
	v13 =	vld.idx.msk [tilespmem:v14+s2+$0x0], $0xffff  }
0x4d6: {  	v14 =	vadd.s32 v15, v12  }
0x4d7: {  	_ =	sdelay $0x3  }
0x4d8: {  	v12 =	vld.idx.msk [tilespmem:v14+s2+$0x0], $0xffff;
	_ =	sdelay $0x2  }
0x4d9: {  	s8 =	sadd.s32 $0x10, s8  }
0x4da: {  	[tilespmem:s8+$0x0] =	vst v13;
	s8 =	sadd.s32 $0x10, s8  }
0x4db: {  	s18 =	sor.u32 $0x60000, s12;
	[tilespmem:s8+$0x0] =	vst v12  }
0x4dc: {  	[tilespmem:s24], [sflag:$0x4] =	stream.indirect.gather [hbm4b:s5+s16], $0x40, s23, s16, $0xb8;
	[tilespmem:$0x17200] =	vst v63  }
0x4dd: {  	s19 =	simm.s32 $0x15000;
	s11 =	sadd.s32 s1, s18  }
0x4de: {  	[hbm4b:s11+s2] =	stream.linear.scatter [tilespmem:s19], [sflag:$0x8], $0x80, $0x38;
	[tilespmem:$0x17200] =	vst v63  }
0x4df: {  	s12 =	simm.s32 $0x15088;
	s13 =	sadd.s32 $0x10, s11  }
0x4e0: {  	[hbm4b:s13+s2] =	stream.linear.scatter [tilespmem:s12], [sflag:$0x8], $0x80, $0x38;
	[tilespmem:$0x17200] =	vst v63  }
0x4e1: {  	s15 =	simm.s32 $0x15110;
	s18 =	simm.s32 $0x15198;
	s17 =	sadd.s32 $0x20, s11  }
0x4e2: {  	[hbm4b:s17+s2] =	stream.linear.scatter [tilespmem:s15], [sflag:$0x8], $0x80, $0x38;
	[tilespmem:$0x17200] =	vst v63  }
0x4e3: {  	s8 =	simm.s32 $0x440;
	s19 =	sadd.s32 $0x30, s11;
	s12 =	simm.s32 $0x15220  }
0x4e4: {  	[hbm4b:s19+s2] =	stream.linear.scatter [tilespmem:s18], [sflag:$0x8], $0x80, $0x38;
	[tilespmem:$0x17200] =	vst v63  }
0x4e5: {  	s13 =	sadd.s32 $0x40, s11;
	s15 =	simm.s32 $0x152A8;
	s17 =	sadd.s32 $0x50, s11  }
0x4e6: {  	[hbm4b:s13+s2] =	stream.linear.scatter [tilespmem:s12], [sflag:$0x8], $0x80, $0x38;
	[tilespmem:$0x17200] =	vst v63  }
0x4e7: {  	s18 =	simm.s32 $0x15330;
	s19 =	sadd.s32 $0x60, s11;
	s12 =	simm.s32 $0x2200  }
0x4e8: {  	[hbm4b:s17+s2] =	stream.linear.scatter [tilespmem:s15], [sflag:$0x8], $0x80, $0x38;
	[tilespmem:$0x17200] =	vst v63  }
0x4e9: {  	s13 =	simm.s32 $0x153B8;
	s15 =	sadd.s32 $0x70, s11;
	s11 =	sadd.s32 $0x4000, s11  }
0x4ea: {  	[hbm4b:s19+s2] =	stream.linear.scatter [tilespmem:s18], [sflag:$0x8], $0x80, $0x38;
	[tilespmem:$0x17200] =	vst v63  }
.LBB2_60:
0x4eb: {  	[hbm4b:s15+s2] =	stream.linear.scatter [tilespmem:s13], [sflag:$0x8], $0x80, $0x38;
	[tilespmem:$0x17200] =	vst v63  }
0x4ec: {  	s13 =	smov.u32 s8;
	s8 =	smov.u32 s12  }
0x4ed: {  	s17 =	sadd.s32 $0x1100, s12;
	s8 =	sshra.s32 s8, $0x2;
	s15 =	sadd.s32 $0x15000, s13  }
0x4ee: {  	[hbm4b:s11+s2] =	stream.linear.scatter [tilespmem:s15], [sflag:$0x8], $0x80, $0x38;
	[tilespmem:$0x17200] =	vst v63  }
0x4ef: {  	p0 =	sne.s32 s12, $0x7700;
	s12 =	sadd.s32 $0x15088, s13;
	s15 =	sadd.s32 $0x10, s11  }
0x4f0: {  	[hbm4b:s15+s2] =	stream.linear.scatter [tilespmem:s12], [sflag:$0x8], $0x80, $0x38;
	[tilespmem:$0x17200] =	vst v63  }
0x4f1: {  	s12 =	sadd.s32 $0x15110, s13;
	s15 =	sadd.s32 $0x20, s11  }
0x4f2: {  	[hbm4b:s15+s2] =	stream.linear.scatter [tilespmem:s12], [sflag:$0x8], $0x80, $0x38;
	[tilespmem:$0x17200] =	vst v63  }
0x4f3: {  	s12 =	sadd.s32 $0x15198, s13;
	s15 =	sadd.s32 $0x30, s11  }
0x4f4: {  	[hbm4b:s15+s2] =	stream.linear.scatter [tilespmem:s12], [sflag:$0x8], $0x80, $0x38;
	[tilespmem:$0x17200] =	vst v63  }
0x4f5: {  	s12 =	sadd.s32 $0x15220, s13;
	s15 =	sadd.s32 $0x40, s11  }
0x4f6: {  	[hbm4b:s15+s2] =	stream.linear.scatter [tilespmem:s12], [sflag:$0x8], $0x80, $0x38;
	[tilespmem:$0x17200] =	vst v63  }
.Ltmp28:
0x4f7: {  	s12 =	sadd.s32 $0x152A8, s13;
	s15 =	sadd.s32 $0x50, s11;
	(pc) =	sbr.rel @p0 .LBB2_60-.Ltmp28, $4  }
0x4f8: {  	[hbm4b:s15+s2] =	stream.linear.scatter [tilespmem:s12], [sflag:$0x8], $0x80, $0x38;
	[tilespmem:$0x17200] =	vst v63  }
0x4f9: {  	s12 =	sadd.s32 $0x15330, s13;
	s15 =	sadd.s32 $0x60, s11;
	s13 =	sadd.s32 $0x153B8, s13  }
0x4fa: {  	[hbm4b:s15+s2] =	stream.linear.scatter [tilespmem:s12], [sflag:$0x8], $0x80, $0x38;
	[tilespmem:$0x17200] =	vst v63  }
0x4fb: {  	s15 =	sadd.s32 $0x70, s11;
	s11 =	sadd.s32 $0x4000, s11;
	s12 =	smov.u32 s17  }
0x4fc: {  	[hbm4b:s15+s2] =	stream.linear.scatter [tilespmem:s13], [sflag:$0x8], $0x80, $0x38;
	[tilespmem:$0x17200] =	vst v63  }
0x4fd: {  	s12 =	sadd.s32 $0x15000, s8  }
0x4fe: {  	[hbm4b:s11+s2] =	stream.linear.scatter [tilespmem:s12], [sflag:$0x8], $0x80, $0x38;
	[tilespmem:$0x17200] =	vst v63  }
0x4ff: {  	s18 =	sadd.s32 $0x15088, s8;
	s19 =	sadd.s32 $0x10, s11  }
0x500: {  	[hbm4b:s19+s2] =	stream.linear.scatter [tilespmem:s18], [sflag:$0x8], $0x80, $0x38;
	[tilespmem:$0x17200] =	vst v63  }
0x501: {  	s15 =	sadd.s32 $0x15110, s8;
	s17 =	sadd.s32 $0x20, s11  }
0x502: {  	[hbm4b:s17+s2] =	stream.linear.scatter [tilespmem:s15], [sflag:$0x8], $0x80, $0x38;
	[tilespmem:$0x17200] =	vst v63  }
0x503: {  	s18 =	sadd.s32 $0x15198, s8;
	s19 =	sadd.s32 $0x30, s11  }
0x504: {  	[hbm4b:s19+s2] =	stream.linear.scatter [tilespmem:s18], [sflag:$0x8], $0x80, $0x38;
	[tilespmem:$0x17200] =	vst v63  }
0x505: {  	s10 =	sadd.s32 $0x1, s10;
	s15 =	sadd.s32 $0x15220, s8;
	s17 =	sadd.s32 $0x40, s11  }
0x506: {  	[hbm4b:s17+s2] =	stream.linear.scatter [tilespmem:s15], [sflag:$0x8], $0x80, $0x38;
	[tilespmem:$0x17200] =	vst v63  }
0x507: {  	p0 =	sne.s32 s10, $0x31;
	s18 =	sadd.s32 $0x152A8, s8;
	s19 =	sadd.s32 $0x50, s11  }
0x508: {  	[hbm4b:s19+s2] =	stream.linear.scatter [tilespmem:s18], [sflag:$0x8], $0x80, $0x38;
	[tilespmem:$0x17200] =	vst v63  }
.Ltmp29:
0x509: {  	_ = 	snop;
	(pc) =	sbr.rel @p0 .LBB2_37-.Ltmp29, $4  }
0x50a: {  	s15 =	sadd.s32 $0x15330, s8;
	s17 =	sadd.s32 $0x60, s11  }
0x50b: {  	[hbm4b:s17+s2] =	stream.linear.scatter [tilespmem:s15], [sflag:$0x8], $0x80, $0x38;
	[tilespmem:$0x17200] =	vst v63  }
0x50c: {  	s18 =	sadd.s32 $0x153B8, s8;
	s19 =	sadd.s32 $0x70, s11  }
0x50d: {  	[hbm4b:s19+s2] =	stream.linear.scatter [tilespmem:s18], [sflag:$0x8], $0x80, $0x38;
	[tilespmem:$0x17200] =	vst v63  }
0x50e: {  	_ =	swait.ge [sflag:s25], $0x2000  }
0x50f: {  	[sflag:s25] =	ssyncset.done $0x0  }
0x510: {  	[sflag:s25] =	ssyncadd.s32 $0xFFFFE000  }
0x511: {  	s8 =	simm.s32 $0x3;
	_ =	swait.ge [sflag:s14], $0x2000  }
0x512: {  	s12 =	simm.s32 $0x0;
	v12 =	vmov s8;
	[sflag:s14] =	ssyncset.done $0x0  }
0x513: {  	s11 =	simm.s32 $0x6A80;
	s13 =	simm.s32 $0x1;
	v13 =	vand.u32 $0x7F, v12;
	v12 =	vmov s12;
	[sflag:s14] =	ssyncadd.s32 $0xFFFFE000  }
0x514: {  	v16 =	vadd.s32 v1, v13;
	v14 =	vand.u32 $0x7C, v12;
	v12 =	vmov s13;
	v15 =	vld [tilespmem:s11+$0x40]  }
0x515: {  	v18 =	vadd.s32 v1, v14;
	v19 =	vand.u32 $0x7D, v12;
	v17 =	vld [tilespmem:s11+$0xFFFFFF80]  }
0x516: {  	s15 =	simm.s32 $0x2;
	v20 =	vadd.s32 v1, v19;
	v12 =	vld [tilespmem:s11+$0xFFFFFFC0]  }
0x517: {  	v21 =	vmov s15  }
0x518: {  	v21 =	vand.u32 $0x7E, v21  }
0x519: {  	v23 =	vadd.s32 v1, v21;
	v22 =	vld [tilespmem:s11+$0x0];
	[tilespmem:v16+s26+$0x0] =	vst.idx.msk $0xffff, v15  }
0x51a: {  	v16 =	vadd.s32 v5, v13;
	[tilespmem:v18+s26+$0x0] =	vst.idx.msk $0xffff, v17;
	v15 =	vld [tilespmem:s11+$0x50]  }
0x51b: {  	v18 =	vadd.s32 v5, v14;
	[tilespmem:v20+s26+$0x0] =	vst.idx.msk $0xffff, v12;
	v17 =	vld [tilespmem:s11+$0xFFFFFF90]  }
0x51c: {  	v20 =	vadd.s32 v5, v19;
	v12 =	vld [tilespmem:s11+$0xFFFFFFD0];
	_ =	sdelay $0x1  }
0x51d: {  	[tilespmem:v23+s26+$0x0] =	vst.idx.msk $0xffff, v22  }
0x51e: {  	v24 =	vadd.s32 v5, v21;
	v23 =	vld [tilespmem:s11+$0x10];
	[tilespmem:v16+s26+$0x0] =	vst.idx.msk $0xffff, v15  }
0x51f: {  	s17 =	simm.s32 $0x7;
	v22 =	vadd.s32 v6, v13;
	[tilespmem:v18+s26+$0x0] =	vst.idx.msk $0xffff, v17;
	v15 =	vld [tilespmem:s11+$0x60]  }
0x520: {  	s10 =	simm.s32 $0x4;
	v18 =	vadd.s32 v6, v14;
	v16 =	vmov s17;
	[tilespmem:v20+s26+$0x0] =	vst.idx.msk $0xffff, v12;
	v17 =	vld [tilespmem:s11+$0xFFFFFFA0]  }
0x521: {  	v25 =	vadd.s32 v6, v19;
	v12 =	vmov s10;
	s10 =	simm.s32 $0x6B80;
	v16 =	vand.u32 $0x7F, v16;
	v20 =	vld [tilespmem:s11+$0xFFFFFFE0]  }
0x522: {  	v26 =	vld [tilespmem:s10+$0x40];
	v27 =	vadd.s32 v1, v16  }
0x523: {  	s18 =	simm.s32 $0x5;
	[tilespmem:v24+s26+$0x0] =	vst.idx.msk $0xffff, v23  }
0x524: {  	v30 =	vmov s18;
	v12 =	vand.u32 $0x7C, v12;
	[tilespmem:v22+s26+$0x0] =	vst.idx.msk $0xffff, v15  }
0x525: {  	s19 =	simm.s32 $0x6;
	v28 =	vld [tilespmem:s10+$0xFFFFFF80];
	v29 =	vadd.s32 v1, v12;
	v15 =	vand.u32 $0x7D, v30;
	[tilespmem:v18+s26+$0x0] =	vst.idx.msk $0xffff, v17  }
0x526: {  	v22 =	vmov s19;
	v17 =	vld [tilespmem:s10+$0xFFFFFFC0];
	[tilespmem:v25+s26+$0x0] =	vst.idx.msk $0xffff, v20;
	v18 =	vadd.s32 v1, v15  }
0x527: {  	v24 =	vadd.s32 v7, v13;
	v20 =	vld [tilespmem:s11+$0x20];
	v13 =	vand.u32 $0x7E, v22;
	[tilespmem:v27+s26+$0x0] =	vst.idx.msk $0xffff, v26;
	v26 =	vadd.s32 v6, v21  }
0x528: {  	v22 =	vld [tilespmem:s10+$0x0];
	v62 =	vadd.s32 v1, v13  }
0x529: {  	v23 =	vld [tilespmem:s11+$0x70]  }
0x52a: {  	v63 =	vadd.s32 v5, v16;
	[tilespmem:v29+s26+$0x0] =	vst.idx.msk $0xffff, v28;
	v27 =	vld [tilespmem:s10+$0x50]  }
0x52b: {  	v31 =	vadd.s32 v5, v12;
	v29 =	vld [tilespmem:s10+$0xFFFFFF90];
	[tilespmem:v18+s26+$0x0] =	vst.idx.msk $0xffff, v17  }
0x52c: {  	v33 =	vadd.s32 v7, v19;
	v32 =	vld [tilespmem:s11+$0xFFFFFFF0];
	[tilespmem:v26+s26+$0x0] =	vst.idx.msk $0xffff, v20  }
0x52d: {  	v26 =	vadd.s32 v5, v15;
	v25 =	vld [tilespmem:s10+$0xFFFFFFD0];
	[tilespmem:v62+s26+$0x0] =	vst.idx.msk $0xffff, v22  }
0x52e: {  	[tilespmem:v24+s26+$0x0] =	vst.idx.msk $0xffff, v23;
	v24 =	vadd.s32 v5, v13;
	v23 =	vld [tilespmem:s10+$0x10]  }
0x52f: {  	[tilespmem:v63+s26+$0x0] =	vst.idx.msk $0xffff, v27;
	v19 =	vld [tilespmem:s11+$0x30];
	v22 =	vadd.s32 v7, v21  }
0x530: {  	v20 =	vadd.s32 v6, v16;
	[tilespmem:v31+s26+$0x0] =	vst.idx.msk $0xffff, v29;
	v17 =	vld [tilespmem:s10+$0x60]  }
0x531: {  	s8 =	simm.s32 $0x8;
	s12 =	simm.s32 $0xC;
	s13 =	simm.s32 $0xB;
	[tilespmem:v33+s26+$0x0] =	vst.idx.msk $0xffff, v32;
	v21 =	vadd.s32 v6, v12;
	v18 =	vld [tilespmem:s10+$0xFFFFFFA0]  }
.LBB2_63:
0x532: {  	p0 =	slt.u32 s12, $0x7C;
	v27 =	vmov s13;
	[tilespmem:v26+s26+$0x0] =	vst.idx.msk $0xffff, v25;
	v25 =	vld [tilespmem:s11+$0xFFFFFFB0];
	v26 =	vadd.s32 v7, v14;
	v14 =	vmov v12;
	s11 =	smov.u32 s10  }
0x533: {  	v12 =	vmov s8;
	v29 =	vadd.s32 v6, v15;
	s10 =	sadd.s32 $0x100, s10;
	v27 =	vand.u32 $0x7F, v27;
	v28 =	vld [tilespmem:s11+$0xFFFFFFE0];
	[tilespmem:v24+s26+$0x0] =	vst.idx.msk $0xffff, v23  }
0x534: {  	s13 =	sadd.s32 $0x1, s8;
	v12 =	vand.u32 $0x7C, v12;
	v23 =	vld [tilespmem:s10+$0x40];
	v24 =	vadd.s32 v1, v27;
	[tilespmem:v22+s26+$0x0] =	vst.idx.msk $0xffff, v19  }
0x535: {  	v30 =	vmov s13;
	s13 =	sadd.s32 $0x2, s8;
	s8 =	smov.u32 s12;
	v22 =	vadd.s32 v1, v12;
	v19 =	vld [tilespmem:s10+$0xFFFFFF80];
	[tilespmem:v20+s26+$0x0] =	vst.idx.msk $0xffff, v17  }
0x536: {  	v17 =	vand.u32 $0x7D, v30;
	v20 =	vmov s13;
	[tilespmem:v21+s26+$0x0] =	vst.idx.msk $0xffff, v18;
	v18 =	vld [tilespmem:s11+$0x70];
	v21 =	vadd.s32 v7, v16;
	v16 =	vmovc v27  }
0x537: {  	v30 =	vadd.s32 v1, v17;
	v20 =	vand.u32 $0x7E, v20;
	v27 =	vld [tilespmem:s10+$0xFFFFFFC0];
	[tilespmem:v26+s26+$0x0] =	vst.idx.msk $0xffff, v25  }
0x538: {  	v32 =	vadd.s32 v1, v20;
	v31 =	vld [tilespmem:s10+$0x0];
	[tilespmem:v29+s26+$0x0] =	vst.idx.msk $0xffff, v28  }
0x539: {  	v29 =	vadd.s32 v6, v13;
	[tilespmem:v24+s26+$0x0] =	vst.idx.msk $0xffff, v23;
	v28 =	vld [tilespmem:s11+$0x20]  }
0x53a: {  	[tilespmem:v22+s26+$0x0] =	vst.idx.msk $0xffff, v19;
	v19 =	vld [tilespmem:s10+$0x50];
	v22 =	vadd.s32 v5, v16  }
0x53b: {  	v34 =	vadd.s32 v5, v12;
	v33 =	vld [tilespmem:s10+$0xFFFFFF90];
	[tilespmem:v21+s26+$0x0] =	vst.idx.msk $0xffff, v18  }
0x53c: {  	[tilespmem:v30+s26+$0x0] =	vst.idx.msk $0xffff, v27;
	v27 =	vld [tilespmem:s11+$0xFFFFFFF0];
	v30 =	vadd.s32 v7, v15;
	v15 =	vmov v17  }
.Ltmp30:
0x53d: {  	v25 =	vld [tilespmem:s10+$0xFFFFFFD0];
	v26 =	vadd.s32 v5, v15;
	[tilespmem:v32+s26+$0x0] =	vst.idx.msk $0xffff, v31;
	(pc) =	sbr.rel @p0 .LBB2_63-.Ltmp30, $4  }
0x53e: {  	v24 =	vadd.s32 v5, v20;
	v23 =	vld [tilespmem:s10+$0x10];
	[tilespmem:v29+s26+$0x0] =	vst.idx.msk $0xffff, v28  }
0x53f: {  	[tilespmem:v22+s26+$0x0] =	vst.idx.msk $0xffff, v19;
	v19 =	vld [tilespmem:s11+$0x30];
	v22 =	vadd.s32 v7, v13;
	v13 =	vmov v20  }
0x540: {  	v20 =	vadd.s32 v6, v16;
	[tilespmem:v34+s26+$0x0] =	vst.idx.msk $0xffff, v33;
	v17 =	vld [tilespmem:s10+$0x60]  }
0x541: {  	s12 =	sadd.s32 $0x4, s12;
	s13 =	sadd.s32 $0x3, s8;
	v21 =	vadd.s32 v6, v12;
	v18 =	vld [tilespmem:s10+$0xFFFFFFA0];
	[tilespmem:v30+s26+$0x0] =	vst.idx.msk $0xffff, v27  }
0x542: {  	_ =	sdelay $0x2  }
0x543: {  	v27 =	vmov s13  }
0x544: {  	s12 =	sadd.s32 $0x1, s8;
	[tilespmem:v26+s26+$0x0] =	vst.idx.msk $0xffff, v25;
	v59 =	vld [tilespmem:s11+$0xFFFFFFB0];
	v14 =	vadd.s32 v7, v14;
	s18 =	sadd.s32 $0x100, s10;
	v29 =	vmov s8;
	v60 =	vand.u32 $0x7F, v27  }
0x545: {  	s19 =	sadd.s32 $0x2, s8;
	v61 =	vmov s12;
	[tilespmem:v24+s26+$0x0] =	vst.idx.msk $0xffff, v23;
	v62 =	vld [tilespmem:s18+$0x40];
	v29 =	vand.u32 $0x7C, v29;
	v63 =	vadd.s32 v1, v60  }
0x546: {  	v28 =	vmov s19;
	v30 =	vld [tilespmem:s18+$0xFFFFFF80];
	v27 =	vand.u32 $0x7D, v61;
	[tilespmem:v22+s26+$0x0] =	vst.idx.msk $0xffff, v19;
	v37 =	vadd.s32 v1, v29  }
0x547: {  	v33 =	vld [tilespmem:s18+$0xFFFFFFC0];
	v28 =	vand.u32 $0x7E, v28;
	v34 =	vadd.s32 v1, v27;
	[tilespmem:v20+s26+$0x0] =	vst.idx.msk $0xffff, v17  }
0x548: {  	v35 =	vld [tilespmem:s18+$0x0];
	v36 =	vadd.s32 v1, v28;
	[tilespmem:v21+s26+$0x0] =	vst.idx.msk $0xffff, v18  }
0x549: {  	v39 =	vadd.s32 v6, v15;
	v38 =	vld [tilespmem:s10+$0xFFFFFFE0];
	[tilespmem:v14+s26+$0x0] =	vst.idx.msk $0xffff, v59  }
0x54a: {  	v47 =	vadd.s32 v6, v13;
	v46 =	vld [tilespmem:s10+$0x20];
	[tilespmem:v63+s26+$0x0] =	vst.idx.msk $0xffff, v62  }
0x54b: {  	v41 =	vadd.s32 v5, v60;
	[tilespmem:v37+s26+$0x0] =	vst.idx.msk $0xffff, v30;
	v23 =	vld [tilespmem:s18+$0x50]  }
0x54c: {  	v45 =	vadd.s32 v5, v29;
	[tilespmem:v34+s26+$0x0] =	vst.idx.msk $0xffff, v33;
	v44 =	vld [tilespmem:s18+$0xFFFFFF90]  }
0x54d: {  	v42 =	vadd.s32 v5, v27;
	[tilespmem:v36+s26+$0x0] =	vst.idx.msk $0xffff, v35;
	v19 =	vld [tilespmem:s18+$0xFFFFFFD0]  }
0x54e: {  	v43 =	vadd.s32 v5, v28;
	[tilespmem:v39+s26+$0x0] =	vst.idx.msk $0xffff, v38;
	v17 =	vld [tilespmem:s18+$0x10]  }
0x54f: {  	v16 =	vadd.s32 v7, v16;
	v40 =	vld [tilespmem:s10+$0x70];
	[tilespmem:v47+s26+$0x0] =	vst.idx.msk $0xffff, v46  }
0x550: {  	v12 =	vadd.s32 v7, v12;
	v57 =	vld [tilespmem:s10+$0xFFFFFFB0];
	[tilespmem:v41+s26+$0x0] =	vst.idx.msk $0xffff, v23  }
0x551: {  	v50 =	vadd.s32 v6, v60;
	[tilespmem:v45+s26+$0x0] =	vst.idx.msk $0xffff, v44;
	v23 =	vld [tilespmem:s18+$0x60]  }
0x552: {  	v55 =	vadd.s32 v6, v29;
	[tilespmem:v42+s26+$0x0] =	vst.idx.msk $0xffff, v19;
	v54 =	vld [tilespmem:s18+$0xFFFFFFA0]  }
0x553: {  	v51 =	vadd.s32 v6, v27;
	[tilespmem:v43+s26+$0x0] =	vst.idx.msk $0xffff, v17;
	v19 =	vld [tilespmem:s18+$0xFFFFFFE0]  }
0x554: {  	v53 =	vadd.s32 v6, v28;
	[tilespmem:v16+s26+$0x0] =	vst.idx.msk $0xffff, v40;
	v52 =	vld [tilespmem:s18+$0x20]  }
0x555: {  	v49 =	vadd.s32 v7, v15;
	v48 =	vld [tilespmem:s10+$0xFFFFFFF0];
	[tilespmem:v12+s26+$0x0] =	vst.idx.msk $0xffff, v57  }
0x556: {  	v56 =	vadd.s32 v7, v13;
	v21 =	vld [tilespmem:s10+$0x30];
	[tilespmem:v50+s26+$0x0] =	vst.idx.msk $0xffff, v23  }
0x557: {  	v59 =	vadd.s32 v7, v60;
	[tilespmem:v55+s26+$0x0] =	vst.idx.msk $0xffff, v54;
	v58 =	vld [tilespmem:s18+$0x70]  }
0x558: {  	v63 =	vadd.s32 v7, v29;
	[tilespmem:v51+s26+$0x0] =	vst.idx.msk $0xffff, v19;
	v62 =	vld [tilespmem:s18+$0xFFFFFFB0]  }
0x559: {  	v60 =	vadd.s32 v7, v27;
	[tilespmem:v53+s26+$0x0] =	vst.idx.msk $0xffff, v52;
	v19 =	vld [tilespmem:s18+$0xFFFFFFF0]  }
0x55a: {  	v61 =	vadd.s32 v7, v28;
	[tilespmem:v49+s26+$0x0] =	vst.idx.msk $0xffff, v48;
	v14 =	vld [tilespmem:s18+$0x30]  }
0x55b: {  	[tilespmem:v56+s26+$0x0] =	vst.idx.msk $0xffff, v21  }
0x55c: {  	[tilespmem:v59+s26+$0x0] =	vst.idx.msk $0xffff, v58  }
0x55d: {  	[tilespmem:v63+s26+$0x0] =	vst.idx.msk $0xffff, v62  }
0x55e: {  	[tilespmem:v60+s26+$0x0] =	vst.idx.msk $0xffff, v19  }
0x55f: {  	[tilespmem:v61+s26+$0x0] =	vst.idx.msk $0xffff, v14  }
0x560: {  	s10 =	rddreg [dreg:$0x8]  }
0x561: {  	s11 =	simm.s32 $0xEA00;
	s10 =	sadd.s32 s9, s10  }
0x562: {  	[hbm4b:s10+s2] =	stream.linear.scatter [tilespmem:s11], [sflag:$0x5], $0x80, $0x38;
	[tilespmem:$0x17200] =	vst v63  }
0x563: {  	s12 =	simm.s32 $0xEA88;
	s13 =	sadd.s32 $0x10, s10  }
0x564: {  	[hbm4b:s13+s2] =	stream.linear.scatter [tilespmem:s12], [sflag:$0x5], $0x80, $0x38;
	[tilespmem:$0x17200] =	vst v63  }
0x565: {  	s15 =	simm.s32 $0xEB10;
	s8 =	simm.s32 $0x440;
	s17 =	sadd.s32 $0x20, s10  }
0x566: {  	[hbm4b:s17+s2] =	stream.linear.scatter [tilespmem:s15], [sflag:$0x5], $0x80, $0x38;
	[tilespmem:$0x17200] =	vst v63  }
0x567: {  	s18 =	simm.s32 $0xEB98;
	s19 =	sadd.s32 $0x30, s10;
	s11 =	simm.s32 $0x2200  }
0x568: {  	[hbm4b:s19+s2] =	stream.linear.scatter [tilespmem:s18], [sflag:$0x5], $0x80, $0x38;
	[tilespmem:$0x17200] =	vst v63  }
0x569: {  	s12 =	simm.s32 $0xEC20;
	s13 =	sadd.s32 $0x40, s10;
	s15 =	simm.s32 $0xECA8  }
0x56a: {  	[hbm4b:s13+s2] =	stream.linear.scatter [tilespmem:s12], [sflag:$0x5], $0x80, $0x38;
	[tilespmem:$0x17200] =	vst v63  }
0x56b: {  	s17 =	sadd.s32 $0x50, s10;
	s18 =	simm.s32 $0xED30;
	s19 =	sadd.s32 $0x60, s10  }
0x56c: {  	[hbm4b:s17+s2] =	stream.linear.scatter [tilespmem:s15], [sflag:$0x5], $0x80, $0x38;
	[tilespmem:$0x17200] =	vst v63  }
0x56d: {  	s12 =	simm.s32 $0xEDB8;
	s13 =	sadd.s32 $0x70, s10;
	s10 =	sadd.s32 $0x4000, s10  }
0x56e: {  	[hbm4b:s19+s2] =	stream.linear.scatter [tilespmem:s18], [sflag:$0x5], $0x80, $0x38;
	[tilespmem:$0x17200] =	vst v63  }
.LBB2_65:
0x56f: {  	[hbm4b:s13+s2] =	stream.linear.scatter [tilespmem:s12], [sflag:$0x5], $0x80, $0x38;
	[tilespmem:$0x17200] =	vst v63  }
0x570: {  	s12 =	smov.u32 s8;
	s8 =	smov.u32 s11  }
0x571: {  	s15 =	sadd.s32 $0x1100, s11;
	s8 =	sshra.s32 s8, $0x2;
	s13 =	sadd.s32 $0xEA00, s12  }
0x572: {  	[hbm4b:s10+s2] =	stream.linear.scatter [tilespmem:s13], [sflag:$0x5], $0x80, $0x38;
	[tilespmem:$0x17200] =	vst v63  }
0x573: {  	p0 =	sne.s32 s11, $0x7700;
	s11 =	sadd.s32 $0xEA88, s12;
	s13 =	sadd.s32 $0x10, s10  }
0x574: {  	[hbm4b:s13+s2] =	stream.linear.scatter [tilespmem:s11], [sflag:$0x5], $0x80, $0x38;
	[tilespmem:$0x17200] =	vst v63  }
0x575: {  	s11 =	sadd.s32 $0xEB10, s12;
	s13 =	sadd.s32 $0x20, s10  }
0x576: {  	[hbm4b:s13+s2] =	stream.linear.scatter [tilespmem:s11], [sflag:$0x5], $0x80, $0x38;
	[tilespmem:$0x17200] =	vst v63  }
0x577: {  	s11 =	sadd.s32 $0xEB98, s12;
	s13 =	sadd.s32 $0x30, s10  }
0x578: {  	[hbm4b:s13+s2] =	stream.linear.scatter [tilespmem:s11], [sflag:$0x5], $0x80, $0x38;
	[tilespmem:$0x17200] =	vst v63  }
0x579: {  	s11 =	sadd.s32 $0xEC20, s12;
	s13 =	sadd.s32 $0x40, s10  }
0x57a: {  	[hbm4b:s13+s2] =	stream.linear.scatter [tilespmem:s11], [sflag:$0x5], $0x80, $0x38;
	[tilespmem:$0x17200] =	vst v63  }
.Ltmp31:
0x57b: {  	s11 =	sadd.s32 $0xECA8, s12;
	s13 =	sadd.s32 $0x50, s10;
	(pc) =	sbr.rel @p0 .LBB2_65-.Ltmp31, $4  }
0x57c: {  	[hbm4b:s13+s2] =	stream.linear.scatter [tilespmem:s11], [sflag:$0x5], $0x80, $0x38;
	[tilespmem:$0x17200] =	vst v63  }
0x57d: {  	s11 =	sadd.s32 $0xED30, s12;
	s13 =	sadd.s32 $0x60, s10;
	s12 =	sadd.s32 $0xEDB8, s12  }
0x57e: {  	[hbm4b:s13+s2] =	stream.linear.scatter [tilespmem:s11], [sflag:$0x5], $0x80, $0x38;
	[tilespmem:$0x17200] =	vst v63  }
0x57f: {  	s13 =	sadd.s32 $0x70, s10;
	s10 =	sadd.s32 $0x4000, s10;
	s11 =	smov.u32 s15  }
0x580: {  	[hbm4b:s13+s2] =	stream.linear.scatter [tilespmem:s12], [sflag:$0x5], $0x80, $0x38;
	[tilespmem:$0x17200] =	vst v63  }
0x581: {  	s11 =	sadd.s32 $0xEA00, s8  }
0x582: {  	[hbm4b:s10+s2] =	stream.linear.scatter [tilespmem:s11], [sflag:$0x5], $0x80, $0x38;
	[tilespmem:$0x17200] =	vst v63  }
0x583: {  	s15 =	sadd.s32 $0xEA88, s8;
	s17 =	sadd.s32 $0x10, s10  }
0x584: {  	[hbm4b:s17+s2] =	stream.linear.scatter [tilespmem:s15], [sflag:$0x5], $0x80, $0x38;
	[tilespmem:$0x17200] =	vst v63  }
0x585: {  	s18 =	sadd.s32 $0xEB10, s8;
	s19 =	sadd.s32 $0x20, s10  }
0x586: {  	[hbm4b:s19+s2] =	stream.linear.scatter [tilespmem:s18], [sflag:$0x5], $0x80, $0x38;
	[tilespmem:$0x17200] =	vst v63  }
0x587: {  	s12 =	sadd.s32 $0xEB98, s8;
	s13 =	sadd.s32 $0x30, s10  }
0x588: {  	[hbm4b:s13+s2] =	stream.linear.scatter [tilespmem:s12], [sflag:$0x5], $0x80, $0x38;
	[tilespmem:$0x17200] =	vst v63  }
0x589: {  	s15 =	sadd.s32 $0xEC20, s8;
	s17 =	sadd.s32 $0x40, s10  }
0x58a: {  	[hbm4b:s17+s2] =	stream.linear.scatter [tilespmem:s15], [sflag:$0x5], $0x80, $0x38;
	[tilespmem:$0x17200] =	vst v63  }
0x58b: {  	s18 =	sadd.s32 $0xECA8, s8;
	s19 =	sadd.s32 $0x50, s10  }
0x58c: {  	[hbm4b:s19+s2] =	stream.linear.scatter [tilespmem:s18], [sflag:$0x5], $0x80, $0x38;
	[tilespmem:$0x17200] =	vst v63  }
0x58d: {  	s13 =	sadd.s32 $0xED30, s8;
	s15 =	sadd.s32 $0x60, s10  }
0x58e: {  	[hbm4b:s15+s2] =	stream.linear.scatter [tilespmem:s13], [sflag:$0x5], $0x80, $0x38;
	[tilespmem:$0x17200] =	vst v63  }
0x58f: {  	s17 =	sadd.s32 $0xEDB8, s8;
	s18 =	sadd.s32 $0x70, s10  }
0x590: {  	[hbm4b:s18+s2] =	stream.linear.scatter [tilespmem:s17], [sflag:$0x5], $0x80, $0x38;
	[tilespmem:$0x17200] =	vst v63  }
0x591: {  	_ =	swait.ge [sflag:s28], $0x2000  }
0x592: {  	[sflag:s28] =	ssyncset.done $0x0  }
0x593: {  	[sflag:s28] =	ssyncadd.s32 $0xFFFFE000  }
0x594: {  	s19 =	simm.s32 $0x3;
	_ =	swait.ge [sflag:s4], $0x2000  }
0x595: {  	s10 =	simm.s32 $0x0;
	v12 =	vmov s19;
	[sflag:s4] =	ssyncset.done $0x0  }
0x596: {  	s11 =	simm.s32 $0x8AF0;
	s12 =	simm.s32 $0x1;
	v13 =	vand.u32 $0x7F, v12;
	v12 =	vmov s10;
	[sflag:s4] =	ssyncadd.s32 $0xFFFFE000  }
0x597: {  	v16 =	vadd.s32 v1, v13;
	v14 =	vand.u32 $0x7C, v12;
	v12 =	vmov s12;
	v15 =	vld [tilespmem:s11+$0xFFFFFFD0]  }
0x598: {  	v18 =	vadd.s32 v1, v14;
	v19 =	vand.u32 $0x7D, v12;
	v17 =	vld [tilespmem:s11+$0xFFFFFF10]  }
0x599: {  	s13 =	simm.s32 $0x2;
	v20 =	vadd.s32 v1, v19;
	v12 =	vld [tilespmem:s11+$0xFFFFFF50]  }
0x59a: {  	v21 =	vmov s13  }
0x59b: {  	v21 =	vand.u32 $0x7E, v21  }
0x59c: {  	v23 =	vadd.s32 v1, v21;
	v22 =	vld [tilespmem:s11+$0xFFFFFF90];
	[tilespmem:v16+s29+$0x0] =	vst.idx.msk $0xffff, v15  }
0x59d: {  	v16 =	vadd.s32 v5, v13;
	[tilespmem:v18+s29+$0x0] =	vst.idx.msk $0xffff, v17;
	v15 =	vld [tilespmem:s11+$0xFFFFFFE0]  }
0x59e: {  	v18 =	vadd.s32 v5, v14;
	[tilespmem:v20+s29+$0x0] =	vst.idx.msk $0xffff, v12;
	v17 =	vld [tilespmem:s11+$0xFFFFFF20]  }
0x59f: {  	v20 =	vadd.s32 v5, v19;
	v12 =	vld [tilespmem:s11+$0xFFFFFF60];
	_ =	sdelay $0x1  }
0x5a0: {  	[tilespmem:v23+s29+$0x0] =	vst.idx.msk $0xffff, v22  }
0x5a1: {  	v24 =	vadd.s32 v5, v21;
	v23 =	vld [tilespmem:s11+$0xFFFFFFA0];
	[tilespmem:v16+s29+$0x0] =	vst.idx.msk $0xffff, v15  }
0x5a2: {  	s15 =	simm.s32 $0x7;
	v22 =	vadd.s32 v6, v13;
	[tilespmem:v18+s29+$0x0] =	vst.idx.msk $0xffff, v17;
	v15 =	vld [tilespmem:s11+$0xFFFFFFF0]  }
0x5a3: {  	v18 =	vadd.s32 v6, v14;
	v16 =	vmov s15;
	[tilespmem:v20+s29+$0x0] =	vst.idx.msk $0xffff, v12;
	v17 =	vld [tilespmem:s11+$0xFFFFFF30]  }
0x5a4: {  	s10 =	simm.s32 $0x8BF0;
	v25 =	vadd.s32 v6, v19;
	v16 =	vand.u32 $0x7F, v16;
	v20 =	vld [tilespmem:s11+$0xFFFFFF70]  }
0x5a5: {  	s17 =	simm.s32 $0x4;
	v26 =	vld [tilespmem:s10+$0xFFFFFFD0];
	v27 =	vadd.s32 v1, v16  }
0x5a6: {  	s18 =	simm.s32 $0x5;
	v12 =	vmov s17;
	[tilespmem:v24+s29+$0x0] =	vst.idx.msk $0xffff, v23  }
0x5a7: {  	v30 =	vmov s18;
	v12 =	vand.u32 $0x7C, v12;
	[tilespmem:v22+s29+$0x0] =	vst.idx.msk $0xffff, v15  }
0x5a8: {  	s19 =	simm.s32 $0x6;
	v28 =	vld [tilespmem:s10+$0xFFFFFF10];
	v29 =	vadd.s32 v1, v12;
	v15 =	vand.u32 $0x7D, v30;
	[tilespmem:v18+s29+$0x0] =	vst.idx.msk $0xffff, v17  }
0x5a9: {  	v22 =	vmov s19;
	v17 =	vld [tilespmem:s10+$0xFFFFFF50];
	[tilespmem:v25+s29+$0x0] =	vst.idx.msk $0xffff, v20;
	v18 =	vadd.s32 v1, v15  }
0x5aa: {  	v24 =	vadd.s32 v7, v13;
	v20 =	vld [tilespmem:s11+$0xFFFFFFB0];
	v13 =	vand.u32 $0x7E, v22;
	[tilespmem:v27+s29+$0x0] =	vst.idx.msk $0xffff, v26;
	v26 =	vadd.s32 v6, v21  }
0x5ab: {  	v22 =	vld [tilespmem:s10+$0xFFFFFF90];
	v62 =	vadd.s32 v1, v13  }
0x5ac: {  	v23 =	vld [tilespmem:s11+$0x0]  }
0x5ad: {  	v63 =	vadd.s32 v5, v16;
	[tilespmem:v29+s29+$0x0] =	vst.idx.msk $0xffff, v28;
	v27 =	vld [tilespmem:s10+$0xFFFFFFE0]  }
0x5ae: {  	v31 =	vadd.s32 v5, v12;
	v29 =	vld [tilespmem:s10+$0xFFFFFF20];
	[tilespmem:v18+s29+$0x0] =	vst.idx.msk $0xffff, v17  }
0x5af: {  	v33 =	vadd.s32 v7, v19;
	v32 =	vld [tilespmem:s11+$0xFFFFFF80];
	[tilespmem:v26+s29+$0x0] =	vst.idx.msk $0xffff, v20  }
0x5b0: {  	v26 =	vadd.s32 v5, v15;
	v25 =	vld [tilespmem:s10+$0xFFFFFF60];
	[tilespmem:v62+s29+$0x0] =	vst.idx.msk $0xffff, v22  }
0x5b1: {  	[tilespmem:v24+s29+$0x0] =	vst.idx.msk $0xffff, v23;
	v24 =	vadd.s32 v5, v13;
	v23 =	vld [tilespmem:s10+$0xFFFFFFA0]  }
0x5b2: {  	[tilespmem:v63+s29+$0x0] =	vst.idx.msk $0xffff, v27;
	v19 =	vld [tilespmem:s11+$0xFFFFFFC0];
	v22 =	vadd.s32 v7, v21  }
0x5b3: {  	v20 =	vadd.s32 v6, v16;
	[tilespmem:v31+s29+$0x0] =	vst.idx.msk $0xffff, v29;
	v17 =	vld [tilespmem:s10+$0xFFFFFFF0]  }
0x5b4: {  	s8 =	simm.s32 $0x8;
	s13 =	simm.s32 $0xB;
	s12 =	simm.s32 $0xC;
	[tilespmem:v33+s29+$0x0] =	vst.idx.msk $0xffff, v32;
	v21 =	vadd.s32 v6, v12;
	v18 =	vld [tilespmem:s10+$0xFFFFFF30]  }
.LBB2_67:
0x5b5: {  	p0 =	slt.u32 s12, $0x7C;
	v27 =	vmov s13;
	[tilespmem:v26+s29+$0x0] =	vst.idx.msk $0xffff, v25;
	v25 =	vld [tilespmem:s11+$0xFFFFFF40];
	v26 =	vadd.s32 v7, v14;
	v14 =	vmov v12;
	s11 =	smov.u32 s10  }
0x5b6: {  	v12 =	vmov s8;
	v29 =	vadd.s32 v6, v15;
	s10 =	sadd.s32 $0x100, s10;
	v27 =	vand.u32 $0x7F, v27;
	v28 =	vld [tilespmem:s11+$0xFFFFFF70];
	[tilespmem:v24+s29+$0x0] =	vst.idx.msk $0xffff, v23  }
0x5b7: {  	s13 =	sadd.s32 $0x1, s8;
	v12 =	vand.u32 $0x7C, v12;
	v23 =	vld [tilespmem:s10+$0xFFFFFFD0];
	v24 =	vadd.s32 v1, v27;
	[tilespmem:v22+s29+$0x0] =	vst.idx.msk $0xffff, v19  }
0x5b8: {  	v30 =	vmov s13;
	s13 =	sadd.s32 $0x2, s8;
	s8 =	smov.u32 s12;
	v22 =	vadd.s32 v1, v12;
	v19 =	vld [tilespmem:s10+$0xFFFFFF10];
	[tilespmem:v20+s29+$0x0] =	vst.idx.msk $0xffff, v17  }
0x5b9: {  	v17 =	vand.u32 $0x7D, v30;
	v20 =	vmov s13;
	[tilespmem:v21+s29+$0x0] =	vst.idx.msk $0xffff, v18;
	v18 =	vld [tilespmem:s11+$0x0];
	v21 =	vadd.s32 v7, v16;
	v16 =	vmovc v27  }
0x5ba: {  	v30 =	vadd.s32 v1, v17;
	v20 =	vand.u32 $0x7E, v20;
	v27 =	vld [tilespmem:s10+$0xFFFFFF50];
	[tilespmem:v26+s29+$0x0] =	vst.idx.msk $0xffff, v25  }
0x5bb: {  	v32 =	vadd.s32 v1, v20;
	v31 =	vld [tilespmem:s10+$0xFFFFFF90];
	[tilespmem:v29+s29+$0x0] =	vst.idx.msk $0xffff, v28  }
0x5bc: {  	v29 =	vadd.s32 v6, v13;
	[tilespmem:v24+s29+$0x0] =	vst.idx.msk $0xffff, v23;
	v28 =	vld [tilespmem:s11+$0xFFFFFFB0]  }
0x5bd: {  	[tilespmem:v22+s29+$0x0] =	vst.idx.msk $0xffff, v19;
	v19 =	vld [tilespmem:s10+$0xFFFFFFE0];
	v22 =	vadd.s32 v5, v16  }
0x5be: {  	v34 =	vadd.s32 v5, v12;
	v33 =	vld [tilespmem:s10+$0xFFFFFF20];
	[tilespmem:v21+s29+$0x0] =	vst.idx.msk $0xffff, v18  }
0x5bf: {  	[tilespmem:v30+s29+$0x0] =	vst.idx.msk $0xffff, v27;
	v27 =	vld [tilespmem:s11+$0xFFFFFF80];
	v30 =	vadd.s32 v7, v15;
	v15 =	vmov v17  }
.Ltmp32:
0x5c0: {  	v25 =	vld [tilespmem:s10+$0xFFFFFF60];
	v26 =	vadd.s32 v5, v15;
	[tilespmem:v32+s29+$0x0] =	vst.idx.msk $0xffff, v31;
	(pc) =	sbr.rel @p0 .LBB2_67-.Ltmp32, $4  }
0x5c1: {  	v24 =	vadd.s32 v5, v20;
	v23 =	vld [tilespmem:s10+$0xFFFFFFA0];
	[tilespmem:v29+s29+$0x0] =	vst.idx.msk $0xffff, v28  }
0x5c2: {  	[tilespmem:v22+s29+$0x0] =	vst.idx.msk $0xffff, v19;
	v19 =	vld [tilespmem:s11+$0xFFFFFFC0];
	v22 =	vadd.s32 v7, v13;
	v13 =	vmov v20  }
0x5c3: {  	v20 =	vadd.s32 v6, v16;
	[tilespmem:v34+s29+$0x0] =	vst.idx.msk $0xffff, v33;
	v17 =	vld [tilespmem:s10+$0xFFFFFFF0]  }
0x5c4: {  	s12 =	sadd.s32 $0x4, s12;
	s13 =	sadd.s32 $0x3, s8;
	v21 =	vadd.s32 v6, v12;
	v18 =	vld [tilespmem:s10+$0xFFFFFF30];
	[tilespmem:v30+s29+$0x0] =	vst.idx.msk $0xffff, v27  }
0x5c5: {  	_ =	sdelay $0x2  }
0x5c6: {  	v27 =	vmov s13  }
0x5c7: {  	s12 =	sadd.s32 $0x1, s8;
	[tilespmem:v26+s29+$0x0] =	vst.idx.msk $0xffff, v25;
	v59 =	vld [tilespmem:s11+$0xFFFFFF40];
	v14 =	vadd.s32 v7, v14;
	s18 =	sadd.s32 $0x100, s10;
	v29 =	vmov s8;
	v60 =	vand.u32 $0x7F, v27  }
0x5c8: {  	s19 =	sadd.s32 $0x2, s8;
	v61 =	vmov s12;
	[tilespmem:v24+s29+$0x0] =	vst.idx.msk $0xffff, v23;
	v62 =	vld [tilespmem:s18+$0xFFFFFFD0];
	v29 =	vand.u32 $0x7C, v29;
	v63 =	vadd.s32 v1, v60  }
0x5c9: {  	v28 =	vmov s19;
	v30 =	vld [tilespmem:s18+$0xFFFFFF10];
	v27 =	vand.u32 $0x7D, v61;
	[tilespmem:v22+s29+$0x0] =	vst.idx.msk $0xffff, v19;
	v37 =	vadd.s32 v1, v29  }
0x5ca: {  	v33 =	vld [tilespmem:s18+$0xFFFFFF50];
	v28 =	vand.u32 $0x7E, v28;
	v34 =	vadd.s32 v1, v27;
	[tilespmem:v20+s29+$0x0] =	vst.idx.msk $0xffff, v17  }
0x5cb: {  	v35 =	vld [tilespmem:s18+$0xFFFFFF90];
	v36 =	vadd.s32 v1, v28;
	[tilespmem:v21+s29+$0x0] =	vst.idx.msk $0xffff, v18  }
0x5cc: {  	v39 =	vadd.s32 v6, v15;
	v38 =	vld [tilespmem:s10+$0xFFFFFF70];
	[tilespmem:v14+s29+$0x0] =	vst.idx.msk $0xffff, v59  }
0x5cd: {  	v47 =	vadd.s32 v6, v13;
	v46 =	vld [tilespmem:s10+$0xFFFFFFB0];
	[tilespmem:v63+s29+$0x0] =	vst.idx.msk $0xffff, v62  }
0x5ce: {  	v41 =	vadd.s32 v5, v60;
	[tilespmem:v37+s29+$0x0] =	vst.idx.msk $0xffff, v30;
	v23 =	vld [tilespmem:s18+$0xFFFFFFE0]  }
0x5cf: {  	v45 =	vadd.s32 v5, v29;
	[tilespmem:v34+s29+$0x0] =	vst.idx.msk $0xffff, v33;
	v44 =	vld [tilespmem:s18+$0xFFFFFF20]  }
0x5d0: {  	v42 =	vadd.s32 v5, v27;
	[tilespmem:v36+s29+$0x0] =	vst.idx.msk $0xffff, v35;
	v19 =	vld [tilespmem:s18+$0xFFFFFF60]  }
0x5d1: {  	v43 =	vadd.s32 v5, v28;
	[tilespmem:v39+s29+$0x0] =	vst.idx.msk $0xffff, v38;
	v17 =	vld [tilespmem:s18+$0xFFFFFFA0]  }
0x5d2: {  	v16 =	vadd.s32 v7, v16;
	v40 =	vld [tilespmem:s10+$0x0];
	[tilespmem:v47+s29+$0x0] =	vst.idx.msk $0xffff, v46  }
0x5d3: {  	v12 =	vadd.s32 v7, v12;
	v57 =	vld [tilespmem:s10+$0xFFFFFF40];
	[tilespmem:v41+s29+$0x0] =	vst.idx.msk $0xffff, v23  }
0x5d4: {  	v50 =	vadd.s32 v6, v60;
	[tilespmem:v45+s29+$0x0] =	vst.idx.msk $0xffff, v44;
	v23 =	vld [tilespmem:s18+$0xFFFFFFF0]  }
0x5d5: {  	v55 =	vadd.s32 v6, v29;
	[tilespmem:v42+s29+$0x0] =	vst.idx.msk $0xffff, v19;
	v54 =	vld [tilespmem:s18+$0xFFFFFF30]  }
0x5d6: {  	v51 =	vadd.s32 v6, v27;
	[tilespmem:v43+s29+$0x0] =	vst.idx.msk $0xffff, v17;
	v19 =	vld [tilespmem:s18+$0xFFFFFF70]  }
0x5d7: {  	v53 =	vadd.s32 v6, v28;
	[tilespmem:v16+s29+$0x0] =	vst.idx.msk $0xffff, v40;
	v52 =	vld [tilespmem:s18+$0xFFFFFFB0]  }
0x5d8: {  	v49 =	vadd.s32 v7, v15;
	v48 =	vld [tilespmem:s10+$0xFFFFFF80];
	[tilespmem:v12+s29+$0x0] =	vst.idx.msk $0xffff, v57  }
0x5d9: {  	v56 =	vadd.s32 v7, v13;
	v21 =	vld [tilespmem:s10+$0xFFFFFFC0];
	[tilespmem:v50+s29+$0x0] =	vst.idx.msk $0xffff, v23  }
0x5da: {  	v59 =	vadd.s32 v7, v60;
	[tilespmem:v55+s29+$0x0] =	vst.idx.msk $0xffff, v54;
	v58 =	vld [tilespmem:s18+$0x0]  }
0x5db: {  	v63 =	vadd.s32 v7, v29;
	[tilespmem:v51+s29+$0x0] =	vst.idx.msk $0xffff, v19;
	v62 =	vld [tilespmem:s18+$0xFFFFFF40]  }
0x5dc: {  	v60 =	vadd.s32 v7, v27;
	[tilespmem:v53+s29+$0x0] =	vst.idx.msk $0xffff, v52;
	v19 =	vld [tilespmem:s18+$0xFFFFFF80]  }
0x5dd: {  	v61 =	vadd.s32 v7, v28;
	[tilespmem:v49+s29+$0x0] =	vst.idx.msk $0xffff, v48;
	v14 =	vld [tilespmem:s18+$0xFFFFFFC0]  }
0x5de: {  	[tilespmem:v56+s29+$0x0] =	vst.idx.msk $0xffff, v21  }
0x5df: {  	[tilespmem:v59+s29+$0x0] =	vst.idx.msk $0xffff, v58  }
0x5e0: {  	[tilespmem:v63+s29+$0x0] =	vst.idx.msk $0xffff, v62  }
0x5e1: {  	[tilespmem:v60+s29+$0x0] =	vst.idx.msk $0xffff, v19  }
0x5e2: {  	[tilespmem:v61+s29+$0x0] =	vst.idx.msk $0xffff, v14  }
0x5e3: {  	s10 =	rddreg [dreg:$0x9]  }
0x5e4: {  	s11 =	simm.s32 $0x10C00;
	s10 =	sadd.s32 s9, s10  }
0x5e5: {  	[hbm4b:s10+s2] =	stream.linear.scatter [tilespmem:s11], [sflag:$0x6], $0x80, $0x38;
	[tilespmem:$0x17200] =	vst v63  }
0x5e6: {  	s12 =	simm.s32 $0x10C88;
	s13 =	sadd.s32 $0x10, s10  }
0x5e7: {  	[hbm4b:s13+s2] =	stream.linear.scatter [tilespmem:s12], [sflag:$0x6], $0x80, $0x38;
	[tilespmem:$0x17200] =	vst v63  }
0x5e8: {  	s15 =	simm.s32 $0x10D10;
	s8 =	simm.s32 $0x440;
	s17 =	sadd.s32 $0x20, s10  }
0x5e9: {  	[hbm4b:s17+s2] =	stream.linear.scatter [tilespmem:s15], [sflag:$0x6], $0x80, $0x38;
	[tilespmem:$0x17200] =	vst v63  }
0x5ea: {  	s18 =	simm.s32 $0x10D98;
	s19 =	sadd.s32 $0x30, s10;
	s11 =	simm.s32 $0x2200  }
0x5eb: {  	[hbm4b:s19+s2] =	stream.linear.scatter [tilespmem:s18], [sflag:$0x6], $0x80, $0x38;
	[tilespmem:$0x17200] =	vst v63  }
0x5ec: {  	s12 =	simm.s32 $0x10E20;
	s13 =	sadd.s32 $0x40, s10;
	s15 =	simm.s32 $0x10EA8  }
0x5ed: {  	[hbm4b:s13+s2] =	stream.linear.scatter [tilespmem:s12], [sflag:$0x6], $0x80, $0x38;
	[tilespmem:$0x17200] =	vst v63  }
0x5ee: {  	s17 =	sadd.s32 $0x50, s10;
	s18 =	simm.s32 $0x10F30;
	s19 =	sadd.s32 $0x60, s10  }
0x5ef: {  	[hbm4b:s17+s2] =	stream.linear.scatter [tilespmem:s15], [sflag:$0x6], $0x80, $0x38;
	[tilespmem:$0x17200] =	vst v63  }
0x5f0: {  	s12 =	simm.s32 $0x10FB8;
	s13 =	sadd.s32 $0x70, s10;
	s10 =	sadd.s32 $0x4000, s10  }
0x5f1: {  	[hbm4b:s19+s2] =	stream.linear.scatter [tilespmem:s18], [sflag:$0x6], $0x80, $0x38;
	[tilespmem:$0x17200] =	vst v63  }
.LBB2_69:
0x5f2: {  	[hbm4b:s13+s2] =	stream.linear.scatter [tilespmem:s12], [sflag:$0x6], $0x80, $0x38;
	[tilespmem:$0x17200] =	vst v63  }
0x5f3: {  	s12 =	smov.u32 s8;
	s8 =	smov.u32 s11  }
0x5f4: {  	s15 =	sadd.s32 $0x1100, s11;
	s8 =	sshra.s32 s8, $0x2;
	s13 =	sadd.s32 $0x10C00, s12  }
0x5f5: {  	[hbm4b:s10+s2] =	stream.linear.scatter [tilespmem:s13], [sflag:$0x6], $0x80, $0x38;
	[tilespmem:$0x17200] =	vst v63  }
0x5f6: {  	p0 =	sne.s32 s11, $0x7700;
	s11 =	sadd.s32 $0x10C88, s12;
	s13 =	sadd.s32 $0x10, s10  }
0x5f7: {  	[hbm4b:s13+s2] =	stream.linear.scatter [tilespmem:s11], [sflag:$0x6], $0x80, $0x38;
	[tilespmem:$0x17200] =	vst v63  }
0x5f8: {  	s11 =	sadd.s32 $0x10D10, s12;
	s13 =	sadd.s32 $0x20, s10  }
0x5f9: {  	[hbm4b:s13+s2] =	stream.linear.scatter [tilespmem:s11], [sflag:$0x6], $0x80, $0x38;
	[tilespmem:$0x17200] =	vst v63  }
0x5fa: {  	s11 =	sadd.s32 $0x10D98, s12;
	s13 =	sadd.s32 $0x30, s10  }
0x5fb: {  	[hbm4b:s13+s2] =	stream.linear.scatter [tilespmem:s11], [sflag:$0x6], $0x80, $0x38;
	[tilespmem:$0x17200] =	vst v63  }
0x5fc: {  	s11 =	sadd.s32 $0x10E20, s12;
	s13 =	sadd.s32 $0x40, s10  }
0x5fd: {  	[hbm4b:s13+s2] =	stream.linear.scatter [tilespmem:s11], [sflag:$0x6], $0x80, $0x38;
	[tilespmem:$0x17200] =	vst v63  }
.Ltmp33:
0x5fe: {  	s11 =	sadd.s32 $0x10EA8, s12;
	s13 =	sadd.s32 $0x50, s10;
	(pc) =	sbr.rel @p0 .LBB2_69-.Ltmp33, $4  }
0x5ff: {  	[hbm4b:s13+s2] =	stream.linear.scatter [tilespmem:s11], [sflag:$0x6], $0x80, $0x38;
	[tilespmem:$0x17200] =	vst v63  }
0x600: {  	s11 =	sadd.s32 $0x10F30, s12;
	s13 =	sadd.s32 $0x60, s10;
	s12 =	sadd.s32 $0x10FB8, s12  }
0x601: {  	[hbm4b:s13+s2] =	stream.linear.scatter [tilespmem:s11], [sflag:$0x6], $0x80, $0x38;
	[tilespmem:$0x17200] =	vst v63  }
0x602: {  	s13 =	sadd.s32 $0x70, s10;
	s10 =	sadd.s32 $0x4000, s10;
	s11 =	smov.u32 s15  }
0x603: {  	[hbm4b:s13+s2] =	stream.linear.scatter [tilespmem:s12], [sflag:$0x6], $0x80, $0x38;
	[tilespmem:$0x17200] =	vst v63  }
0x604: {  	s11 =	sadd.s32 $0x10C00, s8  }
0x605: {  	[hbm4b:s10+s2] =	stream.linear.scatter [tilespmem:s11], [sflag:$0x6], $0x80, $0x38;
	[tilespmem:$0x17200] =	vst v63  }
0x606: {  	s15 =	sadd.s32 $0x10C88, s8;
	s17 =	sadd.s32 $0x10, s10  }
0x607: {  	[hbm4b:s17+s2] =	stream.linear.scatter [tilespmem:s15], [sflag:$0x6], $0x80, $0x38;
	[tilespmem:$0x17200] =	vst v63  }
0x608: {  	s18 =	sadd.s32 $0x10D10, s8;
	s19 =	sadd.s32 $0x20, s10  }
0x609: {  	[hbm4b:s19+s2] =	stream.linear.scatter [tilespmem:s18], [sflag:$0x6], $0x80, $0x38;
	[tilespmem:$0x17200] =	vst v63  }
0x60a: {  	s12 =	sadd.s32 $0x10D98, s8;
	s13 =	sadd.s32 $0x30, s10  }
0x60b: {  	[hbm4b:s13+s2] =	stream.linear.scatter [tilespmem:s12], [sflag:$0x6], $0x80, $0x38;
	[tilespmem:$0x17200] =	vst v63  }
0x60c: {  	s15 =	sadd.s32 $0x10E20, s8;
	s17 =	sadd.s32 $0x40, s10  }
0x60d: {  	[hbm4b:s17+s2] =	stream.linear.scatter [tilespmem:s15], [sflag:$0x6], $0x80, $0x38;
	[tilespmem:$0x17200] =	vst v63  }
0x60e: {  	s18 =	sadd.s32 $0x10EA8, s8;
	s19 =	sadd.s32 $0x50, s10  }
0x60f: {  	[hbm4b:s19+s2] =	stream.linear.scatter [tilespmem:s18], [sflag:$0x6], $0x80, $0x38;
	[tilespmem:$0x17200] =	vst v63  }
0x610: {  	s13 =	sadd.s32 $0x10F30, s8;
	s15 =	sadd.s32 $0x60, s10  }
0x611: {  	[hbm4b:s15+s2] =	stream.linear.scatter [tilespmem:s13], [sflag:$0x6], $0x80, $0x38;
	[tilespmem:$0x17200] =	vst v63  }
0x612: {  	s17 =	sadd.s32 $0x10FB8, s8;
	s18 =	sadd.s32 $0x70, s10  }
0x613: {  	[hbm4b:s18+s2] =	stream.linear.scatter [tilespmem:s17], [sflag:$0x6], $0x80, $0x38;
	[tilespmem:$0x17200] =	vst v63  }
0x614: {  	_ =	swait.ge [sflag:s30], $0x2000  }
0x615: {  	[sflag:s30] =	ssyncset.done $0x0  }
0x616: {  	[sflag:s30] =	ssyncadd.s32 $0xFFFFE000  }
0x617: {  	s19 =	simm.s32 $0x3;
	_ =	swait.ge [sflag:s6], $0x2000  }
0x618: {  	s10 =	simm.s32 $0x0;
	v12 =	vmov s19;
	[sflag:s6] =	ssyncset.done $0x0  }
0x619: {  	s11 =	simm.s32 $0xAAF0;
	s12 =	simm.s32 $0x1;
	v13 =	vand.u32 $0x7F, v12;
	v12 =	vmov s10;
	[sflag:s6] =	ssyncadd.s32 $0xFFFFE000  }
0x61a: {  	v16 =	vadd.s32 v1, v13;
	v14 =	vand.u32 $0x7C, v12;
	v12 =	vmov s12;
	v15 =	vld [tilespmem:s11+$0xFFFFFFD0]  }
0x61b: {  	v18 =	vadd.s32 v1, v14;
	v19 =	vand.u32 $0x7D, v12;
	v17 =	vld [tilespmem:s11+$0xFFFFFF10]  }
0x61c: {  	s13 =	simm.s32 $0x2;
	v20 =	vadd.s32 v1, v19;
	v12 =	vld [tilespmem:s11+$0xFFFFFF50]  }
0x61d: {  	v21 =	vmov s13  }
0x61e: {  	v21 =	vand.u32 $0x7E, v21  }
0x61f: {  	v23 =	vadd.s32 v1, v21;
	v22 =	vld [tilespmem:s11+$0xFFFFFF90];
	[tilespmem:v16+s31+$0x0] =	vst.idx.msk $0xffff, v15  }
0x620: {  	v16 =	vadd.s32 v5, v13;
	[tilespmem:v18+s31+$0x0] =	vst.idx.msk $0xffff, v17;
	v15 =	vld [tilespmem:s11+$0xFFFFFFE0]  }
0x621: {  	v18 =	vadd.s32 v5, v14;
	[tilespmem:v20+s31+$0x0] =	vst.idx.msk $0xffff, v12;
	v17 =	vld [tilespmem:s11+$0xFFFFFF20]  }
0x622: {  	v20 =	vadd.s32 v5, v19;
	v12 =	vld [tilespmem:s11+$0xFFFFFF60];
	_ =	sdelay $0x1  }
0x623: {  	[tilespmem:v23+s31+$0x0] =	vst.idx.msk $0xffff, v22  }
0x624: {  	v24 =	vadd.s32 v5, v21;
	v23 =	vld [tilespmem:s11+$0xFFFFFFA0];
	[tilespmem:v16+s31+$0x0] =	vst.idx.msk $0xffff, v15  }
0x625: {  	s15 =	simm.s32 $0x7;
	v22 =	vadd.s32 v6, v13;
	[tilespmem:v18+s31+$0x0] =	vst.idx.msk $0xffff, v17;
	v15 =	vld [tilespmem:s11+$0xFFFFFFF0]  }
0x626: {  	v18 =	vadd.s32 v6, v14;
	v16 =	vmov s15;
	[tilespmem:v20+s31+$0x0] =	vst.idx.msk $0xffff, v12;
	v17 =	vld [tilespmem:s11+$0xFFFFFF30]  }
0x627: {  	s10 =	simm.s32 $0xABF0;
	v25 =	vadd.s32 v6, v19;
	v16 =	vand.u32 $0x7F, v16;
	v20 =	vld [tilespmem:s11+$0xFFFFFF70]  }
0x628: {  	s17 =	simm.s32 $0x4;
	v26 =	vld [tilespmem:s10+$0xFFFFFFD0];
	v27 =	vadd.s32 v1, v16  }
0x629: {  	s18 =	simm.s32 $0x5;
	v12 =	vmov s17;
	[tilespmem:v24+s31+$0x0] =	vst.idx.msk $0xffff, v23  }
0x62a: {  	v30 =	vmov s18;
	v12 =	vand.u32 $0x7C, v12;
	[tilespmem:v22+s31+$0x0] =	vst.idx.msk $0xffff, v15  }
0x62b: {  	s19 =	simm.s32 $0x6;
	v28 =	vld [tilespmem:s10+$0xFFFFFF10];
	v29 =	vadd.s32 v1, v12;
	v15 =	vand.u32 $0x7D, v30;
	[tilespmem:v18+s31+$0x0] =	vst.idx.msk $0xffff, v17  }
0x62c: {  	v22 =	vmov s19;
	v17 =	vld [tilespmem:s10+$0xFFFFFF50];
	[tilespmem:v25+s31+$0x0] =	vst.idx.msk $0xffff, v20;
	v18 =	vadd.s32 v1, v15  }
0x62d: {  	v24 =	vadd.s32 v7, v13;
	v20 =	vld [tilespmem:s11+$0xFFFFFFB0];
	v13 =	vand.u32 $0x7E, v22;
	[tilespmem:v27+s31+$0x0] =	vst.idx.msk $0xffff, v26;
	v26 =	vadd.s32 v6, v21  }
0x62e: {  	v22 =	vld [tilespmem:s10+$0xFFFFFF90];
	v62 =	vadd.s32 v1, v13  }
0x62f: {  	v23 =	vld [tilespmem:s11+$0x0]  }
0x630: {  	v63 =	vadd.s32 v5, v16;
	[tilespmem:v29+s31+$0x0] =	vst.idx.msk $0xffff, v28;
	v27 =	vld [tilespmem:s10+$0xFFFFFFE0]  }
0x631: {  	v31 =	vadd.s32 v5, v12;
	v29 =	vld [tilespmem:s10+$0xFFFFFF20];
	[tilespmem:v18+s31+$0x0] =	vst.idx.msk $0xffff, v17  }
0x632: {  	v33 =	vadd.s32 v7, v19;
	v32 =	vld [tilespmem:s11+$0xFFFFFF80];
	[tilespmem:v26+s31+$0x0] =	vst.idx.msk $0xffff, v20  }
0x633: {  	v26 =	vadd.s32 v5, v15;
	v25 =	vld [tilespmem:s10+$0xFFFFFF60];
	[tilespmem:v62+s31+$0x0] =	vst.idx.msk $0xffff, v22  }
0x634: {  	[tilespmem:v24+s31+$0x0] =	vst.idx.msk $0xffff, v23;
	v24 =	vadd.s32 v5, v13;
	v23 =	vld [tilespmem:s10+$0xFFFFFFA0]  }
0x635: {  	[tilespmem:v63+s31+$0x0] =	vst.idx.msk $0xffff, v27;
	v19 =	vld [tilespmem:s11+$0xFFFFFFC0];
	v22 =	vadd.s32 v7, v21  }
0x636: {  	v20 =	vadd.s32 v6, v16;
	[tilespmem:v31+s31+$0x0] =	vst.idx.msk $0xffff, v29;
	v17 =	vld [tilespmem:s10+$0xFFFFFFF0]  }
0x637: {  	s8 =	simm.s32 $0x8;
	s13 =	simm.s32 $0xB;
	s12 =	simm.s32 $0xC;
	[tilespmem:v33+s31+$0x0] =	vst.idx.msk $0xffff, v32;
	v21 =	vadd.s32 v6, v12;
	v18 =	vld [tilespmem:s10+$0xFFFFFF30]  }
.LBB2_71:
0x638: {  	p0 =	slt.u32 s12, $0x7C;
	v27 =	vmov s13;
	[tilespmem:v26+s31+$0x0] =	vst.idx.msk $0xffff, v25;
	v25 =	vld [tilespmem:s11+$0xFFFFFF40];
	v26 =	vadd.s32 v7, v14;
	v14 =	vmov v12;
	s11 =	smov.u32 s10  }
0x639: {  	v12 =	vmov s8;
	v29 =	vadd.s32 v6, v15;
	s10 =	sadd.s32 $0x100, s10;
	v27 =	vand.u32 $0x7F, v27;
	v28 =	vld [tilespmem:s11+$0xFFFFFF70];
	[tilespmem:v24+s31+$0x0] =	vst.idx.msk $0xffff, v23  }
0x63a: {  	s13 =	sadd.s32 $0x1, s8;
	v12 =	vand.u32 $0x7C, v12;
	v23 =	vld [tilespmem:s10+$0xFFFFFFD0];
	v24 =	vadd.s32 v1, v27;
	[tilespmem:v22+s31+$0x0] =	vst.idx.msk $0xffff, v19  }
0x63b: {  	v30 =	vmov s13;
	s13 =	sadd.s32 $0x2, s8;
	s8 =	smov.u32 s12;
	v22 =	vadd.s32 v1, v12;
	v19 =	vld [tilespmem:s10+$0xFFFFFF10];
	[tilespmem:v20+s31+$0x0] =	vst.idx.msk $0xffff, v17  }
0x63c: {  	v17 =	vand.u32 $0x7D, v30;
	v20 =	vmov s13;
	[tilespmem:v21+s31+$0x0] =	vst.idx.msk $0xffff, v18;
	v18 =	vld [tilespmem:s11+$0x0];
	v21 =	vadd.s32 v7, v16;
	v16 =	vmovc v27  }
0x63d: {  	v30 =	vadd.s32 v1, v17;
	v20 =	vand.u32 $0x7E, v20;
	v27 =	vld [tilespmem:s10+$0xFFFFFF50];
	[tilespmem:v26+s31+$0x0] =	vst.idx.msk $0xffff, v25  }
0x63e: {  	v32 =	vadd.s32 v1, v20;
	v31 =	vld [tilespmem:s10+$0xFFFFFF90];
	[tilespmem:v29+s31+$0x0] =	vst.idx.msk $0xffff, v28  }
0x63f: {  	v29 =	vadd.s32 v6, v13;
	[tilespmem:v24+s31+$0x0] =	vst.idx.msk $0xffff, v23;
	v28 =	vld [tilespmem:s11+$0xFFFFFFB0]  }
0x640: {  	[tilespmem:v22+s31+$0x0] =	vst.idx.msk $0xffff, v19;
	v19 =	vld [tilespmem:s10+$0xFFFFFFE0];
	v22 =	vadd.s32 v5, v16  }
0x641: {  	v34 =	vadd.s32 v5, v12;
	v33 =	vld [tilespmem:s10+$0xFFFFFF20];
	[tilespmem:v21+s31+$0x0] =	vst.idx.msk $0xffff, v18  }
0x642: {  	[tilespmem:v30+s31+$0x0] =	vst.idx.msk $0xffff, v27;
	v27 =	vld [tilespmem:s11+$0xFFFFFF80];
	v30 =	vadd.s32 v7, v15;
	v15 =	vmov v17  }
.Ltmp34:
0x643: {  	v25 =	vld [tilespmem:s10+$0xFFFFFF60];
	v26 =	vadd.s32 v5, v15;
	[tilespmem:v32+s31+$0x0] =	vst.idx.msk $0xffff, v31;
	(pc) =	sbr.rel @p0 .LBB2_71-.Ltmp34, $4  }
0x644: {  	v24 =	vadd.s32 v5, v20;
	v23 =	vld [tilespmem:s10+$0xFFFFFFA0];
	[tilespmem:v29+s31+$0x0] =	vst.idx.msk $0xffff, v28  }
0x645: {  	[tilespmem:v22+s31+$0x0] =	vst.idx.msk $0xffff, v19;
	v19 =	vld [tilespmem:s11+$0xFFFFFFC0];
	v22 =	vadd.s32 v7, v13;
	v13 =	vmov v20  }
0x646: {  	v20 =	vadd.s32 v6, v16;
	[tilespmem:v34+s31+$0x0] =	vst.idx.msk $0xffff, v33;
	v17 =	vld [tilespmem:s10+$0xFFFFFFF0]  }
0x647: {  	s12 =	sadd.s32 $0x4, s12;
	s13 =	sadd.s32 $0x3, s8;
	v21 =	vadd.s32 v6, v12;
	v18 =	vld [tilespmem:s10+$0xFFFFFF30];
	[tilespmem:v30+s31+$0x0] =	vst.idx.msk $0xffff, v27  }
0x648: {  	_ =	sdelay $0x2  }
0x649: {  	v27 =	vmov s13  }
0x64a: {  	s12 =	sadd.s32 $0x1, s8;
	[tilespmem:v26+s31+$0x0] =	vst.idx.msk $0xffff, v25;
	v59 =	vld [tilespmem:s11+$0xFFFFFF40];
	v14 =	vadd.s32 v7, v14;
	s18 =	sadd.s32 $0x100, s10;
	v29 =	vmov s8;
	v60 =	vand.u32 $0x7F, v27  }
0x64b: {  	s19 =	sadd.s32 $0x2, s8;
	v61 =	vmov s12;
	[tilespmem:v24+s31+$0x0] =	vst.idx.msk $0xffff, v23;
	v62 =	vld [tilespmem:s18+$0xFFFFFFD0];
	v29 =	vand.u32 $0x7C, v29;
	v63 =	vadd.s32 v1, v60  }
0x64c: {  	v28 =	vmov s19;
	v30 =	vld [tilespmem:s18+$0xFFFFFF10];
	v27 =	vand.u32 $0x7D, v61;
	[tilespmem:v22+s31+$0x0] =	vst.idx.msk $0xffff, v19;
	v37 =	vadd.s32 v1, v29  }
0x64d: {  	v33 =	vld [tilespmem:s18+$0xFFFFFF50];
	v28 =	vand.u32 $0x7E, v28;
	v34 =	vadd.s32 v1, v27;
	[tilespmem:v20+s31+$0x0] =	vst.idx.msk $0xffff, v17  }
0x64e: {  	v35 =	vld [tilespmem:s18+$0xFFFFFF90];
	v36 =	vadd.s32 v1, v28;
	[tilespmem:v21+s31+$0x0] =	vst.idx.msk $0xffff, v18  }
0x64f: {  	v39 =	vadd.s32 v6, v15;
	v38 =	vld [tilespmem:s10+$0xFFFFFF70];
	[tilespmem:v14+s31+$0x0] =	vst.idx.msk $0xffff, v59  }
0x650: {  	v47 =	vadd.s32 v6, v13;
	v46 =	vld [tilespmem:s10+$0xFFFFFFB0];
	[tilespmem:v63+s31+$0x0] =	vst.idx.msk $0xffff, v62  }
0x651: {  	v41 =	vadd.s32 v5, v60;
	[tilespmem:v37+s31+$0x0] =	vst.idx.msk $0xffff, v30;
	v23 =	vld [tilespmem:s18+$0xFFFFFFE0]  }
0x652: {  	v45 =	vadd.s32 v5, v29;
	[tilespmem:v34+s31+$0x0] =	vst.idx.msk $0xffff, v33;
	v44 =	vld [tilespmem:s18+$0xFFFFFF20]  }
0x653: {  	v42 =	vadd.s32 v5, v27;
	[tilespmem:v36+s31+$0x0] =	vst.idx.msk $0xffff, v35;
	v19 =	vld [tilespmem:s18+$0xFFFFFF60]  }
0x654: {  	v43 =	vadd.s32 v5, v28;
	[tilespmem:v39+s31+$0x0] =	vst.idx.msk $0xffff, v38;
	v17 =	vld [tilespmem:s18+$0xFFFFFFA0]  }
0x655: {  	v16 =	vadd.s32 v7, v16;
	v40 =	vld [tilespmem:s10+$0x0];
	[tilespmem:v47+s31+$0x0] =	vst.idx.msk $0xffff, v46  }
0x656: {  	v12 =	vadd.s32 v7, v12;
	v57 =	vld [tilespmem:s10+$0xFFFFFF40];
	[tilespmem:v41+s31+$0x0] =	vst.idx.msk $0xffff, v23  }
0x657: {  	v50 =	vadd.s32 v6, v60;
	[tilespmem:v45+s31+$0x0] =	vst.idx.msk $0xffff, v44;
	v23 =	vld [tilespmem:s18+$0xFFFFFFF0]  }
0x658: {  	v55 =	vadd.s32 v6, v29;
	[tilespmem:v42+s31+$0x0] =	vst.idx.msk $0xffff, v19;
	v54 =	vld [tilespmem:s18+$0xFFFFFF30]  }
0x659: {  	v51 =	vadd.s32 v6, v27;
	[tilespmem:v43+s31+$0x0] =	vst.idx.msk $0xffff, v17;
	v19 =	vld [tilespmem:s18+$0xFFFFFF70]  }
0x65a: {  	v53 =	vadd.s32 v6, v28;
	[tilespmem:v16+s31+$0x0] =	vst.idx.msk $0xffff, v40;
	v52 =	vld [tilespmem:s18+$0xFFFFFFB0]  }
0x65b: {  	v49 =	vadd.s32 v7, v15;
	v48 =	vld [tilespmem:s10+$0xFFFFFF80];
	[tilespmem:v12+s31+$0x0] =	vst.idx.msk $0xffff, v57  }
0x65c: {  	v56 =	vadd.s32 v7, v13;
	v21 =	vld [tilespmem:s10+$0xFFFFFFC0];
	[tilespmem:v50+s31+$0x0] =	vst.idx.msk $0xffff, v23  }
0x65d: {  	v59 =	vadd.s32 v7, v60;
	[tilespmem:v55+s31+$0x0] =	vst.idx.msk $0xffff, v54;
	v58 =	vld [tilespmem:s18+$0x0]  }
0x65e: {  	v63 =	vadd.s32 v7, v29;
	[tilespmem:v51+s31+$0x0] =	vst.idx.msk $0xffff, v19;
	v62 =	vld [tilespmem:s18+$0xFFFFFF40]  }
0x65f: {  	v60 =	vadd.s32 v7, v27;
	[tilespmem:v53+s31+$0x0] =	vst.idx.msk $0xffff, v52;
	v19 =	vld [tilespmem:s18+$0xFFFFFF80]  }
0x660: {  	v61 =	vadd.s32 v7, v28;
	[tilespmem:v49+s31+$0x0] =	vst.idx.msk $0xffff, v48;
	v14 =	vld [tilespmem:s18+$0xFFFFFFC0]  }
0x661: {  	[tilespmem:v56+s31+$0x0] =	vst.idx.msk $0xffff, v21  }
0x662: {  	[tilespmem:v59+s31+$0x0] =	vst.idx.msk $0xffff, v58  }
0x663: {  	[tilespmem:v63+s31+$0x0] =	vst.idx.msk $0xffff, v62  }
0x664: {  	[tilespmem:v60+s31+$0x0] =	vst.idx.msk $0xffff, v19  }
0x665: {  	[tilespmem:v61+s31+$0x0] =	vst.idx.msk $0xffff, v14  }
0x666: {  	s10 =	rddreg [dreg:$0xa]  }
0x667: {  	s11 =	simm.s32 $0x12E00;
	s10 =	sadd.s32 s9, s10  }
0x668: {  	[hbm4b:s10+s2] =	stream.linear.scatter [tilespmem:s11], [sflag:$0x7], $0x80, $0x38;
	[tilespmem:$0x17200] =	vst v63  }
0x669: {  	s12 =	simm.s32 $0x12E88;
	s13 =	sadd.s32 $0x10, s10  }
0x66a: {  	[hbm4b:s13+s2] =	stream.linear.scatter [tilespmem:s12], [sflag:$0x7], $0x80, $0x38;
	[tilespmem:$0x17200] =	vst v63  }
0x66b: {  	s15 =	simm.s32 $0x12F10;
	s8 =	simm.s32 $0x440;
	s17 =	sadd.s32 $0x20, s10  }
0x66c: {  	[hbm4b:s17+s2] =	stream.linear.scatter [tilespmem:s15], [sflag:$0x7], $0x80, $0x38;
	[tilespmem:$0x17200] =	vst v63  }
0x66d: {  	s18 =	simm.s32 $0x12F98;
	s19 =	sadd.s32 $0x30, s10;
	s11 =	simm.s32 $0x2200  }
0x66e: {  	[hbm4b:s19+s2] =	stream.linear.scatter [tilespmem:s18], [sflag:$0x7], $0x80, $0x38;
	[tilespmem:$0x17200] =	vst v63  }
0x66f: {  	s12 =	simm.s32 $0x13020;
	s13 =	sadd.s32 $0x40, s10;
	s15 =	simm.s32 $0x130A8  }
0x670: {  	[hbm4b:s13+s2] =	stream.linear.scatter [tilespmem:s12], [sflag:$0x7], $0x80, $0x38;
	[tilespmem:$0x17200] =	vst v63  }
0x671: {  	s17 =	sadd.s32 $0x50, s10;
	s18 =	simm.s32 $0x13130;
	s19 =	sadd.s32 $0x60, s10  }
0x672: {  	[hbm4b:s17+s2] =	stream.linear.scatter [tilespmem:s15], [sflag:$0x7], $0x80, $0x38;
	[tilespmem:$0x17200] =	vst v63  }
0x673: {  	s12 =	simm.s32 $0x131B8;
	s13 =	sadd.s32 $0x70, s10;
	s10 =	sadd.s32 $0x4000, s10  }
0x674: {  	[hbm4b:s19+s2] =	stream.linear.scatter [tilespmem:s18], [sflag:$0x7], $0x80, $0x38;
	[tilespmem:$0x17200] =	vst v63  }
.LBB2_73:
0x675: {  	[hbm4b:s13+s2] =	stream.linear.scatter [tilespmem:s12], [sflag:$0x7], $0x80, $0x38;
	[tilespmem:$0x17200] =	vst v63  }
0x676: {  	s12 =	smov.u32 s8;
	s8 =	smov.u32 s11  }
0x677: {  	s15 =	sadd.s32 $0x1100, s11;
	s8 =	sshra.s32 s8, $0x2;
	s13 =	sadd.s32 $0x12E00, s12  }
0x678: {  	[hbm4b:s10+s2] =	stream.linear.scatter [tilespmem:s13], [sflag:$0x7], $0x80, $0x38;
	[tilespmem:$0x17200] =	vst v63  }
0x679: {  	p0 =	sne.s32 s11, $0x7700;
	s11 =	sadd.s32 $0x12E88, s12;
	s13 =	sadd.s32 $0x10, s10  }
0x67a: {  	[hbm4b:s13+s2] =	stream.linear.scatter [tilespmem:s11], [sflag:$0x7], $0x80, $0x38;
	[tilespmem:$0x17200] =	vst v63  }
0x67b: {  	s11 =	sadd.s32 $0x12F10, s12;
	s13 =	sadd.s32 $0x20, s10  }
0x67c: {  	[hbm4b:s13+s2] =	stream.linear.scatter [tilespmem:s11], [sflag:$0x7], $0x80, $0x38;
	[tilespmem:$0x17200] =	vst v63  }
0x67d: {  	s11 =	sadd.s32 $0x12F98, s12;
	s13 =	sadd.s32 $0x30, s10  }
0x67e: {  	[hbm4b:s13+s2] =	stream.linear.scatter [tilespmem:s11], [sflag:$0x7], $0x80, $0x38;
	[tilespmem:$0x17200] =	vst v63  }
0x67f: {  	s11 =	sadd.s32 $0x13020, s12;
	s13 =	sadd.s32 $0x40, s10  }
0x680: {  	[hbm4b:s13+s2] =	stream.linear.scatter [tilespmem:s11], [sflag:$0x7], $0x80, $0x38;
	[tilespmem:$0x17200] =	vst v63  }
.Ltmp35:
0x681: {  	s11 =	sadd.s32 $0x130A8, s12;
	s13 =	sadd.s32 $0x50, s10;
	(pc) =	sbr.rel @p0 .LBB2_73-.Ltmp35, $4  }
0x682: {  	[hbm4b:s13+s2] =	stream.linear.scatter [tilespmem:s11], [sflag:$0x7], $0x80, $0x38;
	[tilespmem:$0x17200] =	vst v63  }
0x683: {  	s11 =	sadd.s32 $0x13130, s12;
	s13 =	sadd.s32 $0x60, s10;
	s12 =	sadd.s32 $0x131B8, s12  }
0x684: {  	[hbm4b:s13+s2] =	stream.linear.scatter [tilespmem:s11], [sflag:$0x7], $0x80, $0x38;
	[tilespmem:$0x17200] =	vst v63  }
0x685: {  	s13 =	sadd.s32 $0x70, s10;
	s10 =	sadd.s32 $0x4000, s10;
	s11 =	smov.u32 s15  }
0x686: {  	[hbm4b:s13+s2] =	stream.linear.scatter [tilespmem:s12], [sflag:$0x7], $0x80, $0x38;
	[tilespmem:$0x17200] =	vst v63  }
0x687: {  	s11 =	sadd.s32 $0x12E00, s8  }
0x688: {  	[hbm4b:s10+s2] =	stream.linear.scatter [tilespmem:s11], [sflag:$0x7], $0x80, $0x38;
	[tilespmem:$0x17200] =	vst v63  }
0x689: {  	s15 =	sadd.s32 $0x12E88, s8;
	s17 =	sadd.s32 $0x10, s10  }
0x68a: {  	[hbm4b:s17+s2] =	stream.linear.scatter [tilespmem:s15], [sflag:$0x7], $0x80, $0x38;
	[tilespmem:$0x17200] =	vst v63  }
0x68b: {  	s18 =	sadd.s32 $0x12F10, s8;
	s19 =	sadd.s32 $0x20, s10  }
0x68c: {  	[hbm4b:s19+s2] =	stream.linear.scatter [tilespmem:s18], [sflag:$0x7], $0x80, $0x38;
	[tilespmem:$0x17200] =	vst v63  }
0x68d: {  	s12 =	sadd.s32 $0x12F98, s8;
	s13 =	sadd.s32 $0x30, s10  }
0x68e: {  	[hbm4b:s13+s2] =	stream.linear.scatter [tilespmem:s12], [sflag:$0x7], $0x80, $0x38;
	[tilespmem:$0x17200] =	vst v63  }
0x68f: {  	s15 =	sadd.s32 $0x13020, s8;
	s17 =	sadd.s32 $0x40, s10  }
0x690: {  	[hbm4b:s17+s2] =	stream.linear.scatter [tilespmem:s15], [sflag:$0x7], $0x80, $0x38;
	[tilespmem:$0x17200] =	vst v63  }
0x691: {  	s18 =	sadd.s32 $0x130A8, s8;
	s19 =	sadd.s32 $0x50, s10  }
0x692: {  	[hbm4b:s19+s2] =	stream.linear.scatter [tilespmem:s18], [sflag:$0x7], $0x80, $0x38;
	[tilespmem:$0x17200] =	vst v63  }
0x693: {  	s13 =	sadd.s32 $0x13130, s8;
	s15 =	sadd.s32 $0x60, s10  }
0x694: {  	[hbm4b:s15+s2] =	stream.linear.scatter [tilespmem:s13], [sflag:$0x7], $0x80, $0x38;
	[tilespmem:$0x17200] =	vst v63  }
0x695: {  	s17 =	sadd.s32 $0x131B8, s8;
	s18 =	sadd.s32 $0x70, s10  }
0x696: {  	[hbm4b:s18+s2] =	stream.linear.scatter [tilespmem:s17], [sflag:$0x7], $0x80, $0x38;
	[tilespmem:$0x17200] =	vst v63  }
0x697: {  	_ =	swait.ge [sflag:s0], $0x2000  }
0x698: {  	[sflag:s0] =	ssyncset.done $0x0  }
0x699: {  	[sflag:s0] =	ssyncadd.s32 $0xFFFFE000  }
0x69a: {  	s19 =	simm.s32 $0x3;
	_ =	swait.ge [sflag:s7], $0x2000  }
0x69b: {  	s10 =	simm.s32 $0x0;
	v12 =	vmov s19;
	[sflag:s7] =	ssyncset.done $0x0  }
0x69c: {  	s11 =	simm.s32 $0xCAF0;
	s12 =	simm.s32 $0x1;
	v13 =	vand.u32 $0x7F, v12;
	v12 =	vmov s10;
	[sflag:s7] =	ssyncadd.s32 $0xFFFFE000  }
0x69d: {  	v16 =	vadd.s32 v1, v13;
	v14 =	vand.u32 $0x7C, v12;
	v12 =	vmov s12;
	v15 =	vld [tilespmem:s11+$0xFFFFFFD0]  }
0x69e: {  	v18 =	vadd.s32 v1, v14;
	v19 =	vand.u32 $0x7D, v12;
	v17 =	vld [tilespmem:s11+$0xFFFFFF10]  }
0x69f: {  	s13 =	simm.s32 $0x2;
	v20 =	vadd.s32 v1, v19;
	v12 =	vld [tilespmem:s11+$0xFFFFFF50]  }
0x6a0: {  	v21 =	vmov s13  }
0x6a1: {  	v21 =	vand.u32 $0x7E, v21  }
0x6a2: {  	v23 =	vadd.s32 v1, v21;
	v22 =	vld [tilespmem:s11+$0xFFFFFF90];
	[tilespmem:v16+s3+$0x0] =	vst.idx.msk $0xffff, v15  }
0x6a3: {  	v16 =	vadd.s32 v5, v13;
	[tilespmem:v18+s3+$0x0] =	vst.idx.msk $0xffff, v17;
	v15 =	vld [tilespmem:s11+$0xFFFFFFE0]  }
0x6a4: {  	v18 =	vadd.s32 v5, v14;
	[tilespmem:v20+s3+$0x0] =	vst.idx.msk $0xffff, v12;
	v17 =	vld [tilespmem:s11+$0xFFFFFF20]  }
0x6a5: {  	v20 =	vadd.s32 v5, v19;
	v12 =	vld [tilespmem:s11+$0xFFFFFF60];
	_ =	sdelay $0x1  }
0x6a6: {  	[tilespmem:v23+s3+$0x0] =	vst.idx.msk $0xffff, v22  }
0x6a7: {  	v24 =	vadd.s32 v5, v21;
	v23 =	vld [tilespmem:s11+$0xFFFFFFA0];
	[tilespmem:v16+s3+$0x0] =	vst.idx.msk $0xffff, v15  }
0x6a8: {  	s15 =	simm.s32 $0x7;
	v22 =	vadd.s32 v6, v13;
	[tilespmem:v18+s3+$0x0] =	vst.idx.msk $0xffff, v17;
	v15 =	vld [tilespmem:s11+$0xFFFFFFF0]  }
0x6a9: {  	v18 =	vadd.s32 v6, v14;
	v16 =	vmov s15;
	[tilespmem:v20+s3+$0x0] =	vst.idx.msk $0xffff, v12;
	v17 =	vld [tilespmem:s11+$0xFFFFFF30]  }
0x6aa: {  	s10 =	simm.s32 $0xCBF0;
	v25 =	vadd.s32 v6, v19;
	v16 =	vand.u32 $0x7F, v16;
	v20 =	vld [tilespmem:s11+$0xFFFFFF70]  }
0x6ab: {  	s17 =	simm.s32 $0x4;
	v26 =	vld [tilespmem:s10+$0xFFFFFFD0];
	v27 =	vadd.s32 v1, v16  }
0x6ac: {  	s18 =	simm.s32 $0x5;
	v12 =	vmov s17;
	[tilespmem:v24+s3+$0x0] =	vst.idx.msk $0xffff, v23  }
0x6ad: {  	v30 =	vmov s18;
	v12 =	vand.u32 $0x7C, v12;
	[tilespmem:v22+s3+$0x0] =	vst.idx.msk $0xffff, v15  }
0x6ae: {  	s19 =	simm.s32 $0x6;
	v28 =	vld [tilespmem:s10+$0xFFFFFF10];
	v29 =	vadd.s32 v1, v12;
	v15 =	vand.u32 $0x7D, v30;
	[tilespmem:v18+s3+$0x0] =	vst.idx.msk $0xffff, v17  }
0x6af: {  	v22 =	vmov s19;
	v17 =	vld [tilespmem:s10+$0xFFFFFF50];
	[tilespmem:v25+s3+$0x0] =	vst.idx.msk $0xffff, v20;
	v18 =	vadd.s32 v1, v15  }
0x6b0: {  	v24 =	vadd.s32 v7, v13;
	v20 =	vld [tilespmem:s11+$0xFFFFFFB0];
	v13 =	vand.u32 $0x7E, v22;
	[tilespmem:v27+s3+$0x0] =	vst.idx.msk $0xffff, v26;
	v26 =	vadd.s32 v6, v21  }
0x6b1: {  	v22 =	vld [tilespmem:s10+$0xFFFFFF90];
	v62 =	vadd.s32 v1, v13  }
0x6b2: {  	v23 =	vld [tilespmem:s11+$0x0]  }
0x6b3: {  	v63 =	vadd.s32 v5, v16;
	[tilespmem:v29+s3+$0x0] =	vst.idx.msk $0xffff, v28;
	v27 =	vld [tilespmem:s10+$0xFFFFFFE0]  }
0x6b4: {  	v31 =	vadd.s32 v5, v12;
	v29 =	vld [tilespmem:s10+$0xFFFFFF20];
	[tilespmem:v18+s3+$0x0] =	vst.idx.msk $0xffff, v17  }
0x6b5: {  	v33 =	vadd.s32 v7, v19;
	v32 =	vld [tilespmem:s11+$0xFFFFFF80];
	[tilespmem:v26+s3+$0x0] =	vst.idx.msk $0xffff, v20  }
0x6b6: {  	v26 =	vadd.s32 v5, v15;
	v25 =	vld [tilespmem:s10+$0xFFFFFF60];
	[tilespmem:v62+s3+$0x0] =	vst.idx.msk $0xffff, v22  }
0x6b7: {  	[tilespmem:v24+s3+$0x0] =	vst.idx.msk $0xffff, v23;
	v24 =	vadd.s32 v5, v13;
	v23 =	vld [tilespmem:s10+$0xFFFFFFA0]  }
0x6b8: {  	[tilespmem:v63+s3+$0x0] =	vst.idx.msk $0xffff, v27;
	v19 =	vld [tilespmem:s11+$0xFFFFFFC0];
	v22 =	vadd.s32 v7, v21  }
0x6b9: {  	v20 =	vadd.s32 v6, v16;
	[tilespmem:v31+s3+$0x0] =	vst.idx.msk $0xffff, v29;
	v17 =	vld [tilespmem:s10+$0xFFFFFFF0]  }
0x6ba: {  	s8 =	simm.s32 $0x8;
	s13 =	simm.s32 $0xB;
	s12 =	simm.s32 $0xC;
	[tilespmem:v33+s3+$0x0] =	vst.idx.msk $0xffff, v32;
	v21 =	vadd.s32 v6, v12;
	v18 =	vld [tilespmem:s10+$0xFFFFFF30]  }
.LBB2_75:
0x6bb: {  	p0 =	slt.u32 s12, $0x7C;
	v27 =	vmov s13;
	[tilespmem:v26+s3+$0x0] =	vst.idx.msk $0xffff, v25;
	v25 =	vld [tilespmem:s11+$0xFFFFFF40];
	v26 =	vadd.s32 v7, v14;
	v14 =	vmov v12;
	s11 =	smov.u32 s10  }
0x6bc: {  	v12 =	vmov s8;
	v29 =	vadd.s32 v6, v15;
	s10 =	sadd.s32 $0x100, s10;
	v27 =	vand.u32 $0x7F, v27;
	v28 =	vld [tilespmem:s11+$0xFFFFFF70];
	[tilespmem:v24+s3+$0x0] =	vst.idx.msk $0xffff, v23  }
0x6bd: {  	s13 =	sadd.s32 $0x1, s8;
	v12 =	vand.u32 $0x7C, v12;
	v23 =	vld [tilespmem:s10+$0xFFFFFFD0];
	v24 =	vadd.s32 v1, v27;
	[tilespmem:v22+s3+$0x0] =	vst.idx.msk $0xffff, v19  }
0x6be: {  	v30 =	vmov s13;
	s13 =	sadd.s32 $0x2, s8;
	s8 =	smov.u32 s12;
	v22 =	vadd.s32 v1, v12;
	v19 =	vld [tilespmem:s10+$0xFFFFFF10];
	[tilespmem:v20+s3+$0x0] =	vst.idx.msk $0xffff, v17  }
0x6bf: {  	v17 =	vand.u32 $0x7D, v30;
	v20 =	vmov s13;
	[tilespmem:v21+s3+$0x0] =	vst.idx.msk $0xffff, v18;
	v18 =	vld [tilespmem:s11+$0x0];
	v21 =	vadd.s32 v7, v16;
	v16 =	vmovc v27  }
0x6c0: {  	v30 =	vadd.s32 v1, v17;
	v20 =	vand.u32 $0x7E, v20;
	v27 =	vld [tilespmem:s10+$0xFFFFFF50];
	[tilespmem:v26+s3+$0x0] =	vst.idx.msk $0xffff, v25  }
0x6c1: {  	v32 =	vadd.s32 v1, v20;
	v31 =	vld [tilespmem:s10+$0xFFFFFF90];
	[tilespmem:v29+s3+$0x0] =	vst.idx.msk $0xffff, v28  }
0x6c2: {  	v29 =	vadd.s32 v6, v13;
	[tilespmem:v24+s3+$0x0] =	vst.idx.msk $0xffff, v23;
	v28 =	vld [tilespmem:s11+$0xFFFFFFB0]  }
0x6c3: {  	[tilespmem:v22+s3+$0x0] =	vst.idx.msk $0xffff, v19;
	v19 =	vld [tilespmem:s10+$0xFFFFFFE0];
	v22 =	vadd.s32 v5, v16  }
0x6c4: {  	v34 =	vadd.s32 v5, v12;
	v33 =	vld [tilespmem:s10+$0xFFFFFF20];
	[tilespmem:v21+s3+$0x0] =	vst.idx.msk $0xffff, v18  }
0x6c5: {  	[tilespmem:v30+s3+$0x0] =	vst.idx.msk $0xffff, v27;
	v27 =	vld [tilespmem:s11+$0xFFFFFF80];
	v30 =	vadd.s32 v7, v15;
	v15 =	vmov v17  }
.Ltmp36:
0x6c6: {  	v25 =	vld [tilespmem:s10+$0xFFFFFF60];
	v26 =	vadd.s32 v5, v15;
	[tilespmem:v32+s3+$0x0] =	vst.idx.msk $0xffff, v31;
	(pc) =	sbr.rel @p0 .LBB2_75-.Ltmp36, $4  }
0x6c7: {  	v24 =	vadd.s32 v5, v20;
	v23 =	vld [tilespmem:s10+$0xFFFFFFA0];
	[tilespmem:v29+s3+$0x0] =	vst.idx.msk $0xffff, v28  }
0x6c8: {  	[tilespmem:v22+s3+$0x0] =	vst.idx.msk $0xffff, v19;
	v19 =	vld [tilespmem:s11+$0xFFFFFFC0];
	v22 =	vadd.s32 v7, v13;
	v13 =	vmov v20  }
0x6c9: {  	v20 =	vadd.s32 v6, v16;
	[tilespmem:v34+s3+$0x0] =	vst.idx.msk $0xffff, v33;
	v17 =	vld [tilespmem:s10+$0xFFFFFFF0]  }
0x6ca: {  	s12 =	sadd.s32 $0x4, s12;
	s13 =	sadd.s32 $0x3, s8;
	v21 =	vadd.s32 v6, v12;
	v18 =	vld [tilespmem:s10+$0xFFFFFF30];
	[tilespmem:v30+s3+$0x0] =	vst.idx.msk $0xffff, v27  }
0x6cb: {  	_ =	sdelay $0x2  }
0x6cc: {  	v27 =	vmov s13  }
0x6cd: {  	s12 =	sadd.s32 $0x1, s8;
	[tilespmem:v26+s3+$0x0] =	vst.idx.msk $0xffff, v25;
	v59 =	vld [tilespmem:s11+$0xFFFFFF40];
	v14 =	vadd.s32 v7, v14;
	s18 =	sadd.s32 $0x100, s10;
	v29 =	vmov s8;
	v60 =	vand.u32 $0x7F, v27  }
0x6ce: {  	s19 =	sadd.s32 $0x2, s8;
	v61 =	vmov s12;
	[tilespmem:v24+s3+$0x0] =	vst.idx.msk $0xffff, v23;
	v62 =	vld [tilespmem:s18+$0xFFFFFFD0];
	v29 =	vand.u32 $0x7C, v29;
	v63 =	vadd.s32 v1, v60  }
0x6cf: {  	v28 =	vmov s19;
	v30 =	vld [tilespmem:s18+$0xFFFFFF10];
	v27 =	vand.u32 $0x7D, v61;
	[tilespmem:v22+s3+$0x0] =	vst.idx.msk $0xffff, v19;
	v37 =	vadd.s32 v1, v29  }
0x6d0: {  	v33 =	vld [tilespmem:s18+$0xFFFFFF50];
	v28 =	vand.u32 $0x7E, v28;
	v34 =	vadd.s32 v1, v27;
	[tilespmem:v20+s3+$0x0] =	vst.idx.msk $0xffff, v17  }
0x6d1: {  	v35 =	vld [tilespmem:s18+$0xFFFFFF90];
	v36 =	vadd.s32 v1, v28;
	[tilespmem:v21+s3+$0x0] =	vst.idx.msk $0xffff, v18  }
0x6d2: {  	v39 =	vadd.s32 v6, v15;
	v38 =	vld [tilespmem:s10+$0xFFFFFF70];
	[tilespmem:v14+s3+$0x0] =	vst.idx.msk $0xffff, v59  }
0x6d3: {  	v47 =	vadd.s32 v6, v13;
	v46 =	vld [tilespmem:s10+$0xFFFFFFB0];
	[tilespmem:v63+s3+$0x0] =	vst.idx.msk $0xffff, v62  }
0x6d4: {  	v41 =	vadd.s32 v5, v60;
	[tilespmem:v37+s3+$0x0] =	vst.idx.msk $0xffff, v30;
	v23 =	vld [tilespmem:s18+$0xFFFFFFE0]  }
0x6d5: {  	v45 =	vadd.s32 v5, v29;
	[tilespmem:v34+s3+$0x0] =	vst.idx.msk $0xffff, v33;
	v44 =	vld [tilespmem:s18+$0xFFFFFF20]  }
0x6d6: {  	v42 =	vadd.s32 v5, v27;
	[tilespmem:v36+s3+$0x0] =	vst.idx.msk $0xffff, v35;
	v19 =	vld [tilespmem:s18+$0xFFFFFF60]  }
0x6d7: {  	v43 =	vadd.s32 v5, v28;
	[tilespmem:v39+s3+$0x0] =	vst.idx.msk $0xffff, v38;
	v17 =	vld [tilespmem:s18+$0xFFFFFFA0]  }
0x6d8: {  	v16 =	vadd.s32 v7, v16;
	v40 =	vld [tilespmem:s10+$0x0];
	[tilespmem:v47+s3+$0x0] =	vst.idx.msk $0xffff, v46  }
0x6d9: {  	v12 =	vadd.s32 v7, v12;
	v57 =	vld [tilespmem:s10+$0xFFFFFF40];
	[tilespmem:v41+s3+$0x0] =	vst.idx.msk $0xffff, v23  }
0x6da: {  	v50 =	vadd.s32 v6, v60;
	[tilespmem:v45+s3+$0x0] =	vst.idx.msk $0xffff, v44;
	v23 =	vld [tilespmem:s18+$0xFFFFFFF0]  }
0x6db: {  	v55 =	vadd.s32 v6, v29;
	[tilespmem:v42+s3+$0x0] =	vst.idx.msk $0xffff, v19;
	v54 =	vld [tilespmem:s18+$0xFFFFFF30]  }
0x6dc: {  	v51 =	vadd.s32 v6, v27;
	[tilespmem:v43+s3+$0x0] =	vst.idx.msk $0xffff, v17;
	v19 =	vld [tilespmem:s18+$0xFFFFFF70]  }
0x6dd: {  	v53 =	vadd.s32 v6, v28;
	[tilespmem:v16+s3+$0x0] =	vst.idx.msk $0xffff, v40;
	v52 =	vld [tilespmem:s18+$0xFFFFFFB0]  }
0x6de: {  	v49 =	vadd.s32 v7, v15;
	v48 =	vld [tilespmem:s10+$0xFFFFFF80];
	[tilespmem:v12+s3+$0x0] =	vst.idx.msk $0xffff, v57  }
0x6df: {  	v56 =	vadd.s32 v7, v13;
	v21 =	vld [tilespmem:s10+$0xFFFFFFC0];
	[tilespmem:v50+s3+$0x0] =	vst.idx.msk $0xffff, v23  }
0x6e0: {  	v59 =	vadd.s32 v7, v60;
	[tilespmem:v55+s3+$0x0] =	vst.idx.msk $0xffff, v54;
	v58 =	vld [tilespmem:s18+$0x0]  }
0x6e1: {  	v63 =	vadd.s32 v7, v29;
	[tilespmem:v51+s3+$0x0] =	vst.idx.msk $0xffff, v19;
	v62 =	vld [tilespmem:s18+$0xFFFFFF40]  }
0x6e2: {  	v60 =	vadd.s32 v7, v27;
	[tilespmem:v53+s3+$0x0] =	vst.idx.msk $0xffff, v52;
	v19 =	vld [tilespmem:s18+$0xFFFFFF80]  }
0x6e3: {  	v61 =	vadd.s32 v7, v28;
	[tilespmem:v49+s3+$0x0] =	vst.idx.msk $0xffff, v48;
	v14 =	vld [tilespmem:s18+$0xFFFFFFC0]  }
0x6e4: {  	[tilespmem:v56+s3+$0x0] =	vst.idx.msk $0xffff, v21  }
0x6e5: {  	[tilespmem:v59+s3+$0x0] =	vst.idx.msk $0xffff, v58  }
0x6e6: {  	[tilespmem:v63+s3+$0x0] =	vst.idx.msk $0xffff, v62  }
0x6e7: {  	[tilespmem:v60+s3+$0x0] =	vst.idx.msk $0xffff, v19  }
0x6e8: {  	[tilespmem:v61+s3+$0x0] =	vst.idx.msk $0xffff, v14  }
0x6e9: {  	s12 =	rddreg [dreg:$0xb]  }
0x6ea: {  	s13 =	simm.s32 $0x15000;
	s9 =	sadd.s32 s9, s12  }
0x6eb: {  	[hbm4b:s9+s2] =	stream.linear.scatter [tilespmem:s13], [sflag:$0x8], $0x80, $0x38;
	[tilespmem:$0x17200] =	vst v63  }
0x6ec: {  	s15 =	simm.s32 $0x15088;
	s17 =	sadd.s32 $0x10, s9  }
0x6ed: {  	[hbm4b:s17+s2] =	stream.linear.scatter [tilespmem:s15], [sflag:$0x8], $0x80, $0x38;
	[tilespmem:$0x17200] =	vst v63  }
0x6ee: {  	s8 =	simm.s32 $0x440;
	s18 =	simm.s32 $0x15110;
	s19 =	sadd.s32 $0x20, s9  }
0x6ef: {  	[hbm4b:s19+s2] =	stream.linear.scatter [tilespmem:s18], [sflag:$0x8], $0x80, $0x38;
	[tilespmem:$0x17200] =	vst v63  }
0x6f0: {  	s10 =	simm.s32 $0x15198;
	s12 =	simm.s32 $0x15220;
	s11 =	sadd.s32 $0x30, s9  }
0x6f1: {  	[hbm4b:s11+s2] =	stream.linear.scatter [tilespmem:s10], [sflag:$0x8], $0x80, $0x38;
	[tilespmem:$0x17200] =	vst v63  }
0x6f2: {  	s13 =	sadd.s32 $0x40, s9;
	s15 =	simm.s32 $0x152A8;
	s17 =	sadd.s32 $0x50, s9  }
0x6f3: {  	[hbm4b:s13+s2] =	stream.linear.scatter [tilespmem:s12], [sflag:$0x8], $0x80, $0x38;
	[tilespmem:$0x17200] =	vst v63  }
0x6f4: {  	s18 =	simm.s32 $0x15330;
	s19 =	sadd.s32 $0x60, s9;
	s10 =	simm.s32 $0x2200  }
0x6f5: {  	[hbm4b:s17+s2] =	stream.linear.scatter [tilespmem:s15], [sflag:$0x8], $0x80, $0x38;
	[tilespmem:$0x17200] =	vst v63  }
0x6f6: {  	s11 =	simm.s32 $0x153B8;
	s12 =	sadd.s32 $0x70, s9;
	s9 =	sadd.s32 $0x4000, s9  }
0x6f7: {  	[hbm4b:s19+s2] =	stream.linear.scatter [tilespmem:s18], [sflag:$0x8], $0x80, $0x38;
	[tilespmem:$0x17200] =	vst v63  }
.LBB2_77:
0x6f8: {  	[hbm4b:s12+s2] =	stream.linear.scatter [tilespmem:s11], [sflag:$0x8], $0x80, $0x38;
	[tilespmem:$0x17200] =	vst v63  }
0x6f9: {  	s11 =	smov.u32 s8;
	s8 =	smov.u32 s10  }
0x6fa: {  	s13 =	sadd.s32 $0x1100, s10;
	s8 =	sshra.s32 s8, $0x2;
	s12 =	sadd.s32 $0x15000, s11  }
0x6fb: {  	[hbm4b:s9+s2] =	stream.linear.scatter [tilespmem:s12], [sflag:$0x8], $0x80, $0x38;
	[tilespmem:$0x17200] =	vst v63  }
0x6fc: {  	p0 =	sne.s32 s10, $0x7700;
	s10 =	sadd.s32 $0x15088, s11;
	s12 =	sadd.s32 $0x10, s9  }
0x6fd: {  	[hbm4b:s12+s2] =	stream.linear.scatter [tilespmem:s10], [sflag:$0x8], $0x80, $0x38;
	[tilespmem:$0x17200] =	vst v63  }
0x6fe: {  	s10 =	sadd.s32 $0x15110, s11;
	s12 =	sadd.s32 $0x20, s9  }
0x6ff: {  	[hbm4b:s12+s2] =	stream.linear.scatter [tilespmem:s10], [sflag:$0x8], $0x80, $0x38;
	[tilespmem:$0x17200] =	vst v63  }
0x700: {  	s10 =	sadd.s32 $0x15198, s11;
	s12 =	sadd.s32 $0x30, s9  }
0x701: {  	[hbm4b:s12+s2] =	stream.linear.scatter [tilespmem:s10], [sflag:$0x8], $0x80, $0x38;
	[tilespmem:$0x17200] =	vst v63  }
0x702: {  	s10 =	sadd.s32 $0x15220, s11;
	s12 =	sadd.s32 $0x40, s9  }
0x703: {  	[hbm4b:s12+s2] =	stream.linear.scatter [tilespmem:s10], [sflag:$0x8], $0x80, $0x38;
	[tilespmem:$0x17200] =	vst v63  }
.Ltmp37:
0x704: {  	s10 =	sadd.s32 $0x152A8, s11;
	s12 =	sadd.s32 $0x50, s9;
	(pc) =	sbr.rel @p0 .LBB2_77-.Ltmp37, $4  }
0x705: {  	[hbm4b:s12+s2] =	stream.linear.scatter [tilespmem:s10], [sflag:$0x8], $0x80, $0x38;
	[tilespmem:$0x17200] =	vst v63  }
0x706: {  	s10 =	sadd.s32 $0x15330, s11;
	s12 =	sadd.s32 $0x60, s9;
	s11 =	sadd.s32 $0x153B8, s11  }
0x707: {  	[hbm4b:s12+s2] =	stream.linear.scatter [tilespmem:s10], [sflag:$0x8], $0x80, $0x38;
	[tilespmem:$0x17200] =	vst v63  }
0x708: {  	s12 =	sadd.s32 $0x70, s9;
	s9 =	sadd.s32 $0x4000, s9;
	s10 =	smov.u32 s13  }
0x709: {  	[hbm4b:s12+s2] =	stream.linear.scatter [tilespmem:s11], [sflag:$0x8], $0x80, $0x38;
	[tilespmem:$0x17200] =	vst v63  }
0x70a: {  	s10 =	sadd.s32 $0x15000, s8  }
0x70b: {  	[hbm4b:s9+s2] =	stream.linear.scatter [tilespmem:s10], [sflag:$0x8], $0x80, $0x38;
	[tilespmem:$0x17200] =	vst v63  }
0x70c: {  	s18 =	sadd.s32 $0x15088, s8;
	s19 =	sadd.s32 $0x10, s9  }
0x70d: {  	[hbm4b:s19+s2] =	stream.linear.scatter [tilespmem:s18], [sflag:$0x8], $0x80, $0x38;
	[tilespmem:$0x17200] =	vst v63  }
0x70e: {  	s12 =	sadd.s32 $0x15110, s8;
	s13 =	sadd.s32 $0x20, s9  }
0x70f: {  	[hbm4b:s13+s2] =	stream.linear.scatter [tilespmem:s12], [sflag:$0x8], $0x80, $0x38;
	[tilespmem:$0x17200] =	vst v63  }
0x710: {  	s15 =	sadd.s32 $0x15198, s8;
	s17 =	sadd.s32 $0x30, s9  }
0x711: {  	[hbm4b:s17+s2] =	stream.linear.scatter [tilespmem:s15], [sflag:$0x8], $0x80, $0x38;
	[tilespmem:$0x17200] =	vst v63  }
0x712: {  	s18 =	sadd.s32 $0x15220, s8;
	s19 =	sadd.s32 $0x40, s9  }
0x713: {  	[hbm4b:s19+s2] =	stream.linear.scatter [tilespmem:s18], [sflag:$0x8], $0x80, $0x38;
	[tilespmem:$0x17200] =	vst v63  }
0x714: {  	s11 =	sadd.s32 $0x152A8, s8;
	s12 =	sadd.s32 $0x50, s9  }
0x715: {  	[hbm4b:s12+s2] =	stream.linear.scatter [tilespmem:s11], [sflag:$0x8], $0x80, $0x38;
	[tilespmem:$0x17200] =	vst v63  }
0x716: {  	s13 =	sadd.s32 $0x15330, s8;
	s15 =	sadd.s32 $0x60, s9  }
0x717: {  	[hbm4b:s15+s2] =	stream.linear.scatter [tilespmem:s13], [sflag:$0x8], $0x80, $0x38;
	[tilespmem:$0x17200] =	vst v63  }
0x718: {  	s17 =	sadd.s32 $0x153B8, s8;
	s18 =	sadd.s32 $0x70, s9  }
0x719: {  	[hbm4b:s18+s2] =	stream.linear.scatter [tilespmem:s17], [sflag:$0x8], $0x80, $0x38;
	[tilespmem:$0x17200] =	vst v63  }
0x71a: {  	_ =	swait.ge [sflag:s14], $0x2000  }
0x71b: {  	[sflag:s14] =	ssyncset.done $0x0  }
0x71c: {  	[sflag:s14] =	ssyncadd.s32 $0xFFFFE000  }
0x71d: {  	_ =	swait.ge [sflag:s4], $0x2000  }
0x71e: {  	[sflag:s4] =	ssyncset.done $0x0  }
0x71f: {  	[sflag:s4] =	ssyncadd.s32 $0xFFFFE000  }
0x720: {  	_ =	swait.ge [sflag:s6], $0x2000  }
0x721: {  	[sflag:s6] =	ssyncset.done $0x0  }
0x722: {  	[sflag:s6] =	ssyncadd.s32 $0xFFFFE000  }
0x723: {  	_ =	swait.ge [sflag:s7], $0x2000  }
0x724: {  	s19 =	rddreg [dreg:$0xe]  }
0x725: {  	s9 =	sadd.s32 $0x1, s19  }
0x726: {  	p0 =	sne.s32 s9, $0x4  }
.Ltmp38:
0x727: {  	_ = 	snop;
	(pc) =	sbr.rel @p0 .LBB2_2-.Ltmp38, $3  }
0x728: {  	_ =	sdelay $0x1  }
0x729: {  	[sflag:s7] =	ssyncset.done $0x0  }
0x72a: {  	[sflag:s7] =	ssyncadd.s32 $0xFFFFE000  }
0x72b: {  	s9 =	rddreg [dreg:$0xd]  }
0x72c: {  	s8 =	rddreg [dreg:$0xc];
	s9 =	sadd.s32 $0x1, s9  }
0x72d: {  	p0 =	sne.s32 s9, s8  }
.Ltmp39:
0x72e: {  	_ = 	snop;
	(pc) =	sbr.rel @p0 .LBB2_1-.Ltmp39, $1  }
0x72f: {  	_ =	sdelay $0x3  }
0x730: {  	_ =	sfence.sel $0x180000  }
0x731: {  	[bflag:$0x0] =	sbarrier.arrive $0xFFFF  }
0x732: {  	_ =	strace $0x90000047  }
0x733: {  	s0 =	stileid.u32;
	[bflag:$0x2] =	sbarrier.arrive $0xFFFF  }
0x734: {  	p0 =	sne.s32 s0, $0x0;
	s0 =	rddreg [dreg:$0x2]  }
0x735: {  	s0 =	sadd.s32 @!p0 $0x100000, s0  }
0x736: {  	[sflag:s0] =	ssyncadd.tile.s32 @!p0 $0x1;
	_ =	shalt  }
.Lfunc_end2:
_tile_overlayer_lowered:
.L_overlay_start_2:
0x737: {  	(tag) =	ssettag $0x2  }
0x738: {  	s0 =	rddreg [dreg:$0x0];
	s2 =	stileid.u32  }
0x739: {  	s1 =	rddreg [dreg:$0x1];
	p0 =	sne.s32 s2, $0x0  }
0x73a: {  	s3 =	rddreg [dreg:$0x2];
	[bflag:$0x3] =	sbarrier.arrive $0xFFFF;
	s2 =	simm.s32 @!p0 $0x1C09  }
0x73b: {  	[timem:s3], [sflag:s2] =	dma.local @!p0 [hbm:s0], s1  }
0x73c: {  	s0 =	simm.s32 @!p0 $0x9  }
0x73d: {  	_ =	swait.ge @!p0 [sflag:s0], s1  }
0x73e: {  	s1 =	ssub.s32 @!p0 $0x0, s1;
	[sflag:s0] =	ssyncset.done @!p0 $0x0  }
0x73f: {  	[sflag:s0] =	ssyncadd.s32 @!p0 s1  }
0x740: {  	[bflag:$0x3] =	sbarrier.arrive $0xFFFF  }
0x741: {  	_ =	shalt  }

</sc_bundles>
